<compile_context>
chip_gen: v7x
topology: tpu7x:2x2x1
jax: 0.10.2.dev20260603
libtpu: 0.0.44.dev20260713+nightly
codegen_flags: <defaults>
</compile_context>

<pallas_src>
import jax
import jax.numpy as jnp
from jax import lax
from jax.experimental import pallas as pl
from jax.experimental.pallas import tpu as pltpu
from jax.experimental.pallas import tpu_sc as plsc

_N_STATES = 65
_N_OBVS = 100000
_N_LOOKUPS = 3276800

_NC = 2
_NS = 16
_NW = _NC * _NS
_LANES = 16

_C = 2048
_G = 2048
_PW = _N_LOOKUPS // _NW
_NCHUNK = _PW // _C
_NG = _N_LOOKUPS // _C


_NBUF = 6
_GD = _NBUF - 1


def _sc_gather_body(flat_hbm, state_hbm, obs_hbm, out_hbm, *refs):
    n = _NBUF
    sv = refs[0 * n:1 * n]
    ov = refs[1 * n:2 * n]
    ix = refs[2 * n:3 * n]
    ot = refs[3 * n:4 * n]
    isem = refs[4 * n:5 * n]
    gsem = refs[5 * n:6 * n]
    osem = refs[6 * n:7 * n]

    cid = lax.axis_index("c")
    sid = lax.axis_index("s")
    wid = sid * _NC + cid
    base = wid * _PW

    def in_copies(b, c):
        off = base + c * _C
        return (pltpu.make_async_copy(state_hbm.at[pl.ds(off, _C)], sv[b],
                                      isem[b]),
                pltpu.make_async_copy(obs_hbm.at[pl.ds(off, _C)], ov[b],
                                      isem[b]))

    def issue_in(b, c):
        for cp in in_copies(b, c):
            cp.start()

    def wait_in(b, c):
        for cp in in_copies(b, c):
            cp.wait()

    def compute(b):
        def vec_body(j, carry):
            st = sv[b][pl.ds(j * _LANES, _LANES)]
            ob = ov[b][pl.ds(j * _LANES, _LANES)]
            ix[b][pl.ds(j * _LANES, _LANES)] = st * _N_OBVS + ob
            return carry
        lax.fori_loop(0, _C // _LANES, vec_body, 0, unroll=4)

    def gather_copies(b):
        return [pltpu.make_async_copy(flat_hbm.at[ix[b].at[pl.ds(k * _G, _G)]],
                                      ot[b].at[pl.ds(k * _G, _G)], gsem[b])
                for k in range(_C // _G)]

    def fire_gather(b):
        for cp in gather_copies(b):
            cp.start()

    def wait_gather(b):
        for cp in gather_copies(b):
            cp.wait()

    def store_copy(b, c):
        return pltpu.make_async_copy(ot[b], out_hbm.at[pl.ds(base + c * _C, _C)],
                                     osem[b])

    def fire_store(b, c):
        store_copy(b, c).start()

    def wait_store(b, c):
        store_copy(b, c).wait()

    def stage(c, b, drain=True, wstore=True, issue=True):
        wait_in(b, c)
        compute(b)
        if wstore:
            wait_store(b, c - _NBUF)
        fire_gather(b)
        if drain:
            db = (b - _GD) % _NBUF
            wait_gather(db)
            fire_store(db, c - _GD)
        if issue:
            issue_in(b, c + _NBUF)

    for c in range(_NBUF):
        issue_in(c, c)
    for c in range(_NBUF):
        stage(c, c, drain=(c >= _GD), wstore=False)

    blocks = (_NCHUNK - 2 * _NBUF) // _NBUF

    def block_body(i, carry):
        c = _NBUF * i
        for j in range(_NBUF):
            stage(c + j, j)
        return carry
    lax.fori_loop(1, 1 + blocks, block_body, 0)

    for c in range(_NBUF * (1 + blocks), _NCHUNK):
        stage(c, c % _NBUF, issue=(c <= _NCHUNK - 1 - _NBUF))

    for c in range(_NCHUNK - _GD, _NCHUNK):
        wait_gather(c % _NBUF)
        fire_store(c % _NBUF, c)
    for c in range(_NCHUNK - _NBUF, _NCHUNK):
        wait_store(c % _NBUF, c)


def _sc_gather(table, state, obs):
    mesh = plsc.VectorSubcoreMesh(core_axis_name="c", subcore_axis_name="s")
    buf = lambda shape, dt: [pltpu.VMEM(shape, dt) for _ in range(_NBUF)]
    return pl.kernel(
        _sc_gather_body,
        out_type=jax.ShapeDtypeStruct((_N_LOOKUPS,), jnp.float32),
        mesh=mesh,
        scratch_types=(
            buf((_C,), jnp.int32)
            + buf((_C,), jnp.int32)
            + buf((_C,), jnp.int32)
            + buf((_C,), jnp.float32)
            + [pltpu.SemaphoreType.DMA for _ in range(3 * _NBUF)]
        ),
    )(table, state, obs)


def kernel(log_em, state, obs):
    flat = log_em.reshape(-1)
    return _sc_gather(flat, state.astype(jnp.int32), obs.astype(jnp.int32))

# --- scband reference (transcript-rebuilt; emitter-appended) ---
"""Pipeline reference for scband-categorical-emission-83365315215749 (READ-ONLY COPY).

The authoritative reference and input builder live on the scoring server;
editing this copy changes nothing except your own understanding.
"""

import jax, jax.numpy as jnp
import numpy as np

N_STATES = 1 + 64  # bookend + 64 hidden states
N_OBVS = 100000
N_LOOKUPS = 3276800  # 16384 * 200


def _build_log_em(key):
    log_em = jax.random.normal(key, (N_STATES, N_OBVS), dtype=jnp.float32)
    log_em = log_em.at[0, :].set(-99.0)
    log_em = jax.nn.log_softmax(log_em, axis=1)
    log_em = log_em.at[0, :].set(-99.0)
    return log_em


def setup_inputs(seed: int = 0) -> dict:
    key = jax.random.key(seed)
    k1, k2, k3 = jax.random.split(key, 3)
    log_em = _build_log_em(k1)
    state = jax.random.randint(k2, (N_LOOKUPS,), 0, N_STATES, dtype=jnp.int64)
    obs = jax.random.randint(k3, (N_LOOKUPS,), 0, N_OBVS, dtype=jnp.int64)
    return {"log_em": log_em, "state": state, "obs": obs}


def reference(log_em, state, obs):
    # CategoricalEmission.emission(state, obs) with both provided:
    # elementwise gather log_em[state, obs]
    return log_em[state, obs]

if __name__ == "__main__":
    import jax
    _d = setup_inputs()
    print(jax.jit(kernel)(*tuple(_d.values())))

</pallas_src>

<mosaic_0001>
#map = affine_map<(d0, d1) -> (0)>
module attributes {stable_mosaic.version = 14 : i64} {
  func.func @_sc_gather_body(%arg0: i32, %arg1: i32, %arg2: memref<6500000xf32, #tpu.memory_space<hbm>>, %arg3: memref<3276800xi32, #tpu.memory_space<hbm>>, %arg4: memref<3276800xi32, #tpu.memory_space<hbm>>, %arg5: memref<3276800xf32, #tpu.memory_space<hbm>>, %arg6: memref<2048xi32, #tpu.memory_space<vmem>>, %arg7: memref<2048xi32, #tpu.memory_space<vmem>>, %arg8: memref<2048xi32, #tpu.memory_space<vmem>>, %arg9: memref<2048xi32, #tpu.memory_space<vmem>>, %arg10: memref<2048xi32, #tpu.memory_space<vmem>>, %arg11: memref<2048xi32, #tpu.memory_space<vmem>>, %arg12: memref<2048xi32, #tpu.memory_space<vmem>>, %arg13: memref<2048xi32, #tpu.memory_space<vmem>>, %arg14: memref<2048xi32, #tpu.memory_space<vmem>>, %arg15: memref<2048xi32, #tpu.memory_space<vmem>>, %arg16: memref<2048xi32, #tpu.memory_space<vmem>>, %arg17: memref<2048xi32, #tpu.memory_space<vmem>>, %arg18: memref<2048xi32, #tpu.memory_space<vmem>>, %arg19: memref<2048xi32, #tpu.memory_space<vmem>>, %arg20: memref<2048xi32, #tpu.memory_space<vmem>>, %arg21: memref<2048xi32, #tpu.memory_space<vmem>>, %arg22: memref<2048xi32, #tpu.memory_space<vmem>>, %arg23: memref<2048xi32, #tpu.memory_space<vmem>>, %arg24: memref<2048xf32, #tpu.memory_space<vmem>>, %arg25: memref<2048xf32, #tpu.memory_space<vmem>>, %arg26: memref<2048xf32, #tpu.memory_space<vmem>>, %arg27: memref<2048xf32, #tpu.memory_space<vmem>>, %arg28: memref<2048xf32, #tpu.memory_space<vmem>>, %arg29: memref<2048xf32, #tpu.memory_space<vmem>>, %arg30: memref<!tpu.dma_semaphore, #tpu.memory_space<semaphore_mem>>, %arg31: memref<!tpu.dma_semaphore, #tpu.memory_space<semaphore_mem>>, %arg32: memref<!tpu.dma_semaphore, #tpu.memory_space<semaphore_mem>>, %arg33: memref<!tpu.dma_semaphore, #tpu.memory_space<semaphore_mem>>, %arg34: memref<!tpu.dma_semaphore, #tpu.memory_space<semaphore_mem>>, %arg35: memref<!tpu.dma_semaphore, #tpu.memory_space<semaphore_mem>>, %arg36: memref<!tpu.dma_semaphore, #tpu.memory_space<semaphore_mem>>, %arg37: memref<!tpu.dma_semaphore, #tpu.memory_space<semaphore_mem>>, %arg38: memref<!tpu.dma_semaphore, #tpu.memory_space<semaphore_mem>>, %arg39: memref<!tpu.dma_semaphore, #tpu.memory_space<semaphore_mem>>, %arg40: memref<!tpu.dma_semaphore, #tpu.memory_space<semaphore_mem>>, %arg41: memref<!tpu.dma_semaphore, #tpu.memory_space<semaphore_mem>>, %arg42: memref<!tpu.dma_semaphore, #tpu.memory_space<semaphore_mem>>, %arg43: memref<!tpu.dma_semaphore, #tpu.memory_space<semaphore_mem>>, %arg44: memref<!tpu.dma_semaphore, #tpu.memory_space<semaphore_mem>>, %arg45: memref<!tpu.dma_semaphore, #tpu.memory_space<semaphore_mem>>, %arg46: memref<!tpu.dma_semaphore, #tpu.memory_space<semaphore_mem>>, %arg47: memref<!tpu.dma_semaphore, #tpu.memory_space<semaphore_mem>>) attributes {dimension_semantics = [#tpu.dimension_semantics<core_parallel>, #tpu.dimension_semantics<subcore_parallel>], iteration_bounds = array<i64: 2, 16>, scalar_prefetch = 0 : i64, scratch_operands = 42 : i64, tpu.core_type = #tpu.core_type<sc_vector_subcore>, window_params = [{transform_indices = #map}, {transform_indices = #map}, {transform_indices = #map}, {transform_indices = #map}]} {
    %mul3A = arith.constant 2 : i32
    %mul3A_0 = arith.muli %arg1, %mul3A : i32
    %add3A = arith.addi %mul3A_0, %arg0 : i32
    %mul3A_1 = arith.constant 102400 : i32
    %mul3A_2 = arith.muli %add3A, %mul3A_1 : i32
    %add3A_3 = arith.constant 0 : i32
    %add3A_4 = arith.addi %mul3A_2, %add3A_3 : i32
    %dma_start3A = tpu.memref_slice %arg3[%add3A_4] : memref<3276800xi32, #tpu.memory_space<hbm>> -> memref<2048xi32, #tpu.memory_space<hbm>>
    %dma_start3A_5 = tpu.memref_slice %arg3[%add3A_4] : memref<3276800xi32, #tpu.memory_space<hbm>> -> memref<2048xi32, #tpu.memory_space<hbm>>
    tpu.enqueue_dma source(%dma_start3A_5 : memref<2048xi32, #tpu.memory_space<hbm>>) target(%arg6 : memref<2048xi32, #tpu.memory_space<vmem>>) target_semaphore(%arg30 : memref<!tpu.dma_semaphore, #tpu.memory_space<semaphore_mem>>)
    %dma_start3A_6 = tpu.memref_slice %arg4[%add3A_4] : memref<3276800xi32, #tpu.memory_space<hbm>> -> memref<2048xi32, #tpu.memory_space<hbm>>
    %dma_start3A_7 = tpu.memref_slice %arg4[%add3A_4] : memref<3276800xi32, #tpu.memory_space<hbm>> -> memref<2048xi32, #tpu.memory_space<hbm>>
    tpu.enqueue_dma source(%dma_start3A_7 : memref<2048xi32, #tpu.memory_space<hbm>>) target(%arg12 : memref<2048xi32, #tpu.memory_space<vmem>>) target_semaphore(%arg30 : memref<!tpu.dma_semaphore, #tpu.memory_space<semaphore_mem>>)
    %add3A_8 = arith.constant 2048 : i32
    %add3A_9 = arith.addi %mul3A_2, %add3A_8 : i32
    %dma_start3A_10 = tpu.memref_slice %arg3[%add3A_9] : memref<3276800xi32, #tpu.memory_space<hbm>> -> memref<2048xi32, #tpu.memory_space<hbm>>
    %dma_start3A_11 = tpu.memref_slice %arg3[%add3A_9] : memref<3276800xi32, #tpu.memory_space<hbm>> -> memref<2048xi32, #tpu.memory_space<hbm>>
    tpu.enqueue_dma source(%dma_start3A_11 : memref<2048xi32, #tpu.memory_space<hbm>>) target(%arg7 : memref<2048xi32, #tpu.memory_space<vmem>>) target_semaphore(%arg31 : memref<!tpu.dma_semaphore, #tpu.memory_space<semaphore_mem>>)
    %dma_start3A_12 = tpu.memref_slice %arg4[%add3A_9] : memref<3276800xi32, #tpu.memory_space<hbm>> -> memref<2048xi32, #tpu.memory_space<hbm>>
    %dma_start3A_13 = tpu.memref_slice %arg4[%add3A_9] : memref<3276800xi32, #tpu.memory_space<hbm>> -> memref<2048xi32, #tpu.memory_space<hbm>>
    tpu.enqueue_dma source(%dma_start3A_13 : memref<2048xi32, #tpu.memory_space<hbm>>) target(%arg13 : memref<2048xi32, #tpu.memory_space<vmem>>) target_semaphore(%arg31 : memref<!tpu.dma_semaphore, #tpu.memory_space<semaphore_mem>>)
    %add3A_14 = arith.constant 4096 : i32
    %add3A_15 = arith.addi %mul3A_2, %add3A_14 : i32
    %dma_start3A_16 = tpu.memref_slice %arg3[%add3A_15] : memref<3276800xi32, #tpu.memory_space<hbm>> -> memref<2048xi32, #tpu.memory_space<hbm>>
    %dma_start3A_17 = tpu.memref_slice %arg3[%add3A_15] : memref<3276800xi32, #tpu.memory_space<hbm>> -> memref<2048xi32, #tpu.memory_space<hbm>>
    tpu.enqueue_dma source(%dma_start3A_17 : memref<2048xi32, #tpu.memory_space<hbm>>) target(%arg8 : memref<2048xi32, #tpu.memory_space<vmem>>) target_semaphore(%arg32 : memref<!tpu.dma_semaphore, #tpu.memory_space<semaphore_mem>>)
    %dma_start3A_18 = tpu.memref_slice %arg4[%add3A_15] : memref<3276800xi32, #tpu.memory_space<hbm>> -> memref<2048xi32, #tpu.memory_space<hbm>>
    %dma_start3A_19 = tpu.memref_slice %arg4[%add3A_15] : memref<3276800xi32, #tpu.memory_space<hbm>> -> memref<2048xi32, #tpu.memory_space<hbm>>
    tpu.enqueue_dma source(%dma_start3A_19 : memref<2048xi32, #tpu.memory_space<hbm>>) target(%arg14 : memref<2048xi32, #tpu.memory_space<vmem>>) target_semaphore(%arg32 : memref<!tpu.dma_semaphore, #tpu.memory_space<semaphore_mem>>)
    %add3A_20 = arith.constant 6144 : i32
    %add3A_21 = arith.addi %mul3A_2, %add3A_20 : i32
    %dma_start3A_22 = tpu.memref_slice %arg3[%add3A_21] : memref<3276800xi32, #tpu.memory_space<hbm>> -> memref<2048xi32, #tpu.memory_space<hbm>>
    %dma_start3A_23 = tpu.memref_slice %arg3[%add3A_21] : memref<3276800xi32, #tpu.memory_space<hbm>> -> memref<2048xi32, #tpu.memory_space<hbm>>
    tpu.enqueue_dma source(%dma_start3A_23 : memref<2048xi32, #tpu.memory_space<hbm>>) target(%arg9 : memref<2048xi32, #tpu.memory_space<vmem>>) target_semaphore(%arg33 : memref<!tpu.dma_semaphore, #tpu.memory_space<semaphore_mem>>)
    %dma_start3A_24 = tpu.memref_slice %arg4[%add3A_21] : memref<3276800xi32, #tpu.memory_space<hbm>> -> memref<2048xi32, #tpu.memory_space<hbm>>
    %dma_start3A_25 = tpu.memref_slice %arg4[%add3A_21] : memref<3276800xi32, #tpu.memory_space<hbm>> -> memref<2048xi32, #tpu.memory_space<hbm>>
    tpu.enqueue_dma source(%dma_start3A_25 : memref<2048xi32, #tpu.memory_space<hbm>>) target(%arg15 : memref<2048xi32, #tpu.memory_space<vmem>>) target_semaphore(%arg33 : memref<!tpu.dma_semaphore, #tpu.memory_space<semaphore_mem>>)
    %add3A_26 = arith.constant 8192 : i32
    %add3A_27 = arith.addi %mul3A_2, %add3A_26 : i32
    %dma_start3A_28 = tpu.memref_slice %arg3[%add3A_27] : memref<3276800xi32, #tpu.memory_space<hbm>> -> memref<2048xi32, #tpu.memory_space<hbm>>
    %dma_start3A_29 = tpu.memref_slice %arg3[%add3A_27] : memref<3276800xi32, #tpu.memory_space<hbm>> -> memref<2048xi32, #tpu.memory_space<hbm>>
    tpu.enqueue_dma source(%dma_start3A_29 : memref<2048xi32, #tpu.memory_space<hbm>>) target(%arg10 : memref<2048xi32, #tpu.memory_space<vmem>>) target_semaphore(%arg34 : memref<!tpu.dma_semaphore, #tpu.memory_space<semaphore_mem>>)
    %dma_start3A_30 = tpu.memref_slice %arg4[%add3A_27] : memref<3276800xi32, #tpu.memory_space<hbm>> -> memref<2048xi32, #tpu.memory_space<hbm>>
    %dma_start3A_31 = tpu.memref_slice %arg4[%add3A_27] : memref<3276800xi32, #tpu.memory_space<hbm>> -> memref<2048xi32, #tpu.memory_space<hbm>>
    tpu.enqueue_dma source(%dma_start3A_31 : memref<2048xi32, #tpu.memory_space<hbm>>) target(%arg16 : memref<2048xi32, #tpu.memory_space<vmem>>) target_semaphore(%arg34 : memref<!tpu.dma_semaphore, #tpu.memory_space<semaphore_mem>>)
    %add3A_32 = arith.constant 10240 : i32
    %add3A_33 = arith.addi %mul3A_2, %add3A_32 : i32
    %dma_start3A_34 = tpu.memref_slice %arg3[%add3A_33] : memref<3276800xi32, #tpu.memory_space<hbm>> -> memref<2048xi32, #tpu.memory_space<hbm>>
    %dma_start3A_35 = tpu.memref_slice %arg3[%add3A_33] : memref<3276800xi32, #tpu.memory_space<hbm>> -> memref<2048xi32, #tpu.memory_space<hbm>>
    tpu.enqueue_dma source(%dma_start3A_35 : memref<2048xi32, #tpu.memory_space<hbm>>) target(%arg11 : memref<2048xi32, #tpu.memory_space<vmem>>) target_semaphore(%arg35 : memref<!tpu.dma_semaphore, #tpu.memory_space<semaphore_mem>>)
    %dma_start3A_36 = tpu.memref_slice %arg4[%add3A_33] : memref<3276800xi32, #tpu.memory_space<hbm>> -> memref<2048xi32, #tpu.memory_space<hbm>>
    %dma_start3A_37 = tpu.memref_slice %arg4[%add3A_33] : memref<3276800xi32, #tpu.memory_space<hbm>> -> memref<2048xi32, #tpu.memory_space<hbm>>
    tpu.enqueue_dma source(%dma_start3A_37 : memref<2048xi32, #tpu.memory_space<hbm>>) target(%arg17 : memref<2048xi32, #tpu.memory_space<vmem>>) target_semaphore(%arg35 : memref<!tpu.dma_semaphore, #tpu.memory_space<semaphore_mem>>)
    %add3A_38 = arith.constant 0 : i32
    %add3A_39 = arith.addi %mul3A_2, %add3A_38 : i32
    %dma_wait3A = tpu.memref_slice %arg3[%add3A_39] : memref<3276800xi32, #tpu.memory_space<hbm>> -> memref<2048xi32, #tpu.memory_space<hbm>>
    %dma_wait3A_40 = tpu.memref_slice %arg3[%add3A_39] : memref<3276800xi32, #tpu.memory_space<hbm>> -> memref<2048xi32, #tpu.memory_space<hbm>>
    tpu.wait_dma2 semaphore(%arg30 : memref<!tpu.dma_semaphore, #tpu.memory_space<semaphore_mem>>) src(%dma_wait3A_40 : memref<2048xi32, #tpu.memory_space<hbm>>) dst(%arg6 : memref<2048xi32, #tpu.memory_space<vmem>>)
    %dma_wait3A_41 = tpu.memref_slice %arg4[%add3A_39] : memref<3276800xi32, #tpu.memory_space<hbm>> -> memref<2048xi32, #tpu.memory_space<hbm>>
    %dma_wait3A_42 = tpu.memref_slice %arg4[%add3A_39] : memref<3276800xi32, #tpu.memory_space<hbm>> -> memref<2048xi32, #tpu.memory_space<hbm>>
    tpu.wait_dma2 semaphore(%arg30 : memref<!tpu.dma_semaphore, #tpu.memory_space<semaphore_mem>>) src(%dma_wait3A_42 : memref<2048xi32, #tpu.memory_space<hbm>>) dst(%arg12 : memref<2048xi32, #tpu.memory_space<vmem>>)
    %scan3A = arith.constant 0 : i32
    %scan3A_43 = arith.constant 0 : i32
    %scan3A_44 = arith.constant 128 : i32
    %scan3A_45 = arith.addi %scan3A_43, %scan3A_44 : i32
    %scan3A_46 = arith.constant 4 : i32
    scf.for %scan3A_538 = %scan3A_43 to %scan3A_45 step %scan3A_46  : i32 {
      %mul3A_539 = arith.constant 16 : i32
      %mul3A_540 = arith.muli %scan3A_538, %mul3A_539 : i32
      %get3A = arith.index_cast %mul3A_540 : i32 to index
      %get3A_541 = tpu.vector_load %arg6[%get3A] {strides = array<i32>} : memref<2048xi32, #tpu.memory_space<vmem>>, vector<16xi32>,
      %get3A_542 = vector.shape_cast %get3A_541 : vector<16xi32> to vector<16xi32>
      %mul3A_543 = arith.constant 16 : i32
      %mul3A_544 = arith.muli %scan3A_538, %mul3A_543 : i32
      %get3A_545 = arith.index_cast %mul3A_544 : i32 to index
      %get3A_546 = tpu.vector_load %arg12[%get3A_545] {strides = array<i32>} : memref<2048xi32, #tpu.memory_space<vmem>>, vector<16xi32>,
      %get3A_547 = vector.shape_cast %get3A_546 : vector<16xi32> to vector<16xi32>
      %mul3A_548 = arith.constant 100000 : i32
      %mul3A_549 = vector.broadcast %mul3A_548 : i32 to vector<16xi32>
      %mul3A_550 = arith.muli %get3A_542, %mul3A_549 : vector<16xi32>
      %add3A_551 = arith.addi %mul3A_550, %get3A_547 : vector<16xi32>
      %mul3A_552 = arith.constant 16 : i32
      %mul3A_553 = arith.muli %scan3A_538, %mul3A_552 : i32
      %swap3A = arith.index_cast %mul3A_553 : i32 to index
      %swap3A_554 = tpu.vector_load %arg18[%swap3A] {strides = array<i32>} : memref<2048xi32, #tpu.memory_space<vmem>>, vector<16xi32>,
      %swap3A_555 = vector.shape_cast %swap3A_554 : vector<16xi32> to vector<16xi32>
      %swap3A_556 = vector.shape_cast %add3A_551 : vector<16xi32> to vector<16xi32>
      tpu.vector_store %arg18[%swap3A], %swap3A_556 {strides = array<i32>} : memref<2048xi32, #tpu.memory_space<vmem>>, vector<16xi32>,
      %scan3A_557 = arith.constant 1 : i32
      %scan3A_558 = arith.addi %scan3A_538, %scan3A_557 : i32
      %mul3A_559 = arith.constant 16 : i32
      %mul3A_560 = arith.muli %scan3A_558, %mul3A_559 : i32
      %get3A_561 = arith.index_cast %mul3A_560 : i32 to index
      %get3A_562 = tpu.vector_load %arg6[%get3A_561] {strides = array<i32>} : memref<2048xi32, #tpu.memory_space<vmem>>, vector<16xi32>,
      %get3A_563 = vector.shape_cast %get3A_562 : vector<16xi32> to vector<16xi32>
      %mul3A_564 = arith.constant 16 : i32
      %mul3A_565 = arith.muli %scan3A_558, %mul3A_564 : i32
      %get3A_566 = arith.index_cast %mul3A_565 : i32 to index
      %get3A_567 = tpu.vector_load %arg12[%get3A_566] {strides = array<i32>} : memref<2048xi32, #tpu.memory_space<vmem>>, vector<16xi32>,
      %get3A_568 = vector.shape_cast %get3A_567 : vector<16xi32> to vector<16xi32>
      %mul3A_569 = arith.constant 100000 : i32
      %mul3A_570 = vector.broadcast %mul3A_569 : i32 to vector<16xi32>
      %mul3A_571 = arith.muli %get3A_563, %mul3A_570 : vector<16xi32>
      %add3A_572 = arith.addi %mul3A_571, %get3A_568 : vector<16xi32>
      %mul3A_573 = arith.constant 16 : i32
      %mul3A_574 = arith.muli %scan3A_558, %mul3A_573 : i32
      %swap3A_575 = arith.index_cast %mul3A_574 : i32 to index
      %swap3A_576 = tpu.vector_load %arg18[%swap3A_575] {strides = array<i32>} : memref<2048xi32, #tpu.memory_space<vmem>>, vector<16xi32>,
      %swap3A_577 = vector.shape_cast %swap3A_576 : vector<16xi32> to vector<16xi32>
      %swap3A_578 = vector.shape_cast %add3A_572 : vector<16xi32> to vector<16xi32>
      tpu.vector_store %arg18[%swap3A_575], %swap3A_578 {strides = array<i32>} : memref<2048xi32, #tpu.memory_space<vmem>>, vector<16xi32>,
      %scan3A_579 = arith.constant 2 : i32
      %scan3A_580 = arith.addi %scan3A_538, %scan3A_579 : i32
      %mul3A_581 = arith.constant 16 : i32
      %mul3A_582 = arith.muli %scan3A_580, %mul3A_581 : i32
      %get3A_583 = arith.index_cast %mul3A_582 : i32 to index
      %get3A_584 = tpu.vector_load %arg6[%get3A_583] {strides = array<i32>} : memref<2048xi32, #tpu.memory_space<vmem>>, vector<16xi32>,
      %get3A_585 = vector.shape_cast %get3A_584 : vector<16xi32> to vector<16xi32>
      %mul3A_586 = arith.constant 16 : i32
      %mul3A_587 = arith.muli %scan3A_580, %mul3A_586 : i32
      %get3A_588 = arith.index_cast %mul3A_587 : i32 to index
      %get3A_589 = tpu.vector_load %arg12[%get3A_588] {strides = array<i32>} : memref<2048xi32, #tpu.memory_space<vmem>>, vector<16xi32>,
      %get3A_590 = vector.shape_cast %get3A_589 : vector<16xi32> to vector<16xi32>
      %mul3A_591 = arith.constant 100000 : i32
      %mul3A_592 = vector.broadcast %mul3A_591 : i32 to vector<16xi32>
      %mul3A_593 = arith.muli %get3A_585, %mul3A_592 : vector<16xi32>
      %add3A_594 = arith.addi %mul3A_593, %get3A_590 : vector<16xi32>
      %mul3A_595 = arith.constant 16 : i32
      %mul3A_596 = arith.muli %scan3A_580, %mul3A_595 : i32
      %swap3A_597 = arith.index_cast %mul3A_596 : i32 to index
      %swap3A_598 = tpu.vector_load %arg18[%swap3A_597] {strides = array<i32>} : memref<2048xi32, #tpu.memory_space<vmem>>, vector<16xi32>,
      %swap3A_599 = vector.shape_cast %swap3A_598 : vector<16xi32> to vector<16xi32>
      %swap3A_600 = vector.shape_cast %add3A_594 : vector<16xi32> to vector<16xi32>
      tpu.vector_store %arg18[%swap3A_597], %swap3A_600 {strides = array<i32>} : memref<2048xi32, #tpu.memory_space<vmem>>, vector<16xi32>,
      %scan3A_601 = arith.constant 3 : i32
      %scan3A_602 = arith.addi %scan3A_538, %scan3A_601 : i32
      %mul3A_603 = arith.constant 16 : i32
      %mul3A_604 = arith.muli %scan3A_602, %mul3A_603 : i32
      %get3A_605 = arith.index_cast %mul3A_604 : i32 to index
      %get3A_606 = tpu.vector_load %arg6[%get3A_605] {strides = array<i32>} : memref<2048xi32, #tpu.memory_space<vmem>>, vector<16xi32>,
      %get3A_607 = vector.shape_cast %get3A_606 : vector<16xi32> to vector<16xi32>
      %mul3A_608 = arith.constant 16 : i32
      %mul3A_609 = arith.muli %scan3A_602, %mul3A_608 : i32
      %get3A_610 = arith.index_cast %mul3A_609 : i32 to index
      %get3A_611 = tpu.vector_load %arg12[%get3A_610] {strides = array<i32>} : memref<2048xi32, #tpu.memory_space<vmem>>, vector<16xi32>,
      %get3A_612 = vector.shape_cast %get3A_611 : vector<16xi32> to vector<16xi32>
      %mul3A_613 = arith.constant 100000 : i32
      %mul3A_614 = vector.broadcast %mul3A_613 : i32 to vector<16xi32>
      %mul3A_615 = arith.muli %get3A_607, %mul3A_614 : vector<16xi32>
      %add3A_616 = arith.addi %mul3A_615, %get3A_612 : vector<16xi32>
      %mul3A_617 = arith.constant 16 : i32
      %mul3A_618 = arith.muli %scan3A_602, %mul3A_617 : i32
      %swap3A_619 = arith.index_cast %mul3A_618 : i32 to index
      %swap3A_620 = tpu.vector_load %arg18[%swap3A_619] {strides = array<i32>} : memref<2048xi32, #tpu.memory_space<vmem>>, vector<16xi32>,
      %swap3A_621 = vector.shape_cast %swap3A_620 : vector<16xi32> to vector<16xi32>
      %swap3A_622 = vector.shape_cast %add3A_616 : vector<16xi32> to vector<16xi32>
      tpu.vector_store %arg18[%swap3A_619], %swap3A_622 {strides = array<i32>} : memref<2048xi32, #tpu.memory_space<vmem>>, vector<16xi32>,
    }
    %scan3A_47 = arith.constant 128 : i32
    %dma_start3A_48 = arith.constant 0 : i32
    %dma_start3A_49 = tpu.memref_slice %arg24[%dma_start3A_48] : memref<2048xf32, #tpu.memory_space<vmem>> -> memref<2048xf32, #tpu.memory_space<vmem>>
    %dma_start3A_50 = arith.constant 0 : i32
    %dma_start3A_51 = tpu.memref_slice %arg18[%dma_start3A_50] : memref<2048xi32, #tpu.memory_space<vmem>> -> memref<2048xi32, #tpu.memory_space<vmem>>
    %dma_start3A_52 = arith.constant 0 : i32
    %dma_start3A_53 = tpu.memref_slice %arg2[%dma_start3A_52] : memref<6500000xf32, #tpu.memory_space<hbm>> -> memref<6500000xf32, #tpu.memory_space<hbm>>
    tpu.enqueue_indirect_dma source(%dma_start3A_53 : memref<6500000xf32, #tpu.memory_space<hbm>>) target(%dma_start3A_49 : memref<2048xf32, #tpu.memory_space<vmem>>) offsets(%dma_start3A_51 : memref<2048xi32, #tpu.memory_space<vmem>>) semaphore(%arg36 : memref<!tpu.dma_semaphore, #tpu.memory_space<semaphore_mem>>)
    %add3A_54 = arith.constant 12288 : i32
    %add3A_55 = arith.addi %mul3A_2, %add3A_54 : i32
    %dma_start3A_56 = tpu.memref_slice %arg3[%add3A_55] : memref<3276800xi32, #tpu.memory_space<hbm>> -> memref<2048xi32, #tpu.memory_space<hbm>>
    %dma_start3A_57 = tpu.memref_slice %arg3[%add3A_55] : memref<3276800xi32, #tpu.memory_space<hbm>> -> memref<2048xi32, #tpu.memory_space<hbm>>
    tpu.enqueue_dma source(%dma_start3A_57 : memref<2048xi32, #tpu.memory_space<hbm>>) target(%arg6 : memref<2048xi32, #tpu.memory_space<vmem>>) target_semaphore(%arg30 : memref<!tpu.dma_semaphore, #tpu.memory_space<semaphore_mem>>)
    %dma_start3A_58 = tpu.memref_slice %arg4[%add3A_55] : memref<3276800xi32, #tpu.memory_space<hbm>> -> memref<2048xi32, #tpu.memory_space<hbm>>
    %dma_start3A_59 = tpu.memref_slice %arg4[%add3A_55] : memref<3276800xi32, #tpu.memory_space<hbm>> -> memref<2048xi32, #tpu.memory_space<hbm>>
    tpu.enqueue_dma source(%dma_start3A_59 : memref<2048xi32, #tpu.memory_space<hbm>>) target(%arg12 : memref<2048xi32, #tpu.memory_space<vmem>>) target_semaphore(%arg30 : memref<!tpu.dma_semaphore, #tpu.memory_space<semaphore_mem>>)
    %add3A_60 = arith.constant 2048 : i32
    %add3A_61 = arith.addi %mul3A_2, %add3A_60 : i32
    %dma_wait3A_62 = tpu.memref_slice %arg3[%add3A_61] : memref<3276800xi32, #tpu.memory_space<hbm>> -> memref<2048xi32, #tpu.memory_space<hbm>>
    %dma_wait3A_63 = tpu.memref_slice %arg3[%add3A_61] : memref<3276800xi32, #tpu.memory_space<hbm>> -> memref<2048xi32, #tpu.memory_space<hbm>>
    tpu.wait_dma2 semaphore(%arg31 : memref<!tpu.dma_semaphore, #tpu.memory_space<semaphore_mem>>) src(%dma_wait3A_63 : memref<2048xi32, #tpu.memory_space<hbm>>) dst(%arg7 : memref<2048xi32, #tpu.memory_space<vmem>>)
    %dma_wait3A_64 = tpu.memref_slice %arg4[%add3A_61] : memref<3276800xi32, #tpu.memory_space<hbm>> -> memref<2048xi32, #tpu.memory_space<hbm>>
    %dma_wait3A_65 = tpu.memref_slice %arg4[%add3A_61] : memref<3276800xi32, #tpu.memory_space<hbm>> -> memref<2048xi32, #tpu.memory_space<hbm>>
    tpu.wait_dma2 semaphore(%arg31 : memref<!tpu.dma_semaphore, #tpu.memory_space<semaphore_mem>>) src(%dma_wait3A_65 : memref<2048xi32, #tpu.memory_space<hbm>>) dst(%arg13 : memref<2048xi32, #tpu.memory_space<vmem>>)
    %scan3A_66 = arith.constant 0 : i32
    %scan3A_67 = arith.constant 0 : i32
    %scan3A_68 = arith.constant 128 : i32
    %scan3A_69 = arith.addi %scan3A_67, %scan3A_68 : i32
    %scan3A_70 = arith.constant 4 : i32
    scf.for %scan3A_538 = %scan3A_67 to %scan3A_69 step %scan3A_70  : i32 {
      %mul3A_539 = arith.constant 16 : i32
      %mul3A_540 = arith.muli %scan3A_538, %mul3A_539 : i32
      %get3A = arith.index_cast %mul3A_540 : i32 to index
      %get3A_541 = tpu.vector_load %arg7[%get3A] {strides = array<i32>} : memref<2048xi32, #tpu.memory_space<vmem>>, vector<16xi32>,
      %get3A_542 = vector.shape_cast %get3A_541 : vector<16xi32> to vector<16xi32>
      %mul3A_543 = arith.constant 16 : i32
      %mul3A_544 = arith.muli %scan3A_538, %mul3A_543 : i32
      %get3A_545 = arith.index_cast %mul3A_544 : i32 to index
      %get3A_546 = tpu.vector_load %arg13[%get3A_545] {strides = array<i32>} : memref<2048xi32, #tpu.memory_space<vmem>>, vector<16xi32>,
      %get3A_547 = vector.shape_cast %get3A_546 : vector<16xi32> to vector<16xi32>
      %mul3A_548 = arith.constant 100000 : i32
      %mul3A_549 = vector.broadcast %mul3A_548 : i32 to vector<16xi32>
      %mul3A_550 = arith.muli %get3A_542, %mul3A_549 : vector<16xi32>
      %add3A_551 = arith.addi %mul3A_550, %get3A_547 : vector<16xi32>
      %mul3A_552 = arith.constant 16 : i32
      %mul3A_553 = arith.muli %scan3A_538, %mul3A_552 : i32
      %swap3A = arith.index_cast %mul3A_553 : i32 to index
      %swap3A_554 = tpu.vector_load %arg19[%swap3A] {strides = array<i32>} : memref<2048xi32, #tpu.memory_space<vmem>>, vector<16xi32>,
      %swap3A_555 = vector.shape_cast %swap3A_554 : vector<16xi32> to vector<16xi32>
      %swap3A_556 = vector.shape_cast %add3A_551 : vector<16xi32> to vector<16xi32>
      tpu.vector_store %arg19[%swap3A], %swap3A_556 {strides = array<i32>} : memref<2048xi32, #tpu.memory_space<vmem>>, vector<16xi32>,
      %scan3A_557 = arith.constant 1 : i32
      %scan3A_558 = arith.addi %scan3A_538, %scan3A_557 : i32
      %mul3A_559 = arith.constant 16 : i32
      %mul3A_560 = arith.muli %scan3A_558, %mul3A_559 : i32
      %get3A_561 = arith.index_cast %mul3A_560 : i32 to index
      %get3A_562 = tpu.vector_load %arg7[%get3A_561] {strides = array<i32>} : memref<2048xi32, #tpu.memory_space<vmem>>, vector<16xi32>,
      %get3A_563 = vector.shape_cast %get3A_562 : vector<16xi32> to vector<16xi32>
      %mul3A_564 = arith.constant 16 : i32
      %mul3A_565 = arith.muli %scan3A_558, %mul3A_564 : i32
      %get3A_566 = arith.index_cast %mul3A_565 : i32 to index
      %get3A_567 = tpu.vector_load %arg13[%get3A_566] {strides = array<i32>} : memref<2048xi32, #tpu.memory_space<vmem>>, vector<16xi32>,
      %get3A_568 = vector.shape_cast %get3A_567 : vector<16xi32> to vector<16xi32>
      %mul3A_569 = arith.constant 100000 : i32
      %mul3A_570 = vector.broadcast %mul3A_569 : i32 to vector<16xi32>
      %mul3A_571 = arith.muli %get3A_563, %mul3A_570 : vector<16xi32>
      %add3A_572 = arith.addi %mul3A_571, %get3A_568 : vector<16xi32>
      %mul3A_573 = arith.constant 16 : i32
      %mul3A_574 = arith.muli %scan3A_558, %mul3A_573 : i32
      %swap3A_575 = arith.index_cast %mul3A_574 : i32 to index
      %swap3A_576 = tpu.vector_load %arg19[%swap3A_575] {strides = array<i32>} : memref<2048xi32, #tpu.memory_space<vmem>>, vector<16xi32>,
      %swap3A_577 = vector.shape_cast %swap3A_576 : vector<16xi32> to vector<16xi32>
      %swap3A_578 = vector.shape_cast %add3A_572 : vector<16xi32> to vector<16xi32>
      tpu.vector_store %arg19[%swap3A_575], %swap3A_578 {strides = array<i32>} : memref<2048xi32, #tpu.memory_space<vmem>>, vector<16xi32>,
      %scan3A_579 = arith.constant 2 : i32
      %scan3A_580 = arith.addi %scan3A_538, %scan3A_579 : i32
      %mul3A_581 = arith.constant 16 : i32
      %mul3A_582 = arith.muli %scan3A_580, %mul3A_581 : i32
      %get3A_583 = arith.index_cast %mul3A_582 : i32 to index
      %get3A_584 = tpu.vector_load %arg7[%get3A_583] {strides = array<i32>} : memref<2048xi32, #tpu.memory_space<vmem>>, vector<16xi32>,
      %get3A_585 = vector.shape_cast %get3A_584 : vector<16xi32> to vector<16xi32>
      %mul3A_586 = arith.constant 16 : i32
      %mul3A_587 = arith.muli %scan3A_580, %mul3A_586 : i32
      %get3A_588 = arith.index_cast %mul3A_587 : i32 to index
      %get3A_589 = tpu.vector_load %arg13[%get3A_588] {strides = array<i32>} : memref<2048xi32, #tpu.memory_space<vmem>>, vector<16xi32>,
      %get3A_590 = vector.shape_cast %get3A_589 : vector<16xi32> to vector<16xi32>
      %mul3A_591 = arith.constant 100000 : i32
      %mul3A_592 = vector.broadcast %mul3A_591 : i32 to vector<16xi32>
      %mul3A_593 = arith.muli %get3A_585, %mul3A_592 : vector<16xi32>
      %add3A_594 = arith.addi %mul3A_593, %get3A_590 : vector<16xi32>
      %mul3A_595 = arith.constant 16 : i32
      %mul3A_596 = arith.muli %scan3A_580, %mul3A_595 : i32
      %swap3A_597 = arith.index_cast %mul3A_596 : i32 to index
      %swap3A_598 = tpu.vector_load %arg19[%swap3A_597] {strides = array<i32>} : memref<2048xi32, #tpu.memory_space<vmem>>, vector<16xi32>,
      %swap3A_599 = vector.shape_cast %swap3A_598 : vector<16xi32> to vector<16xi32>
      %swap3A_600 = vector.shape_cast %add3A_594 : vector<16xi32> to vector<16xi32>
      tpu.vector_store %arg19[%swap3A_597], %swap3A_600 {strides = array<i32>} : memref<2048xi32, #tpu.memory_space<vmem>>, vector<16xi32>,
      %scan3A_601 = arith.constant 3 : i32
      %scan3A_602 = arith.addi %scan3A_538, %scan3A_601 : i32
      %mul3A_603 = arith.constant 16 : i32
      %mul3A_604 = arith.muli %scan3A_602, %mul3A_603 : i32
      %get3A_605 = arith.index_cast %mul3A_604 : i32 to index
      %get3A_606 = tpu.vector_load %arg7[%get3A_605] {strides = array<i32>} : memref<2048xi32, #tpu.memory_space<vmem>>, vector<16xi32>,
      %get3A_607 = vector.shape_cast %get3A_606 : vector<16xi32> to vector<16xi32>
      %mul3A_608 = arith.constant 16 : i32
      %mul3A_609 = arith.muli %scan3A_602, %mul3A_608 : i32
      %get3A_610 = arith.index_cast %mul3A_609 : i32 to index
      %get3A_611 = tpu.vector_load %arg13[%get3A_610] {strides = array<i32>} : memref<2048xi32, #tpu.memory_space<vmem>>, vector<16xi32>,
      %get3A_612 = vector.shape_cast %get3A_611 : vector<16xi32> to vector<16xi32>
      %mul3A_613 = arith.constant 100000 : i32
      %mul3A_614 = vector.broadcast %mul3A_613 : i32 to vector<16xi32>
      %mul3A_615 = arith.muli %get3A_607, %mul3A_614 : vector<16xi32>
      %add3A_616 = arith.addi %mul3A_615, %get3A_612 : vector<16xi32>
      %mul3A_617 = arith.constant 16 : i32
      %mul3A_618 = arith.muli %scan3A_602, %mul3A_617 : i32
      %swap3A_619 = arith.index_cast %mul3A_618 : i32 to index
      %swap3A_620 = tpu.vector_load %arg19[%swap3A_619] {strides = array<i32>} : memref<2048xi32, #tpu.memory_space<vmem>>, vector<16xi32>,
      %swap3A_621 = vector.shape_cast %swap3A_620 : vector<16xi32> to vector<16xi32>
      %swap3A_622 = vector.shape_cast %add3A_616 : vector<16xi32> to vector<16xi32>
      tpu.vector_store %arg19[%swap3A_619], %swap3A_622 {strides = array<i32>} : memref<2048xi32, #tpu.memory_space<vmem>>, vector<16xi32>,
    }
    %scan3A_71 = arith.constant 128 : i32
    %dma_start3A_72 = arith.constant 0 : i32
    %dma_start3A_73 = tpu.memref_slice %arg25[%dma_start3A_72] : memref<2048xf32, #tpu.memory_space<vmem>> -> memref<2048xf32, #tpu.memory_space<vmem>>
    %dma_start3A_74 = arith.constant 0 : i32
    %dma_start3A_75 = tpu.memref_slice %arg19[%dma_start3A_74] : memref<2048xi32, #tpu.memory_space<vmem>> -> memref<2048xi32, #tpu.memory_space<vmem>>
    %dma_start3A_76 = arith.constant 0 : i32
    %dma_start3A_77 = tpu.memref_slice %arg2[%dma_start3A_76] : memref<6500000xf32, #tpu.memory_space<hbm>> -> memref<6500000xf32, #tpu.memory_space<hbm>>
    tpu.enqueue_indirect_dma source(%dma_start3A_77 : memref<6500000xf32, #tpu.memory_space<hbm>>) target(%dma_start3A_73 : memref<2048xf32, #tpu.memory_space<vmem>>) offsets(%dma_start3A_75 : memref<2048xi32, #tpu.memory_space<vmem>>) semaphore(%arg37 : memref<!tpu.dma_semaphore, #tpu.memory_space<semaphore_mem>>)
    %add3A_78 = arith.constant 14336 : i32
    %add3A_79 = arith.addi %mul3A_2, %add3A_78 : i32
    %dma_start3A_80 = tpu.memref_slice %arg3[%add3A_79] : memref<3276800xi32, #tpu.memory_space<hbm>> -> memref<2048xi32, #tpu.memory_space<hbm>>
    %dma_start3A_81 = tpu.memref_slice %arg3[%add3A_79] : memref<3276800xi32, #tpu.memory_space<hbm>> -> memref<2048xi32, #tpu.memory_space<hbm>>
    tpu.enqueue_dma source(%dma_start3A_81 : memref<2048xi32, #tpu.memory_space<hbm>>) target(%arg7 : memref<2048xi32, #tpu.memory_space<vmem>>) target_semaphore(%arg31 : memref<!tpu.dma_semaphore, #tpu.memory_space<semaphore_mem>>)
    %dma_start3A_82 = tpu.memref_slice %arg4[%add3A_79] : memref<3276800xi32, #tpu.memory_space<hbm>> -> memref<2048xi32, #tpu.memory_space<hbm>>
    %dma_start3A_83 = tpu.memref_slice %arg4[%add3A_79] : memref<3276800xi32, #tpu.memory_space<hbm>> -> memref<2048xi32, #tpu.memory_space<hbm>>
    tpu.enqueue_dma source(%dma_start3A_83 : memref<2048xi32, #tpu.memory_space<hbm>>) target(%arg13 : memref<2048xi32, #tpu.memory_space<vmem>>) target_semaphore(%arg31 : memref<!tpu.dma_semaphore, #tpu.memory_space<semaphore_mem>>)
    %add3A_84 = arith.constant 4096 : i32
    %add3A_85 = arith.addi %mul3A_2, %add3A_84 : i32
    %dma_wait3A_86 = tpu.memref_slice %arg3[%add3A_85] : memref<3276800xi32, #tpu.memory_space<hbm>> -> memref<2048xi32, #tpu.memory_space<hbm>>
    %dma_wait3A_87 = tpu.memref_slice %arg3[%add3A_85] : memref<3276800xi32, #tpu.memory_space<hbm>> -> memref<2048xi32, #tpu.memory_space<hbm>>
    tpu.wait_dma2 semaphore(%arg32 : memref<!tpu.dma_semaphore, #tpu.memory_space<semaphore_mem>>) src(%dma_wait3A_87 : memref<2048xi32, #tpu.memory_space<hbm>>) dst(%arg8 : memref<2048xi32, #tpu.memory_space<vmem>>)
    %dma_wait3A_88 = tpu.memref_slice %arg4[%add3A_85] : memref<3276800xi32, #tpu.memory_space<hbm>> -> memref<2048xi32, #tpu.memory_space<hbm>>
    %dma_wait3A_89 = tpu.memref_slice %arg4[%add3A_85] : memref<3276800xi32, #tpu.memory_space<hbm>> -> memref<2048xi32, #tpu.memory_space<hbm>>
    tpu.wait_dma2 semaphore(%arg32 : memref<!tpu.dma_semaphore, #tpu.memory_space<semaphore_mem>>) src(%dma_wait3A_89 : memref<2048xi32, #tpu.memory_space<hbm>>) dst(%arg14 : memref<2048xi32, #tpu.memory_space<vmem>>)
    %scan3A_90 = arith.constant 0 : i32
    %scan3A_91 = arith.constant 0 : i32
    %scan3A_92 = arith.constant 128 : i32
    %scan3A_93 = arith.addi %scan3A_91, %scan3A_92 : i32
    %scan3A_94 = arith.constant 4 : i32
    scf.for %scan3A_538 = %scan3A_91 to %scan3A_93 step %scan3A_94  : i32 {
      %mul3A_539 = arith.constant 16 : i32
      %mul3A_540 = arith.muli %scan3A_538, %mul3A_539 : i32
      %get3A = arith.index_cast %mul3A_540 : i32 to index
      %get3A_541 = tpu.vector_load %arg8[%get3A] {strides = array<i32>} : memref<2048xi32, #tpu.memory_space<vmem>>, vector<16xi32>,
      %get3A_542 = vector.shape_cast %get3A_541 : vector<16xi32> to vector<16xi32>
      %mul3A_543 = arith.constant 16 : i32
      %mul3A_544 = arith.muli %scan3A_538, %mul3A_543 : i32
      %get3A_545 = arith.index_cast %mul3A_544 : i32 to index
      %get3A_546 = tpu.vector_load %arg14[%get3A_545] {strides = array<i32>} : memref<2048xi32, #tpu.memory_space<vmem>>, vector<16xi32>,
      %get3A_547 = vector.shape_cast %get3A_546 : vector<16xi32> to vector<16xi32>
      %mul3A_548 = arith.constant 100000 : i32
      %mul3A_549 = vector.broadcast %mul3A_548 : i32 to vector<16xi32>
      %mul3A_550 = arith.muli %get3A_542, %mul3A_549 : vector<16xi32>
      %add3A_551 = arith.addi %mul3A_550, %get3A_547 : vector<16xi32>
      %mul3A_552 = arith.constant 16 : i32
      %mul3A_553 = arith.muli %scan3A_538, %mul3A_552 : i32
      %swap3A = arith.index_cast %mul3A_553 : i32 to index
      %swap3A_554 = tpu.vector_load %arg20[%swap3A] {strides = array<i32>} : memref<2048xi32, #tpu.memory_space<vmem>>, vector<16xi32>,
      %swap3A_555 = vector.shape_cast %swap3A_554 : vector<16xi32> to vector<16xi32>
      %swap3A_556 = vector.shape_cast %add3A_551 : vector<16xi32> to vector<16xi32>
      tpu.vector_store %arg20[%swap3A], %swap3A_556 {strides = array<i32>} : memref<2048xi32, #tpu.memory_space<vmem>>, vector<16xi32>,
      %scan3A_557 = arith.constant 1 : i32
      %scan3A_558 = arith.addi %scan3A_538, %scan3A_557 : i32
      %mul3A_559 = arith.constant 16 : i32
      %mul3A_560 = arith.muli %scan3A_558, %mul3A_559 : i32
      %get3A_561 = arith.index_cast %mul3A_560 : i32 to index
      %get3A_562 = tpu.vector_load %arg8[%get3A_561] {strides = array<i32>} : memref<2048xi32, #tpu.memory_space<vmem>>, vector<16xi32>,
      %get3A_563 = vector.shape_cast %get3A_562 : vector<16xi32> to vector<16xi32>
      %mul3A_564 = arith.constant 16 : i32
      %mul3A_565 = arith.muli %scan3A_558, %mul3A_564 : i32
      %get3A_566 = arith.index_cast %mul3A_565 : i32 to index
      %get3A_567 = tpu.vector_load %arg14[%get3A_566] {strides = array<i32>} : memref<2048xi32, #tpu.memory_space<vmem>>, vector<16xi32>,
      %get3A_568 = vector.shape_cast %get3A_567 : vector<16xi32> to vector<16xi32>
      %mul3A_569 = arith.constant 100000 : i32
      %mul3A_570 = vector.broadcast %mul3A_569 : i32 to vector<16xi32>
      %mul3A_571 = arith.muli %get3A_563, %mul3A_570 : vector<16xi32>
      %add3A_572 = arith.addi %mul3A_571, %get3A_568 : vector<16xi32>
      %mul3A_573 = arith.constant 16 : i32
      %mul3A_574 = arith.muli %scan3A_558, %mul3A_573 : i32
      %swap3A_575 = arith.index_cast %mul3A_574 : i32 to index
      %swap3A_576 = tpu.vector_load %arg20[%swap3A_575] {strides = array<i32>} : memref<2048xi32, #tpu.memory_space<vmem>>, vector<16xi32>,
      %swap3A_577 = vector.shape_cast %swap3A_576 : vector<16xi32> to vector<16xi32>
      %swap3A_578 = vector.shape_cast %add3A_572 : vector<16xi32> to vector<16xi32>
      tpu.vector_store %arg20[%swap3A_575], %swap3A_578 {strides = array<i32>} : memref<2048xi32, #tpu.memory_space<vmem>>, vector<16xi32>,
      %scan3A_579 = arith.constant 2 : i32
      %scan3A_580 = arith.addi %scan3A_538, %scan3A_579 : i32
      %mul3A_581 = arith.constant 16 : i32
      %mul3A_582 = arith.muli %scan3A_580, %mul3A_581 : i32
      %get3A_583 = arith.index_cast %mul3A_582 : i32 to index
      %get3A_584 = tpu.vector_load %arg8[%get3A_583] {strides = array<i32>} : memref<2048xi32, #tpu.memory_space<vmem>>, vector<16xi32>,
      %get3A_585 = vector.shape_cast %get3A_584 : vector<16xi32> to vector<16xi32>
      %mul3A_586 = arith.constant 16 : i32
      %mul3A_587 = arith.muli %scan3A_580, %mul3A_586 : i32
      %get3A_588 = arith.index_cast %mul3A_587 : i32 to index
      %get3A_589 = tpu.vector_load %arg14[%get3A_588] {strides = array<i32>} : memref<2048xi32, #tpu.memory_space<vmem>>, vector<16xi32>,
      %get3A_590 = vector.shape_cast %get3A_589 : vector<16xi32> to vector<16xi32>
      %mul3A_591 = arith.constant 100000 : i32
      %mul3A_592 = vector.broadcast %mul3A_591 : i32 to vector<16xi32>
      %mul3A_593 = arith.muli %get3A_585, %mul3A_592 : vector<16xi32>
      %add3A_594 = arith.addi %mul3A_593, %get3A_590 : vector<16xi32>
      %mul3A_595 = arith.constant 16 : i32
      %mul3A_596 = arith.muli %scan3A_580, %mul3A_595 : i32
      %swap3A_597 = arith.index_cast %mul3A_596 : i32 to index
      %swap3A_598 = tpu.vector_load %arg20[%swap3A_597] {strides = array<i32>} : memref<2048xi32, #tpu.memory_space<vmem>>, vector<16xi32>,
      %swap3A_599 = vector.shape_cast %swap3A_598 : vector<16xi32> to vector<16xi32>
      %swap3A_600 = vector.shape_cast %add3A_594 : vector<16xi32> to vector<16xi32>
      tpu.vector_store %arg20[%swap3A_597], %swap3A_600 {strides = array<i32>} : memref<2048xi32, #tpu.memory_space<vmem>>, vector<16xi32>,
      %scan3A_601 = arith.constant 3 : i32
      %scan3A_602 = arith.addi %scan3A_538, %scan3A_601 : i32
      %mul3A_603 = arith.constant 16 : i32
      %mul3A_604 = arith.muli %scan3A_602, %mul3A_603 : i32
      %get3A_605 = arith.index_cast %mul3A_604 : i32 to index
      %get3A_606 = tpu.vector_load %arg8[%get3A_605] {strides = array<i32>} : memref<2048xi32, #tpu.memory_space<vmem>>, vector<16xi32>,
      %get3A_607 = vector.shape_cast %get3A_606 : vector<16xi32> to vector<16xi32>
      %mul3A_608 = arith.constant 16 : i32
      %mul3A_609 = arith.muli %scan3A_602, %mul3A_608 : i32
      %get3A_610 = arith.index_cast %mul3A_609 : i32 to index
      %get3A_611 = tpu.vector_load %arg14[%get3A_610] {strides = array<i32>} : memref<2048xi32, #tpu.memory_space<vmem>>, vector<16xi32>,
      %get3A_612 = vector.shape_cast %get3A_611 : vector<16xi32> to vector<16xi32>
      %mul3A_613 = arith.constant 100000 : i32
      %mul3A_614 = vector.broadcast %mul3A_613 : i32 to vector<16xi32>
      %mul3A_615 = arith.muli %get3A_607, %mul3A_614 : vector<16xi32>
      %add3A_616 = arith.addi %mul3A_615, %get3A_612 : vector<16xi32>
      %mul3A_617 = arith.constant 16 : i32
      %mul3A_618 = arith.muli %scan3A_602, %mul3A_617 : i32
      %swap3A_619 = arith.index_cast %mul3A_618 : i32 to index
      %swap3A_620 = tpu.vector_load %arg20[%swap3A_619] {strides = array<i32>} : memref<2048xi32, #tpu.memory_space<vmem>>, vector<16xi32>,
      %swap3A_621 = vector.shape_cast %swap3A_620 : vector<16xi32> to vector<16xi32>
      %swap3A_622 = vector.shape_cast %add3A_616 : vector<16xi32> to vector<16xi32>
      tpu.vector_store %arg20[%swap3A_619], %swap3A_622 {strides = array<i32>} : memref<2048xi32, #tpu.memory_space<vmem>>, vector<16xi32>,
    }
    %scan3A_95 = arith.constant 128 : i32
    %dma_start3A_96 = arith.constant 0 : i32
    %dma_start3A_97 = tpu.memref_slice %arg26[%dma_start3A_96] : memref<2048xf32, #tpu.memory_space<vmem>> -> memref<2048xf32, #tpu.memory_space<vmem>>
    %dma_start3A_98 = arith.constant 0 : i32
    %dma_start3A_99 = tpu.memref_slice %arg20[%dma_start3A_98] : memref<2048xi32, #tpu.memory_space<vmem>> -> memref<2048xi32, #tpu.memory_space<vmem>>
    %dma_start3A_100 = arith.constant 0 : i32
    %dma_start3A_101 = tpu.memref_slice %arg2[%dma_start3A_100] : memref<6500000xf32, #tpu.memory_space<hbm>> -> memref<6500000xf32, #tpu.memory_space<hbm>>
    tpu.enqueue_indirect_dma source(%dma_start3A_101 : memref<6500000xf32, #tpu.memory_space<hbm>>) target(%dma_start3A_97 : memref<2048xf32, #tpu.memory_space<vmem>>) offsets(%dma_start3A_99 : memref<2048xi32, #tpu.memory_space<vmem>>) semaphore(%arg38 : memref<!tpu.dma_semaphore, #tpu.memory_space<semaphore_mem>>)
    %add3A_102 = arith.constant 16384 : i32
    %add3A_103 = arith.addi %mul3A_2, %add3A_102 : i32
    %dma_start3A_104 = tpu.memref_slice %arg3[%add3A_103] : memref<3276800xi32, #tpu.memory_space<hbm>> -> memref<2048xi32, #tpu.memory_space<hbm>>
    %dma_start3A_105 = tpu.memref_slice %arg3[%add3A_103] : memref<3276800xi32, #tpu.memory_space<hbm>> -> memref<2048xi32, #tpu.memory_space<hbm>>
    tpu.enqueue_dma source(%dma_start3A_105 : memref<2048xi32, #tpu.memory_space<hbm>>) target(%arg8 : memref<2048xi32, #tpu.memory_space<vmem>>) target_semaphore(%arg32 : memref<!tpu.dma_semaphore, #tpu.memory_space<semaphore_mem>>)
    %dma_start3A_106 = tpu.memref_slice %arg4[%add3A_103] : memref<3276800xi32, #tpu.memory_space<hbm>> -> memref<2048xi32, #tpu.memory_space<hbm>>
    %dma_start3A_107 = tpu.memref_slice %arg4[%add3A_103] : memref<3276800xi32, #tpu.memory_space<hbm>> -> memref<2048xi32, #tpu.memory_space<hbm>>
    tpu.enqueue_dma source(%dma_start3A_107 : memref<2048xi32, #tpu.memory_space<hbm>>) target(%arg14 : memref<2048xi32, #tpu.memory_space<vmem>>) target_semaphore(%arg32 : memref<!tpu.dma_semaphore, #tpu.memory_space<semaphore_mem>>)
    %add3A_108 = arith.constant 6144 : i32
    %add3A_109 = arith.addi %mul3A_2, %add3A_108 : i32
    %dma_wait3A_110 = tpu.memref_slice %arg3[%add3A_109] : memref<3276800xi32, #tpu.memory_space<hbm>> -> memref<2048xi32, #tpu.memory_space<hbm>>
    %dma_wait3A_111 = tpu.memref_slice %arg3[%add3A_109] : memref<3276800xi32, #tpu.memory_space<hbm>> -> memref<2048xi32, #tpu.memory_space<hbm>>
    tpu.wait_dma2 semaphore(%arg33 : memref<!tpu.dma_semaphore, #tpu.memory_space<semaphore_mem>>) src(%dma_wait3A_111 : memref<2048xi32, #tpu.memory_space<hbm>>) dst(%arg9 : memref<2048xi32, #tpu.memory_space<vmem>>)
    %dma_wait3A_112 = tpu.memref_slice %arg4[%add3A_109] : memref<3276800xi32, #tpu.memory_space<hbm>> -> memref<2048xi32, #tpu.memory_space<hbm>>
    %dma_wait3A_113 = tpu.memref_slice %arg4[%add3A_109] : memref<3276800xi32, #tpu.memory_space<hbm>> -> memref<2048xi32, #tpu.memory_space<hbm>>
    tpu.wait_dma2 semaphore(%arg33 : memref<!tpu.dma_semaphore, #tpu.memory_space<semaphore_mem>>) src(%dma_wait3A_113 : memref<2048xi32, #tpu.memory_space<hbm>>) dst(%arg15 : memref<2048xi32, #tpu.memory_space<vmem>>)
    %scan3A_114 = arith.constant 0 : i32
    %scan3A_115 = arith.constant 0 : i32
    %scan3A_116 = arith.constant 128 : i32
    %scan3A_117 = arith.addi %scan3A_115, %scan3A_116 : i32
    %scan3A_118 = arith.constant 4 : i32
    scf.for %scan3A_538 = %scan3A_115 to %scan3A_117 step %scan3A_118  : i32 {
      %mul3A_539 = arith.constant 16 : i32
      %mul3A_540 = arith.muli %scan3A_538, %mul3A_539 : i32
      %get3A = arith.index_cast %mul3A_540 : i32 to index
      %get3A_541 = tpu.vector_load %arg9[%get3A] {strides = array<i32>} : memref<2048xi32, #tpu.memory_space<vmem>>, vector<16xi32>,
      %get3A_542 = vector.shape_cast %get3A_541 : vector<16xi32> to vector<16xi32>
      %mul3A_543 = arith.constant 16 : i32
      %mul3A_544 = arith.muli %scan3A_538, %mul3A_543 : i32
      %get3A_545 = arith.index_cast %mul3A_544 : i32 to index
      %get3A_546 = tpu.vector_load %arg15[%get3A_545] {strides = array<i32>} : memref<2048xi32, #tpu.memory_space<vmem>>, vector<16xi32>,
      %get3A_547 = vector.shape_cast %get3A_546 : vector<16xi32> to vector<16xi32>
      %mul3A_548 = arith.constant 100000 : i32
      %mul3A_549 = vector.broadcast %mul3A_548 : i32 to vector<16xi32>
      %mul3A_550 = arith.muli %get3A_542, %mul3A_549 : vector<16xi32>
      %add3A_551 = arith.addi %mul3A_550, %get3A_547 : vector<16xi32>
      %mul3A_552 = arith.constant 16 : i32
      %mul3A_553 = arith.muli %scan3A_538, %mul3A_552 : i32
      %swap3A = arith.index_cast %mul3A_553 : i32 to index
      %swap3A_554 = tpu.vector_load %arg21[%swap3A] {strides = array<i32>} : memref<2048xi32, #tpu.memory_space<vmem>>, vector<16xi32>,
      %swap3A_555 = vector.shape_cast %swap3A_554 : vector<16xi32> to vector<16xi32>
      %swap3A_556 = vector.shape_cast %add3A_551 : vector<16xi32> to vector<16xi32>
      tpu.vector_store %arg21[%swap3A], %swap3A_556 {strides = array<i32>} : memref<2048xi32, #tpu.memory_space<vmem>>, vector<16xi32>,
      %scan3A_557 = arith.constant 1 : i32
      %scan3A_558 = arith.addi %scan3A_538, %scan3A_557 : i32
      %mul3A_559 = arith.constant 16 : i32
      %mul3A_560 = arith.muli %scan3A_558, %mul3A_559 : i32
      %get3A_561 = arith.index_cast %mul3A_560 : i32 to index
      %get3A_562 = tpu.vector_load %arg9[%get3A_561] {strides = array<i32>} : memref<2048xi32, #tpu.memory_space<vmem>>, vector<16xi32>,
      %get3A_563 = vector.shape_cast %get3A_562 : vector<16xi32> to vector<16xi32>
      %mul3A_564 = arith.constant 16 : i32
      %mul3A_565 = arith.muli %scan3A_558, %mul3A_564 : i32
      %get3A_566 = arith.index_cast %mul3A_565 : i32 to index
      %get3A_567 = tpu.vector_load %arg15[%get3A_566] {strides = array<i32>} : memref<2048xi32, #tpu.memory_space<vmem>>, vector<16xi32>,
      %get3A_568 = vector.shape_cast %get3A_567 : vector<16xi32> to vector<16xi32>
      %mul3A_569 = arith.constant 100000 : i32
      %mul3A_570 = vector.broadcast %mul3A_569 : i32 to vector<16xi32>
      %mul3A_571 = arith.muli %get3A_563, %mul3A_570 : vector<16xi32>
      %add3A_572 = arith.addi %mul3A_571, %get3A_568 : vector<16xi32>
      %mul3A_573 = arith.constant 16 : i32
      %mul3A_574 = arith.muli %scan3A_558, %mul3A_573 : i32
      %swap3A_575 = arith.index_cast %mul3A_574 : i32 to index
      %swap3A_576 = tpu.vector_load %arg21[%swap3A_575] {strides = array<i32>} : memref<2048xi32, #tpu.memory_space<vmem>>, vector<16xi32>,
      %swap3A_577 = vector.shape_cast %swap3A_576 : vector<16xi32> to vector<16xi32>
      %swap3A_578 = vector.shape_cast %add3A_572 : vector<16xi32> to vector<16xi32>
      tpu.vector_store %arg21[%swap3A_575], %swap3A_578 {strides = array<i32>} : memref<2048xi32, #tpu.memory_space<vmem>>, vector<16xi32>,
      %scan3A_579 = arith.constant 2 : i32
      %scan3A_580 = arith.addi %scan3A_538, %scan3A_579 : i32
      %mul3A_581 = arith.constant 16 : i32
      %mul3A_582 = arith.muli %scan3A_580, %mul3A_581 : i32
      %get3A_583 = arith.index_cast %mul3A_582 : i32 to index
      %get3A_584 = tpu.vector_load %arg9[%get3A_583] {strides = array<i32>} : memref<2048xi32, #tpu.memory_space<vmem>>, vector<16xi32>,
      %get3A_585 = vector.shape_cast %get3A_584 : vector<16xi32> to vector<16xi32>
      %mul3A_586 = arith.constant 16 : i32
      %mul3A_587 = arith.muli %scan3A_580, %mul3A_586 : i32
      %get3A_588 = arith.index_cast %mul3A_587 : i32 to index
      %get3A_589 = tpu.vector_load %arg15[%get3A_588] {strides = array<i32>} : memref<2048xi32, #tpu.memory_space<vmem>>, vector<16xi32>,
      %get3A_590 = vector.shape_cast %get3A_589 : vector<16xi32> to vector<16xi32>
      %mul3A_591 = arith.constant 100000 : i32
      %mul3A_592 = vector.broadcast %mul3A_591 : i32 to vector<16xi32>
      %mul3A_593 = arith.muli %get3A_585, %mul3A_592 : vector<16xi32>
      %add3A_594 = arith.addi %mul3A_593, %get3A_590 : vector<16xi32>
      %mul3A_595 = arith.constant 16 : i32
      %mul3A_596 = arith.muli %scan3A_580, %mul3A_595 : i32
      %swap3A_597 = arith.index_cast %mul3A_596 : i32 to index
      %swap3A_598 = tpu.vector_load %arg21[%swap3A_597] {strides = array<i32>} : memref<2048xi32, #tpu.memory_space<vmem>>, vector<16xi32>,
      %swap3A_599 = vector.shape_cast %swap3A_598 : vector<16xi32> to vector<16xi32>
      %swap3A_600 = vector.shape_cast %add3A_594 : vector<16xi32> to vector<16xi32>
      tpu.vector_store %arg21[%swap3A_597], %swap3A_600 {strides = array<i32>} : memref<2048xi32, #tpu.memory_space<vmem>>, vector<16xi32>,
      %scan3A_601 = arith.constant 3 : i32
      %scan3A_602 = arith.addi %scan3A_538, %scan3A_601 : i32
      %mul3A_603 = arith.constant 16 : i32
      %mul3A_604 = arith.muli %scan3A_602, %mul3A_603 : i32
      %get3A_605 = arith.index_cast %mul3A_604 : i32 to index
      %get3A_606 = tpu.vector_load %arg9[%get3A_605] {strides = array<i32>} : memref<2048xi32, #tpu.memory_space<vmem>>, vector<16xi32>,
      %get3A_607 = vector.shape_cast %get3A_606 : vector<16xi32> to vector<16xi32>
      %mul3A_608 = arith.constant 16 : i32
      %mul3A_609 = arith.muli %scan3A_602, %mul3A_608 : i32
      %get3A_610 = arith.index_cast %mul3A_609 : i32 to index
      %get3A_611 = tpu.vector_load %arg15[%get3A_610] {strides = array<i32>} : memref<2048xi32, #tpu.memory_space<vmem>>, vector<16xi32>,
      %get3A_612 = vector.shape_cast %get3A_611 : vector<16xi32> to vector<16xi32>
      %mul3A_613 = arith.constant 100000 : i32
      %mul3A_614 = vector.broadcast %mul3A_613 : i32 to vector<16xi32>
      %mul3A_615 = arith.muli %get3A_607, %mul3A_614 : vector<16xi32>
      %add3A_616 = arith.addi %mul3A_615, %get3A_612 : vector<16xi32>
      %mul3A_617 = arith.constant 16 : i32
      %mul3A_618 = arith.muli %scan3A_602, %mul3A_617 : i32
      %swap3A_619 = arith.index_cast %mul3A_618 : i32 to index
      %swap3A_620 = tpu.vector_load %arg21[%swap3A_619] {strides = array<i32>} : memref<2048xi32, #tpu.memory_space<vmem>>, vector<16xi32>,
      %swap3A_621 = vector.shape_cast %swap3A_620 : vector<16xi32> to vector<16xi32>
      %swap3A_622 = vector.shape_cast %add3A_616 : vector<16xi32> to vector<16xi32>
      tpu.vector_store %arg21[%swap3A_619], %swap3A_622 {strides = array<i32>} : memref<2048xi32, #tpu.memory_space<vmem>>, vector<16xi32>,
    }
    %scan3A_119 = arith.constant 128 : i32
    %dma_start3A_120 = arith.constant 0 : i32
    %dma_start3A_121 = tpu.memref_slice %arg27[%dma_start3A_120] : memref<2048xf32, #tpu.memory_space<vmem>> -> memref<2048xf32, #tpu.memory_space<vmem>>
    %dma_start3A_122 = arith.constant 0 : i32
    %dma_start3A_123 = tpu.memref_slice %arg21[%dma_start3A_122] : memref<2048xi32, #tpu.memory_space<vmem>> -> memref<2048xi32, #tpu.memory_space<vmem>>
    %dma_start3A_124 = arith.constant 0 : i32
    %dma_start3A_125 = tpu.memref_slice %arg2[%dma_start3A_124] : memref<6500000xf32, #tpu.memory_space<hbm>> -> memref<6500000xf32, #tpu.memory_space<hbm>>
    tpu.enqueue_indirect_dma source(%dma_start3A_125 : memref<6500000xf32, #tpu.memory_space<hbm>>) target(%dma_start3A_121 : memref<2048xf32, #tpu.memory_space<vmem>>) offsets(%dma_start3A_123 : memref<2048xi32, #tpu.memory_space<vmem>>) semaphore(%arg39 : memref<!tpu.dma_semaphore, #tpu.memory_space<semaphore_mem>>)
    %add3A_126 = arith.constant 18432 : i32
    %add3A_127 = arith.addi %mul3A_2, %add3A_126 : i32
    %dma_start3A_128 = tpu.memref_slice %arg3[%add3A_127] : memref<3276800xi32, #tpu.memory_space<hbm>> -> memref<2048xi32, #tpu.memory_space<hbm>>
    %dma_start3A_129 = tpu.memref_slice %arg3[%add3A_127] : memref<3276800xi32, #tpu.memory_space<hbm>> -> memref<2048xi32, #tpu.memory_space<hbm>>
    tpu.enqueue_dma source(%dma_start3A_129 : memref<2048xi32, #tpu.memory_space<hbm>>) target(%arg9 : memref<2048xi32, #tpu.memory_space<vmem>>) target_semaphore(%arg33 : memref<!tpu.dma_semaphore, #tpu.memory_space<semaphore_mem>>)
    %dma_start3A_130 = tpu.memref_slice %arg4[%add3A_127] : memref<3276800xi32, #tpu.memory_space<hbm>> -> memref<2048xi32, #tpu.memory_space<hbm>>
    %dma_start3A_131 = tpu.memref_slice %arg4[%add3A_127] : memref<3276800xi32, #tpu.memory_space<hbm>> -> memref<2048xi32, #tpu.memory_space<hbm>>
    tpu.enqueue_dma source(%dma_start3A_131 : memref<2048xi32, #tpu.memory_space<hbm>>) target(%arg15 : memref<2048xi32, #tpu.memory_space<vmem>>) target_semaphore(%arg33 : memref<!tpu.dma_semaphore, #tpu.memory_space<semaphore_mem>>)
    %add3A_132 = arith.constant 8192 : i32
    %add3A_133 = arith.addi %mul3A_2, %add3A_132 : i32
    %dma_wait3A_134 = tpu.memref_slice %arg3[%add3A_133] : memref<3276800xi32, #tpu.memory_space<hbm>> -> memref<2048xi32, #tpu.memory_space<hbm>>
    %dma_wait3A_135 = tpu.memref_slice %arg3[%add3A_133] : memref<3276800xi32, #tpu.memory_space<hbm>> -> memref<2048xi32, #tpu.memory_space<hbm>>
    tpu.wait_dma2 semaphore(%arg34 : memref<!tpu.dma_semaphore, #tpu.memory_space<semaphore_mem>>) src(%dma_wait3A_135 : memref<2048xi32, #tpu.memory_space<hbm>>) dst(%arg10 : memref<2048xi32, #tpu.memory_space<vmem>>)
    %dma_wait3A_136 = tpu.memref_slice %arg4[%add3A_133] : memref<3276800xi32, #tpu.memory_space<hbm>> -> memref<2048xi32, #tpu.memory_space<hbm>>
    %dma_wait3A_137 = tpu.memref_slice %arg4[%add3A_133] : memref<3276800xi32, #tpu.memory_space<hbm>> -> memref<2048xi32, #tpu.memory_space<hbm>>
    tpu.wait_dma2 semaphore(%arg34 : memref<!tpu.dma_semaphore, #tpu.memory_space<semaphore_mem>>) src(%dma_wait3A_137 : memref<2048xi32, #tpu.memory_space<hbm>>) dst(%arg16 : memref<2048xi32, #tpu.memory_space<vmem>>)
    %scan3A_138 = arith.constant 0 : i32
    %scan3A_139 = arith.constant 0 : i32
    %scan3A_140 = arith.constant 128 : i32
    %scan3A_141 = arith.addi %scan3A_139, %scan3A_140 : i32
    %scan3A_142 = arith.constant 4 : i32
    scf.for %scan3A_538 = %scan3A_139 to %scan3A_141 step %scan3A_142  : i32 {
      %mul3A_539 = arith.constant 16 : i32
      %mul3A_540 = arith.muli %scan3A_538, %mul3A_539 : i32
      %get3A = arith.index_cast %mul3A_540 : i32 to index
      %get3A_541 = tpu.vector_load %arg10[%get3A] {strides = array<i32>} : memref<2048xi32, #tpu.memory_space<vmem>>, vector<16xi32>,
      %get3A_542 = vector.shape_cast %get3A_541 : vector<16xi32> to vector<16xi32>
      %mul3A_543 = arith.constant 16 : i32
      %mul3A_544 = arith.muli %scan3A_538, %mul3A_543 : i32
      %get3A_545 = arith.index_cast %mul3A_544 : i32 to index
      %get3A_546 = tpu.vector_load %arg16[%get3A_545] {strides = array<i32>} : memref<2048xi32, #tpu.memory_space<vmem>>, vector<16xi32>,
      %get3A_547 = vector.shape_cast %get3A_546 : vector<16xi32> to vector<16xi32>
      %mul3A_548 = arith.constant 100000 : i32
      %mul3A_549 = vector.broadcast %mul3A_548 : i32 to vector<16xi32>
      %mul3A_550 = arith.muli %get3A_542, %mul3A_549 : vector<16xi32>
      %add3A_551 = arith.addi %mul3A_550, %get3A_547 : vector<16xi32>
      %mul3A_552 = arith.constant 16 : i32
      %mul3A_553 = arith.muli %scan3A_538, %mul3A_552 : i32
      %swap3A = arith.index_cast %mul3A_553 : i32 to index
      %swap3A_554 = tpu.vector_load %arg22[%swap3A] {strides = array<i32>} : memref<2048xi32, #tpu.memory_space<vmem>>, vector<16xi32>,
      %swap3A_555 = vector.shape_cast %swap3A_554 : vector<16xi32> to vector<16xi32>
      %swap3A_556 = vector.shape_cast %add3A_551 : vector<16xi32> to vector<16xi32>
      tpu.vector_store %arg22[%swap3A], %swap3A_556 {strides = array<i32>} : memref<2048xi32, #tpu.memory_space<vmem>>, vector<16xi32>,
      %scan3A_557 = arith.constant 1 : i32
      %scan3A_558 = arith.addi %scan3A_538, %scan3A_557 : i32
      %mul3A_559 = arith.constant 16 : i32
      %mul3A_560 = arith.muli %scan3A_558, %mul3A_559 : i32
      %get3A_561 = arith.index_cast %mul3A_560 : i32 to index
      %get3A_562 = tpu.vector_load %arg10[%get3A_561] {strides = array<i32>} : memref<2048xi32, #tpu.memory_space<vmem>>, vector<16xi32>,
      %get3A_563 = vector.shape_cast %get3A_562 : vector<16xi32> to vector<16xi32>
      %mul3A_564 = arith.constant 16 : i32
      %mul3A_565 = arith.muli %scan3A_558, %mul3A_564 : i32
      %get3A_566 = arith.index_cast %mul3A_565 : i32 to index
      %get3A_567 = tpu.vector_load %arg16[%get3A_566] {strides = array<i32>} : memref<2048xi32, #tpu.memory_space<vmem>>, vector<16xi32>,
      %get3A_568 = vector.shape_cast %get3A_567 : vector<16xi32> to vector<16xi32>
      %mul3A_569 = arith.constant 100000 : i32
      %mul3A_570 = vector.broadcast %mul3A_569 : i32 to vector<16xi32>
      %mul3A_571 = arith.muli %get3A_563, %mul3A_570 : vector<16xi32>
      %add3A_572 = arith.addi %mul3A_571, %get3A_568 : vector<16xi32>
      %mul3A_573 = arith.constant 16 : i32
      %mul3A_574 = arith.muli %scan3A_558, %mul3A_573 : i32
      %swap3A_575 = arith.index_cast %mul3A_574 : i32 to index
      %swap3A_576 = tpu.vector_load %arg22[%swap3A_575] {strides = array<i32>} : memref<2048xi32, #tpu.memory_space<vmem>>, vector<16xi32>,
      %swap3A_577 = vector.shape_cast %swap3A_576 : vector<16xi32> to vector<16xi32>
      %swap3A_578 = vector.shape_cast %add3A_572 : vector<16xi32> to vector<16xi32>
      tpu.vector_store %arg22[%swap3A_575], %swap3A_578 {strides = array<i32>} : memref<2048xi32, #tpu.memory_space<vmem>>, vector<16xi32>,
      %scan3A_579 = arith.constant 2 : i32
      %scan3A_580 = arith.addi %scan3A_538, %scan3A_579 : i32
      %mul3A_581 = arith.constant 16 : i32
      %mul3A_582 = arith.muli %scan3A_580, %mul3A_581 : i32
      %get3A_583 = arith.index_cast %mul3A_582 : i32 to index
      %get3A_584 = tpu.vector_load %arg10[%get3A_583] {strides = array<i32>} : memref<2048xi32, #tpu.memory_space<vmem>>, vector<16xi32>,
      %get3A_585 = vector.shape_cast %get3A_584 : vector<16xi32> to vector<16xi32>
      %mul3A_586 = arith.constant 16 : i32
      %mul3A_587 = arith.muli %scan3A_580, %mul3A_586 : i32
      %get3A_588 = arith.index_cast %mul3A_587 : i32 to index
      %get3A_589 = tpu.vector_load %arg16[%get3A_588] {strides = array<i32>} : memref<2048xi32, #tpu.memory_space<vmem>>, vector<16xi32>,
      %get3A_590 = vector.shape_cast %get3A_589 : vector<16xi32> to vector<16xi32>
      %mul3A_591 = arith.constant 100000 : i32
      %mul3A_592 = vector.broadcast %mul3A_591 : i32 to vector<16xi32>
      %mul3A_593 = arith.muli %get3A_585, %mul3A_592 : vector<16xi32>
      %add3A_594 = arith.addi %mul3A_593, %get3A_590 : vector<16xi32>
      %mul3A_595 = arith.constant 16 : i32
      %mul3A_596 = arith.muli %scan3A_580, %mul3A_595 : i32
      %swap3A_597 = arith.index_cast %mul3A_596 : i32 to index
      %swap3A_598 = tpu.vector_load %arg22[%swap3A_597] {strides = array<i32>} : memref<2048xi32, #tpu.memory_space<vmem>>, vector<16xi32>,
      %swap3A_599 = vector.shape_cast %swap3A_598 : vector<16xi32> to vector<16xi32>
      %swap3A_600 = vector.shape_cast %add3A_594 : vector<16xi32> to vector<16xi32>
      tpu.vector_store %arg22[%swap3A_597], %swap3A_600 {strides = array<i32>} : memref<2048xi32, #tpu.memory_space<vmem>>, vector<16xi32>,
      %scan3A_601 = arith.constant 3 : i32
      %scan3A_602 = arith.addi %scan3A_538, %scan3A_601 : i32
      %mul3A_603 = arith.constant 16 : i32
      %mul3A_604 = arith.muli %scan3A_602, %mul3A_603 : i32
      %get3A_605 = arith.index_cast %mul3A_604 : i32 to index
      %get3A_606 = tpu.vector_load %arg10[%get3A_605] {strides = array<i32>} : memref<2048xi32, #tpu.memory_space<vmem>>, vector<16xi32>,
      %get3A_607 = vector.shape_cast %get3A_606 : vector<16xi32> to vector<16xi32>
      %mul3A_608 = arith.constant 16 : i32
      %mul3A_609 = arith.muli %scan3A_602, %mul3A_608 : i32
      %get3A_610 = arith.index_cast %mul3A_609 : i32 to index
      %get3A_611 = tpu.vector_load %arg16[%get3A_610] {strides = array<i32>} : memref<2048xi32, #tpu.memory_space<vmem>>, vector<16xi32>,
      %get3A_612 = vector.shape_cast %get3A_611 : vector<16xi32> to vector<16xi32>
      %mul3A_613 = arith.constant 100000 : i32
      %mul3A_614 = vector.broadcast %mul3A_613 : i32 to vector<16xi32>
      %mul3A_615 = arith.muli %get3A_607, %mul3A_614 : vector<16xi32>
      %add3A_616 = arith.addi %mul3A_615, %get3A_612 : vector<16xi32>
      %mul3A_617 = arith.constant 16 : i32
      %mul3A_618 = arith.muli %scan3A_602, %mul3A_617 : i32
      %swap3A_619 = arith.index_cast %mul3A_618 : i32 to index
      %swap3A_620 = tpu.vector_load %arg22[%swap3A_619] {strides = array<i32>} : memref<2048xi32, #tpu.memory_space<vmem>>, vector<16xi32>,
      %swap3A_621 = vector.shape_cast %swap3A_620 : vector<16xi32> to vector<16xi32>
      %swap3A_622 = vector.shape_cast %add3A_616 : vector<16xi32> to vector<16xi32>
      tpu.vector_store %arg22[%swap3A_619], %swap3A_622 {strides = array<i32>} : memref<2048xi32, #tpu.memory_space<vmem>>, vector<16xi32>,
    }
    %scan3A_143 = arith.constant 128 : i32
    %dma_start3A_144 = arith.constant 0 : i32
    %dma_start3A_145 = tpu.memref_slice %arg28[%dma_start3A_144] : memref<2048xf32, #tpu.memory_space<vmem>> -> memref<2048xf32, #tpu.memory_space<vmem>>
    %dma_start3A_146 = arith.constant 0 : i32
    %dma_start3A_147 = tpu.memref_slice %arg22[%dma_start3A_146] : memref<2048xi32, #tpu.memory_space<vmem>> -> memref<2048xi32, #tpu.memory_space<vmem>>
    %dma_start3A_148 = arith.constant 0 : i32
    %dma_start3A_149 = tpu.memref_slice %arg2[%dma_start3A_148] : memref<6500000xf32, #tpu.memory_space<hbm>> -> memref<6500000xf32, #tpu.memory_space<hbm>>
    tpu.enqueue_indirect_dma source(%dma_start3A_149 : memref<6500000xf32, #tpu.memory_space<hbm>>) target(%dma_start3A_145 : memref<2048xf32, #tpu.memory_space<vmem>>) offsets(%dma_start3A_147 : memref<2048xi32, #tpu.memory_space<vmem>>) semaphore(%arg40 : memref<!tpu.dma_semaphore, #tpu.memory_space<semaphore_mem>>)
    %add3A_150 = arith.constant 20480 : i32
    %add3A_151 = arith.addi %mul3A_2, %add3A_150 : i32
    %dma_start3A_152 = tpu.memref_slice %arg3[%add3A_151] : memref<3276800xi32, #tpu.memory_space<hbm>> -> memref<2048xi32, #tpu.memory_space<hbm>>
    %dma_start3A_153 = tpu.memref_slice %arg3[%add3A_151] : memref<3276800xi32, #tpu.memory_space<hbm>> -> memref<2048xi32, #tpu.memory_space<hbm>>
    tpu.enqueue_dma source(%dma_start3A_153 : memref<2048xi32, #tpu.memory_space<hbm>>) target(%arg10 : memref<2048xi32, #tpu.memory_space<vmem>>) target_semaphore(%arg34 : memref<!tpu.dma_semaphore, #tpu.memory_space<semaphore_mem>>)
    %dma_start3A_154 = tpu.memref_slice %arg4[%add3A_151] : memref<3276800xi32, #tpu.memory_space<hbm>> -> memref<2048xi32, #tpu.memory_space<hbm>>
    %dma_start3A_155 = tpu.memref_slice %arg4[%add3A_151] : memref<3276800xi32, #tpu.memory_space<hbm>> -> memref<2048xi32, #tpu.memory_space<hbm>>
    tpu.enqueue_dma source(%dma_start3A_155 : memref<2048xi32, #tpu.memory_space<hbm>>) target(%arg16 : memref<2048xi32, #tpu.memory_space<vmem>>) target_semaphore(%arg34 : memref<!tpu.dma_semaphore, #tpu.memory_space<semaphore_mem>>)
    %add3A_156 = arith.constant 10240 : i32
    %add3A_157 = arith.addi %mul3A_2, %add3A_156 : i32
    %dma_wait3A_158 = tpu.memref_slice %arg3[%add3A_157] : memref<3276800xi32, #tpu.memory_space<hbm>> -> memref<2048xi32, #tpu.memory_space<hbm>>
    %dma_wait3A_159 = tpu.memref_slice %arg3[%add3A_157] : memref<3276800xi32, #tpu.memory_space<hbm>> -> memref<2048xi32, #tpu.memory_space<hbm>>
    tpu.wait_dma2 semaphore(%arg35 : memref<!tpu.dma_semaphore, #tpu.memory_space<semaphore_mem>>) src(%dma_wait3A_159 : memref<2048xi32, #tpu.memory_space<hbm>>) dst(%arg11 : memref<2048xi32, #tpu.memory_space<vmem>>)
    %dma_wait3A_160 = tpu.memref_slice %arg4[%add3A_157] : memref<3276800xi32, #tpu.memory_space<hbm>> -> memref<2048xi32, #tpu.memory_space<hbm>>
    %dma_wait3A_161 = tpu.memref_slice %arg4[%add3A_157] : memref<3276800xi32, #tpu.memory_space<hbm>> -> memref<2048xi32, #tpu.memory_space<hbm>>
    tpu.wait_dma2 semaphore(%arg35 : memref<!tpu.dma_semaphore, #tpu.memory_space<semaphore_mem>>) src(%dma_wait3A_161 : memref<2048xi32, #tpu.memory_space<hbm>>) dst(%arg17 : memref<2048xi32, #tpu.memory_space<vmem>>)
    %scan3A_162 = arith.constant 0 : i32
    %scan3A_163 = arith.constant 0 : i32
    %scan3A_164 = arith.constant 128 : i32
    %scan3A_165 = arith.addi %scan3A_163, %scan3A_164 : i32
    %scan3A_166 = arith.constant 4 : i32
    scf.for %scan3A_538 = %scan3A_163 to %scan3A_165 step %scan3A_166  : i32 {
      %mul3A_539 = arith.constant 16 : i32
      %mul3A_540 = arith.muli %scan3A_538, %mul3A_539 : i32
      %get3A = arith.index_cast %mul3A_540 : i32 to index
      %get3A_541 = tpu.vector_load %arg11[%get3A] {strides = array<i32>} : memref<2048xi32, #tpu.memory_space<vmem>>, vector<16xi32>,
      %get3A_542 = vector.shape_cast %get3A_541 : vector<16xi32> to vector<16xi32>
      %mul3A_543 = arith.constant 16 : i32
      %mul3A_544 = arith.muli %scan3A_538, %mul3A_543 : i32
      %get3A_545 = arith.index_cast %mul3A_544 : i32 to index
      %get3A_546 = tpu.vector_load %arg17[%get3A_545] {strides = array<i32>} : memref<2048xi32, #tpu.memory_space<vmem>>, vector<16xi32>,
      %get3A_547 = vector.shape_cast %get3A_546 : vector<16xi32> to vector<16xi32>
      %mul3A_548 = arith.constant 100000 : i32
      %mul3A_549 = vector.broadcast %mul3A_548 : i32 to vector<16xi32>
      %mul3A_550 = arith.muli %get3A_542, %mul3A_549 : vector<16xi32>
      %add3A_551 = arith.addi %mul3A_550, %get3A_547 : vector<16xi32>
      %mul3A_552 = arith.constant 16 : i32
      %mul3A_553 = arith.muli %scan3A_538, %mul3A_552 : i32
      %swap3A = arith.index_cast %mul3A_553 : i32 to index
      %swap3A_554 = tpu.vector_load %arg23[%swap3A] {strides = array<i32>} : memref<2048xi32, #tpu.memory_space<vmem>>, vector<16xi32>,
      %swap3A_555 = vector.shape_cast %swap3A_554 : vector<16xi32> to vector<16xi32>
      %swap3A_556 = vector.shape_cast %add3A_551 : vector<16xi32> to vector<16xi32>
      tpu.vector_store %arg23[%swap3A], %swap3A_556 {strides = array<i32>} : memref<2048xi32, #tpu.memory_space<vmem>>, vector<16xi32>,
      %scan3A_557 = arith.constant 1 : i32
      %scan3A_558 = arith.addi %scan3A_538, %scan3A_557 : i32
      %mul3A_559 = arith.constant 16 : i32
      %mul3A_560 = arith.muli %scan3A_558, %mul3A_559 : i32
      %get3A_561 = arith.index_cast %mul3A_560 : i32 to index
      %get3A_562 = tpu.vector_load %arg11[%get3A_561] {strides = array<i32>} : memref<2048xi32, #tpu.memory_space<vmem>>, vector<16xi32>,
      %get3A_563 = vector.shape_cast %get3A_562 : vector<16xi32> to vector<16xi32>
      %mul3A_564 = arith.constant 16 : i32
      %mul3A_565 = arith.muli %scan3A_558, %mul3A_564 : i32
      %get3A_566 = arith.index_cast %mul3A_565 : i32 to index
      %get3A_567 = tpu.vector_load %arg17[%get3A_566] {strides = array<i32>} : memref<2048xi32, #tpu.memory_space<vmem>>, vector<16xi32>,
      %get3A_568 = vector.shape_cast %get3A_567 : vector<16xi32> to vector<16xi32>
      %mul3A_569 = arith.constant 100000 : i32
      %mul3A_570 = vector.broadcast %mul3A_569 : i32 to vector<16xi32>
      %mul3A_571 = arith.muli %get3A_563, %mul3A_570 : vector<16xi32>
      %add3A_572 = arith.addi %mul3A_571, %get3A_568 : vector<16xi32>
      %mul3A_573 = arith.constant 16 : i32
      %mul3A_574 = arith.muli %scan3A_558, %mul3A_573 : i32
      %swap3A_575 = arith.index_cast %mul3A_574 : i32 to index
      %swap3A_576 = tpu.vector_load %arg23[%swap3A_575] {strides = array<i32>} : memref<2048xi32, #tpu.memory_space<vmem>>, vector<16xi32>,
      %swap3A_577 = vector.shape_cast %swap3A_576 : vector<16xi32> to vector<16xi32>
      %swap3A_578 = vector.shape_cast %add3A_572 : vector<16xi32> to vector<16xi32>
      tpu.vector_store %arg23[%swap3A_575], %swap3A_578 {strides = array<i32>} : memref<2048xi32, #tpu.memory_space<vmem>>, vector<16xi32>,
      %scan3A_579 = arith.constant 2 : i32
      %scan3A_580 = arith.addi %scan3A_538, %scan3A_579 : i32
      %mul3A_581 = arith.constant 16 : i32
      %mul3A_582 = arith.muli %scan3A_580, %mul3A_581 : i32
      %get3A_583 = arith.index_cast %mul3A_582 : i32 to index
      %get3A_584 = tpu.vector_load %arg11[%get3A_583] {strides = array<i32>} : memref<2048xi32, #tpu.memory_space<vmem>>, vector<16xi32>,
      %get3A_585 = vector.shape_cast %get3A_584 : vector<16xi32> to vector<16xi32>
      %mul3A_586 = arith.constant 16 : i32
      %mul3A_587 = arith.muli %scan3A_580, %mul3A_586 : i32
      %get3A_588 = arith.index_cast %mul3A_587 : i32 to index
      %get3A_589 = tpu.vector_load %arg17[%get3A_588] {strides = array<i32>} : memref<2048xi32, #tpu.memory_space<vmem>>, vector<16xi32>,
      %get3A_590 = vector.shape_cast %get3A_589 : vector<16xi32> to vector<16xi32>
      %mul3A_591 = arith.constant 100000 : i32
      %mul3A_592 = vector.broadcast %mul3A_591 : i32 to vector<16xi32>
      %mul3A_593 = arith.muli %get3A_585, %mul3A_592 : vector<16xi32>
      %add3A_594 = arith.addi %mul3A_593, %get3A_590 : vector<16xi32>
      %mul3A_595 = arith.constant 16 : i32
      %mul3A_596 = arith.muli %scan3A_580, %mul3A_595 : i32
      %swap3A_597 = arith.index_cast %mul3A_596 : i32 to index
      %swap3A_598 = tpu.vector_load %arg23[%swap3A_597] {strides = array<i32>} : memref<2048xi32, #tpu.memory_space<vmem>>, vector<16xi32>,
      %swap3A_599 = vector.shape_cast %swap3A_598 : vector<16xi32> to vector<16xi32>
      %swap3A_600 = vector.shape_cast %add3A_594 : vector<16xi32> to vector<16xi32>
      tpu.vector_store %arg23[%swap3A_597], %swap3A_600 {strides = array<i32>} : memref<2048xi32, #tpu.memory_space<vmem>>, vector<16xi32>,
      %scan3A_601 = arith.constant 3 : i32
      %scan3A_602 = arith.addi %scan3A_538, %scan3A_601 : i32
      %mul3A_603 = arith.constant 16 : i32
      %mul3A_604 = arith.muli %scan3A_602, %mul3A_603 : i32
      %get3A_605 = arith.index_cast %mul3A_604 : i32 to index
      %get3A_606 = tpu.vector_load %arg11[%get3A_605] {strides = array<i32>} : memref<2048xi32, #tpu.memory_space<vmem>>, vector<16xi32>,
      %get3A_607 = vector.shape_cast %get3A_606 : vector<16xi32> to vector<16xi32>
      %mul3A_608 = arith.constant 16 : i32
      %mul3A_609 = arith.muli %scan3A_602, %mul3A_608 : i32
      %get3A_610 = arith.index_cast %mul3A_609 : i32 to index
      %get3A_611 = tpu.vector_load %arg17[%get3A_610] {strides = array<i32>} : memref<2048xi32, #tpu.memory_space<vmem>>, vector<16xi32>,
      %get3A_612 = vector.shape_cast %get3A_611 : vector<16xi32> to vector<16xi32>
      %mul3A_613 = arith.constant 100000 : i32
      %mul3A_614 = vector.broadcast %mul3A_613 : i32 to vector<16xi32>
      %mul3A_615 = arith.muli %get3A_607, %mul3A_614 : vector<16xi32>
      %add3A_616 = arith.addi %mul3A_615, %get3A_612 : vector<16xi32>
      %mul3A_617 = arith.constant 16 : i32
      %mul3A_618 = arith.muli %scan3A_602, %mul3A_617 : i32
      %swap3A_619 = arith.index_cast %mul3A_618 : i32 to index
      %swap3A_620 = tpu.vector_load %arg23[%swap3A_619] {strides = array<i32>} : memref<2048xi32, #tpu.memory_space<vmem>>, vector<16xi32>,
      %swap3A_621 = vector.shape_cast %swap3A_620 : vector<16xi32> to vector<16xi32>
      %swap3A_622 = vector.shape_cast %add3A_616 : vector<16xi32> to vector<16xi32>
      tpu.vector_store %arg23[%swap3A_619], %swap3A_622 {strides = array<i32>} : memref<2048xi32, #tpu.memory_space<vmem>>, vector<16xi32>,
    }
    %scan3A_167 = arith.constant 128 : i32
    %dma_start3A_168 = arith.constant 0 : i32
    %dma_start3A_169 = tpu.memref_slice %arg29[%dma_start3A_168] : memref<2048xf32, #tpu.memory_space<vmem>> -> memref<2048xf32, #tpu.memory_space<vmem>>
    %dma_start3A_170 = arith.constant 0 : i32
    %dma_start3A_171 = tpu.memref_slice %arg23[%dma_start3A_170] : memref<2048xi32, #tpu.memory_space<vmem>> -> memref<2048xi32, #tpu.memory_space<vmem>>
    %dma_start3A_172 = arith.constant 0 : i32
    %dma_start3A_173 = tpu.memref_slice %arg2[%dma_start3A_172] : memref<6500000xf32, #tpu.memory_space<hbm>> -> memref<6500000xf32, #tpu.memory_space<hbm>>
    tpu.enqueue_indirect_dma source(%dma_start3A_173 : memref<6500000xf32, #tpu.memory_space<hbm>>) target(%dma_start3A_169 : memref<2048xf32, #tpu.memory_space<vmem>>) offsets(%dma_start3A_171 : memref<2048xi32, #tpu.memory_space<vmem>>) semaphore(%arg41 : memref<!tpu.dma_semaphore, #tpu.memory_space<semaphore_mem>>)
    %dma_wait3A_174 = arith.constant 0 : i32
    %dma_wait3A_175 = tpu.memref_slice %arg24[%dma_wait3A_174] : memref<2048xf32, #tpu.memory_space<vmem>> -> memref<2048xf32, #tpu.memory_space<vmem>>
    %dma_wait3A_176 = arith.constant 0 : i32
    %dma_wait3A_177 = tpu.memref_slice %arg18[%dma_wait3A_176] : memref<2048xi32, #tpu.memory_space<vmem>> -> memref<2048xi32, #tpu.memory_space<vmem>>
    %dma_wait3A_178 = arith.constant 0 : i32
    %dma_wait3A_179 = tpu.memref_slice %arg2[%dma_wait3A_178] : memref<6500000xf32, #tpu.memory_space<hbm>> -> memref<6500000xf32, #tpu.memory_space<hbm>>
    tpu.wait_indirect_dma semaphore(%arg36 : memref<!tpu.dma_semaphore, #tpu.memory_space<semaphore_mem>>) src(%dma_wait3A_179 : memref<6500000xf32, #tpu.memory_space<hbm>>) dst(%dma_wait3A_175 : memref<2048xf32, #tpu.memory_space<vmem>>)
    %add3A_180 = arith.constant 0 : i32
    %add3A_181 = arith.addi %mul3A_2, %add3A_180 : i32
    %dma_start3A_182 = tpu.memref_slice %arg5[%add3A_181] : memref<3276800xf32, #tpu.memory_space<hbm>> -> memref<2048xf32, #tpu.memory_space<hbm>>
    %dma_start3A_183 = tpu.memref_slice %arg5[%add3A_181] : memref<3276800xf32, #tpu.memory_space<hbm>> -> memref<2048xf32, #tpu.memory_space<hbm>>
    tpu.enqueue_dma source(%arg24 : memref<2048xf32, #tpu.memory_space<vmem>>) target(%dma_start3A_183 : memref<2048xf32, #tpu.memory_space<hbm>>) target_semaphore(%arg42 : memref<!tpu.dma_semaphore, #tpu.memory_space<semaphore_mem>>)
    %add3A_184 = arith.constant 22528 : i32
    %add3A_185 = arith.addi %mul3A_2, %add3A_184 : i32
    %dma_start3A_186 = tpu.memref_slice %arg3[%add3A_185] : memref<3276800xi32, #tpu.memory_space<hbm>> -> memref<2048xi32, #tpu.memory_space<hbm>>
    %dma_start3A_187 = tpu.memref_slice %arg3[%add3A_185] : memref<3276800xi32, #tpu.memory_space<hbm>> -> memref<2048xi32, #tpu.memory_space<hbm>>
    tpu.enqueue_dma source(%dma_start3A_187 : memref<2048xi32, #tpu.memory_space<hbm>>) target(%arg11 : memref<2048xi32, #tpu.memory_space<vmem>>) target_semaphore(%arg35 : memref<!tpu.dma_semaphore, #tpu.memory_space<semaphore_mem>>)
    %dma_start3A_188 = tpu.memref_slice %arg4[%add3A_185] : memref<3276800xi32, #tpu.memory_space<hbm>> -> memref<2048xi32, #tpu.memory_space<hbm>>
    %dma_start3A_189 = tpu.memref_slice %arg4[%add3A_185] : memref<3276800xi32, #tpu.memory_space<hbm>> -> memref<2048xi32, #tpu.memory_space<hbm>>
    tpu.enqueue_dma source(%dma_start3A_189 : memref<2048xi32, #tpu.memory_space<hbm>>) target(%arg17 : memref<2048xi32, #tpu.memory_space<vmem>>) target_semaphore(%arg35 : memref<!tpu.dma_semaphore, #tpu.memory_space<semaphore_mem>>)
    %scan3A_190 = arith.constant 0 : i32
    %scan3A_191 = arith.constant 1 : i32
    %scan3A_192 = arith.constant 6 : i32
    %scan3A_193 = arith.addi %scan3A_191, %scan3A_192 : i32
    %scan3A_194 = arith.constant 1 : i32
    scf.for %scan3A_538 = %scan3A_191 to %scan3A_193 step %scan3A_194  : i32 {
      %mul3A_539 = arith.constant 6 : i32
      %mul3A_540 = arith.muli %mul3A_539, %scan3A_538 : i32
      %add3A_541 = arith.constant 0 : i32
      %add3A_542 = arith.addi %mul3A_540, %add3A_541 : i32
      %mul3A_543 = arith.constant 2048 : i32
      %mul3A_544 = arith.muli %add3A_542, %mul3A_543 : i32
      %add3A_545 = arith.addi %mul3A_2, %mul3A_544 : i32
      %dma_wait3A_546 = tpu.memref_slice %arg3[%add3A_545] : memref<3276800xi32, #tpu.memory_space<hbm>> -> memref<2048xi32, #tpu.memory_space<hbm>>
      %dma_wait3A_547 = tpu.memref_slice %arg3[%add3A_545] : memref<3276800xi32, #tpu.memory_space<hbm>> -> memref<2048xi32, #tpu.memory_space<hbm>>
      tpu.wait_dma2 semaphore(%arg30 : memref<!tpu.dma_semaphore, #tpu.memory_space<semaphore_mem>>) src(%dma_wait3A_547 : memref<2048xi32, #tpu.memory_space<hbm>>) dst(%arg6 : memref<2048xi32, #tpu.memory_space<vmem>>)
      %dma_wait3A_548 = tpu.memref_slice %arg4[%add3A_545] : memref<3276800xi32, #tpu.memory_space<hbm>> -> memref<2048xi32, #tpu.memory_space<hbm>>
      %dma_wait3A_549 = tpu.memref_slice %arg4[%add3A_545] : memref<3276800xi32, #tpu.memory_space<hbm>> -> memref<2048xi32, #tpu.memory_space<hbm>>
      tpu.wait_dma2 semaphore(%arg30 : memref<!tpu.dma_semaphore, #tpu.memory_space<semaphore_mem>>) src(%dma_wait3A_549 : memref<2048xi32, #tpu.memory_space<hbm>>) dst(%arg12 : memref<2048xi32, #tpu.memory_space<vmem>>)
      %scan3A_550 = arith.constant 0 : i32
      %scan3A_551 = arith.constant 0 : i32
      %scan3A_552 = arith.constant 128 : i32
      %scan3A_553 = arith.addi %scan3A_551, %scan3A_552 : i32
      %scan3A_554 = arith.constant 4 : i32
      scf.for %scan3A_840 = %scan3A_551 to %scan3A_553 step %scan3A_554  : i32 {
        %mul3A_841 = arith.constant 16 : i32
        %mul3A_842 = arith.muli %scan3A_840, %mul3A_841 : i32
        %get3A = arith.index_cast %mul3A_842 : i32 to index
        %get3A_843 = tpu.vector_load %arg6[%get3A] {strides = array<i32>} : memref<2048xi32, #tpu.memory_space<vmem>>, vector<16xi32>,
        %get3A_844 = vector.shape_cast %get3A_843 : vector<16xi32> to vector<16xi32>
        %mul3A_845 = arith.constant 16 : i32
        %mul3A_846 = arith.muli %scan3A_840, %mul3A_845 : i32
        %get3A_847 = arith.index_cast %mul3A_846 : i32 to index
        %get3A_848 = tpu.vector_load %arg12[%get3A_847] {strides = array<i32>} : memref<2048xi32, #tpu.memory_space<vmem>>, vector<16xi32>,
        %get3A_849 = vector.shape_cast %get3A_848 : vector<16xi32> to vector<16xi32>
        %mul3A_850 = arith.constant 100000 : i32
        %mul3A_851 = vector.broadcast %mul3A_850 : i32 to vector<16xi32>
        %mul3A_852 = arith.muli %get3A_844, %mul3A_851 : vector<16xi32>
        %add3A_853 = arith.addi %mul3A_852, %get3A_849 : vector<16xi32>
        %mul3A_854 = arith.constant 16 : i32
        %mul3A_855 = arith.muli %scan3A_840, %mul3A_854 : i32
        %swap3A = arith.index_cast %mul3A_855 : i32 to index
        %swap3A_856 = tpu.vector_load %arg18[%swap3A] {strides = array<i32>} : memref<2048xi32, #tpu.memory_space<vmem>>, vector<16xi32>,
        %swap3A_857 = vector.shape_cast %swap3A_856 : vector<16xi32> to vector<16xi32>
        %swap3A_858 = vector.shape_cast %add3A_853 : vector<16xi32> to vector<16xi32>
        tpu.vector_store %arg18[%swap3A], %swap3A_858 {strides = array<i32>} : memref<2048xi32, #tpu.memory_space<vmem>>, vector<16xi32>,
        %scan3A_859 = arith.constant 1 : i32
        %scan3A_860 = arith.addi %scan3A_840, %scan3A_859 : i32
        %mul3A_861 = arith.constant 16 : i32
        %mul3A_862 = arith.muli %scan3A_860, %mul3A_861 : i32
        %get3A_863 = arith.index_cast %mul3A_862 : i32 to index
        %get3A_864 = tpu.vector_load %arg6[%get3A_863] {strides = array<i32>} : memref<2048xi32, #tpu.memory_space<vmem>>, vector<16xi32>,
        %get3A_865 = vector.shape_cast %get3A_864 : vector<16xi32> to vector<16xi32>
        %mul3A_866 = arith.constant 16 : i32
        %mul3A_867 = arith.muli %scan3A_860, %mul3A_866 : i32
        %get3A_868 = arith.index_cast %mul3A_867 : i32 to index
        %get3A_869 = tpu.vector_load %arg12[%get3A_868] {strides = array<i32>} : memref<2048xi32, #tpu.memory_space<vmem>>, vector<16xi32>,
        %get3A_870 = vector.shape_cast %get3A_869 : vector<16xi32> to vector<16xi32>
        %mul3A_871 = arith.constant 100000 : i32
        %mul3A_872 = vector.broadcast %mul3A_871 : i32 to vector<16xi32>
        %mul3A_873 = arith.muli %get3A_865, %mul3A_872 : vector<16xi32>
        %add3A_874 = arith.addi %mul3A_873, %get3A_870 : vector<16xi32>
        %mul3A_875 = arith.constant 16 : i32
        %mul3A_876 = arith.muli %scan3A_860, %mul3A_875 : i32
        %swap3A_877 = arith.index_cast %mul3A_876 : i32 to index
        %swap3A_878 = tpu.vector_load %arg18[%swap3A_877] {strides = array<i32>} : memref<2048xi32, #tpu.memory_space<vmem>>, vector<16xi32>,
        %swap3A_879 = vector.shape_cast %swap3A_878 : vector<16xi32> to vector<16xi32>
        %swap3A_880 = vector.shape_cast %add3A_874 : vector<16xi32> to vector<16xi32>
        tpu.vector_store %arg18[%swap3A_877], %swap3A_880 {strides = array<i32>} : memref<2048xi32, #tpu.memory_space<vmem>>, vector<16xi32>,
        %scan3A_881 = arith.constant 2 : i32
        %scan3A_882 = arith.addi %scan3A_840, %scan3A_881 : i32
        %mul3A_883 = arith.constant 16 : i32
        %mul3A_884 = arith.muli %scan3A_882, %mul3A_883 : i32
        %get3A_885 = arith.index_cast %mul3A_884 : i32 to index
        %get3A_886 = tpu.vector_load %arg6[%get3A_885] {strides = array<i32>} : memref<2048xi32, #tpu.memory_space<vmem>>, vector<16xi32>,
        %get3A_887 = vector.shape_cast %get3A_886 : vector<16xi32> to vector<16xi32>
        %mul3A_888 = arith.constant 16 : i32
        %mul3A_889 = arith.muli %scan3A_882, %mul3A_888 : i32
        %get3A_890 = arith.index_cast %mul3A_889 : i32 to index
        %get3A_891 = tpu.vector_load %arg12[%get3A_890] {strides = array<i32>} : memref<2048xi32, #tpu.memory_space<vmem>>, vector<16xi32>,
        %get3A_892 = vector.shape_cast %get3A_891 : vector<16xi32> to vector<16xi32>
        %mul3A_893 = arith.constant 100000 : i32
        %mul3A_894 = vector.broadcast %mul3A_893 : i32 to vector<16xi32>
        %mul3A_895 = arith.muli %get3A_887, %mul3A_894 : vector<16xi32>
        %add3A_896 = arith.addi %mul3A_895, %get3A_892 : vector<16xi32>
        %mul3A_897 = arith.constant 16 : i32
        %mul3A_898 = arith.muli %scan3A_882, %mul3A_897 : i32
        %swap3A_899 = arith.index_cast %mul3A_898 : i32 to index
        %swap3A_900 = tpu.vector_load %arg18[%swap3A_899] {strides = array<i32>} : memref<2048xi32, #tpu.memory_space<vmem>>, vector<16xi32>,
        %swap3A_901 = vector.shape_cast %swap3A_900 : vector<16xi32> to vector<16xi32>
        %swap3A_902 = vector.shape_cast %add3A_896 : vector<16xi32> to vector<16xi32>
        tpu.vector_store %arg18[%swap3A_899], %swap3A_902 {strides = array<i32>} : memref<2048xi32, #tpu.memory_space<vmem>>, vector<16xi32>,
        %scan3A_903 = arith.constant 3 : i32
        %scan3A_904 = arith.addi %scan3A_840, %scan3A_903 : i32
        %mul3A_905 = arith.constant 16 : i32
        %mul3A_906 = arith.muli %scan3A_904, %mul3A_905 : i32
        %get3A_907 = arith.index_cast %mul3A_906 : i32 to index
        %get3A_908 = tpu.vector_load %arg6[%get3A_907] {strides = array<i32>} : memref<2048xi32, #tpu.memory_space<vmem>>, vector<16xi32>,
        %get3A_909 = vector.shape_cast %get3A_908 : vector<16xi32> to vector<16xi32>
        %mul3A_910 = arith.constant 16 : i32
        %mul3A_911 = arith.muli %scan3A_904, %mul3A_910 : i32
        %get3A_912 = arith.index_cast %mul3A_911 : i32 to index
        %get3A_913 = tpu.vector_load %arg12[%get3A_912] {strides = array<i32>} : memref<2048xi32, #tpu.memory_space<vmem>>, vector<16xi32>,
        %get3A_914 = vector.shape_cast %get3A_913 : vector<16xi32> to vector<16xi32>
        %mul3A_915 = arith.constant 100000 : i32
        %mul3A_916 = vector.broadcast %mul3A_915 : i32 to vector<16xi32>
        %mul3A_917 = arith.muli %get3A_909, %mul3A_916 : vector<16xi32>
        %add3A_918 = arith.addi %mul3A_917, %get3A_914 : vector<16xi32>
        %mul3A_919 = arith.constant 16 : i32
        %mul3A_920 = arith.muli %scan3A_904, %mul3A_919 : i32
        %swap3A_921 = arith.index_cast %mul3A_920 : i32 to index
        %swap3A_922 = tpu.vector_load %arg18[%swap3A_921] {strides = array<i32>} : memref<2048xi32, #tpu.memory_space<vmem>>, vector<16xi32>,
        %swap3A_923 = vector.shape_cast %swap3A_922 : vector<16xi32> to vector<16xi32>
        %swap3A_924 = vector.shape_cast %add3A_918 : vector<16xi32> to vector<16xi32>
        tpu.vector_store %arg18[%swap3A_921], %swap3A_924 {strides = array<i32>} : memref<2048xi32, #tpu.memory_space<vmem>>, vector<16xi32>,
      }
      %scan3A_555 = arith.constant 128 : i32
      %sub3A = arith.constant 6 : i32
      %sub3A_556 = arith.subi %add3A_542, %sub3A : i32
      %mul3A_557 = arith.constant 2048 : i32
      %mul3A_558 = arith.muli %sub3A_556, %mul3A_557 : i32
      %add3A_559 = arith.addi %mul3A_2, %mul3A_558 : i32
      %dma_wait3A_560 = tpu.memref_slice %arg5[%add3A_559] : memref<3276800xf32, #tpu.memory_space<hbm>> -> memref<2048xf32, #tpu.memory_space<hbm>>
      %dma_wait3A_561 = tpu.memref_slice %arg5[%add3A_559] : memref<3276800xf32, #tpu.memory_space<hbm>> -> memref<2048xf32, #tpu.memory_space<hbm>>
      tpu.wait_dma2 semaphore(%arg42 : memref<!tpu.dma_semaphore, #tpu.memory_space<semaphore_mem>>) src(%arg24 : memref<2048xf32, #tpu.memory_space<vmem>>) dst(%dma_wait3A_561 : memref<2048xf32, #tpu.memory_space<hbm>>)
      %dma_start3A_562 = arith.constant 0 : i32
      %dma_start3A_563 = tpu.memref_slice %arg24[%dma_start3A_562] : memref<2048xf32, #tpu.memory_space<vmem>> -> memref<2048xf32, #tpu.memory_space<vmem>>
      %dma_start3A_564 = arith.constant 0 : i32
      %dma_start3A_565 = tpu.memref_slice %arg18[%dma_start3A_564] : memref<2048xi32, #tpu.memory_space<vmem>> -> memref<2048xi32, #tpu.memory_space<vmem>>
      %dma_start3A_566 = arith.constant 0 : i32
      %dma_start3A_567 = tpu.memref_slice %arg2[%dma_start3A_566] : memref<6500000xf32, #tpu.memory_space<hbm>> -> memref<6500000xf32, #tpu.memory_space<hbm>>
      tpu.enqueue_indirect_dma source(%dma_start3A_567 : memref<6500000xf32, #tpu.memory_space<hbm>>) target(%dma_start3A_563 : memref<2048xf32, #tpu.memory_space<vmem>>) offsets(%dma_start3A_565 : memref<2048xi32, #tpu.memory_space<vmem>>) semaphore(%arg36 : memref<!tpu.dma_semaphore, #tpu.memory_space<semaphore_mem>>)
      %dma_wait3A_568 = arith.constant 0 : i32
      %dma_wait3A_569 = tpu.memref_slice %arg25[%dma_wait3A_568] : memref<2048xf32, #tpu.memory_space<vmem>> -> memref<2048xf32, #tpu.memory_space<vmem>>
      %dma_wait3A_570 = arith.constant 0 : i32
      %dma_wait3A_571 = tpu.memref_slice %arg19[%dma_wait3A_570] : memref<2048xi32, #tpu.memory_space<vmem>> -> memref<2048xi32, #tpu.memory_space<vmem>>
      %dma_wait3A_572 = arith.constant 0 : i32
      %dma_wait3A_573 = tpu.memref_slice %arg2[%dma_wait3A_572] : memref<6500000xf32, #tpu.memory_space<hbm>> -> memref<6500000xf32, #tpu.memory_space<hbm>>
      tpu.wait_indirect_dma semaphore(%arg37 : memref<!tpu.dma_semaphore, #tpu.memory_space<semaphore_mem>>) src(%dma_wait3A_573 : memref<6500000xf32, #tpu.memory_space<hbm>>) dst(%dma_wait3A_569 : memref<2048xf32, #tpu.memory_space<vmem>>)
      %sub3A_574 = arith.constant 5 : i32
      %sub3A_575 = arith.subi %add3A_542, %sub3A_574 : i32
      %mul3A_576 = arith.constant 2048 : i32
      %mul3A_577 = arith.muli %sub3A_575, %mul3A_576 : i32
      %add3A_578 = arith.addi %mul3A_2, %mul3A_577 : i32
      %dma_start3A_579 = tpu.memref_slice %arg5[%add3A_578] : memref<3276800xf32, #tpu.memory_space<hbm>> -> memref<2048xf32, #tpu.memory_space<hbm>>
      %dma_start3A_580 = tpu.memref_slice %arg5[%add3A_578] : memref<3276800xf32, #tpu.memory_space<hbm>> -> memref<2048xf32, #tpu.memory_space<hbm>>
      tpu.enqueue_dma source(%arg25 : memref<2048xf32, #tpu.memory_space<vmem>>) target(%dma_start3A_580 : memref<2048xf32, #tpu.memory_space<hbm>>) target_semaphore(%arg43 : memref<!tpu.dma_semaphore, #tpu.memory_space<semaphore_mem>>)
      %add3A_581 = arith.constant 6 : i32
      %add3A_582 = arith.addi %add3A_542, %add3A_581 : i32
      %mul3A_583 = arith.constant 2048 : i32
      %mul3A_584 = arith.muli %add3A_582, %mul3A_583 : i32
      %add3A_585 = arith.addi %mul3A_2, %mul3A_584 : i32
      %dma_start3A_586 = tpu.memref_slice %arg3[%add3A_585] : memref<3276800xi32, #tpu.memory_space<hbm>> -> memref<2048xi32, #tpu.memory_space<hbm>>
      %dma_start3A_587 = tpu.memref_slice %arg3[%add3A_585] : memref<3276800xi32, #tpu.memory_space<hbm>> -> memref<2048xi32, #tpu.memory_space<hbm>>
      tpu.enqueue_dma source(%dma_start3A_587 : memref<2048xi32, #tpu.memory_space<hbm>>) target(%arg6 : memref<2048xi32, #tpu.memory_space<vmem>>) target_semaphore(%arg30 : memref<!tpu.dma_semaphore, #tpu.memory_space<semaphore_mem>>)
      %dma_start3A_588 = tpu.memref_slice %arg4[%add3A_585] : memref<3276800xi32, #tpu.memory_space<hbm>> -> memref<2048xi32, #tpu.memory_space<hbm>>
      %dma_start3A_589 = tpu.memref_slice %arg4[%add3A_585] : memref<3276800xi32, #tpu.memory_space<hbm>> -> memref<2048xi32, #tpu.memory_space<hbm>>
      tpu.enqueue_dma source(%dma_start3A_589 : memref<2048xi32, #tpu.memory_space<hbm>>) target(%arg12 : memref<2048xi32, #tpu.memory_space<vmem>>) target_semaphore(%arg30 : memref<!tpu.dma_semaphore, #tpu.memory_space<semaphore_mem>>)
      %add3A_590 = arith.constant 1 : i32
      %add3A_591 = arith.addi %mul3A_540, %add3A_590 : i32
      %mul3A_592 = arith.constant 2048 : i32
      %mul3A_593 = arith.muli %add3A_591, %mul3A_592 : i32
      %add3A_594 = arith.addi %mul3A_2, %mul3A_593 : i32
      %dma_wait3A_595 = tpu.memref_slice %arg3[%add3A_594] : memref<3276800xi32, #tpu.memory_space<hbm>> -> memref<2048xi32, #tpu.memory_space<hbm>>
      %dma_wait3A_596 = tpu.memref_slice %arg3[%add3A_594] : memref<3276800xi32, #tpu.memory_space<hbm>> -> memref<2048xi32, #tpu.memory_space<hbm>>
      tpu.wait_dma2 semaphore(%arg31 : memref<!tpu.dma_semaphore, #tpu.memory_space<semaphore_mem>>) src(%dma_wait3A_596 : memref<2048xi32, #tpu.memory_space<hbm>>) dst(%arg7 : memref<2048xi32, #tpu.memory_space<vmem>>)
      %dma_wait3A_597 = tpu.memref_slice %arg4[%add3A_594] : memref<3276800xi32, #tpu.memory_space<hbm>> -> memref<2048xi32, #tpu.memory_space<hbm>>
      %dma_wait3A_598 = tpu.memref_slice %arg4[%add3A_594] : memref<3276800xi32, #tpu.memory_space<hbm>> -> memref<2048xi32, #tpu.memory_space<hbm>>
      tpu.wait_dma2 semaphore(%arg31 : memref<!tpu.dma_semaphore, #tpu.memory_space<semaphore_mem>>) src(%dma_wait3A_598 : memref<2048xi32, #tpu.memory_space<hbm>>) dst(%arg13 : memref<2048xi32, #tpu.memory_space<vmem>>)
      %scan3A_599 = arith.constant 0 : i32
      %scan3A_600 = arith.constant 0 : i32
      %scan3A_601 = arith.constant 128 : i32
      %scan3A_602 = arith.addi %scan3A_600, %scan3A_601 : i32
      %scan3A_603 = arith.constant 4 : i32
      scf.for %scan3A_840 = %scan3A_600 to %scan3A_602 step %scan3A_603  : i32 {
        %mul3A_841 = arith.constant 16 : i32
        %mul3A_842 = arith.muli %scan3A_840, %mul3A_841 : i32
        %get3A = arith.index_cast %mul3A_842 : i32 to index
        %get3A_843 = tpu.vector_load %arg7[%get3A] {strides = array<i32>} : memref<2048xi32, #tpu.memory_space<vmem>>, vector<16xi32>,
        %get3A_844 = vector.shape_cast %get3A_843 : vector<16xi32> to vector<16xi32>
        %mul3A_845 = arith.constant 16 : i32
        %mul3A_846 = arith.muli %scan3A_840, %mul3A_845 : i32
        %get3A_847 = arith.index_cast %mul3A_846 : i32 to index
        %get3A_848 = tpu.vector_load %arg13[%get3A_847] {strides = array<i32>} : memref<2048xi32, #tpu.memory_space<vmem>>, vector<16xi32>,
        %get3A_849 = vector.shape_cast %get3A_848 : vector<16xi32> to vector<16xi32>
        %mul3A_850 = arith.constant 100000 : i32
        %mul3A_851 = vector.broadcast %mul3A_850 : i32 to vector<16xi32>
        %mul3A_852 = arith.muli %get3A_844, %mul3A_851 : vector<16xi32>
        %add3A_853 = arith.addi %mul3A_852, %get3A_849 : vector<16xi32>
        %mul3A_854 = arith.constant 16 : i32
        %mul3A_855 = arith.muli %scan3A_840, %mul3A_854 : i32
        %swap3A = arith.index_cast %mul3A_855 : i32 to index
        %swap3A_856 = tpu.vector_load %arg19[%swap3A] {strides = array<i32>} : memref<2048xi32, #tpu.memory_space<vmem>>, vector<16xi32>,
        %swap3A_857 = vector.shape_cast %swap3A_856 : vector<16xi32> to vector<16xi32>
        %swap3A_858 = vector.shape_cast %add3A_853 : vector<16xi32> to vector<16xi32>
        tpu.vector_store %arg19[%swap3A], %swap3A_858 {strides = array<i32>} : memref<2048xi32, #tpu.memory_space<vmem>>, vector<16xi32>,
        %scan3A_859 = arith.constant 1 : i32
        %scan3A_860 = arith.addi %scan3A_840, %scan3A_859 : i32
        %mul3A_861 = arith.constant 16 : i32
        %mul3A_862 = arith.muli %scan3A_860, %mul3A_861 : i32
        %get3A_863 = arith.index_cast %mul3A_862 : i32 to index
        %get3A_864 = tpu.vector_load %arg7[%get3A_863] {strides = array<i32>} : memref<2048xi32, #tpu.memory_space<vmem>>, vector<16xi32>,
        %get3A_865 = vector.shape_cast %get3A_864 : vector<16xi32> to vector<16xi32>
        %mul3A_866 = arith.constant 16 : i32
        %mul3A_867 = arith.muli %scan3A_860, %mul3A_866 : i32
        %get3A_868 = arith.index_cast %mul3A_867 : i32 to index
        %get3A_869 = tpu.vector_load %arg13[%get3A_868] {strides = array<i32>} : memref<2048xi32, #tpu.memory_space<vmem>>, vector<16xi32>,
        %get3A_870 = vector.shape_cast %get3A_869 : vector<16xi32> to vector<16xi32>
        %mul3A_871 = arith.constant 100000 : i32
        %mul3A_872 = vector.broadcast %mul3A_871 : i32 to vector<16xi32>
        %mul3A_873 = arith.muli %get3A_865, %mul3A_872 : vector<16xi32>
        %add3A_874 = arith.addi %mul3A_873, %get3A_870 : vector<16xi32>
        %mul3A_875 = arith.constant 16 : i32
        %mul3A_876 = arith.muli %scan3A_860, %mul3A_875 : i32
        %swap3A_877 = arith.index_cast %mul3A_876 : i32 to index
        %swap3A_878 = tpu.vector_load %arg19[%swap3A_877] {strides = array<i32>} : memref<2048xi32, #tpu.memory_space<vmem>>, vector<16xi32>,
        %swap3A_879 = vector.shape_cast %swap3A_878 : vector<16xi32> to vector<16xi32>
        %swap3A_880 = vector.shape_cast %add3A_874 : vector<16xi32> to vector<16xi32>
        tpu.vector_store %arg19[%swap3A_877], %swap3A_880 {strides = array<i32>} : memref<2048xi32, #tpu.memory_space<vmem>>, vector<16xi32>,
        %scan3A_881 = arith.constant 2 : i32
        %scan3A_882 = arith.addi %scan3A_840, %scan3A_881 : i32
        %mul3A_883 = arith.constant 16 : i32
        %mul3A_884 = arith.muli %scan3A_882, %mul3A_883 : i32
        %get3A_885 = arith.index_cast %mul3A_884 : i32 to index
        %get3A_886 = tpu.vector_load %arg7[%get3A_885] {strides = array<i32>} : memref<2048xi32, #tpu.memory_space<vmem>>, vector<16xi32>,
        %get3A_887 = vector.shape_cast %get3A_886 : vector<16xi32> to vector<16xi32>
        %mul3A_888 = arith.constant 16 : i32
        %mul3A_889 = arith.muli %scan3A_882, %mul3A_888 : i32
        %get3A_890 = arith.index_cast %mul3A_889 : i32 to index
        %get3A_891 = tpu.vector_load %arg13[%get3A_890] {strides = array<i32>} : memref<2048xi32, #tpu.memory_space<vmem>>, vector<16xi32>,
        %get3A_892 = vector.shape_cast %get3A_891 : vector<16xi32> to vector<16xi32>
        %mul3A_893 = arith.constant 100000 : i32
        %mul3A_894 = vector.broadcast %mul3A_893 : i32 to vector<16xi32>
        %mul3A_895 = arith.muli %get3A_887, %mul3A_894 : vector<16xi32>
        %add3A_896 = arith.addi %mul3A_895, %get3A_892 : vector<16xi32>
        %mul3A_897 = arith.constant 16 : i32
        %mul3A_898 = arith.muli %scan3A_882, %mul3A_897 : i32
        %swap3A_899 = arith.index_cast %mul3A_898 : i32 to index
        %swap3A_900 = tpu.vector_load %arg19[%swap3A_899] {strides = array<i32>} : memref<2048xi32, #tpu.memory_space<vmem>>, vector<16xi32>,
        %swap3A_901 = vector.shape_cast %swap3A_900 : vector<16xi32> to vector<16xi32>
        %swap3A_902 = vector.shape_cast %add3A_896 : vector<16xi32> to vector<16xi32>
        tpu.vector_store %arg19[%swap3A_899], %swap3A_902 {strides = array<i32>} : memref<2048xi32, #tpu.memory_space<vmem>>, vector<16xi32>,
        %scan3A_903 = arith.constant 3 : i32
        %scan3A_904 = arith.addi %scan3A_840, %scan3A_903 : i32
        %mul3A_905 = arith.constant 16 : i32
        %mul3A_906 = arith.muli %scan3A_904, %mul3A_905 : i32
        %get3A_907 = arith.index_cast %mul3A_906 : i32 to index
        %get3A_908 = tpu.vector_load %arg7[%get3A_907] {strides = array<i32>} : memref<2048xi32, #tpu.memory_space<vmem>>, vector<16xi32>,
        %get3A_909 = vector.shape_cast %get3A_908 : vector<16xi32> to vector<16xi32>
        %mul3A_910 = arith.constant 16 : i32
        %mul3A_911 = arith.muli %scan3A_904, %mul3A_910 : i32
        %get3A_912 = arith.index_cast %mul3A_911 : i32 to index
        %get3A_913 = tpu.vector_load %arg13[%get3A_912] {strides = array<i32>} : memref<2048xi32, #tpu.memory_space<vmem>>, vector<16xi32>,
        %get3A_914 = vector.shape_cast %get3A_913 : vector<16xi32> to vector<16xi32>
        %mul3A_915 = arith.constant 100000 : i32
        %mul3A_916 = vector.broadcast %mul3A_915 : i32 to vector<16xi32>
        %mul3A_917 = arith.muli %get3A_909, %mul3A_916 : vector<16xi32>
        %add3A_918 = arith.addi %mul3A_917, %get3A_914 : vector<16xi32>
        %mul3A_919 = arith.constant 16 : i32
        %mul3A_920 = arith.muli %scan3A_904, %mul3A_919 : i32
        %swap3A_921 = arith.index_cast %mul3A_920 : i32 to index
        %swap3A_922 = tpu.vector_load %arg19[%swap3A_921] {strides = array<i32>} : memref<2048xi32, #tpu.memory_space<vmem>>, vector<16xi32>,
        %swap3A_923 = vector.shape_cast %swap3A_922 : vector<16xi32> to vector<16xi32>
        %swap3A_924 = vector.shape_cast %add3A_918 : vector<16xi32> to vector<16xi32>
        tpu.vector_store %arg19[%swap3A_921], %swap3A_924 {strides = array<i32>} : memref<2048xi32, #tpu.memory_space<vmem>>, vector<16xi32>,
      }
      %scan3A_604 = arith.constant 128 : i32
      %sub3A_605 = arith.constant 6 : i32
      %sub3A_606 = arith.subi %add3A_591, %sub3A_605 : i32
      %mul3A_607 = arith.constant 2048 : i32
      %mul3A_608 = arith.muli %sub3A_606, %mul3A_607 : i32
      %add3A_609 = arith.addi %mul3A_2, %mul3A_608 : i32
      %dma_wait3A_610 = tpu.memref_slice %arg5[%add3A_609] : memref<3276800xf32, #tpu.memory_space<hbm>> -> memref<2048xf32, #tpu.memory_space<hbm>>
      %dma_wait3A_611 = tpu.memref_slice %arg5[%add3A_609] : memref<3276800xf32, #tpu.memory_space<hbm>> -> memref<2048xf32, #tpu.memory_space<hbm>>
      tpu.wait_dma2 semaphore(%arg43 : memref<!tpu.dma_semaphore, #tpu.memory_space<semaphore_mem>>) src(%arg25 : memref<2048xf32, #tpu.memory_space<vmem>>) dst(%dma_wait3A_611 : memref<2048xf32, #tpu.memory_space<hbm>>)
      %dma_start3A_612 = arith.constant 0 : i32
      %dma_start3A_613 = tpu.memref_slice %arg25[%dma_start3A_612] : memref<2048xf32, #tpu.memory_space<vmem>> -> memref<2048xf32, #tpu.memory_space<vmem>>
      %dma_start3A_614 = arith.constant 0 : i32
      %dma_start3A_615 = tpu.memref_slice %arg19[%dma_start3A_614] : memref<2048xi32, #tpu.memory_space<vmem>> -> memref<2048xi32, #tpu.memory_space<vmem>>
      %dma_start3A_616 = arith.constant 0 : i32
      %dma_start3A_617 = tpu.memref_slice %arg2[%dma_start3A_616] : memref<6500000xf32, #tpu.memory_space<hbm>> -> memref<6500000xf32, #tpu.memory_space<hbm>>
      tpu.enqueue_indirect_dma source(%dma_start3A_617 : memref<6500000xf32, #tpu.memory_space<hbm>>) target(%dma_start3A_613 : memref<2048xf32, #tpu.memory_space<vmem>>) offsets(%dma_start3A_615 : memref<2048xi32, #tpu.memory_space<vmem>>) semaphore(%arg37 : memref<!tpu.dma_semaphore, #tpu.memory_space<semaphore_mem>>)
      %dma_wait3A_618 = arith.constant 0 : i32
      %dma_wait3A_619 = tpu.memref_slice %arg26[%dma_wait3A_618] : memref<2048xf32, #tpu.memory_space<vmem>> -> memref<2048xf32, #tpu.memory_space<vmem>>
      %dma_wait3A_620 = arith.constant 0 : i32
      %dma_wait3A_621 = tpu.memref_slice %arg20[%dma_wait3A_620] : memref<2048xi32, #tpu.memory_space<vmem>> -> memref<2048xi32, #tpu.memory_space<vmem>>
      %dma_wait3A_622 = arith.constant 0 : i32
      %dma_wait3A_623 = tpu.memref_slice %arg2[%dma_wait3A_622] : memref<6500000xf32, #tpu.memory_space<hbm>> -> memref<6500000xf32, #tpu.memory_space<hbm>>
      tpu.wait_indirect_dma semaphore(%arg38 : memref<!tpu.dma_semaphore, #tpu.memory_space<semaphore_mem>>) src(%dma_wait3A_623 : memref<6500000xf32, #tpu.memory_space<hbm>>) dst(%dma_wait3A_619 : memref<2048xf32, #tpu.memory_space<vmem>>)
      %sub3A_624 = arith.constant 5 : i32
      %sub3A_625 = arith.subi %add3A_591, %sub3A_624 : i32
      %mul3A_626 = arith.constant 2048 : i32
      %mul3A_627 = arith.muli %sub3A_625, %mul3A_626 : i32
      %add3A_628 = arith.addi %mul3A_2, %mul3A_627 : i32
      %dma_start3A_629 = tpu.memref_slice %arg5[%add3A_628] : memref<3276800xf32, #tpu.memory_space<hbm>> -> memref<2048xf32, #tpu.memory_space<hbm>>
      %dma_start3A_630 = tpu.memref_slice %arg5[%add3A_628] : memref<3276800xf32, #tpu.memory_space<hbm>> -> memref<2048xf32, #tpu.memory_space<hbm>>
      tpu.enqueue_dma source(%arg26 : memref<2048xf32, #tpu.memory_space<vmem>>) target(%dma_start3A_630 : memref<2048xf32, #tpu.memory_space<hbm>>) target_semaphore(%arg44 : memref<!tpu.dma_semaphore, #tpu.memory_space<semaphore_mem>>)
      %add3A_631 = arith.constant 6 : i32
      %add3A_632 = arith.addi %add3A_591, %add3A_631 : i32
      %mul3A_633 = arith.constant 2048 : i32
      %mul3A_634 = arith.muli %add3A_632, %mul3A_633 : i32
      %add3A_635 = arith.addi %mul3A_2, %mul3A_634 : i32
      %dma_start3A_636 = tpu.memref_slice %arg3[%add3A_635] : memref<3276800xi32, #tpu.memory_space<hbm>> -> memref<2048xi32, #tpu.memory_space<hbm>>
      %dma_start3A_637 = tpu.memref_slice %arg3[%add3A_635] : memref<3276800xi32, #tpu.memory_space<hbm>> -> memref<2048xi32, #tpu.memory_space<hbm>>
      tpu.enqueue_dma source(%dma_start3A_637 : memref<2048xi32, #tpu.memory_space<hbm>>) target(%arg7 : memref<2048xi32, #tpu.memory_space<vmem>>) target_semaphore(%arg31 : memref<!tpu.dma_semaphore, #tpu.memory_space<semaphore_mem>>)
      %dma_start3A_638 = tpu.memref_slice %arg4[%add3A_635] : memref<3276800xi32, #tpu.memory_space<hbm>> -> memref<2048xi32, #tpu.memory_space<hbm>>
      %dma_start3A_639 = tpu.memref_slice %arg4[%add3A_635] : memref<3276800xi32, #tpu.memory_space<hbm>> -> memref<2048xi32, #tpu.memory_space<hbm>>
      tpu.enqueue_dma source(%dma_start3A_639 : memref<2048xi32, #tpu.memory_space<hbm>>) target(%arg13 : memref<2048xi32, #tpu.memory_space<vmem>>) target_semaphore(%arg31 : memref<!tpu.dma_semaphore, #tpu.memory_space<semaphore_mem>>)
      %add3A_640 = arith.constant 2 : i32
      %add3A_641 = arith.addi %mul3A_540, %add3A_640 : i32
      %mul3A_642 = arith.constant 2048 : i32
      %mul3A_643 = arith.muli %add3A_641, %mul3A_642 : i32
      %add3A_644 = arith.addi %mul3A_2, %mul3A_643 : i32
      %dma_wait3A_645 = tpu.memref_slice %arg3[%add3A_644] : memref<3276800xi32, #tpu.memory_space<hbm>> -> memref<2048xi32, #tpu.memory_space<hbm>>
      %dma_wait3A_646 = tpu.memref_slice %arg3[%add3A_644] : memref<3276800xi32, #tpu.memory_space<hbm>> -> memref<2048xi32, #tpu.memory_space<hbm>>
      tpu.wait_dma2 semaphore(%arg32 : memref<!tpu.dma_semaphore, #tpu.memory_space<semaphore_mem>>) src(%dma_wait3A_646 : memref<2048xi32, #tpu.memory_space<hbm>>) dst(%arg8 : memref<2048xi32, #tpu.memory_space<vmem>>)
      %dma_wait3A_647 = tpu.memref_slice %arg4[%add3A_644] : memref<3276800xi32, #tpu.memory_space<hbm>> -> memref<2048xi32, #tpu.memory_space<hbm>>
      %dma_wait3A_648 = tpu.memref_slice %arg4[%add3A_644] : memref<3276800xi32, #tpu.memory_space<hbm>> -> memref<2048xi32, #tpu.memory_space<hbm>>
      tpu.wait_dma2 semaphore(%arg32 : memref<!tpu.dma_semaphore, #tpu.memory_space<semaphore_mem>>) src(%dma_wait3A_648 : memref<2048xi32, #tpu.memory_space<hbm>>) dst(%arg14 : memref<2048xi32, #tpu.memory_space<vmem>>)
      %scan3A_649 = arith.constant 0 : i32
      %scan3A_650 = arith.constant 0 : i32
      %scan3A_651 = arith.constant 128 : i32
      %scan3A_652 = arith.addi %scan3A_650, %scan3A_651 : i32
      %scan3A_653 = arith.constant 4 : i32
      scf.for %scan3A_840 = %scan3A_650 to %scan3A_652 step %scan3A_653  : i32 {
        %mul3A_841 = arith.constant 16 : i32
        %mul3A_842 = arith.muli %scan3A_840, %mul3A_841 : i32
        %get3A = arith.index_cast %mul3A_842 : i32 to index
        %get3A_843 = tpu.vector_load %arg8[%get3A] {strides = array<i32>} : memref<2048xi32, #tpu.memory_space<vmem>>, vector<16xi32>,
        %get3A_844 = vector.shape_cast %get3A_843 : vector<16xi32> to vector<16xi32>
        %mul3A_845 = arith.constant 16 : i32
        %mul3A_846 = arith.muli %scan3A_840, %mul3A_845 : i32
        %get3A_847 = arith.index_cast %mul3A_846 : i32 to index
        %get3A_848 = tpu.vector_load %arg14[%get3A_847] {strides = array<i32>} : memref<2048xi32, #tpu.memory_space<vmem>>, vector<16xi32>,
        %get3A_849 = vector.shape_cast %get3A_848 : vector<16xi32> to vector<16xi32>
        %mul3A_850 = arith.constant 100000 : i32
        %mul3A_851 = vector.broadcast %mul3A_850 : i32 to vector<16xi32>
        %mul3A_852 = arith.muli %get3A_844, %mul3A_851 : vector<16xi32>
        %add3A_853 = arith.addi %mul3A_852, %get3A_849 : vector<16xi32>
        %mul3A_854 = arith.constant 16 : i32
        %mul3A_855 = arith.muli %scan3A_840, %mul3A_854 : i32
        %swap3A = arith.index_cast %mul3A_855 : i32 to index
        %swap3A_856 = tpu.vector_load %arg20[%swap3A] {strides = array<i32>} : memref<2048xi32, #tpu.memory_space<vmem>>, vector<16xi32>,
        %swap3A_857 = vector.shape_cast %swap3A_856 : vector<16xi32> to vector<16xi32>
        %swap3A_858 = vector.shape_cast %add3A_853 : vector<16xi32> to vector<16xi32>
        tpu.vector_store %arg20[%swap3A], %swap3A_858 {strides = array<i32>} : memref<2048xi32, #tpu.memory_space<vmem>>, vector<16xi32>,
        %scan3A_859 = arith.constant 1 : i32
        %scan3A_860 = arith.addi %scan3A_840, %scan3A_859 : i32
        %mul3A_861 = arith.constant 16 : i32
        %mul3A_862 = arith.muli %scan3A_860, %mul3A_861 : i32
        %get3A_863 = arith.index_cast %mul3A_862 : i32 to index
        %get3A_864 = tpu.vector_load %arg8[%get3A_863] {strides = array<i32>} : memref<2048xi32, #tpu.memory_space<vmem>>, vector<16xi32>,
        %get3A_865 = vector.shape_cast %get3A_864 : vector<16xi32> to vector<16xi32>
        %mul3A_866 = arith.constant 16 : i32
        %mul3A_867 = arith.muli %scan3A_860, %mul3A_866 : i32
        %get3A_868 = arith.index_cast %mul3A_867 : i32 to index
        %get3A_869 = tpu.vector_load %arg14[%get3A_868] {strides = array<i32>} : memref<2048xi32, #tpu.memory_space<vmem>>, vector<16xi32>,
        %get3A_870 = vector.shape_cast %get3A_869 : vector<16xi32> to vector<16xi32>
        %mul3A_871 = arith.constant 100000 : i32
        %mul3A_872 = vector.broadcast %mul3A_871 : i32 to vector<16xi32>
        %mul3A_873 = arith.muli %get3A_865, %mul3A_872 : vector<16xi32>
        %add3A_874 = arith.addi %mul3A_873, %get3A_870 : vector<16xi32>
        %mul3A_875 = arith.constant 16 : i32
        %mul3A_876 = arith.muli %scan3A_860, %mul3A_875 : i32
        %swap3A_877 = arith.index_cast %mul3A_876 : i32 to index
        %swap3A_878 = tpu.vector_load %arg20[%swap3A_877] {strides = array<i32>} : memref<2048xi32, #tpu.memory_space<vmem>>, vector<16xi32>,
        %swap3A_879 = vector.shape_cast %swap3A_878 : vector<16xi32> to vector<16xi32>
        %swap3A_880 = vector.shape_cast %add3A_874 : vector<16xi32> to vector<16xi32>
        tpu.vector_store %arg20[%swap3A_877], %swap3A_880 {strides = array<i32>} : memref<2048xi32, #tpu.memory_space<vmem>>, vector<16xi32>,
        %scan3A_881 = arith.constant 2 : i32
        %scan3A_882 = arith.addi %scan3A_840, %scan3A_881 : i32
        %mul3A_883 = arith.constant 16 : i32
        %mul3A_884 = arith.muli %scan3A_882, %mul3A_883 : i32
        %get3A_885 = arith.index_cast %mul3A_884 : i32 to index
        %get3A_886 = tpu.vector_load %arg8[%get3A_885] {strides = array<i32>} : memref<2048xi32, #tpu.memory_space<vmem>>, vector<16xi32>,
        %get3A_887 = vector.shape_cast %get3A_886 : vector<16xi32> to vector<16xi32>
        %mul3A_888 = arith.constant 16 : i32
        %mul3A_889 = arith.muli %scan3A_882, %mul3A_888 : i32
        %get3A_890 = arith.index_cast %mul3A_889 : i32 to index
        %get3A_891 = tpu.vector_load %arg14[%get3A_890] {strides = array<i32>} : memref<2048xi32, #tpu.memory_space<vmem>>, vector<16xi32>,
        %get3A_892 = vector.shape_cast %get3A_891 : vector<16xi32> to vector<16xi32>
        %mul3A_893 = arith.constant 100000 : i32
        %mul3A_894 = vector.broadcast %mul3A_893 : i32 to vector<16xi32>
        %mul3A_895 = arith.muli %get3A_887, %mul3A_894 : vector<16xi32>
        %add3A_896 = arith.addi %mul3A_895, %get3A_892 : vector<16xi32>
        %mul3A_897 = arith.constant 16 : i32
        %mul3A_898 = arith.muli %scan3A_882, %mul3A_897 : i32
        %swap3A_899 = arith.index_cast %mul3A_898 : i32 to index
        %swap3A_900 = tpu.vector_load %arg20[%swap3A_899] {strides = array<i32>} : memref<2048xi32, #tpu.memory_space<vmem>>, vector<16xi32>,
        %swap3A_901 = vector.shape_cast %swap3A_900 : vector<16xi32> to vector<16xi32>
        %swap3A_902 = vector.shape_cast %add3A_896 : vector<16xi32> to vector<16xi32>
        tpu.vector_store %arg20[%swap3A_899], %swap3A_902 {strides = array<i32>} : memref<2048xi32, #tpu.memory_space<vmem>>, vector<16xi32>,
        %scan3A_903 = arith.constant 3 : i32
        %scan3A_904 = arith.addi %scan3A_840, %scan3A_903 : i32
        %mul3A_905 = arith.constant 16 : i32
        %mul3A_906 = arith.muli %scan3A_904, %mul3A_905 : i32
        %get3A_907 = arith.index_cast %mul3A_906 : i32 to index
        %get3A_908 = tpu.vector_load %arg8[%get3A_907] {strides = array<i32>} : memref<2048xi32, #tpu.memory_space<vmem>>, vector<16xi32>,
        %get3A_909 = vector.shape_cast %get3A_908 : vector<16xi32> to vector<16xi32>
        %mul3A_910 = arith.constant 16 : i32
        %mul3A_911 = arith.muli %scan3A_904, %mul3A_910 : i32
        %get3A_912 = arith.index_cast %mul3A_911 : i32 to index
        %get3A_913 = tpu.vector_load %arg14[%get3A_912] {strides = array<i32>} : memref<2048xi32, #tpu.memory_space<vmem>>, vector<16xi32>,
        %get3A_914 = vector.shape_cast %get3A_913 : vector<16xi32> to vector<16xi32>
        %mul3A_915 = arith.constant 100000 : i32
        %mul3A_916 = vector.broadcast %mul3A_915 : i32 to vector<16xi32>
        %mul3A_917 = arith.muli %get3A_909, %mul3A_916 : vector<16xi32>
        %add3A_918 = arith.addi %mul3A_917, %get3A_914 : vector<16xi32>
        %mul3A_919 = arith.constant 16 : i32
        %mul3A_920 = arith.muli %scan3A_904, %mul3A_919 : i32
        %swap3A_921 = arith.index_cast %mul3A_920 : i32 to index
        %swap3A_922 = tpu.vector_load %arg20[%swap3A_921] {strides = array<i32>} : memref<2048xi32, #tpu.memory_space<vmem>>, vector<16xi32>,
        %swap3A_923 = vector.shape_cast %swap3A_922 : vector<16xi32> to vector<16xi32>
        %swap3A_924 = vector.shape_cast %add3A_918 : vector<16xi32> to vector<16xi32>
        tpu.vector_store %arg20[%swap3A_921], %swap3A_924 {strides = array<i32>} : memref<2048xi32, #tpu.memory_space<vmem>>, vector<16xi32>,
      }
      %scan3A_654 = arith.constant 128 : i32
      %sub3A_655 = arith.constant 6 : i32
      %sub3A_656 = arith.subi %add3A_641, %sub3A_655 : i32
      %mul3A_657 = arith.constant 2048 : i32
      %mul3A_658 = arith.muli %sub3A_656, %mul3A_657 : i32
      %add3A_659 = arith.addi %mul3A_2, %mul3A_658 : i32
      %dma_wait3A_660 = tpu.memref_slice %arg5[%add3A_659] : memref<3276800xf32, #tpu.memory_space<hbm>> -> memref<2048xf32, #tpu.memory_space<hbm>>
      %dma_wait3A_661 = tpu.memref_slice %arg5[%add3A_659] : memref<3276800xf32, #tpu.memory_space<hbm>> -> memref<2048xf32, #tpu.memory_space<hbm>>
      tpu.wait_dma2 semaphore(%arg44 : memref<!tpu.dma_semaphore, #tpu.memory_space<semaphore_mem>>) src(%arg26 : memref<2048xf32, #tpu.memory_space<vmem>>) dst(%dma_wait3A_661 : memref<2048xf32, #tpu.memory_space<hbm>>)
      %dma_start3A_662 = arith.constant 0 : i32
      %dma_start3A_663 = tpu.memref_slice %arg26[%dma_start3A_662] : memref<2048xf32, #tpu.memory_space<vmem>> -> memref<2048xf32, #tpu.memory_space<vmem>>
      %dma_start3A_664 = arith.constant 0 : i32
      %dma_start3A_665 = tpu.memref_slice %arg20[%dma_start3A_664] : memref<2048xi32, #tpu.memory_space<vmem>> -> memref<2048xi32, #tpu.memory_space<vmem>>
      %dma_start3A_666 = arith.constant 0 : i32
      %dma_start3A_667 = tpu.memref_slice %arg2[%dma_start3A_666] : memref<6500000xf32, #tpu.memory_space<hbm>> -> memref<6500000xf32, #tpu.memory_space<hbm>>
      tpu.enqueue_indirect_dma source(%dma_start3A_667 : memref<6500000xf32, #tpu.memory_space<hbm>>) target(%dma_start3A_663 : memref<2048xf32, #tpu.memory_space<vmem>>) offsets(%dma_start3A_665 : memref<2048xi32, #tpu.memory_space<vmem>>) semaphore(%arg38 : memref<!tpu.dma_semaphore, #tpu.memory_space<semaphore_mem>>)
      %dma_wait3A_668 = arith.constant 0 : i32
      %dma_wait3A_669 = tpu.memref_slice %arg27[%dma_wait3A_668] : memref<2048xf32, #tpu.memory_space<vmem>> -> memref<2048xf32, #tpu.memory_space<vmem>>
      %dma_wait3A_670 = arith.constant 0 : i32
      %dma_wait3A_671 = tpu.memref_slice %arg21[%dma_wait3A_670] : memref<2048xi32, #tpu.memory_space<vmem>> -> memref<2048xi32, #tpu.memory_space<vmem>>
      %dma_wait3A_672 = arith.constant 0 : i32
      %dma_wait3A_673 = tpu.memref_slice %arg2[%dma_wait3A_672] : memref<6500000xf32, #tpu.memory_space<hbm>> -> memref<6500000xf32, #tpu.memory_space<hbm>>
      tpu.wait_indirect_dma semaphore(%arg39 : memref<!tpu.dma_semaphore, #tpu.memory_space<semaphore_mem>>) src(%dma_wait3A_673 : memref<6500000xf32, #tpu.memory_space<hbm>>) dst(%dma_wait3A_669 : memref<2048xf32, #tpu.memory_space<vmem>>)
      %sub3A_674 = arith.constant 5 : i32
      %sub3A_675 = arith.subi %add3A_641, %sub3A_674 : i32
      %mul3A_676 = arith.constant 2048 : i32
      %mul3A_677 = arith.muli %sub3A_675, %mul3A_676 : i32
      %add3A_678 = arith.addi %mul3A_2, %mul3A_677 : i32
      %dma_start3A_679 = tpu.memref_slice %arg5[%add3A_678] : memref<3276800xf32, #tpu.memory_space<hbm>> -> memref<2048xf32, #tpu.memory_space<hbm>>
      %dma_start3A_680 = tpu.memref_slice %arg5[%add3A_678] : memref<3276800xf32, #tpu.memory_space<hbm>> -> memref<2048xf32, #tpu.memory_space<hbm>>
      tpu.enqueue_dma source(%arg27 : memref<2048xf32, #tpu.memory_space<vmem>>) target(%dma_start3A_680 : memref<2048xf32, #tpu.memory_space<hbm>>) target_semaphore(%arg45 : memref<!tpu.dma_semaphore, #tpu.memory_space<semaphore_mem>>)
      %add3A_681 = arith.constant 6 : i32
      %add3A_682 = arith.addi %add3A_641, %add3A_681 : i32
      %mul3A_683 = arith.constant 2048 : i32
      %mul3A_684 = arith.muli %add3A_682, %mul3A_683 : i32
      %add3A_685 = arith.addi %mul3A_2, %mul3A_684 : i32
      %dma_start3A_686 = tpu.memref_slice %arg3[%add3A_685] : memref<3276800xi32, #tpu.memory_space<hbm>> -> memref<2048xi32, #tpu.memory_space<hbm>>
      %dma_start3A_687 = tpu.memref_slice %arg3[%add3A_685] : memref<3276800xi32, #tpu.memory_space<hbm>> -> memref<2048xi32, #tpu.memory_space<hbm>>
      tpu.enqueue_dma source(%dma_start3A_687 : memref<2048xi32, #tpu.memory_space<hbm>>) target(%arg8 : memref<2048xi32, #tpu.memory_space<vmem>>) target_semaphore(%arg32 : memref<!tpu.dma_semaphore, #tpu.memory_space<semaphore_mem>>)
      %dma_start3A_688 = tpu.memref_slice %arg4[%add3A_685] : memref<3276800xi32, #tpu.memory_space<hbm>> -> memref<2048xi32, #tpu.memory_space<hbm>>
      %dma_start3A_689 = tpu.memref_slice %arg4[%add3A_685] : memref<3276800xi32, #tpu.memory_space<hbm>> -> memref<2048xi32, #tpu.memory_space<hbm>>
      tpu.enqueue_dma source(%dma_start3A_689 : memref<2048xi32, #tpu.memory_space<hbm>>) target(%arg14 : memref<2048xi32, #tpu.memory_space<vmem>>) target_semaphore(%arg32 : memref<!tpu.dma_semaphore, #tpu.memory_space<semaphore_mem>>)
      %add3A_690 = arith.constant 3 : i32
      %add3A_691 = arith.addi %mul3A_540, %add3A_690 : i32
      %mul3A_692 = arith.constant 2048 : i32
      %mul3A_693 = arith.muli %add3A_691, %mul3A_692 : i32
      %add3A_694 = arith.addi %mul3A_2, %mul3A_693 : i32
      %dma_wait3A_695 = tpu.memref_slice %arg3[%add3A_694] : memref<3276800xi32, #tpu.memory_space<hbm>> -> memref<2048xi32, #tpu.memory_space<hbm>>
      %dma_wait3A_696 = tpu.memref_slice %arg3[%add3A_694] : memref<3276800xi32, #tpu.memory_space<hbm>> -> memref<2048xi32, #tpu.memory_space<hbm>>
      tpu.wait_dma2 semaphore(%arg33 : memref<!tpu.dma_semaphore, #tpu.memory_space<semaphore_mem>>) src(%dma_wait3A_696 : memref<2048xi32, #tpu.memory_space<hbm>>) dst(%arg9 : memref<2048xi32, #tpu.memory_space<vmem>>)
      %dma_wait3A_697 = tpu.memref_slice %arg4[%add3A_694] : memref<3276800xi32, #tpu.memory_space<hbm>> -> memref<2048xi32, #tpu.memory_space<hbm>>
      %dma_wait3A_698 = tpu.memref_slice %arg4[%add3A_694] : memref<3276800xi32, #tpu.memory_space<hbm>> -> memref<2048xi32, #tpu.memory_space<hbm>>
      tpu.wait_dma2 semaphore(%arg33 : memref<!tpu.dma_semaphore, #tpu.memory_space<semaphore_mem>>) src(%dma_wait3A_698 : memref<2048xi32, #tpu.memory_space<hbm>>) dst(%arg15 : memref<2048xi32, #tpu.memory_space<vmem>>)
      %scan3A_699 = arith.constant 0 : i32
      %scan3A_700 = arith.constant 0 : i32
      %scan3A_701 = arith.constant 128 : i32
      %scan3A_702 = arith.addi %scan3A_700, %scan3A_701 : i32
      %scan3A_703 = arith.constant 4 : i32
      scf.for %scan3A_840 = %scan3A_700 to %scan3A_702 step %scan3A_703  : i32 {
        %mul3A_841 = arith.constant 16 : i32
        %mul3A_842 = arith.muli %scan3A_840, %mul3A_841 : i32
        %get3A = arith.index_cast %mul3A_842 : i32 to index
        %get3A_843 = tpu.vector_load %arg9[%get3A] {strides = array<i32>} : memref<2048xi32, #tpu.memory_space<vmem>>, vector<16xi32>,
        %get3A_844 = vector.shape_cast %get3A_843 : vector<16xi32> to vector<16xi32>
        %mul3A_845 = arith.constant 16 : i32
        %mul3A_846 = arith.muli %scan3A_840, %mul3A_845 : i32
        %get3A_847 = arith.index_cast %mul3A_846 : i32 to index
        %get3A_848 = tpu.vector_load %arg15[%get3A_847] {strides = array<i32>} : memref<2048xi32, #tpu.memory_space<vmem>>, vector<16xi32>,
        %get3A_849 = vector.shape_cast %get3A_848 : vector<16xi32> to vector<16xi32>
        %mul3A_850 = arith.constant 100000 : i32
        %mul3A_851 = vector.broadcast %mul3A_850 : i32 to vector<16xi32>
        %mul3A_852 = arith.muli %get3A_844, %mul3A_851 : vector<16xi32>
        %add3A_853 = arith.addi %mul3A_852, %get3A_849 : vector<16xi32>
        %mul3A_854 = arith.constant 16 : i32
        %mul3A_855 = arith.muli %scan3A_840, %mul3A_854 : i32
        %swap3A = arith.index_cast %mul3A_855 : i32 to index
        %swap3A_856 = tpu.vector_load %arg21[%swap3A] {strides = array<i32>} : memref<2048xi32, #tpu.memory_space<vmem>>, vector<16xi32>,
        %swap3A_857 = vector.shape_cast %swap3A_856 : vector<16xi32> to vector<16xi32>
        %swap3A_858 = vector.shape_cast %add3A_853 : vector<16xi32> to vector<16xi32>
        tpu.vector_store %arg21[%swap3A], %swap3A_858 {strides = array<i32>} : memref<2048xi32, #tpu.memory_space<vmem>>, vector<16xi32>,
        %scan3A_859 = arith.constant 1 : i32
        %scan3A_860 = arith.addi %scan3A_840, %scan3A_859 : i32
        %mul3A_861 = arith.constant 16 : i32
        %mul3A_862 = arith.muli %scan3A_860, %mul3A_861 : i32
        %get3A_863 = arith.index_cast %mul3A_862 : i32 to index
        %get3A_864 = tpu.vector_load %arg9[%get3A_863] {strides = array<i32>} : memref<2048xi32, #tpu.memory_space<vmem>>, vector<16xi32>,
        %get3A_865 = vector.shape_cast %get3A_864 : vector<16xi32> to vector<16xi32>
        %mul3A_866 = arith.constant 16 : i32
        %mul3A_867 = arith.muli %scan3A_860, %mul3A_866 : i32
        %get3A_868 = arith.index_cast %mul3A_867 : i32 to index
        %get3A_869 = tpu.vector_load %arg15[%get3A_868] {strides = array<i32>} : memref<2048xi32, #tpu.memory_space<vmem>>, vector<16xi32>,
        %get3A_870 = vector.shape_cast %get3A_869 : vector<16xi32> to vector<16xi32>
        %mul3A_871 = arith.constant 100000 : i32
        %mul3A_872 = vector.broadcast %mul3A_871 : i32 to vector<16xi32>
        %mul3A_873 = arith.muli %get3A_865, %mul3A_872 : vector<16xi32>
        %add3A_874 = arith.addi %mul3A_873, %get3A_870 : vector<16xi32>
        %mul3A_875 = arith.constant 16 : i32
        %mul3A_876 = arith.muli %scan3A_860, %mul3A_875 : i32
        %swap3A_877 = arith.index_cast %mul3A_876 : i32 to index
        %swap3A_878 = tpu.vector_load %arg21[%swap3A_877] {strides = array<i32>} : memref<2048xi32, #tpu.memory_space<vmem>>, vector<16xi32>,
        %swap3A_879 = vector.shape_cast %swap3A_878 : vector<16xi32> to vector<16xi32>
        %swap3A_880 = vector.shape_cast %add3A_874 : vector<16xi32> to vector<16xi32>
        tpu.vector_store %arg21[%swap3A_877], %swap3A_880 {strides = array<i32>} : memref<2048xi32, #tpu.memory_space<vmem>>, vector<16xi32>,
        %scan3A_881 = arith.constant 2 : i32
        %scan3A_882 = arith.addi %scan3A_840, %scan3A_881 : i32
        %mul3A_883 = arith.constant 16 : i32
        %mul3A_884 = arith.muli %scan3A_882, %mul3A_883 : i32
        %get3A_885 = arith.index_cast %mul3A_884 : i32 to index
        %get3A_886 = tpu.vector_load %arg9[%get3A_885] {strides = array<i32>} : memref<2048xi32, #tpu.memory_space<vmem>>, vector<16xi32>,
        %get3A_887 = vector.shape_cast %get3A_886 : vector<16xi32> to vector<16xi32>
        %mul3A_888 = arith.constant 16 : i32
        %mul3A_889 = arith.muli %scan3A_882, %mul3A_888 : i32
        %get3A_890 = arith.index_cast %mul3A_889 : i32 to index
        %get3A_891 = tpu.vector_load %arg15[%get3A_890] {strides = array<i32>} : memref<2048xi32, #tpu.memory_space<vmem>>, vector<16xi32>,
        %get3A_892 = vector.shape_cast %get3A_891 : vector<16xi32> to vector<16xi32>
        %mul3A_893 = arith.constant 100000 : i32
        %mul3A_894 = vector.broadcast %mul3A_893 : i32 to vector<16xi32>
        %mul3A_895 = arith.muli %get3A_887, %mul3A_894 : vector<16xi32>
        %add3A_896 = arith.addi %mul3A_895, %get3A_892 : vector<16xi32>
        %mul3A_897 = arith.constant 16 : i32
        %mul3A_898 = arith.muli %scan3A_882, %mul3A_897 : i32
        %swap3A_899 = arith.index_cast %mul3A_898 : i32 to index
        %swap3A_900 = tpu.vector_load %arg21[%swap3A_899] {strides = array<i32>} : memref<2048xi32, #tpu.memory_space<vmem>>, vector<16xi32>,
        %swap3A_901 = vector.shape_cast %swap3A_900 : vector<16xi32> to vector<16xi32>
        %swap3A_902 = vector.shape_cast %add3A_896 : vector<16xi32> to vector<16xi32>
        tpu.vector_store %arg21[%swap3A_899], %swap3A_902 {strides = array<i32>} : memref<2048xi32, #tpu.memory_space<vmem>>, vector<16xi32>,
        %scan3A_903 = arith.constant 3 : i32
        %scan3A_904 = arith.addi %scan3A_840, %scan3A_903 : i32
        %mul3A_905 = arith.constant 16 : i32
        %mul3A_906 = arith.muli %scan3A_904, %mul3A_905 : i32
        %get3A_907 = arith.index_cast %mul3A_906 : i32 to index
        %get3A_908 = tpu.vector_load %arg9[%get3A_907] {strides = array<i32>} : memref<2048xi32, #tpu.memory_space<vmem>>, vector<16xi32>,
        %get3A_909 = vector.shape_cast %get3A_908 : vector<16xi32> to vector<16xi32>
        %mul3A_910 = arith.constant 16 : i32
        %mul3A_911 = arith.muli %scan3A_904, %mul3A_910 : i32
        %get3A_912 = arith.index_cast %mul3A_911 : i32 to index
        %get3A_913 = tpu.vector_load %arg15[%get3A_912] {strides = array<i32>} : memref<2048xi32, #tpu.memory_space<vmem>>, vector<16xi32>,
        %get3A_914 = vector.shape_cast %get3A_913 : vector<16xi32> to vector<16xi32>
        %mul3A_915 = arith.constant 100000 : i32
        %mul3A_916 = vector.broadcast %mul3A_915 : i32 to vector<16xi32>
        %mul3A_917 = arith.muli %get3A_909, %mul3A_916 : vector<16xi32>
        %add3A_918 = arith.addi %mul3A_917, %get3A_914 : vector<16xi32>
        %mul3A_919 = arith.constant 16 : i32
        %mul3A_920 = arith.muli %scan3A_904, %mul3A_919 : i32
        %swap3A_921 = arith.index_cast %mul3A_920 : i32 to index
        %swap3A_922 = tpu.vector_load %arg21[%swap3A_921] {strides = array<i32>} : memref<2048xi32, #tpu.memory_space<vmem>>, vector<16xi32>,
        %swap3A_923 = vector.shape_cast %swap3A_922 : vector<16xi32> to vector<16xi32>
        %swap3A_924 = vector.shape_cast %add3A_918 : vector<16xi32> to vector<16xi32>
        tpu.vector_store %arg21[%swap3A_921], %swap3A_924 {strides = array<i32>} : memref<2048xi32, #tpu.memory_space<vmem>>, vector<16xi32>,
      }
      %scan3A_704 = arith.constant 128 : i32
      %sub3A_705 = arith.constant 6 : i32
      %sub3A_706 = arith.subi %add3A_691, %sub3A_705 : i32
      %mul3A_707 = arith.constant 2048 : i32
      %mul3A_708 = arith.muli %sub3A_706, %mul3A_707 : i32
      %add3A_709 = arith.addi %mul3A_2, %mul3A_708 : i32
      %dma_wait3A_710 = tpu.memref_slice %arg5[%add3A_709] : memref<3276800xf32, #tpu.memory_space<hbm>> -> memref<2048xf32, #tpu.memory_space<hbm>>
      %dma_wait3A_711 = tpu.memref_slice %arg5[%add3A_709] : memref<3276800xf32, #tpu.memory_space<hbm>> -> memref<2048xf32, #tpu.memory_space<hbm>>
      tpu.wait_dma2 semaphore(%arg45 : memref<!tpu.dma_semaphore, #tpu.memory_space<semaphore_mem>>) src(%arg27 : memref<2048xf32, #tpu.memory_space<vmem>>) dst(%dma_wait3A_711 : memref<2048xf32, #tpu.memory_space<hbm>>)
      %dma_start3A_712 = arith.constant 0 : i32
      %dma_start3A_713 = tpu.memref_slice %arg27[%dma_start3A_712] : memref<2048xf32, #tpu.memory_space<vmem>> -> memref<2048xf32, #tpu.memory_space<vmem>>
      %dma_start3A_714 = arith.constant 0 : i32
      %dma_start3A_715 = tpu.memref_slice %arg21[%dma_start3A_714] : memref<2048xi32, #tpu.memory_space<vmem>> -> memref<2048xi32, #tpu.memory_space<vmem>>
      %dma_start3A_716 = arith.constant 0 : i32
      %dma_start3A_717 = tpu.memref_slice %arg2[%dma_start3A_716] : memref<6500000xf32, #tpu.memory_space<hbm>> -> memref<6500000xf32, #tpu.memory_space<hbm>>
      tpu.enqueue_indirect_dma source(%dma_start3A_717 : memref<6500000xf32, #tpu.memory_space<hbm>>) target(%dma_start3A_713 : memref<2048xf32, #tpu.memory_space<vmem>>) offsets(%dma_start3A_715 : memref<2048xi32, #tpu.memory_space<vmem>>) semaphore(%arg39 : memref<!tpu.dma_semaphore, #tpu.memory_space<semaphore_mem>>)
      %dma_wait3A_718 = arith.constant 0 : i32
      %dma_wait3A_719 = tpu.memref_slice %arg28[%dma_wait3A_718] : memref<2048xf32, #tpu.memory_space<vmem>> -> memref<2048xf32, #tpu.memory_space<vmem>>
      %dma_wait3A_720 = arith.constant 0 : i32
      %dma_wait3A_721 = tpu.memref_slice %arg22[%dma_wait3A_720] : memref<2048xi32, #tpu.memory_space<vmem>> -> memref<2048xi32, #tpu.memory_space<vmem>>
      %dma_wait3A_722 = arith.constant 0 : i32
      %dma_wait3A_723 = tpu.memref_slice %arg2[%dma_wait3A_722] : memref<6500000xf32, #tpu.memory_space<hbm>> -> memref<6500000xf32, #tpu.memory_space<hbm>>
      tpu.wait_indirect_dma semaphore(%arg40 : memref<!tpu.dma_semaphore, #tpu.memory_space<semaphore_mem>>) src(%dma_wait3A_723 : memref<6500000xf32, #tpu.memory_space<hbm>>) dst(%dma_wait3A_719 : memref<2048xf32, #tpu.memory_space<vmem>>)
      %sub3A_724 = arith.constant 5 : i32
      %sub3A_725 = arith.subi %add3A_691, %sub3A_724 : i32
      %mul3A_726 = arith.constant 2048 : i32
      %mul3A_727 = arith.muli %sub3A_725, %mul3A_726 : i32
      %add3A_728 = arith.addi %mul3A_2, %mul3A_727 : i32
      %dma_start3A_729 = tpu.memref_slice %arg5[%add3A_728] : memref<3276800xf32, #tpu.memory_space<hbm>> -> memref<2048xf32, #tpu.memory_space<hbm>>
      %dma_start3A_730 = tpu.memref_slice %arg5[%add3A_728] : memref<3276800xf32, #tpu.memory_space<hbm>> -> memref<2048xf32, #tpu.memory_space<hbm>>
      tpu.enqueue_dma source(%arg28 : memref<2048xf32, #tpu.memory_space<vmem>>) target(%dma_start3A_730 : memref<2048xf32, #tpu.memory_space<hbm>>) target_semaphore(%arg46 : memref<!tpu.dma_semaphore, #tpu.memory_space<semaphore_mem>>)
      %add3A_731 = arith.constant 6 : i32
      %add3A_732 = arith.addi %add3A_691, %add3A_731 : i32
      %mul3A_733 = arith.constant 2048 : i32
      %mul3A_734 = arith.muli %add3A_732, %mul3A_733 : i32
      %add3A_735 = arith.addi %mul3A_2, %mul3A_734 : i32
      %dma_start3A_736 = tpu.memref_slice %arg3[%add3A_735] : memref<3276800xi32, #tpu.memory_space<hbm>> -> memref<2048xi32, #tpu.memory_space<hbm>>
      %dma_start3A_737 = tpu.memref_slice %arg3[%add3A_735] : memref<3276800xi32, #tpu.memory_space<hbm>> -> memref<2048xi32, #tpu.memory_space<hbm>>
      tpu.enqueue_dma source(%dma_start3A_737 : memref<2048xi32, #tpu.memory_space<hbm>>) target(%arg9 : memref<2048xi32, #tpu.memory_space<vmem>>) target_semaphore(%arg33 : memref<!tpu.dma_semaphore, #tpu.memory_space<semaphore_mem>>)
      %dma_start3A_738 = tpu.memref_slice %arg4[%add3A_735] : memref<3276800xi32, #tpu.memory_space<hbm>> -> memref<2048xi32, #tpu.memory_space<hbm>>
      %dma_start3A_739 = tpu.memref_slice %arg4[%add3A_735] : memref<3276800xi32, #tpu.memory_space<hbm>> -> memref<2048xi32, #tpu.memory_space<hbm>>
      tpu.enqueue_dma source(%dma_start3A_739 : memref<2048xi32, #tpu.memory_space<hbm>>) target(%arg15 : memref<2048xi32, #tpu.memory_space<vmem>>) target_semaphore(%arg33 : memref<!tpu.dma_semaphore, #tpu.memory_space<semaphore_mem>>)
      %add3A_740 = arith.constant 4 : i32
      %add3A_741 = arith.addi %mul3A_540, %add3A_740 : i32
      %mul3A_742 = arith.constant 2048 : i32
      %mul3A_743 = arith.muli %add3A_741, %mul3A_742 : i32
      %add3A_744 = arith.addi %mul3A_2, %mul3A_743 : i32
      %dma_wait3A_745 = tpu.memref_slice %arg3[%add3A_744] : memref<3276800xi32, #tpu.memory_space<hbm>> -> memref<2048xi32, #tpu.memory_space<hbm>>
      %dma_wait3A_746 = tpu.memref_slice %arg3[%add3A_744] : memref<3276800xi32, #tpu.memory_space<hbm>> -> memref<2048xi32, #tpu.memory_space<hbm>>
      tpu.wait_dma2 semaphore(%arg34 : memref<!tpu.dma_semaphore, #tpu.memory_space<semaphore_mem>>) src(%dma_wait3A_746 : memref<2048xi32, #tpu.memory_space<hbm>>) dst(%arg10 : memref<2048xi32, #tpu.memory_space<vmem>>)
      %dma_wait3A_747 = tpu.memref_slice %arg4[%add3A_744] : memref<3276800xi32, #tpu.memory_space<hbm>> -> memref<2048xi32, #tpu.memory_space<hbm>>
      %dma_wait3A_748 = tpu.memref_slice %arg4[%add3A_744] : memref<3276800xi32, #tpu.memory_space<hbm>> -> memref<2048xi32, #tpu.memory_space<hbm>>
      tpu.wait_dma2 semaphore(%arg34 : memref<!tpu.dma_semaphore, #tpu.memory_space<semaphore_mem>>) src(%dma_wait3A_748 : memref<2048xi32, #tpu.memory_space<hbm>>) dst(%arg16 : memref<2048xi32, #tpu.memory_space<vmem>>)
      %scan3A_749 = arith.constant 0 : i32
      %scan3A_750 = arith.constant 0 : i32
      %scan3A_751 = arith.constant 128 : i32
      %scan3A_752 = arith.addi %scan3A_750, %scan3A_751 : i32
      %scan3A_753 = arith.constant 4 : i32
      scf.for %scan3A_840 = %scan3A_750 to %scan3A_752 step %scan3A_753  : i32 {
        %mul3A_841 = arith.constant 16 : i32
        %mul3A_842 = arith.muli %scan3A_840, %mul3A_841 : i32
        %get3A = arith.index_cast %mul3A_842 : i32 to index
        %get3A_843 = tpu.vector_load %arg10[%get3A] {strides = array<i32>} : memref<2048xi32, #tpu.memory_space<vmem>>, vector<16xi32>,
        %get3A_844 = vector.shape_cast %get3A_843 : vector<16xi32> to vector<16xi32>
        %mul3A_845 = arith.constant 16 : i32
        %mul3A_846 = arith.muli %scan3A_840, %mul3A_845 : i32
        %get3A_847 = arith.index_cast %mul3A_846 : i32 to index
        %get3A_848 = tpu.vector_load %arg16[%get3A_847] {strides = array<i32>} : memref<2048xi32, #tpu.memory_space<vmem>>, vector<16xi32>,
        %get3A_849 = vector.shape_cast %get3A_848 : vector<16xi32> to vector<16xi32>
        %mul3A_850 = arith.constant 100000 : i32
        %mul3A_851 = vector.broadcast %mul3A_850 : i32 to vector<16xi32>
        %mul3A_852 = arith.muli %get3A_844, %mul3A_851 : vector<16xi32>
        %add3A_853 = arith.addi %mul3A_852, %get3A_849 : vector<16xi32>
        %mul3A_854 = arith.constant 16 : i32
        %mul3A_855 = arith.muli %scan3A_840, %mul3A_854 : i32
        %swap3A = arith.index_cast %mul3A_855 : i32 to index
        %swap3A_856 = tpu.vector_load %arg22[%swap3A] {strides = array<i32>} : memref<2048xi32, #tpu.memory_space<vmem>>, vector<16xi32>,
        %swap3A_857 = vector.shape_cast %swap3A_856 : vector<16xi32> to vector<16xi32>
        %swap3A_858 = vector.shape_cast %add3A_853 : vector<16xi32> to vector<16xi32>
        tpu.vector_store %arg22[%swap3A], %swap3A_858 {strides = array<i32>} : memref<2048xi32, #tpu.memory_space<vmem>>, vector<16xi32>,
        %scan3A_859 = arith.constant 1 : i32
        %scan3A_860 = arith.addi %scan3A_840, %scan3A_859 : i32
        %mul3A_861 = arith.constant 16 : i32
        %mul3A_862 = arith.muli %scan3A_860, %mul3A_861 : i32
        %get3A_863 = arith.index_cast %mul3A_862 : i32 to index
        %get3A_864 = tpu.vector_load %arg10[%get3A_863] {strides = array<i32>} : memref<2048xi32, #tpu.memory_space<vmem>>, vector<16xi32>,
        %get3A_865 = vector.shape_cast %get3A_864 : vector<16xi32> to vector<16xi32>
        %mul3A_866 = arith.constant 16 : i32
        %mul3A_867 = arith.muli %scan3A_860, %mul3A_866 : i32
        %get3A_868 = arith.index_cast %mul3A_867 : i32 to index
        %get3A_869 = tpu.vector_load %arg16[%get3A_868] {strides = array<i32>} : memref<2048xi32, #tpu.memory_space<vmem>>, vector<16xi32>,
        %get3A_870 = vector.shape_cast %get3A_869 : vector<16xi32> to vector<16xi32>
        %mul3A_871 = arith.constant 100000 : i32
        %mul3A_872 = vector.broadcast %mul3A_871 : i32 to vector<16xi32>
        %mul3A_873 = arith.muli %get3A_865, %mul3A_872 : vector<16xi32>
        %add3A_874 = arith.addi %mul3A_873, %get3A_870 : vector<16xi32>
        %mul3A_875 = arith.constant 16 : i32
        %mul3A_876 = arith.muli %scan3A_860, %mul3A_875 : i32
        %swap3A_877 = arith.index_cast %mul3A_876 : i32 to index
        %swap3A_878 = tpu.vector_load %arg22[%swap3A_877] {strides = array<i32>} : memref<2048xi32, #tpu.memory_space<vmem>>, vector<16xi32>,
        %swap3A_879 = vector.shape_cast %swap3A_878 : vector<16xi32> to vector<16xi32>
        %swap3A_880 = vector.shape_cast %add3A_874 : vector<16xi32> to vector<16xi32>
        tpu.vector_store %arg22[%swap3A_877], %swap3A_880 {strides = array<i32>} : memref<2048xi32, #tpu.memory_space<vmem>>, vector<16xi32>,
        %scan3A_881 = arith.constant 2 : i32
        %scan3A_882 = arith.addi %scan3A_840, %scan3A_881 : i32
        %mul3A_883 = arith.constant 16 : i32
        %mul3A_884 = arith.muli %scan3A_882, %mul3A_883 : i32
        %get3A_885 = arith.index_cast %mul3A_884 : i32 to index
        %get3A_886 = tpu.vector_load %arg10[%get3A_885] {strides = array<i32>} : memref<2048xi32, #tpu.memory_space<vmem>>, vector<16xi32>,
        %get3A_887 = vector.shape_cast %get3A_886 : vector<16xi32> to vector<16xi32>
        %mul3A_888 = arith.constant 16 : i32
        %mul3A_889 = arith.muli %scan3A_882, %mul3A_888 : i32
        %get3A_890 = arith.index_cast %mul3A_889 : i32 to index
        %get3A_891 = tpu.vector_load %arg16[%get3A_890] {strides = array<i32>} : memref<2048xi32, #tpu.memory_space<vmem>>, vector<16xi32>,
        %get3A_892 = vector.shape_cast %get3A_891 : vector<16xi32> to vector<16xi32>
        %mul3A_893 = arith.constant 100000 : i32
        %mul3A_894 = vector.broadcast %mul3A_893 : i32 to vector<16xi32>
        %mul3A_895 = arith.muli %get3A_887, %mul3A_894 : vector<16xi32>
        %add3A_896 = arith.addi %mul3A_895, %get3A_892 : vector<16xi32>
        %mul3A_897 = arith.constant 16 : i32
        %mul3A_898 = arith.muli %scan3A_882, %mul3A_897 : i32
        %swap3A_899 = arith.index_cast %mul3A_898 : i32 to index
        %swap3A_900 = tpu.vector_load %arg22[%swap3A_899] {strides = array<i32>} : memref<2048xi32, #tpu.memory_space<vmem>>, vector<16xi32>,
        %swap3A_901 = vector.shape_cast %swap3A_900 : vector<16xi32> to vector<16xi32>
        %swap3A_902 = vector.shape_cast %add3A_896 : vector<16xi32> to vector<16xi32>
        tpu.vector_store %arg22[%swap3A_899], %swap3A_902 {strides = array<i32>} : memref<2048xi32, #tpu.memory_space<vmem>>, vector<16xi32>,
        %scan3A_903 = arith.constant 3 : i32
        %scan3A_904 = arith.addi %scan3A_840, %scan3A_903 : i32
        %mul3A_905 = arith.constant 16 : i32
        %mul3A_906 = arith.muli %scan3A_904, %mul3A_905 : i32
        %get3A_907 = arith.index_cast %mul3A_906 : i32 to index
        %get3A_908 = tpu.vector_load %arg10[%get3A_907] {strides = array<i32>} : memref<2048xi32, #tpu.memory_space<vmem>>, vector<16xi32>,
        %get3A_909 = vector.shape_cast %get3A_908 : vector<16xi32> to vector<16xi32>
        %mul3A_910 = arith.constant 16 : i32
        %mul3A_911 = arith.muli %scan3A_904, %mul3A_910 : i32
        %get3A_912 = arith.index_cast %mul3A_911 : i32 to index
        %get3A_913 = tpu.vector_load %arg16[%get3A_912] {strides = array<i32>} : memref<2048xi32, #tpu.memory_space<vmem>>, vector<16xi32>,
        %get3A_914 = vector.shape_cast %get3A_913 : vector<16xi32> to vector<16xi32>
        %mul3A_915 = arith.constant 100000 : i32
        %mul3A_916 = vector.broadcast %mul3A_915 : i32 to vector<16xi32>
        %mul3A_917 = arith.muli %get3A_909, %mul3A_916 : vector<16xi32>
        %add3A_918 = arith.addi %mul3A_917, %get3A_914 : vector<16xi32>
        %mul3A_919 = arith.constant 16 : i32
        %mul3A_920 = arith.muli %scan3A_904, %mul3A_919 : i32
        %swap3A_921 = arith.index_cast %mul3A_920 : i32 to index
        %swap3A_922 = tpu.vector_load %arg22[%swap3A_921] {strides = array<i32>} : memref<2048xi32, #tpu.memory_space<vmem>>, vector<16xi32>,
        %swap3A_923 = vector.shape_cast %swap3A_922 : vector<16xi32> to vector<16xi32>
        %swap3A_924 = vector.shape_cast %add3A_918 : vector<16xi32> to vector<16xi32>
        tpu.vector_store %arg22[%swap3A_921], %swap3A_924 {strides = array<i32>} : memref<2048xi32, #tpu.memory_space<vmem>>, vector<16xi32>,
      }
      %scan3A_754 = arith.constant 128 : i32
      %sub3A_755 = arith.constant 6 : i32
      %sub3A_756 = arith.subi %add3A_741, %sub3A_755 : i32
      %mul3A_757 = arith.constant 2048 : i32
      %mul3A_758 = arith.muli %sub3A_756, %mul3A_757 : i32
      %add3A_759 = arith.addi %mul3A_2, %mul3A_758 : i32
      %dma_wait3A_760 = tpu.memref_slice %arg5[%add3A_759] : memref<3276800xf32, #tpu.memory_space<hbm>> -> memref<2048xf32, #tpu.memory_space<hbm>>
      %dma_wait3A_761 = tpu.memref_slice %arg5[%add3A_759] : memref<3276800xf32, #tpu.memory_space<hbm>> -> memref<2048xf32, #tpu.memory_space<hbm>>
      tpu.wait_dma2 semaphore(%arg46 : memref<!tpu.dma_semaphore, #tpu.memory_space<semaphore_mem>>) src(%arg28 : memref<2048xf32, #tpu.memory_space<vmem>>) dst(%dma_wait3A_761 : memref<2048xf32, #tpu.memory_space<hbm>>)
      %dma_start3A_762 = arith.constant 0 : i32
      %dma_start3A_763 = tpu.memref_slice %arg28[%dma_start3A_762] : memref<2048xf32, #tpu.memory_space<vmem>> -> memref<2048xf32, #tpu.memory_space<vmem>>
      %dma_start3A_764 = arith.constant 0 : i32
      %dma_start3A_765 = tpu.memref_slice %arg22[%dma_start3A_764] : memref<2048xi32, #tpu.memory_space<vmem>> -> memref<2048xi32, #tpu.memory_space<vmem>>
      %dma_start3A_766 = arith.constant 0 : i32
      %dma_start3A_767 = tpu.memref_slice %arg2[%dma_start3A_766] : memref<6500000xf32, #tpu.memory_space<hbm>> -> memref<6500000xf32, #tpu.memory_space<hbm>>
      tpu.enqueue_indirect_dma source(%dma_start3A_767 : memref<6500000xf32, #tpu.memory_space<hbm>>) target(%dma_start3A_763 : memref<2048xf32, #tpu.memory_space<vmem>>) offsets(%dma_start3A_765 : memref<2048xi32, #tpu.memory_space<vmem>>) semaphore(%arg40 : memref<!tpu.dma_semaphore, #tpu.memory_space<semaphore_mem>>)
      %dma_wait3A_768 = arith.constant 0 : i32
      %dma_wait3A_769 = tpu.memref_slice %arg29[%dma_wait3A_768] : memref<2048xf32, #tpu.memory_space<vmem>> -> memref<2048xf32, #tpu.memory_space<vmem>>
      %dma_wait3A_770 = arith.constant 0 : i32
      %dma_wait3A_771 = tpu.memref_slice %arg23[%dma_wait3A_770] : memref<2048xi32, #tpu.memory_space<vmem>> -> memref<2048xi32, #tpu.memory_space<vmem>>
      %dma_wait3A_772 = arith.constant 0 : i32
      %dma_wait3A_773 = tpu.memref_slice %arg2[%dma_wait3A_772] : memref<6500000xf32, #tpu.memory_space<hbm>> -> memref<6500000xf32, #tpu.memory_space<hbm>>
      tpu.wait_indirect_dma semaphore(%arg41 : memref<!tpu.dma_semaphore, #tpu.memory_space<semaphore_mem>>) src(%dma_wait3A_773 : memref<6500000xf32, #tpu.memory_space<hbm>>) dst(%dma_wait3A_769 : memref<2048xf32, #tpu.memory_space<vmem>>)
      %sub3A_774 = arith.constant 5 : i32
      %sub3A_775 = arith.subi %add3A_741, %sub3A_774 : i32
      %mul3A_776 = arith.constant 2048 : i32
      %mul3A_777 = arith.muli %sub3A_775, %mul3A_776 : i32
      %add3A_778 = arith.addi %mul3A_2, %mul3A_777 : i32
      %dma_start3A_779 = tpu.memref_slice %arg5[%add3A_778] : memref<3276800xf32, #tpu.memory_space<hbm>> -> memref<2048xf32, #tpu.memory_space<hbm>>
      %dma_start3A_780 = tpu.memref_slice %arg5[%add3A_778] : memref<3276800xf32, #tpu.memory_space<hbm>> -> memref<2048xf32, #tpu.memory_space<hbm>>
      tpu.enqueue_dma source(%arg29 : memref<2048xf32, #tpu.memory_space<vmem>>) target(%dma_start3A_780 : memref<2048xf32, #tpu.memory_space<hbm>>) target_semaphore(%arg47 : memref<!tpu.dma_semaphore, #tpu.memory_space<semaphore_mem>>)
      %add3A_781 = arith.constant 6 : i32
      %add3A_782 = arith.addi %add3A_741, %add3A_781 : i32
      %mul3A_783 = arith.constant 2048 : i32
      %mul3A_784 = arith.muli %add3A_782, %mul3A_783 : i32
      %add3A_785 = arith.addi %mul3A_2, %mul3A_784 : i32
      %dma_start3A_786 = tpu.memref_slice %arg3[%add3A_785] : memref<3276800xi32, #tpu.memory_space<hbm>> -> memref<2048xi32, #tpu.memory_space<hbm>>
      %dma_start3A_787 = tpu.memref_slice %arg3[%add3A_785] : memref<3276800xi32, #tpu.memory_space<hbm>> -> memref<2048xi32, #tpu.memory_space<hbm>>
      tpu.enqueue_dma source(%dma_start3A_787 : memref<2048xi32, #tpu.memory_space<hbm>>) target(%arg10 : memref<2048xi32, #tpu.memory_space<vmem>>) target_semaphore(%arg34 : memref<!tpu.dma_semaphore, #tpu.memory_space<semaphore_mem>>)
      %dma_start3A_788 = tpu.memref_slice %arg4[%add3A_785] : memref<3276800xi32, #tpu.memory_space<hbm>> -> memref<2048xi32, #tpu.memory_space<hbm>>
      %dma_start3A_789 = tpu.memref_slice %arg4[%add3A_785] : memref<3276800xi32, #tpu.memory_space<hbm>> -> memref<2048xi32, #tpu.memory_space<hbm>>
      tpu.enqueue_dma source(%dma_start3A_789 : memref<2048xi32, #tpu.memory_space<hbm>>) target(%arg16 : memref<2048xi32, #tpu.memory_space<vmem>>) target_semaphore(%arg34 : memref<!tpu.dma_semaphore, #tpu.memory_space<semaphore_mem>>)
      %add3A_790 = arith.constant 5 : i32
      %add3A_791 = arith.addi %mul3A_540, %add3A_790 : i32
      %mul3A_792 = arith.constant 2048 : i32
      %mul3A_793 = arith.muli %add3A_791, %mul3A_792 : i32
      %add3A_794 = arith.addi %mul3A_2, %mul3A_793 : i32
      %dma_wait3A_795 = tpu.memref_slice %arg3[%add3A_794] : memref<3276800xi32, #tpu.memory_space<hbm>> -> memref<2048xi32, #tpu.memory_space<hbm>>
      %dma_wait3A_796 = tpu.memref_slice %arg3[%add3A_794] : memref<3276800xi32, #tpu.memory_space<hbm>> -> memref<2048xi32, #tpu.memory_space<hbm>>
      tpu.wait_dma2 semaphore(%arg35 : memref<!tpu.dma_semaphore, #tpu.memory_space<semaphore_mem>>) src(%dma_wait3A_796 : memref<2048xi32, #tpu.memory_space<hbm>>) dst(%arg11 : memref<2048xi32, #tpu.memory_space<vmem>>)
      %dma_wait3A_797 = tpu.memref_slice %arg4[%add3A_794] : memref<3276800xi32, #tpu.memory_space<hbm>> -> memref<2048xi32, #tpu.memory_space<hbm>>
      %dma_wait3A_798 = tpu.memref_slice %arg4[%add3A_794] : memref<3276800xi32, #tpu.memory_space<hbm>> -> memref<2048xi32, #tpu.memory_space<hbm>>
      tpu.wait_dma2 semaphore(%arg35 : memref<!tpu.dma_semaphore, #tpu.memory_space<semaphore_mem>>) src(%dma_wait3A_798 : memref<2048xi32, #tpu.memory_space<hbm>>) dst(%arg17 : memref<2048xi32, #tpu.memory_space<vmem>>)
      %scan3A_799 = arith.constant 0 : i32
      %scan3A_800 = arith.constant 0 : i32
      %scan3A_801 = arith.constant 128 : i32
      %scan3A_802 = arith.addi %scan3A_800, %scan3A_801 : i32
      %scan3A_803 = arith.constant 4 : i32
      scf.for %scan3A_840 = %scan3A_800 to %scan3A_802 step %scan3A_803  : i32 {
        %mul3A_841 = arith.constant 16 : i32
        %mul3A_842 = arith.muli %scan3A_840, %mul3A_841 : i32
        %get3A = arith.index_cast %mul3A_842 : i32 to index
        %get3A_843 = tpu.vector_load %arg11[%get3A] {strides = array<i32>} : memref<2048xi32, #tpu.memory_space<vmem>>, vector<16xi32>,
        %get3A_844 = vector.shape_cast %get3A_843 : vector<16xi32> to vector<16xi32>
        %mul3A_845 = arith.constant 16 : i32
        %mul3A_846 = arith.muli %scan3A_840, %mul3A_845 : i32
        %get3A_847 = arith.index_cast %mul3A_846 : i32 to index
        %get3A_848 = tpu.vector_load %arg17[%get3A_847] {strides = array<i32>} : memref<2048xi32, #tpu.memory_space<vmem>>, vector<16xi32>,
        %get3A_849 = vector.shape_cast %get3A_848 : vector<16xi32> to vector<16xi32>
        %mul3A_850 = arith.constant 100000 : i32
        %mul3A_851 = vector.broadcast %mul3A_850 : i32 to vector<16xi32>
        %mul3A_852 = arith.muli %get3A_844, %mul3A_851 : vector<16xi32>
        %add3A_853 = arith.addi %mul3A_852, %get3A_849 : vector<16xi32>
        %mul3A_854 = arith.constant 16 : i32
        %mul3A_855 = arith.muli %scan3A_840, %mul3A_854 : i32
        %swap3A = arith.index_cast %mul3A_855 : i32 to index
        %swap3A_856 = tpu.vector_load %arg23[%swap3A] {strides = array<i32>} : memref<2048xi32, #tpu.memory_space<vmem>>, vector<16xi32>,
        %swap3A_857 = vector.shape_cast %swap3A_856 : vector<16xi32> to vector<16xi32>
        %swap3A_858 = vector.shape_cast %add3A_853 : vector<16xi32> to vector<16xi32>
        tpu.vector_store %arg23[%swap3A], %swap3A_858 {strides = array<i32>} : memref<2048xi32, #tpu.memory_space<vmem>>, vector<16xi32>,
        %scan3A_859 = arith.constant 1 : i32
        %scan3A_860 = arith.addi %scan3A_840, %scan3A_859 : i32
        %mul3A_861 = arith.constant 16 : i32
        %mul3A_862 = arith.muli %scan3A_860, %mul3A_861 : i32
        %get3A_863 = arith.index_cast %mul3A_862 : i32 to index
        %get3A_864 = tpu.vector_load %arg11[%get3A_863] {strides = array<i32>} : memref<2048xi32, #tpu.memory_space<vmem>>, vector<16xi32>,
        %get3A_865 = vector.shape_cast %get3A_864 : vector<16xi32> to vector<16xi32>
        %mul3A_866 = arith.constant 16 : i32
        %mul3A_867 = arith.muli %scan3A_860, %mul3A_866 : i32
        %get3A_868 = arith.index_cast %mul3A_867 : i32 to index
        %get3A_869 = tpu.vector_load %arg17[%get3A_868] {strides = array<i32>} : memref<2048xi32, #tpu.memory_space<vmem>>, vector<16xi32>,
        %get3A_870 = vector.shape_cast %get3A_869 : vector<16xi32> to vector<16xi32>
        %mul3A_871 = arith.constant 100000 : i32
        %mul3A_872 = vector.broadcast %mul3A_871 : i32 to vector<16xi32>
        %mul3A_873 = arith.muli %get3A_865, %mul3A_872 : vector<16xi32>
        %add3A_874 = arith.addi %mul3A_873, %get3A_870 : vector<16xi32>
        %mul3A_875 = arith.constant 16 : i32
        %mul3A_876 = arith.muli %scan3A_860, %mul3A_875 : i32
        %swap3A_877 = arith.index_cast %mul3A_876 : i32 to index
        %swap3A_878 = tpu.vector_load %arg23[%swap3A_877] {strides = array<i32>} : memref<2048xi32, #tpu.memory_space<vmem>>, vector<16xi32>,
        %swap3A_879 = vector.shape_cast %swap3A_878 : vector<16xi32> to vector<16xi32>
        %swap3A_880 = vector.shape_cast %add3A_874 : vector<16xi32> to vector<16xi32>
        tpu.vector_store %arg23[%swap3A_877], %swap3A_880 {strides = array<i32>} : memref<2048xi32, #tpu.memory_space<vmem>>, vector<16xi32>,
        %scan3A_881 = arith.constant 2 : i32
        %scan3A_882 = arith.addi %scan3A_840, %scan3A_881 : i32
        %mul3A_883 = arith.constant 16 : i32
        %mul3A_884 = arith.muli %scan3A_882, %mul3A_883 : i32
        %get3A_885 = arith.index_cast %mul3A_884 : i32 to index
        %get3A_886 = tpu.vector_load %arg11[%get3A_885] {strides = array<i32>} : memref<2048xi32, #tpu.memory_space<vmem>>, vector<16xi32>,
        %get3A_887 = vector.shape_cast %get3A_886 : vector<16xi32> to vector<16xi32>
        %mul3A_888 = arith.constant 16 : i32
        %mul3A_889 = arith.muli %scan3A_882, %mul3A_888 : i32
        %get3A_890 = arith.index_cast %mul3A_889 : i32 to index
        %get3A_891 = tpu.vector_load %arg17[%get3A_890] {strides = array<i32>} : memref<2048xi32, #tpu.memory_space<vmem>>, vector<16xi32>,
        %get3A_892 = vector.shape_cast %get3A_891 : vector<16xi32> to vector<16xi32>
        %mul3A_893 = arith.constant 100000 : i32
        %mul3A_894 = vector.broadcast %mul3A_893 : i32 to vector<16xi32>
        %mul3A_895 = arith.muli %get3A_887, %mul3A_894 : vector<16xi32>
        %add3A_896 = arith.addi %mul3A_895, %get3A_892 : vector<16xi32>
        %mul3A_897 = arith.constant 16 : i32
        %mul3A_898 = arith.muli %scan3A_882, %mul3A_897 : i32
        %swap3A_899 = arith.index_cast %mul3A_898 : i32 to index
        %swap3A_900 = tpu.vector_load %arg23[%swap3A_899] {strides = array<i32>} : memref<2048xi32, #tpu.memory_space<vmem>>, vector<16xi32>,
        %swap3A_901 = vector.shape_cast %swap3A_900 : vector<16xi32> to vector<16xi32>
        %swap3A_902 = vector.shape_cast %add3A_896 : vector<16xi32> to vector<16xi32>
        tpu.vector_store %arg23[%swap3A_899], %swap3A_902 {strides = array<i32>} : memref<2048xi32, #tpu.memory_space<vmem>>, vector<16xi32>,
        %scan3A_903 = arith.constant 3 : i32
        %scan3A_904 = arith.addi %scan3A_840, %scan3A_903 : i32
        %mul3A_905 = arith.constant 16 : i32
        %mul3A_906 = arith.muli %scan3A_904, %mul3A_905 : i32
        %get3A_907 = arith.index_cast %mul3A_906 : i32 to index
        %get3A_908 = tpu.vector_load %arg11[%get3A_907] {strides = array<i32>} : memref<2048xi32, #tpu.memory_space<vmem>>, vector<16xi32>,
        %get3A_909 = vector.shape_cast %get3A_908 : vector<16xi32> to vector<16xi32>
        %mul3A_910 = arith.constant 16 : i32
        %mul3A_911 = arith.muli %scan3A_904, %mul3A_910 : i32
        %get3A_912 = arith.index_cast %mul3A_911 : i32 to index
        %get3A_913 = tpu.vector_load %arg17[%get3A_912] {strides = array<i32>} : memref<2048xi32, #tpu.memory_space<vmem>>, vector<16xi32>,
        %get3A_914 = vector.shape_cast %get3A_913 : vector<16xi32> to vector<16xi32>
        %mul3A_915 = arith.constant 100000 : i32
        %mul3A_916 = vector.broadcast %mul3A_915 : i32 to vector<16xi32>
        %mul3A_917 = arith.muli %get3A_909, %mul3A_916 : vector<16xi32>
        %add3A_918 = arith.addi %mul3A_917, %get3A_914 : vector<16xi32>
        %mul3A_919 = arith.constant 16 : i32
        %mul3A_920 = arith.muli %scan3A_904, %mul3A_919 : i32
        %swap3A_921 = arith.index_cast %mul3A_920 : i32 to index
        %swap3A_922 = tpu.vector_load %arg23[%swap3A_921] {strides = array<i32>} : memref<2048xi32, #tpu.memory_space<vmem>>, vector<16xi32>,
        %swap3A_923 = vector.shape_cast %swap3A_922 : vector<16xi32> to vector<16xi32>
        %swap3A_924 = vector.shape_cast %add3A_918 : vector<16xi32> to vector<16xi32>
        tpu.vector_store %arg23[%swap3A_921], %swap3A_924 {strides = array<i32>} : memref<2048xi32, #tpu.memory_space<vmem>>, vector<16xi32>,
      }
      %scan3A_804 = arith.constant 128 : i32
      %sub3A_805 = arith.constant 6 : i32
      %sub3A_806 = arith.subi %add3A_791, %sub3A_805 : i32
      %mul3A_807 = arith.constant 2048 : i32
      %mul3A_808 = arith.muli %sub3A_806, %mul3A_807 : i32
      %add3A_809 = arith.addi %mul3A_2, %mul3A_808 : i32
      %dma_wait3A_810 = tpu.memref_slice %arg5[%add3A_809] : memref<3276800xf32, #tpu.memory_space<hbm>> -> memref<2048xf32, #tpu.memory_space<hbm>>
      %dma_wait3A_811 = tpu.memref_slice %arg5[%add3A_809] : memref<3276800xf32, #tpu.memory_space<hbm>> -> memref<2048xf32, #tpu.memory_space<hbm>>
      tpu.wait_dma2 semaphore(%arg47 : memref<!tpu.dma_semaphore, #tpu.memory_space<semaphore_mem>>) src(%arg29 : memref<2048xf32, #tpu.memory_space<vmem>>) dst(%dma_wait3A_811 : memref<2048xf32, #tpu.memory_space<hbm>>)
      %dma_start3A_812 = arith.constant 0 : i32
      %dma_start3A_813 = tpu.memref_slice %arg29[%dma_start3A_812] : memref<2048xf32, #tpu.memory_space<vmem>> -> memref<2048xf32, #tpu.memory_space<vmem>>
      %dma_start3A_814 = arith.constant 0 : i32
      %dma_start3A_815 = tpu.memref_slice %arg23[%dma_start3A_814] : memref<2048xi32, #tpu.memory_space<vmem>> -> memref<2048xi32, #tpu.memory_space<vmem>>
      %dma_start3A_816 = arith.constant 0 : i32
      %dma_start3A_817 = tpu.memref_slice %arg2[%dma_start3A_816] : memref<6500000xf32, #tpu.memory_space<hbm>> -> memref<6500000xf32, #tpu.memory_space<hbm>>
      tpu.enqueue_indirect_dma source(%dma_start3A_817 : memref<6500000xf32, #tpu.memory_space<hbm>>) target(%dma_start3A_813 : memref<2048xf32, #tpu.memory_space<vmem>>) offsets(%dma_start3A_815 : memref<2048xi32, #tpu.memory_space<vmem>>) semaphore(%arg41 : memref<!tpu.dma_semaphore, #tpu.memory_space<semaphore_mem>>)
      %dma_wait3A_818 = arith.constant 0 : i32
      %dma_wait3A_819 = tpu.memref_slice %arg24[%dma_wait3A_818] : memref<2048xf32, #tpu.memory_space<vmem>> -> memref<2048xf32, #tpu.memory_space<vmem>>
      %dma_wait3A_820 = arith.constant 0 : i32
      %dma_wait3A_821 = tpu.memref_slice %arg18[%dma_wait3A_820] : memref<2048xi32, #tpu.memory_space<vmem>> -> memref<2048xi32, #tpu.memory_space<vmem>>
      %dma_wait3A_822 = arith.constant 0 : i32
      %dma_wait3A_823 = tpu.memref_slice %arg2[%dma_wait3A_822] : memref<6500000xf32, #tpu.memory_space<hbm>> -> memref<6500000xf32, #tpu.memory_space<hbm>>
      tpu.wait_indirect_dma semaphore(%arg36 : memref<!tpu.dma_semaphore, #tpu.memory_space<semaphore_mem>>) src(%dma_wait3A_823 : memref<6500000xf32, #tpu.memory_space<hbm>>) dst(%dma_wait3A_819 : memref<2048xf32, #tpu.memory_space<vmem>>)
      %sub3A_824 = arith.constant 5 : i32
      %sub3A_825 = arith.subi %add3A_791, %sub3A_824 : i32
      %mul3A_826 = arith.constant 2048 : i32
      %mul3A_827 = arith.muli %sub3A_825, %mul3A_826 : i32
      %add3A_828 = arith.addi %mul3A_2, %mul3A_827 : i32
      %dma_start3A_829 = tpu.memref_slice %arg5[%add3A_828] : memref<3276800xf32, #tpu.memory_space<hbm>> -> memref<2048xf32, #tpu.memory_space<hbm>>
      %dma_start3A_830 = tpu.memref_slice %arg5[%add3A_828] : memref<3276800xf32, #tpu.memory_space<hbm>> -> memref<2048xf32, #tpu.memory_space<hbm>>
      tpu.enqueue_dma source(%arg24 : memref<2048xf32, #tpu.memory_space<vmem>>) target(%dma_start3A_830 : memref<2048xf32, #tpu.memory_space<hbm>>) target_semaphore(%arg42 : memref<!tpu.dma_semaphore, #tpu.memory_space<semaphore_mem>>)
      %add3A_831 = arith.constant 6 : i32
      %add3A_832 = arith.addi %add3A_791, %add3A_831 : i32
      %mul3A_833 = arith.constant 2048 : i32
      %mul3A_834 = arith.muli %add3A_832, %mul3A_833 : i32
      %add3A_835 = arith.addi %mul3A_2, %mul3A_834 : i32
      %dma_start3A_836 = tpu.memref_slice %arg3[%add3A_835] : memref<3276800xi32, #tpu.memory_space<hbm>> -> memref<2048xi32, #tpu.memory_space<hbm>>
      %dma_start3A_837 = tpu.memref_slice %arg3[%add3A_835] : memref<3276800xi32, #tpu.memory_space<hbm>> -> memref<2048xi32, #tpu.memory_space<hbm>>
      tpu.enqueue_dma source(%dma_start3A_837 : memref<2048xi32, #tpu.memory_space<hbm>>) target(%arg11 : memref<2048xi32, #tpu.memory_space<vmem>>) target_semaphore(%arg35 : memref<!tpu.dma_semaphore, #tpu.memory_space<semaphore_mem>>)
      %dma_start3A_838 = tpu.memref_slice %arg4[%add3A_835] : memref<3276800xi32, #tpu.memory_space<hbm>> -> memref<2048xi32, #tpu.memory_space<hbm>>
      %dma_start3A_839 = tpu.memref_slice %arg4[%add3A_835] : memref<3276800xi32, #tpu.memory_space<hbm>> -> memref<2048xi32, #tpu.memory_space<hbm>>
      tpu.enqueue_dma source(%dma_start3A_839 : memref<2048xi32, #tpu.memory_space<hbm>>) target(%arg17 : memref<2048xi32, #tpu.memory_space<vmem>>) target_semaphore(%arg35 : memref<!tpu.dma_semaphore, #tpu.memory_space<semaphore_mem>>)
    }
    %scan3A_195 = arith.constant 6 : i32
    %add3A_196 = arith.constant 86016 : i32
    %add3A_197 = arith.addi %mul3A_2, %add3A_196 : i32
    %dma_wait3A_198 = tpu.memref_slice %arg3[%add3A_197] : memref<3276800xi32, #tpu.memory_space<hbm>> -> memref<2048xi32, #tpu.memory_space<hbm>>
    %dma_wait3A_199 = tpu.memref_slice %arg3[%add3A_197] : memref<3276800xi32, #tpu.memory_space<hbm>> -> memref<2048xi32, #tpu.memory_space<hbm>>
    tpu.wait_dma2 semaphore(%arg30 : memref<!tpu.dma_semaphore, #tpu.memory_space<semaphore_mem>>) src(%dma_wait3A_199 : memref<2048xi32, #tpu.memory_space<hbm>>) dst(%arg6 : memref<2048xi32, #tpu.memory_space<vmem>>)
    %dma_wait3A_200 = tpu.memref_slice %arg4[%add3A_197] : memref<3276800xi32, #tpu.memory_space<hbm>> -> memref<2048xi32, #tpu.memory_space<hbm>>
    %dma_wait3A_201 = tpu.memref_slice %arg4[%add3A_197] : memref<3276800xi32, #tpu.memory_space<hbm>> -> memref<2048xi32, #tpu.memory_space<hbm>>
    tpu.wait_dma2 semaphore(%arg30 : memref<!tpu.dma_semaphore, #tpu.memory_space<semaphore_mem>>) src(%dma_wait3A_201 : memref<2048xi32, #tpu.memory_space<hbm>>) dst(%arg12 : memref<2048xi32, #tpu.memory_space<vmem>>)
    %scan3A_202 = arith.constant 0 : i32
    %scan3A_203 = arith.constant 0 : i32
    %scan3A_204 = arith.constant 128 : i32
    %scan3A_205 = arith.addi %scan3A_203, %scan3A_204 : i32
    %scan3A_206 = arith.constant 4 : i32
    scf.for %scan3A_538 = %scan3A_203 to %scan3A_205 step %scan3A_206  : i32 {
      %mul3A_539 = arith.constant 16 : i32
      %mul3A_540 = arith.muli %scan3A_538, %mul3A_539 : i32
      %get3A = arith.index_cast %mul3A_540 : i32 to index
      %get3A_541 = tpu.vector_load %arg6[%get3A] {strides = array<i32>} : memref<2048xi32, #tpu.memory_space<vmem>>, vector<16xi32>,
      %get3A_542 = vector.shape_cast %get3A_541 : vector<16xi32> to vector<16xi32>
      %mul3A_543 = arith.constant 16 : i32
      %mul3A_544 = arith.muli %scan3A_538, %mul3A_543 : i32
      %get3A_545 = arith.index_cast %mul3A_544 : i32 to index
      %get3A_546 = tpu.vector_load %arg12[%get3A_545] {strides = array<i32>} : memref<2048xi32, #tpu.memory_space<vmem>>, vector<16xi32>,
      %get3A_547 = vector.shape_cast %get3A_546 : vector<16xi32> to vector<16xi32>
      %mul3A_548 = arith.constant 100000 : i32
      %mul3A_549 = vector.broadcast %mul3A_548 : i32 to vector<16xi32>
      %mul3A_550 = arith.muli %get3A_542, %mul3A_549 : vector<16xi32>
      %add3A_551 = arith.addi %mul3A_550, %get3A_547 : vector<16xi32>
      %mul3A_552 = arith.constant 16 : i32
      %mul3A_553 = arith.muli %scan3A_538, %mul3A_552 : i32
      %swap3A = arith.index_cast %mul3A_553 : i32 to index
      %swap3A_554 = tpu.vector_load %arg18[%swap3A] {strides = array<i32>} : memref<2048xi32, #tpu.memory_space<vmem>>, vector<16xi32>,
      %swap3A_555 = vector.shape_cast %swap3A_554 : vector<16xi32> to vector<16xi32>
      %swap3A_556 = vector.shape_cast %add3A_551 : vector<16xi32> to vector<16xi32>
      tpu.vector_store %arg18[%swap3A], %swap3A_556 {strides = array<i32>} : memref<2048xi32, #tpu.memory_space<vmem>>, vector<16xi32>,
      %scan3A_557 = arith.constant 1 : i32
      %scan3A_558 = arith.addi %scan3A_538, %scan3A_557 : i32
      %mul3A_559 = arith.constant 16 : i32
      %mul3A_560 = arith.muli %scan3A_558, %mul3A_559 : i32
      %get3A_561 = arith.index_cast %mul3A_560 : i32 to index
      %get3A_562 = tpu.vector_load %arg6[%get3A_561] {strides = array<i32>} : memref<2048xi32, #tpu.memory_space<vmem>>, vector<16xi32>,
      %get3A_563 = vector.shape_cast %get3A_562 : vector<16xi32> to vector<16xi32>
      %mul3A_564 = arith.constant 16 : i32
      %mul3A_565 = arith.muli %scan3A_558, %mul3A_564 : i32
      %get3A_566 = arith.index_cast %mul3A_565 : i32 to index
      %get3A_567 = tpu.vector_load %arg12[%get3A_566] {strides = array<i32>} : memref<2048xi32, #tpu.memory_space<vmem>>, vector<16xi32>,
      %get3A_568 = vector.shape_cast %get3A_567 : vector<16xi32> to vector<16xi32>
      %mul3A_569 = arith.constant 100000 : i32
      %mul3A_570 = vector.broadcast %mul3A_569 : i32 to vector<16xi32>
      %mul3A_571 = arith.muli %get3A_563, %mul3A_570 : vector<16xi32>
      %add3A_572 = arith.addi %mul3A_571, %get3A_568 : vector<16xi32>
      %mul3A_573 = arith.constant 16 : i32
      %mul3A_574 = arith.muli %scan3A_558, %mul3A_573 : i32
      %swap3A_575 = arith.index_cast %mul3A_574 : i32 to index
      %swap3A_576 = tpu.vector_load %arg18[%swap3A_575] {strides = array<i32>} : memref<2048xi32, #tpu.memory_space<vmem>>, vector<16xi32>,
      %swap3A_577 = vector.shape_cast %swap3A_576 : vector<16xi32> to vector<16xi32>
      %swap3A_578 = vector.shape_cast %add3A_572 : vector<16xi32> to vector<16xi32>
      tpu.vector_store %arg18[%swap3A_575], %swap3A_578 {strides = array<i32>} : memref<2048xi32, #tpu.memory_space<vmem>>, vector<16xi32>,
      %scan3A_579 = arith.constant 2 : i32
      %scan3A_580 = arith.addi %scan3A_538, %scan3A_579 : i32
      %mul3A_581 = arith.constant 16 : i32
      %mul3A_582 = arith.muli %scan3A_580, %mul3A_581 : i32
      %get3A_583 = arith.index_cast %mul3A_582 : i32 to index
      %get3A_584 = tpu.vector_load %arg6[%get3A_583] {strides = array<i32>} : memref<2048xi32, #tpu.memory_space<vmem>>, vector<16xi32>,
      %get3A_585 = vector.shape_cast %get3A_584 : vector<16xi32> to vector<16xi32>
      %mul3A_586 = arith.constant 16 : i32
      %mul3A_587 = arith.muli %scan3A_580, %mul3A_586 : i32
      %get3A_588 = arith.index_cast %mul3A_587 : i32 to index
      %get3A_589 = tpu.vector_load %arg12[%get3A_588] {strides = array<i32>} : memref<2048xi32, #tpu.memory_space<vmem>>, vector<16xi32>,
      %get3A_590 = vector.shape_cast %get3A_589 : vector<16xi32> to vector<16xi32>
      %mul3A_591 = arith.constant 100000 : i32
      %mul3A_592 = vector.broadcast %mul3A_591 : i32 to vector<16xi32>
      %mul3A_593 = arith.muli %get3A_585, %mul3A_592 : vector<16xi32>
      %add3A_594 = arith.addi %mul3A_593, %get3A_590 : vector<16xi32>
      %mul3A_595 = arith.constant 16 : i32
      %mul3A_596 = arith.muli %scan3A_580, %mul3A_595 : i32
      %swap3A_597 = arith.index_cast %mul3A_596 : i32 to index
      %swap3A_598 = tpu.vector_load %arg18[%swap3A_597] {strides = array<i32>} : memref<2048xi32, #tpu.memory_space<vmem>>, vector<16xi32>,
      %swap3A_599 = vector.shape_cast %swap3A_598 : vector<16xi32> to vector<16xi32>
      %swap3A_600 = vector.shape_cast %add3A_594 : vector<16xi32> to vector<16xi32>
      tpu.vector_store %arg18[%swap3A_597], %swap3A_600 {strides = array<i32>} : memref<2048xi32, #tpu.memory_space<vmem>>, vector<16xi32>,
      %scan3A_601 = arith.constant 3 : i32
      %scan3A_602 = arith.addi %scan3A_538, %scan3A_601 : i32
      %mul3A_603 = arith.constant 16 : i32
      %mul3A_604 = arith.muli %scan3A_602, %mul3A_603 : i32
      %get3A_605 = arith.index_cast %mul3A_604 : i32 to index
      %get3A_606 = tpu.vector_load %arg6[%get3A_605] {strides = array<i32>} : memref<2048xi32, #tpu.memory_space<vmem>>, vector<16xi32>,
      %get3A_607 = vector.shape_cast %get3A_606 : vector<16xi32> to vector<16xi32>
      %mul3A_608 = arith.constant 16 : i32
      %mul3A_609 = arith.muli %scan3A_602, %mul3A_608 : i32
      %get3A_610 = arith.index_cast %mul3A_609 : i32 to index
      %get3A_611 = tpu.vector_load %arg12[%get3A_610] {strides = array<i32>} : memref<2048xi32, #tpu.memory_space<vmem>>, vector<16xi32>,
      %get3A_612 = vector.shape_cast %get3A_611 : vector<16xi32> to vector<16xi32>
      %mul3A_613 = arith.constant 100000 : i32
      %mul3A_614 = vector.broadcast %mul3A_613 : i32 to vector<16xi32>
      %mul3A_615 = arith.muli %get3A_607, %mul3A_614 : vector<16xi32>
      %add3A_616 = arith.addi %mul3A_615, %get3A_612 : vector<16xi32>
      %mul3A_617 = arith.constant 16 : i32
      %mul3A_618 = arith.muli %scan3A_602, %mul3A_617 : i32
      %swap3A_619 = arith.index_cast %mul3A_618 : i32 to index
      %swap3A_620 = tpu.vector_load %arg18[%swap3A_619] {strides = array<i32>} : memref<2048xi32, #tpu.memory_space<vmem>>, vector<16xi32>,
      %swap3A_621 = vector.shape_cast %swap3A_620 : vector<16xi32> to vector<16xi32>
      %swap3A_622 = vector.shape_cast %add3A_616 : vector<16xi32> to vector<16xi32>
      tpu.vector_store %arg18[%swap3A_619], %swap3A_622 {strides = array<i32>} : memref<2048xi32, #tpu.memory_space<vmem>>, vector<16xi32>,
    }
    %scan3A_207 = arith.constant 128 : i32
    %add3A_208 = arith.constant 73728 : i32
    %add3A_209 = arith.addi %mul3A_2, %add3A_208 : i32
    %dma_wait3A_210 = tpu.memref_slice %arg5[%add3A_209] : memref<3276800xf32, #tpu.memory_space<hbm>> -> memref<2048xf32, #tpu.memory_space<hbm>>
    %dma_wait3A_211 = tpu.memref_slice %arg5[%add3A_209] : memref<3276800xf32, #tpu.memory_space<hbm>> -> memref<2048xf32, #tpu.memory_space<hbm>>
    tpu.wait_dma2 semaphore(%arg42 : memref<!tpu.dma_semaphore, #tpu.memory_space<semaphore_mem>>) src(%arg24 : memref<2048xf32, #tpu.memory_space<vmem>>) dst(%dma_wait3A_211 : memref<2048xf32, #tpu.memory_space<hbm>>)
    %dma_start3A_212 = arith.constant 0 : i32
    %dma_start3A_213 = tpu.memref_slice %arg24[%dma_start3A_212] : memref<2048xf32, #tpu.memory_space<vmem>> -> memref<2048xf32, #tpu.memory_space<vmem>>
    %dma_start3A_214 = arith.constant 0 : i32
    %dma_start3A_215 = tpu.memref_slice %arg18[%dma_start3A_214] : memref<2048xi32, #tpu.memory_space<vmem>> -> memref<2048xi32, #tpu.memory_space<vmem>>
    %dma_start3A_216 = arith.constant 0 : i32
    %dma_start3A_217 = tpu.memref_slice %arg2[%dma_start3A_216] : memref<6500000xf32, #tpu.memory_space<hbm>> -> memref<6500000xf32, #tpu.memory_space<hbm>>
    tpu.enqueue_indirect_dma source(%dma_start3A_217 : memref<6500000xf32, #tpu.memory_space<hbm>>) target(%dma_start3A_213 : memref<2048xf32, #tpu.memory_space<vmem>>) offsets(%dma_start3A_215 : memref<2048xi32, #tpu.memory_space<vmem>>) semaphore(%arg36 : memref<!tpu.dma_semaphore, #tpu.memory_space<semaphore_mem>>)
    %dma_wait3A_218 = arith.constant 0 : i32
    %dma_wait3A_219 = tpu.memref_slice %arg25[%dma_wait3A_218] : memref<2048xf32, #tpu.memory_space<vmem>> -> memref<2048xf32, #tpu.memory_space<vmem>>
    %dma_wait3A_220 = arith.constant 0 : i32
    %dma_wait3A_221 = tpu.memref_slice %arg19[%dma_wait3A_220] : memref<2048xi32, #tpu.memory_space<vmem>> -> memref<2048xi32, #tpu.memory_space<vmem>>
    %dma_wait3A_222 = arith.constant 0 : i32
    %dma_wait3A_223 = tpu.memref_slice %arg2[%dma_wait3A_222] : memref<6500000xf32, #tpu.memory_space<hbm>> -> memref<6500000xf32, #tpu.memory_space<hbm>>
    tpu.wait_indirect_dma semaphore(%arg37 : memref<!tpu.dma_semaphore, #tpu.memory_space<semaphore_mem>>) src(%dma_wait3A_223 : memref<6500000xf32, #tpu.memory_space<hbm>>) dst(%dma_wait3A_219 : memref<2048xf32, #tpu.memory_space<vmem>>)
    %add3A_224 = arith.constant 75776 : i32
    %add3A_225 = arith.addi %mul3A_2, %add3A_224 : i32
    %dma_start3A_226 = tpu.memref_slice %arg5[%add3A_225] : memref<3276800xf32, #tpu.memory_space<hbm>> -> memref<2048xf32, #tpu.memory_space<hbm>>
    %dma_start3A_227 = tpu.memref_slice %arg5[%add3A_225] : memref<3276800xf32, #tpu.memory_space<hbm>> -> memref<2048xf32, #tpu.memory_space<hbm>>
    tpu.enqueue_dma source(%arg25 : memref<2048xf32, #tpu.memory_space<vmem>>) target(%dma_start3A_227 : memref<2048xf32, #tpu.memory_space<hbm>>) target_semaphore(%arg43 : memref<!tpu.dma_semaphore, #tpu.memory_space<semaphore_mem>>)
    %add3A_228 = arith.constant 98304 : i32
    %add3A_229 = arith.addi %mul3A_2, %add3A_228 : i32
    %dma_start3A_230 = tpu.memref_slice %arg3[%add3A_229] : memref<3276800xi32, #tpu.memory_space<hbm>> -> memref<2048xi32, #tpu.memory_space<hbm>>
    %dma_start3A_231 = tpu.memref_slice %arg3[%add3A_229] : memref<3276800xi32, #tpu.memory_space<hbm>> -> memref<2048xi32, #tpu.memory_space<hbm>>
    tpu.enqueue_dma source(%dma_start3A_231 : memref<2048xi32, #tpu.memory_space<hbm>>) target(%arg6 : memref<2048xi32, #tpu.memory_space<vmem>>) target_semaphore(%arg30 : memref<!tpu.dma_semaphore, #tpu.memory_space<semaphore_mem>>)
    %dma_start3A_232 = tpu.memref_slice %arg4[%add3A_229] : memref<3276800xi32, #tpu.memory_space<hbm>> -> memref<2048xi32, #tpu.memory_space<hbm>>
    %dma_start3A_233 = tpu.memref_slice %arg4[%add3A_229] : memref<3276800xi32, #tpu.memory_space<hbm>> -> memref<2048xi32, #tpu.memory_space<hbm>>
    tpu.enqueue_dma source(%dma_start3A_233 : memref<2048xi32, #tpu.memory_space<hbm>>) target(%arg12 : memref<2048xi32, #tpu.memory_space<vmem>>) target_semaphore(%arg30 : memref<!tpu.dma_semaphore, #tpu.memory_space<semaphore_mem>>)
    %add3A_234 = arith.constant 88064 : i32
    %add3A_235 = arith.addi %mul3A_2, %add3A_234 : i32
    %dma_wait3A_236 = tpu.memref_slice %arg3[%add3A_235] : memref<3276800xi32, #tpu.memory_space<hbm>> -> memref<2048xi32, #tpu.memory_space<hbm>>
    %dma_wait3A_237 = tpu.memref_slice %arg3[%add3A_235] : memref<3276800xi32, #tpu.memory_space<hbm>> -> memref<2048xi32, #tpu.memory_space<hbm>>
    tpu.wait_dma2 semaphore(%arg31 : memref<!tpu.dma_semaphore, #tpu.memory_space<semaphore_mem>>) src(%dma_wait3A_237 : memref<2048xi32, #tpu.memory_space<hbm>>) dst(%arg7 : memref<2048xi32, #tpu.memory_space<vmem>>)
    %dma_wait3A_238 = tpu.memref_slice %arg4[%add3A_235] : memref<3276800xi32, #tpu.memory_space<hbm>> -> memref<2048xi32, #tpu.memory_space<hbm>>
    %dma_wait3A_239 = tpu.memref_slice %arg4[%add3A_235] : memref<3276800xi32, #tpu.memory_space<hbm>> -> memref<2048xi32, #tpu.memory_space<hbm>>
    tpu.wait_dma2 semaphore(%arg31 : memref<!tpu.dma_semaphore, #tpu.memory_space<semaphore_mem>>) src(%dma_wait3A_239 : memref<2048xi32, #tpu.memory_space<hbm>>) dst(%arg13 : memref<2048xi32, #tpu.memory_space<vmem>>)
    %scan3A_240 = arith.constant 0 : i32
    %scan3A_241 = arith.constant 0 : i32
    %scan3A_242 = arith.constant 128 : i32
    %scan3A_243 = arith.addi %scan3A_241, %scan3A_242 : i32
    %scan3A_244 = arith.constant 4 : i32
    scf.for %scan3A_538 = %scan3A_241 to %scan3A_243 step %scan3A_244  : i32 {
      %mul3A_539 = arith.constant 16 : i32
      %mul3A_540 = arith.muli %scan3A_538, %mul3A_539 : i32
      %get3A = arith.index_cast %mul3A_540 : i32 to index
      %get3A_541 = tpu.vector_load %arg7[%get3A] {strides = array<i32>} : memref<2048xi32, #tpu.memory_space<vmem>>, vector<16xi32>,
      %get3A_542 = vector.shape_cast %get3A_541 : vector<16xi32> to vector<16xi32>
      %mul3A_543 = arith.constant 16 : i32
      %mul3A_544 = arith.muli %scan3A_538, %mul3A_543 : i32
      %get3A_545 = arith.index_cast %mul3A_544 : i32 to index
      %get3A_546 = tpu.vector_load %arg13[%get3A_545] {strides = array<i32>} : memref<2048xi32, #tpu.memory_space<vmem>>, vector<16xi32>,
      %get3A_547 = vector.shape_cast %get3A_546 : vector<16xi32> to vector<16xi32>
      %mul3A_548 = arith.constant 100000 : i32
      %mul3A_549 = vector.broadcast %mul3A_548 : i32 to vector<16xi32>
      %mul3A_550 = arith.muli %get3A_542, %mul3A_549 : vector<16xi32>
      %add3A_551 = arith.addi %mul3A_550, %get3A_547 : vector<16xi32>
      %mul3A_552 = arith.constant 16 : i32
      %mul3A_553 = arith.muli %scan3A_538, %mul3A_552 : i32
      %swap3A = arith.index_cast %mul3A_553 : i32 to index
      %swap3A_554 = tpu.vector_load %arg19[%swap3A] {strides = array<i32>} : memref<2048xi32, #tpu.memory_space<vmem>>, vector<16xi32>,
      %swap3A_555 = vector.shape_cast %swap3A_554 : vector<16xi32> to vector<16xi32>
      %swap3A_556 = vector.shape_cast %add3A_551 : vector<16xi32> to vector<16xi32>
      tpu.vector_store %arg19[%swap3A], %swap3A_556 {strides = array<i32>} : memref<2048xi32, #tpu.memory_space<vmem>>, vector<16xi32>,
      %scan3A_557 = arith.constant 1 : i32
      %scan3A_558 = arith.addi %scan3A_538, %scan3A_557 : i32
      %mul3A_559 = arith.constant 16 : i32
      %mul3A_560 = arith.muli %scan3A_558, %mul3A_559 : i32
      %get3A_561 = arith.index_cast %mul3A_560 : i32 to index
      %get3A_562 = tpu.vector_load %arg7[%get3A_561] {strides = array<i32>} : memref<2048xi32, #tpu.memory_space<vmem>>, vector<16xi32>,
      %get3A_563 = vector.shape_cast %get3A_562 : vector<16xi32> to vector<16xi32>
      %mul3A_564 = arith.constant 16 : i32
      %mul3A_565 = arith.muli %scan3A_558, %mul3A_564 : i32
      %get3A_566 = arith.index_cast %mul3A_565 : i32 to index
      %get3A_567 = tpu.vector_load %arg13[%get3A_566] {strides = array<i32>} : memref<2048xi32, #tpu.memory_space<vmem>>, vector<16xi32>,
      %get3A_568 = vector.shape_cast %get3A_567 : vector<16xi32> to vector<16xi32>
      %mul3A_569 = arith.constant 100000 : i32
      %mul3A_570 = vector.broadcast %mul3A_569 : i32 to vector<16xi32>
      %mul3A_571 = arith.muli %get3A_563, %mul3A_570 : vector<16xi32>
      %add3A_572 = arith.addi %mul3A_571, %get3A_568 : vector<16xi32>
      %mul3A_573 = arith.constant 16 : i32
      %mul3A_574 = arith.muli %scan3A_558, %mul3A_573 : i32
      %swap3A_575 = arith.index_cast %mul3A_574 : i32 to index
      %swap3A_576 = tpu.vector_load %arg19[%swap3A_575] {strides = array<i32>} : memref<2048xi32, #tpu.memory_space<vmem>>, vector<16xi32>,
      %swap3A_577 = vector.shape_cast %swap3A_576 : vector<16xi32> to vector<16xi32>
      %swap3A_578 = vector.shape_cast %add3A_572 : vector<16xi32> to vector<16xi32>
      tpu.vector_store %arg19[%swap3A_575], %swap3A_578 {strides = array<i32>} : memref<2048xi32, #tpu.memory_space<vmem>>, vector<16xi32>,
      %scan3A_579 = arith.constant 2 : i32
      %scan3A_580 = arith.addi %scan3A_538, %scan3A_579 : i32
      %mul3A_581 = arith.constant 16 : i32
      %mul3A_582 = arith.muli %scan3A_580, %mul3A_581 : i32
      %get3A_583 = arith.index_cast %mul3A_582 : i32 to index
      %get3A_584 = tpu.vector_load %arg7[%get3A_583] {strides = array<i32>} : memref<2048xi32, #tpu.memory_space<vmem>>, vector<16xi32>,
      %get3A_585 = vector.shape_cast %get3A_584 : vector<16xi32> to vector<16xi32>
      %mul3A_586 = arith.constant 16 : i32
      %mul3A_587 = arith.muli %scan3A_580, %mul3A_586 : i32
      %get3A_588 = arith.index_cast %mul3A_587 : i32 to index
      %get3A_589 = tpu.vector_load %arg13[%get3A_588] {strides = array<i32>} : memref<2048xi32, #tpu.memory_space<vmem>>, vector<16xi32>,
      %get3A_590 = vector.shape_cast %get3A_589 : vector<16xi32> to vector<16xi32>
      %mul3A_591 = arith.constant 100000 : i32
      %mul3A_592 = vector.broadcast %mul3A_591 : i32 to vector<16xi32>
      %mul3A_593 = arith.muli %get3A_585, %mul3A_592 : vector<16xi32>
      %add3A_594 = arith.addi %mul3A_593, %get3A_590 : vector<16xi32>
      %mul3A_595 = arith.constant 16 : i32
      %mul3A_596 = arith.muli %scan3A_580, %mul3A_595 : i32
      %swap3A_597 = arith.index_cast %mul3A_596 : i32 to index
      %swap3A_598 = tpu.vector_load %arg19[%swap3A_597] {strides = array<i32>} : memref<2048xi32, #tpu.memory_space<vmem>>, vector<16xi32>,
      %swap3A_599 = vector.shape_cast %swap3A_598 : vector<16xi32> to vector<16xi32>
      %swap3A_600 = vector.shape_cast %add3A_594 : vector<16xi32> to vector<16xi32>
      tpu.vector_store %arg19[%swap3A_597], %swap3A_600 {strides = array<i32>} : memref<2048xi32, #tpu.memory_space<vmem>>, vector<16xi32>,
      %scan3A_601 = arith.constant 3 : i32
      %scan3A_602 = arith.addi %scan3A_538, %scan3A_601 : i32
      %mul3A_603 = arith.constant 16 : i32
      %mul3A_604 = arith.muli %scan3A_602, %mul3A_603 : i32
      %get3A_605 = arith.index_cast %mul3A_604 : i32 to index
      %get3A_606 = tpu.vector_load %arg7[%get3A_605] {strides = array<i32>} : memref<2048xi32, #tpu.memory_space<vmem>>, vector<16xi32>,
      %get3A_607 = vector.shape_cast %get3A_606 : vector<16xi32> to vector<16xi32>
      %mul3A_608 = arith.constant 16 : i32
      %mul3A_609 = arith.muli %scan3A_602, %mul3A_608 : i32
      %get3A_610 = arith.index_cast %mul3A_609 : i32 to index
      %get3A_611 = tpu.vector_load %arg13[%get3A_610] {strides = array<i32>} : memref<2048xi32, #tpu.memory_space<vmem>>, vector<16xi32>,
      %get3A_612 = vector.shape_cast %get3A_611 : vector<16xi32> to vector<16xi32>
      %mul3A_613 = arith.constant 100000 : i32
      %mul3A_614 = vector.broadcast %mul3A_613 : i32 to vector<16xi32>
      %mul3A_615 = arith.muli %get3A_607, %mul3A_614 : vector<16xi32>
      %add3A_616 = arith.addi %mul3A_615, %get3A_612 : vector<16xi32>
      %mul3A_617 = arith.constant 16 : i32
      %mul3A_618 = arith.muli %scan3A_602, %mul3A_617 : i32
      %swap3A_619 = arith.index_cast %mul3A_618 : i32 to index
      %swap3A_620 = tpu.vector_load %arg19[%swap3A_619] {strides = array<i32>} : memref<2048xi32, #tpu.memory_space<vmem>>, vector<16xi32>,
      %swap3A_621 = vector.shape_cast %swap3A_620 : vector<16xi32> to vector<16xi32>
      %swap3A_622 = vector.shape_cast %add3A_616 : vector<16xi32> to vector<16xi32>
      tpu.vector_store %arg19[%swap3A_619], %swap3A_622 {strides = array<i32>} : memref<2048xi32, #tpu.memory_space<vmem>>, vector<16xi32>,
    }
    %scan3A_245 = arith.constant 128 : i32
    %add3A_246 = arith.constant 75776 : i32
    %add3A_247 = arith.addi %mul3A_2, %add3A_246 : i32
    %dma_wait3A_248 = tpu.memref_slice %arg5[%add3A_247] : memref<3276800xf32, #tpu.memory_space<hbm>> -> memref<2048xf32, #tpu.memory_space<hbm>>
    %dma_wait3A_249 = tpu.memref_slice %arg5[%add3A_247] : memref<3276800xf32, #tpu.memory_space<hbm>> -> memref<2048xf32, #tpu.memory_space<hbm>>
    tpu.wait_dma2 semaphore(%arg43 : memref<!tpu.dma_semaphore, #tpu.memory_space<semaphore_mem>>) src(%arg25 : memref<2048xf32, #tpu.memory_space<vmem>>) dst(%dma_wait3A_249 : memref<2048xf32, #tpu.memory_space<hbm>>)
    %dma_start3A_250 = arith.constant 0 : i32
    %dma_start3A_251 = tpu.memref_slice %arg25[%dma_start3A_250] : memref<2048xf32, #tpu.memory_space<vmem>> -> memref<2048xf32, #tpu.memory_space<vmem>>
    %dma_start3A_252 = arith.constant 0 : i32
    %dma_start3A_253 = tpu.memref_slice %arg19[%dma_start3A_252] : memref<2048xi32, #tpu.memory_space<vmem>> -> memref<2048xi32, #tpu.memory_space<vmem>>
    %dma_start3A_254 = arith.constant 0 : i32
    %dma_start3A_255 = tpu.memref_slice %arg2[%dma_start3A_254] : memref<6500000xf32, #tpu.memory_space<hbm>> -> memref<6500000xf32, #tpu.memory_space<hbm>>
    tpu.enqueue_indirect_dma source(%dma_start3A_255 : memref<6500000xf32, #tpu.memory_space<hbm>>) target(%dma_start3A_251 : memref<2048xf32, #tpu.memory_space<vmem>>) offsets(%dma_start3A_253 : memref<2048xi32, #tpu.memory_space<vmem>>) semaphore(%arg37 : memref<!tpu.dma_semaphore, #tpu.memory_space<semaphore_mem>>)
    %dma_wait3A_256 = arith.constant 0 : i32
    %dma_wait3A_257 = tpu.memref_slice %arg26[%dma_wait3A_256] : memref<2048xf32, #tpu.memory_space<vmem>> -> memref<2048xf32, #tpu.memory_space<vmem>>
    %dma_wait3A_258 = arith.constant 0 : i32
    %dma_wait3A_259 = tpu.memref_slice %arg20[%dma_wait3A_258] : memref<2048xi32, #tpu.memory_space<vmem>> -> memref<2048xi32, #tpu.memory_space<vmem>>
    %dma_wait3A_260 = arith.constant 0 : i32
    %dma_wait3A_261 = tpu.memref_slice %arg2[%dma_wait3A_260] : memref<6500000xf32, #tpu.memory_space<hbm>> -> memref<6500000xf32, #tpu.memory_space<hbm>>
    tpu.wait_indirect_dma semaphore(%arg38 : memref<!tpu.dma_semaphore, #tpu.memory_space<semaphore_mem>>) src(%dma_wait3A_261 : memref<6500000xf32, #tpu.memory_space<hbm>>) dst(%dma_wait3A_257 : memref<2048xf32, #tpu.memory_space<vmem>>)
    %add3A_262 = arith.constant 77824 : i32
    %add3A_263 = arith.addi %mul3A_2, %add3A_262 : i32
    %dma_start3A_264 = tpu.memref_slice %arg5[%add3A_263] : memref<3276800xf32, #tpu.memory_space<hbm>> -> memref<2048xf32, #tpu.memory_space<hbm>>
    %dma_start3A_265 = tpu.memref_slice %arg5[%add3A_263] : memref<3276800xf32, #tpu.memory_space<hbm>> -> memref<2048xf32, #tpu.memory_space<hbm>>
    tpu.enqueue_dma source(%arg26 : memref<2048xf32, #tpu.memory_space<vmem>>) target(%dma_start3A_265 : memref<2048xf32, #tpu.memory_space<hbm>>) target_semaphore(%arg44 : memref<!tpu.dma_semaphore, #tpu.memory_space<semaphore_mem>>)
    %add3A_266 = arith.constant 100352 : i32
    %add3A_267 = arith.addi %mul3A_2, %add3A_266 : i32
    %dma_start3A_268 = tpu.memref_slice %arg3[%add3A_267] : memref<3276800xi32, #tpu.memory_space<hbm>> -> memref<2048xi32, #tpu.memory_space<hbm>>
    %dma_start3A_269 = tpu.memref_slice %arg3[%add3A_267] : memref<3276800xi32, #tpu.memory_space<hbm>> -> memref<2048xi32, #tpu.memory_space<hbm>>
    tpu.enqueue_dma source(%dma_start3A_269 : memref<2048xi32, #tpu.memory_space<hbm>>) target(%arg7 : memref<2048xi32, #tpu.memory_space<vmem>>) target_semaphore(%arg31 : memref<!tpu.dma_semaphore, #tpu.memory_space<semaphore_mem>>)
    %dma_start3A_270 = tpu.memref_slice %arg4[%add3A_267] : memref<3276800xi32, #tpu.memory_space<hbm>> -> memref<2048xi32, #tpu.memory_space<hbm>>
    %dma_start3A_271 = tpu.memref_slice %arg4[%add3A_267] : memref<3276800xi32, #tpu.memory_space<hbm>> -> memref<2048xi32, #tpu.memory_space<hbm>>
    tpu.enqueue_dma source(%dma_start3A_271 : memref<2048xi32, #tpu.memory_space<hbm>>) target(%arg13 : memref<2048xi32, #tpu.memory_space<vmem>>) target_semaphore(%arg31 : memref<!tpu.dma_semaphore, #tpu.memory_space<semaphore_mem>>)
    %add3A_272 = arith.constant 90112 : i32
    %add3A_273 = arith.addi %mul3A_2, %add3A_272 : i32
    %dma_wait3A_274 = tpu.memref_slice %arg3[%add3A_273] : memref<3276800xi32, #tpu.memory_space<hbm>> -> memref<2048xi32, #tpu.memory_space<hbm>>
    %dma_wait3A_275 = tpu.memref_slice %arg3[%add3A_273] : memref<3276800xi32, #tpu.memory_space<hbm>> -> memref<2048xi32, #tpu.memory_space<hbm>>
    tpu.wait_dma2 semaphore(%arg32 : memref<!tpu.dma_semaphore, #tpu.memory_space<semaphore_mem>>) src(%dma_wait3A_275 : memref<2048xi32, #tpu.memory_space<hbm>>) dst(%arg8 : memref<2048xi32, #tpu.memory_space<vmem>>)
    %dma_wait3A_276 = tpu.memref_slice %arg4[%add3A_273] : memref<3276800xi32, #tpu.memory_space<hbm>> -> memref<2048xi32, #tpu.memory_space<hbm>>
    %dma_wait3A_277 = tpu.memref_slice %arg4[%add3A_273] : memref<3276800xi32, #tpu.memory_space<hbm>> -> memref<2048xi32, #tpu.memory_space<hbm>>
    tpu.wait_dma2 semaphore(%arg32 : memref<!tpu.dma_semaphore, #tpu.memory_space<semaphore_mem>>) src(%dma_wait3A_277 : memref<2048xi32, #tpu.memory_space<hbm>>) dst(%arg14 : memref<2048xi32, #tpu.memory_space<vmem>>)
    %scan3A_278 = arith.constant 0 : i32
    %scan3A_279 = arith.constant 0 : i32
    %scan3A_280 = arith.constant 128 : i32
    %scan3A_281 = arith.addi %scan3A_279, %scan3A_280 : i32
    %scan3A_282 = arith.constant 4 : i32
    scf.for %scan3A_538 = %scan3A_279 to %scan3A_281 step %scan3A_282  : i32 {
      %mul3A_539 = arith.constant 16 : i32
      %mul3A_540 = arith.muli %scan3A_538, %mul3A_539 : i32
      %get3A = arith.index_cast %mul3A_540 : i32 to index
      %get3A_541 = tpu.vector_load %arg8[%get3A] {strides = array<i32>} : memref<2048xi32, #tpu.memory_space<vmem>>, vector<16xi32>,
      %get3A_542 = vector.shape_cast %get3A_541 : vector<16xi32> to vector<16xi32>
      %mul3A_543 = arith.constant 16 : i32
      %mul3A_544 = arith.muli %scan3A_538, %mul3A_543 : i32
      %get3A_545 = arith.index_cast %mul3A_544 : i32 to index
      %get3A_546 = tpu.vector_load %arg14[%get3A_545] {strides = array<i32>} : memref<2048xi32, #tpu.memory_space<vmem>>, vector<16xi32>,
      %get3A_547 = vector.shape_cast %get3A_546 : vector<16xi32> to vector<16xi32>
      %mul3A_548 = arith.constant 100000 : i32
      %mul3A_549 = vector.broadcast %mul3A_548 : i32 to vector<16xi32>
      %mul3A_550 = arith.muli %get3A_542, %mul3A_549 : vector<16xi32>
      %add3A_551 = arith.addi %mul3A_550, %get3A_547 : vector<16xi32>
      %mul3A_552 = arith.constant 16 : i32
      %mul3A_553 = arith.muli %scan3A_538, %mul3A_552 : i32
      %swap3A = arith.index_cast %mul3A_553 : i32 to index
      %swap3A_554 = tpu.vector_load %arg20[%swap3A] {strides = array<i32>} : memref<2048xi32, #tpu.memory_space<vmem>>, vector<16xi32>,
      %swap3A_555 = vector.shape_cast %swap3A_554 : vector<16xi32> to vector<16xi32>
      %swap3A_556 = vector.shape_cast %add3A_551 : vector<16xi32> to vector<16xi32>
      tpu.vector_store %arg20[%swap3A], %swap3A_556 {strides = array<i32>} : memref<2048xi32, #tpu.memory_space<vmem>>, vector<16xi32>,
      %scan3A_557 = arith.constant 1 : i32
      %scan3A_558 = arith.addi %scan3A_538, %scan3A_557 : i32
      %mul3A_559 = arith.constant 16 : i32
      %mul3A_560 = arith.muli %scan3A_558, %mul3A_559 : i32
      %get3A_561 = arith.index_cast %mul3A_560 : i32 to index
      %get3A_562 = tpu.vector_load %arg8[%get3A_561] {strides = array<i32>} : memref<2048xi32, #tpu.memory_space<vmem>>, vector<16xi32>,
      %get3A_563 = vector.shape_cast %get3A_562 : vector<16xi32> to vector<16xi32>
      %mul3A_564 = arith.constant 16 : i32
      %mul3A_565 = arith.muli %scan3A_558, %mul3A_564 : i32
      %get3A_566 = arith.index_cast %mul3A_565 : i32 to index
      %get3A_567 = tpu.vector_load %arg14[%get3A_566] {strides = array<i32>} : memref<2048xi32, #tpu.memory_space<vmem>>, vector<16xi32>,
      %get3A_568 = vector.shape_cast %get3A_567 : vector<16xi32> to vector<16xi32>
      %mul3A_569 = arith.constant 100000 : i32
      %mul3A_570 = vector.broadcast %mul3A_569 : i32 to vector<16xi32>
      %mul3A_571 = arith.muli %get3A_563, %mul3A_570 : vector<16xi32>
      %add3A_572 = arith.addi %mul3A_571, %get3A_568 : vector<16xi32>
      %mul3A_573 = arith.constant 16 : i32
      %mul3A_574 = arith.muli %scan3A_558, %mul3A_573 : i32
      %swap3A_575 = arith.index_cast %mul3A_574 : i32 to index
      %swap3A_576 = tpu.vector_load %arg20[%swap3A_575] {strides = array<i32>} : memref<2048xi32, #tpu.memory_space<vmem>>, vector<16xi32>,
      %swap3A_577 = vector.shape_cast %swap3A_576 : vector<16xi32> to vector<16xi32>
      %swap3A_578 = vector.shape_cast %add3A_572 : vector<16xi32> to vector<16xi32>
      tpu.vector_store %arg20[%swap3A_575], %swap3A_578 {strides = array<i32>} : memref<2048xi32, #tpu.memory_space<vmem>>, vector<16xi32>,
      %scan3A_579 = arith.constant 2 : i32
      %scan3A_580 = arith.addi %scan3A_538, %scan3A_579 : i32
      %mul3A_581 = arith.constant 16 : i32
      %mul3A_582 = arith.muli %scan3A_580, %mul3A_581 : i32
      %get3A_583 = arith.index_cast %mul3A_582 : i32 to index
      %get3A_584 = tpu.vector_load %arg8[%get3A_583] {strides = array<i32>} : memref<2048xi32, #tpu.memory_space<vmem>>, vector<16xi32>,
      %get3A_585 = vector.shape_cast %get3A_584 : vector<16xi32> to vector<16xi32>
      %mul3A_586 = arith.constant 16 : i32
      %mul3A_587 = arith.muli %scan3A_580, %mul3A_586 : i32
      %get3A_588 = arith.index_cast %mul3A_587 : i32 to index
      %get3A_589 = tpu.vector_load %arg14[%get3A_588] {strides = array<i32>} : memref<2048xi32, #tpu.memory_space<vmem>>, vector<16xi32>,
      %get3A_590 = vector.shape_cast %get3A_589 : vector<16xi32> to vector<16xi32>
      %mul3A_591 = arith.constant 100000 : i32
      %mul3A_592 = vector.broadcast %mul3A_591 : i32 to vector<16xi32>
      %mul3A_593 = arith.muli %get3A_585, %mul3A_592 : vector<16xi32>
      %add3A_594 = arith.addi %mul3A_593, %get3A_590 : vector<16xi32>
      %mul3A_595 = arith.constant 16 : i32
      %mul3A_596 = arith.muli %scan3A_580, %mul3A_595 : i32
      %swap3A_597 = arith.index_cast %mul3A_596 : i32 to index
      %swap3A_598 = tpu.vector_load %arg20[%swap3A_597] {strides = array<i32>} : memref<2048xi32, #tpu.memory_space<vmem>>, vector<16xi32>,
      %swap3A_599 = vector.shape_cast %swap3A_598 : vector<16xi32> to vector<16xi32>
      %swap3A_600 = vector.shape_cast %add3A_594 : vector<16xi32> to vector<16xi32>
      tpu.vector_store %arg20[%swap3A_597], %swap3A_600 {strides = array<i32>} : memref<2048xi32, #tpu.memory_space<vmem>>, vector<16xi32>,
      %scan3A_601 = arith.constant 3 : i32
      %scan3A_602 = arith.addi %scan3A_538, %scan3A_601 : i32
      %mul3A_603 = arith.constant 16 : i32
      %mul3A_604 = arith.muli %scan3A_602, %mul3A_603 : i32
      %get3A_605 = arith.index_cast %mul3A_604 : i32 to index
      %get3A_606 = tpu.vector_load %arg8[%get3A_605] {strides = array<i32>} : memref<2048xi32, #tpu.memory_space<vmem>>, vector<16xi32>,
      %get3A_607 = vector.shape_cast %get3A_606 : vector<16xi32> to vector<16xi32>
      %mul3A_608 = arith.constant 16 : i32
      %mul3A_609 = arith.muli %scan3A_602, %mul3A_608 : i32
      %get3A_610 = arith.index_cast %mul3A_609 : i32 to index
      %get3A_611 = tpu.vector_load %arg14[%get3A_610] {strides = array<i32>} : memref<2048xi32, #tpu.memory_space<vmem>>, vector<16xi32>,
      %get3A_612 = vector.shape_cast %get3A_611 : vector<16xi32> to vector<16xi32>
      %mul3A_613 = arith.constant 100000 : i32
      %mul3A_614 = vector.broadcast %mul3A_613 : i32 to vector<16xi32>
      %mul3A_615 = arith.muli %get3A_607, %mul3A_614 : vector<16xi32>
      %add3A_616 = arith.addi %mul3A_615, %get3A_612 : vector<16xi32>
      %mul3A_617 = arith.constant 16 : i32
      %mul3A_618 = arith.muli %scan3A_602, %mul3A_617 : i32
      %swap3A_619 = arith.index_cast %mul3A_618 : i32 to index
      %swap3A_620 = tpu.vector_load %arg20[%swap3A_619] {strides = array<i32>} : memref<2048xi32, #tpu.memory_space<vmem>>, vector<16xi32>,
      %swap3A_621 = vector.shape_cast %swap3A_620 : vector<16xi32> to vector<16xi32>
      %swap3A_622 = vector.shape_cast %add3A_616 : vector<16xi32> to vector<16xi32>
      tpu.vector_store %arg20[%swap3A_619], %swap3A_622 {strides = array<i32>} : memref<2048xi32, #tpu.memory_space<vmem>>, vector<16xi32>,
    }
    %scan3A_283 = arith.constant 128 : i32
    %add3A_284 = arith.constant 77824 : i32
    %add3A_285 = arith.addi %mul3A_2, %add3A_284 : i32
    %dma_wait3A_286 = tpu.memref_slice %arg5[%add3A_285] : memref<3276800xf32, #tpu.memory_space<hbm>> -> memref<2048xf32, #tpu.memory_space<hbm>>
    %dma_wait3A_287 = tpu.memref_slice %arg5[%add3A_285] : memref<3276800xf32, #tpu.memory_space<hbm>> -> memref<2048xf32, #tpu.memory_space<hbm>>
    tpu.wait_dma2 semaphore(%arg44 : memref<!tpu.dma_semaphore, #tpu.memory_space<semaphore_mem>>) src(%arg26 : memref<2048xf32, #tpu.memory_space<vmem>>) dst(%dma_wait3A_287 : memref<2048xf32, #tpu.memory_space<hbm>>)
    %dma_start3A_288 = arith.constant 0 : i32
    %dma_start3A_289 = tpu.memref_slice %arg26[%dma_start3A_288] : memref<2048xf32, #tpu.memory_space<vmem>> -> memref<2048xf32, #tpu.memory_space<vmem>>
    %dma_start3A_290 = arith.constant 0 : i32
    %dma_start3A_291 = tpu.memref_slice %arg20[%dma_start3A_290] : memref<2048xi32, #tpu.memory_space<vmem>> -> memref<2048xi32, #tpu.memory_space<vmem>>
    %dma_start3A_292 = arith.constant 0 : i32
    %dma_start3A_293 = tpu.memref_slice %arg2[%dma_start3A_292] : memref<6500000xf32, #tpu.memory_space<hbm>> -> memref<6500000xf32, #tpu.memory_space<hbm>>
    tpu.enqueue_indirect_dma source(%dma_start3A_293 : memref<6500000xf32, #tpu.memory_space<hbm>>) target(%dma_start3A_289 : memref<2048xf32, #tpu.memory_space<vmem>>) offsets(%dma_start3A_291 : memref<2048xi32, #tpu.memory_space<vmem>>) semaphore(%arg38 : memref<!tpu.dma_semaphore, #tpu.memory_space<semaphore_mem>>)
    %dma_wait3A_294 = arith.constant 0 : i32
    %dma_wait3A_295 = tpu.memref_slice %arg27[%dma_wait3A_294] : memref<2048xf32, #tpu.memory_space<vmem>> -> memref<2048xf32, #tpu.memory_space<vmem>>
    %dma_wait3A_296 = arith.constant 0 : i32
    %dma_wait3A_297 = tpu.memref_slice %arg21[%dma_wait3A_296] : memref<2048xi32, #tpu.memory_space<vmem>> -> memref<2048xi32, #tpu.memory_space<vmem>>
    %dma_wait3A_298 = arith.constant 0 : i32
    %dma_wait3A_299 = tpu.memref_slice %arg2[%dma_wait3A_298] : memref<6500000xf32, #tpu.memory_space<hbm>> -> memref<6500000xf32, #tpu.memory_space<hbm>>
    tpu.wait_indirect_dma semaphore(%arg39 : memref<!tpu.dma_semaphore, #tpu.memory_space<semaphore_mem>>) src(%dma_wait3A_299 : memref<6500000xf32, #tpu.memory_space<hbm>>) dst(%dma_wait3A_295 : memref<2048xf32, #tpu.memory_space<vmem>>)
    %add3A_300 = arith.constant 79872 : i32
    %add3A_301 = arith.addi %mul3A_2, %add3A_300 : i32
    %dma_start3A_302 = tpu.memref_slice %arg5[%add3A_301] : memref<3276800xf32, #tpu.memory_space<hbm>> -> memref<2048xf32, #tpu.memory_space<hbm>>
    %dma_start3A_303 = tpu.memref_slice %arg5[%add3A_301] : memref<3276800xf32, #tpu.memory_space<hbm>> -> memref<2048xf32, #tpu.memory_space<hbm>>
    tpu.enqueue_dma source(%arg27 : memref<2048xf32, #tpu.memory_space<vmem>>) target(%dma_start3A_303 : memref<2048xf32, #tpu.memory_space<hbm>>) target_semaphore(%arg45 : memref<!tpu.dma_semaphore, #tpu.memory_space<semaphore_mem>>)
    %add3A_304 = arith.constant 92160 : i32
    %add3A_305 = arith.addi %mul3A_2, %add3A_304 : i32
    %dma_wait3A_306 = tpu.memref_slice %arg3[%add3A_305] : memref<3276800xi32, #tpu.memory_space<hbm>> -> memref<2048xi32, #tpu.memory_space<hbm>>
    %dma_wait3A_307 = tpu.memref_slice %arg3[%add3A_305] : memref<3276800xi32, #tpu.memory_space<hbm>> -> memref<2048xi32, #tpu.memory_space<hbm>>
    tpu.wait_dma2 semaphore(%arg33 : memref<!tpu.dma_semaphore, #tpu.memory_space<semaphore_mem>>) src(%dma_wait3A_307 : memref<2048xi32, #tpu.memory_space<hbm>>) dst(%arg9 : memref<2048xi32, #tpu.memory_space<vmem>>)
    %dma_wait3A_308 = tpu.memref_slice %arg4[%add3A_305] : memref<3276800xi32, #tpu.memory_space<hbm>> -> memref<2048xi32, #tpu.memory_space<hbm>>
    %dma_wait3A_309 = tpu.memref_slice %arg4[%add3A_305] : memref<3276800xi32, #tpu.memory_space<hbm>> -> memref<2048xi32, #tpu.memory_space<hbm>>
    tpu.wait_dma2 semaphore(%arg33 : memref<!tpu.dma_semaphore, #tpu.memory_space<semaphore_mem>>) src(%dma_wait3A_309 : memref<2048xi32, #tpu.memory_space<hbm>>) dst(%arg15 : memref<2048xi32, #tpu.memory_space<vmem>>)
    %scan3A_310 = arith.constant 0 : i32
    %scan3A_311 = arith.constant 0 : i32
    %scan3A_312 = arith.constant 128 : i32
    %scan3A_313 = arith.addi %scan3A_311, %scan3A_312 : i32
    %scan3A_314 = arith.constant 4 : i32
    scf.for %scan3A_538 = %scan3A_311 to %scan3A_313 step %scan3A_314  : i32 {
      %mul3A_539 = arith.constant 16 : i32
      %mul3A_540 = arith.muli %scan3A_538, %mul3A_539 : i32
      %get3A = arith.index_cast %mul3A_540 : i32 to index
      %get3A_541 = tpu.vector_load %arg9[%get3A] {strides = array<i32>} : memref<2048xi32, #tpu.memory_space<vmem>>, vector<16xi32>,
      %get3A_542 = vector.shape_cast %get3A_541 : vector<16xi32> to vector<16xi32>
      %mul3A_543 = arith.constant 16 : i32
      %mul3A_544 = arith.muli %scan3A_538, %mul3A_543 : i32
      %get3A_545 = arith.index_cast %mul3A_544 : i32 to index
      %get3A_546 = tpu.vector_load %arg15[%get3A_545] {strides = array<i32>} : memref<2048xi32, #tpu.memory_space<vmem>>, vector<16xi32>,
      %get3A_547 = vector.shape_cast %get3A_546 : vector<16xi32> to vector<16xi32>
      %mul3A_548 = arith.constant 100000 : i32
      %mul3A_549 = vector.broadcast %mul3A_548 : i32 to vector<16xi32>
      %mul3A_550 = arith.muli %get3A_542, %mul3A_549 : vector<16xi32>
      %add3A_551 = arith.addi %mul3A_550, %get3A_547 : vector<16xi32>
      %mul3A_552 = arith.constant 16 : i32
      %mul3A_553 = arith.muli %scan3A_538, %mul3A_552 : i32
      %swap3A = arith.index_cast %mul3A_553 : i32 to index
      %swap3A_554 = tpu.vector_load %arg21[%swap3A] {strides = array<i32>} : memref<2048xi32, #tpu.memory_space<vmem>>, vector<16xi32>,
      %swap3A_555 = vector.shape_cast %swap3A_554 : vector<16xi32> to vector<16xi32>
      %swap3A_556 = vector.shape_cast %add3A_551 : vector<16xi32> to vector<16xi32>
      tpu.vector_store %arg21[%swap3A], %swap3A_556 {strides = array<i32>} : memref<2048xi32, #tpu.memory_space<vmem>>, vector<16xi32>,
      %scan3A_557 = arith.constant 1 : i32
      %scan3A_558 = arith.addi %scan3A_538, %scan3A_557 : i32
      %mul3A_559 = arith.constant 16 : i32
      %mul3A_560 = arith.muli %scan3A_558, %mul3A_559 : i32
      %get3A_561 = arith.index_cast %mul3A_560 : i32 to index
      %get3A_562 = tpu.vector_load %arg9[%get3A_561] {strides = array<i32>} : memref<2048xi32, #tpu.memory_space<vmem>>, vector<16xi32>,
      %get3A_563 = vector.shape_cast %get3A_562 : vector<16xi32> to vector<16xi32>
      %mul3A_564 = arith.constant 16 : i32
      %mul3A_565 = arith.muli %scan3A_558, %mul3A_564 : i32
      %get3A_566 = arith.index_cast %mul3A_565 : i32 to index
      %get3A_567 = tpu.vector_load %arg15[%get3A_566] {strides = array<i32>} : memref<2048xi32, #tpu.memory_space<vmem>>, vector<16xi32>,
      %get3A_568 = vector.shape_cast %get3A_567 : vector<16xi32> to vector<16xi32>
      %mul3A_569 = arith.constant 100000 : i32
      %mul3A_570 = vector.broadcast %mul3A_569 : i32 to vector<16xi32>
      %mul3A_571 = arith.muli %get3A_563, %mul3A_570 : vector<16xi32>
      %add3A_572 = arith.addi %mul3A_571, %get3A_568 : vector<16xi32>
      %mul3A_573 = arith.constant 16 : i32
      %mul3A_574 = arith.muli %scan3A_558, %mul3A_573 : i32
      %swap3A_575 = arith.index_cast %mul3A_574 : i32 to index
      %swap3A_576 = tpu.vector_load %arg21[%swap3A_575] {strides = array<i32>} : memref<2048xi32, #tpu.memory_space<vmem>>, vector<16xi32>,
      %swap3A_577 = vector.shape_cast %swap3A_576 : vector<16xi32> to vector<16xi32>
      %swap3A_578 = vector.shape_cast %add3A_572 : vector<16xi32> to vector<16xi32>
      tpu.vector_store %arg21[%swap3A_575], %swap3A_578 {strides = array<i32>} : memref<2048xi32, #tpu.memory_space<vmem>>, vector<16xi32>,
      %scan3A_579 = arith.constant 2 : i32
      %scan3A_580 = arith.addi %scan3A_538, %scan3A_579 : i32
      %mul3A_581 = arith.constant 16 : i32
      %mul3A_582 = arith.muli %scan3A_580, %mul3A_581 : i32
      %get3A_583 = arith.index_cast %mul3A_582 : i32 to index
      %get3A_584 = tpu.vector_load %arg9[%get3A_583] {strides = array<i32>} : memref<2048xi32, #tpu.memory_space<vmem>>, vector<16xi32>,
      %get3A_585 = vector.shape_cast %get3A_584 : vector<16xi32> to vector<16xi32>
      %mul3A_586 = arith.constant 16 : i32
      %mul3A_587 = arith.muli %scan3A_580, %mul3A_586 : i32
      %get3A_588 = arith.index_cast %mul3A_587 : i32 to index
      %get3A_589 = tpu.vector_load %arg15[%get3A_588] {strides = array<i32>} : memref<2048xi32, #tpu.memory_space<vmem>>, vector<16xi32>,
      %get3A_590 = vector.shape_cast %get3A_589 : vector<16xi32> to vector<16xi32>
      %mul3A_591 = arith.constant 100000 : i32
      %mul3A_592 = vector.broadcast %mul3A_591 : i32 to vector<16xi32>
      %mul3A_593 = arith.muli %get3A_585, %mul3A_592 : vector<16xi32>
      %add3A_594 = arith.addi %mul3A_593, %get3A_590 : vector<16xi32>
      %mul3A_595 = arith.constant 16 : i32
      %mul3A_596 = arith.muli %scan3A_580, %mul3A_595 : i32
      %swap3A_597 = arith.index_cast %mul3A_596 : i32 to index
      %swap3A_598 = tpu.vector_load %arg21[%swap3A_597] {strides = array<i32>} : memref<2048xi32, #tpu.memory_space<vmem>>, vector<16xi32>,
      %swap3A_599 = vector.shape_cast %swap3A_598 : vector<16xi32> to vector<16xi32>
      %swap3A_600 = vector.shape_cast %add3A_594 : vector<16xi32> to vector<16xi32>
      tpu.vector_store %arg21[%swap3A_597], %swap3A_600 {strides = array<i32>} : memref<2048xi32, #tpu.memory_space<vmem>>, vector<16xi32>,
      %scan3A_601 = arith.constant 3 : i32
      %scan3A_602 = arith.addi %scan3A_538, %scan3A_601 : i32
      %mul3A_603 = arith.constant 16 : i32
      %mul3A_604 = arith.muli %scan3A_602, %mul3A_603 : i32
      %get3A_605 = arith.index_cast %mul3A_604 : i32 to index
      %get3A_606 = tpu.vector_load %arg9[%get3A_605] {strides = array<i32>} : memref<2048xi32, #tpu.memory_space<vmem>>, vector<16xi32>,
      %get3A_607 = vector.shape_cast %get3A_606 : vector<16xi32> to vector<16xi32>
      %mul3A_608 = arith.constant 16 : i32
      %mul3A_609 = arith.muli %scan3A_602, %mul3A_608 : i32
      %get3A_610 = arith.index_cast %mul3A_609 : i32 to index
      %get3A_611 = tpu.vector_load %arg15[%get3A_610] {strides = array<i32>} : memref<2048xi32, #tpu.memory_space<vmem>>, vector<16xi32>,
      %get3A_612 = vector.shape_cast %get3A_611 : vector<16xi32> to vector<16xi32>
      %mul3A_613 = arith.constant 100000 : i32
      %mul3A_614 = vector.broadcast %mul3A_613 : i32 to vector<16xi32>
      %mul3A_615 = arith.muli %get3A_607, %mul3A_614 : vector<16xi32>
      %add3A_616 = arith.addi %mul3A_615, %get3A_612 : vector<16xi32>
      %mul3A_617 = arith.constant 16 : i32
      %mul3A_618 = arith.muli %scan3A_602, %mul3A_617 : i32
      %swap3A_619 = arith.index_cast %mul3A_618 : i32 to index
      %swap3A_620 = tpu.vector_load %arg21[%swap3A_619] {strides = array<i32>} : memref<2048xi32, #tpu.memory_space<vmem>>, vector<16xi32>,
      %swap3A_621 = vector.shape_cast %swap3A_620 : vector<16xi32> to vector<16xi32>
      %swap3A_622 = vector.shape_cast %add3A_616 : vector<16xi32> to vector<16xi32>
      tpu.vector_store %arg21[%swap3A_619], %swap3A_622 {strides = array<i32>} : memref<2048xi32, #tpu.memory_space<vmem>>, vector<16xi32>,
    }
    %scan3A_315 = arith.constant 128 : i32
    %add3A_316 = arith.constant 79872 : i32
    %add3A_317 = arith.addi %mul3A_2, %add3A_316 : i32
    %dma_wait3A_318 = tpu.memref_slice %arg5[%add3A_317] : memref<3276800xf32, #tpu.memory_space<hbm>> -> memref<2048xf32, #tpu.memory_space<hbm>>
    %dma_wait3A_319 = tpu.memref_slice %arg5[%add3A_317] : memref<3276800xf32, #tpu.memory_space<hbm>> -> memref<2048xf32, #tpu.memory_space<hbm>>
    tpu.wait_dma2 semaphore(%arg45 : memref<!tpu.dma_semaphore, #tpu.memory_space<semaphore_mem>>) src(%arg27 : memref<2048xf32, #tpu.memory_space<vmem>>) dst(%dma_wait3A_319 : memref<2048xf32, #tpu.memory_space<hbm>>)
    %dma_start3A_320 = arith.constant 0 : i32
    %dma_start3A_321 = tpu.memref_slice %arg27[%dma_start3A_320] : memref<2048xf32, #tpu.memory_space<vmem>> -> memref<2048xf32, #tpu.memory_space<vmem>>
    %dma_start3A_322 = arith.constant 0 : i32
    %dma_start3A_323 = tpu.memref_slice %arg21[%dma_start3A_322] : memref<2048xi32, #tpu.memory_space<vmem>> -> memref<2048xi32, #tpu.memory_space<vmem>>
    %dma_start3A_324 = arith.constant 0 : i32
    %dma_start3A_325 = tpu.memref_slice %arg2[%dma_start3A_324] : memref<6500000xf32, #tpu.memory_space<hbm>> -> memref<6500000xf32, #tpu.memory_space<hbm>>
    tpu.enqueue_indirect_dma source(%dma_start3A_325 : memref<6500000xf32, #tpu.memory_space<hbm>>) target(%dma_start3A_321 : memref<2048xf32, #tpu.memory_space<vmem>>) offsets(%dma_start3A_323 : memref<2048xi32, #tpu.memory_space<vmem>>) semaphore(%arg39 : memref<!tpu.dma_semaphore, #tpu.memory_space<semaphore_mem>>)
    %dma_wait3A_326 = arith.constant 0 : i32
    %dma_wait3A_327 = tpu.memref_slice %arg28[%dma_wait3A_326] : memref<2048xf32, #tpu.memory_space<vmem>> -> memref<2048xf32, #tpu.memory_space<vmem>>
    %dma_wait3A_328 = arith.constant 0 : i32
    %dma_wait3A_329 = tpu.memref_slice %arg22[%dma_wait3A_328] : memref<2048xi32, #tpu.memory_space<vmem>> -> memref<2048xi32, #tpu.memory_space<vmem>>
    %dma_wait3A_330 = arith.constant 0 : i32
    %dma_wait3A_331 = tpu.memref_slice %arg2[%dma_wait3A_330] : memref<6500000xf32, #tpu.memory_space<hbm>> -> memref<6500000xf32, #tpu.memory_space<hbm>>
    tpu.wait_indirect_dma semaphore(%arg40 : memref<!tpu.dma_semaphore, #tpu.memory_space<semaphore_mem>>) src(%dma_wait3A_331 : memref<6500000xf32, #tpu.memory_space<hbm>>) dst(%dma_wait3A_327 : memref<2048xf32, #tpu.memory_space<vmem>>)
    %add3A_332 = arith.constant 81920 : i32
    %add3A_333 = arith.addi %mul3A_2, %add3A_332 : i32
    %dma_start3A_334 = tpu.memref_slice %arg5[%add3A_333] : memref<3276800xf32, #tpu.memory_space<hbm>> -> memref<2048xf32, #tpu.memory_space<hbm>>
    %dma_start3A_335 = tpu.memref_slice %arg5[%add3A_333] : memref<3276800xf32, #tpu.memory_space<hbm>> -> memref<2048xf32, #tpu.memory_space<hbm>>
    tpu.enqueue_dma source(%arg28 : memref<2048xf32, #tpu.memory_space<vmem>>) target(%dma_start3A_335 : memref<2048xf32, #tpu.memory_space<hbm>>) target_semaphore(%arg46 : memref<!tpu.dma_semaphore, #tpu.memory_space<semaphore_mem>>)
    %add3A_336 = arith.constant 94208 : i32
    %add3A_337 = arith.addi %mul3A_2, %add3A_336 : i32
    %dma_wait3A_338 = tpu.memref_slice %arg3[%add3A_337] : memref<3276800xi32, #tpu.memory_space<hbm>> -> memref<2048xi32, #tpu.memory_space<hbm>>
    %dma_wait3A_339 = tpu.memref_slice %arg3[%add3A_337] : memref<3276800xi32, #tpu.memory_space<hbm>> -> memref<2048xi32, #tpu.memory_space<hbm>>
    tpu.wait_dma2 semaphore(%arg34 : memref<!tpu.dma_semaphore, #tpu.memory_space<semaphore_mem>>) src(%dma_wait3A_339 : memref<2048xi32, #tpu.memory_space<hbm>>) dst(%arg10 : memref<2048xi32, #tpu.memory_space<vmem>>)
    %dma_wait3A_340 = tpu.memref_slice %arg4[%add3A_337] : memref<3276800xi32, #tpu.memory_space<hbm>> -> memref<2048xi32, #tpu.memory_space<hbm>>
    %dma_wait3A_341 = tpu.memref_slice %arg4[%add3A_337] : memref<3276800xi32, #tpu.memory_space<hbm>> -> memref<2048xi32, #tpu.memory_space<hbm>>
    tpu.wait_dma2 semaphore(%arg34 : memref<!tpu.dma_semaphore, #tpu.memory_space<semaphore_mem>>) src(%dma_wait3A_341 : memref<2048xi32, #tpu.memory_space<hbm>>) dst(%arg16 : memref<2048xi32, #tpu.memory_space<vmem>>)
    %scan3A_342 = arith.constant 0 : i32
    %scan3A_343 = arith.constant 0 : i32
    %scan3A_344 = arith.constant 128 : i32
    %scan3A_345 = arith.addi %scan3A_343, %scan3A_344 : i32
    %scan3A_346 = arith.constant 4 : i32
    scf.for %scan3A_538 = %scan3A_343 to %scan3A_345 step %scan3A_346  : i32 {
      %mul3A_539 = arith.constant 16 : i32
      %mul3A_540 = arith.muli %scan3A_538, %mul3A_539 : i32
      %get3A = arith.index_cast %mul3A_540 : i32 to index
      %get3A_541 = tpu.vector_load %arg10[%get3A] {strides = array<i32>} : memref<2048xi32, #tpu.memory_space<vmem>>, vector<16xi32>,
      %get3A_542 = vector.shape_cast %get3A_541 : vector<16xi32> to vector<16xi32>
      %mul3A_543 = arith.constant 16 : i32
      %mul3A_544 = arith.muli %scan3A_538, %mul3A_543 : i32
      %get3A_545 = arith.index_cast %mul3A_544 : i32 to index
      %get3A_546 = tpu.vector_load %arg16[%get3A_545] {strides = array<i32>} : memref<2048xi32, #tpu.memory_space<vmem>>, vector<16xi32>,
      %get3A_547 = vector.shape_cast %get3A_546 : vector<16xi32> to vector<16xi32>
      %mul3A_548 = arith.constant 100000 : i32
      %mul3A_549 = vector.broadcast %mul3A_548 : i32 to vector<16xi32>
      %mul3A_550 = arith.muli %get3A_542, %mul3A_549 : vector<16xi32>
      %add3A_551 = arith.addi %mul3A_550, %get3A_547 : vector<16xi32>
      %mul3A_552 = arith.constant 16 : i32
      %mul3A_553 = arith.muli %scan3A_538, %mul3A_552 : i32
      %swap3A = arith.index_cast %mul3A_553 : i32 to index
      %swap3A_554 = tpu.vector_load %arg22[%swap3A] {strides = array<i32>} : memref<2048xi32, #tpu.memory_space<vmem>>, vector<16xi32>,
      %swap3A_555 = vector.shape_cast %swap3A_554 : vector<16xi32> to vector<16xi32>
      %swap3A_556 = vector.shape_cast %add3A_551 : vector<16xi32> to vector<16xi32>
      tpu.vector_store %arg22[%swap3A], %swap3A_556 {strides = array<i32>} : memref<2048xi32, #tpu.memory_space<vmem>>, vector<16xi32>,
      %scan3A_557 = arith.constant 1 : i32
      %scan3A_558 = arith.addi %scan3A_538, %scan3A_557 : i32
      %mul3A_559 = arith.constant 16 : i32
      %mul3A_560 = arith.muli %scan3A_558, %mul3A_559 : i32
      %get3A_561 = arith.index_cast %mul3A_560 : i32 to index
      %get3A_562 = tpu.vector_load %arg10[%get3A_561] {strides = array<i32>} : memref<2048xi32, #tpu.memory_space<vmem>>, vector<16xi32>,
      %get3A_563 = vector.shape_cast %get3A_562 : vector<16xi32> to vector<16xi32>
      %mul3A_564 = arith.constant 16 : i32
      %mul3A_565 = arith.muli %scan3A_558, %mul3A_564 : i32
      %get3A_566 = arith.index_cast %mul3A_565 : i32 to index
      %get3A_567 = tpu.vector_load %arg16[%get3A_566] {strides = array<i32>} : memref<2048xi32, #tpu.memory_space<vmem>>, vector<16xi32>,
      %get3A_568 = vector.shape_cast %get3A_567 : vector<16xi32> to vector<16xi32>
      %mul3A_569 = arith.constant 100000 : i32
      %mul3A_570 = vector.broadcast %mul3A_569 : i32 to vector<16xi32>
      %mul3A_571 = arith.muli %get3A_563, %mul3A_570 : vector<16xi32>
      %add3A_572 = arith.addi %mul3A_571, %get3A_568 : vector<16xi32>
      %mul3A_573 = arith.constant 16 : i32
      %mul3A_574 = arith.muli %scan3A_558, %mul3A_573 : i32
      %swap3A_575 = arith.index_cast %mul3A_574 : i32 to index
      %swap3A_576 = tpu.vector_load %arg22[%swap3A_575] {strides = array<i32>} : memref<2048xi32, #tpu.memory_space<vmem>>, vector<16xi32>,
      %swap3A_577 = vector.shape_cast %swap3A_576 : vector<16xi32> to vector<16xi32>
      %swap3A_578 = vector.shape_cast %add3A_572 : vector<16xi32> to vector<16xi32>
      tpu.vector_store %arg22[%swap3A_575], %swap3A_578 {strides = array<i32>} : memref<2048xi32, #tpu.memory_space<vmem>>, vector<16xi32>,
      %scan3A_579 = arith.constant 2 : i32
      %scan3A_580 = arith.addi %scan3A_538, %scan3A_579 : i32
      %mul3A_581 = arith.constant 16 : i32
      %mul3A_582 = arith.muli %scan3A_580, %mul3A_581 : i32
      %get3A_583 = arith.index_cast %mul3A_582 : i32 to index
      %get3A_584 = tpu.vector_load %arg10[%get3A_583] {strides = array<i32>} : memref<2048xi32, #tpu.memory_space<vmem>>, vector<16xi32>,
      %get3A_585 = vector.shape_cast %get3A_584 : vector<16xi32> to vector<16xi32>
      %mul3A_586 = arith.constant 16 : i32
      %mul3A_587 = arith.muli %scan3A_580, %mul3A_586 : i32
      %get3A_588 = arith.index_cast %mul3A_587 : i32 to index
      %get3A_589 = tpu.vector_load %arg16[%get3A_588] {strides = array<i32>} : memref<2048xi32, #tpu.memory_space<vmem>>, vector<16xi32>,
      %get3A_590 = vector.shape_cast %get3A_589 : vector<16xi32> to vector<16xi32>
      %mul3A_591 = arith.constant 100000 : i32
      %mul3A_592 = vector.broadcast %mul3A_591 : i32 to vector<16xi32>
      %mul3A_593 = arith.muli %get3A_585, %mul3A_592 : vector<16xi32>
      %add3A_594 = arith.addi %mul3A_593, %get3A_590 : vector<16xi32>
      %mul3A_595 = arith.constant 16 : i32
      %mul3A_596 = arith.muli %scan3A_580, %mul3A_595 : i32
      %swap3A_597 = arith.index_cast %mul3A_596 : i32 to index
      %swap3A_598 = tpu.vector_load %arg22[%swap3A_597] {strides = array<i32>} : memref<2048xi32, #tpu.memory_space<vmem>>, vector<16xi32>,
      %swap3A_599 = vector.shape_cast %swap3A_598 : vector<16xi32> to vector<16xi32>
      %swap3A_600 = vector.shape_cast %add3A_594 : vector<16xi32> to vector<16xi32>
      tpu.vector_store %arg22[%swap3A_597], %swap3A_600 {strides = array<i32>} : memref<2048xi32, #tpu.memory_space<vmem>>, vector<16xi32>,
      %scan3A_601 = arith.constant 3 : i32
      %scan3A_602 = arith.addi %scan3A_538, %scan3A_601 : i32
      %mul3A_603 = arith.constant 16 : i32
      %mul3A_604 = arith.muli %scan3A_602, %mul3A_603 : i32
      %get3A_605 = arith.index_cast %mul3A_604 : i32 to index
      %get3A_606 = tpu.vector_load %arg10[%get3A_605] {strides = array<i32>} : memref<2048xi32, #tpu.memory_space<vmem>>, vector<16xi32>,
      %get3A_607 = vector.shape_cast %get3A_606 : vector<16xi32> to vector<16xi32>
      %mul3A_608 = arith.constant 16 : i32
      %mul3A_609 = arith.muli %scan3A_602, %mul3A_608 : i32
      %get3A_610 = arith.index_cast %mul3A_609 : i32 to index
      %get3A_611 = tpu.vector_load %arg16[%get3A_610] {strides = array<i32>} : memref<2048xi32, #tpu.memory_space<vmem>>, vector<16xi32>,
      %get3A_612 = vector.shape_cast %get3A_611 : vector<16xi32> to vector<16xi32>
      %mul3A_613 = arith.constant 100000 : i32
      %mul3A_614 = vector.broadcast %mul3A_613 : i32 to vector<16xi32>
      %mul3A_615 = arith.muli %get3A_607, %mul3A_614 : vector<16xi32>
      %add3A_616 = arith.addi %mul3A_615, %get3A_612 : vector<16xi32>
      %mul3A_617 = arith.constant 16 : i32
      %mul3A_618 = arith.muli %scan3A_602, %mul3A_617 : i32
      %swap3A_619 = arith.index_cast %mul3A_618 : i32 to index
      %swap3A_620 = tpu.vector_load %arg22[%swap3A_619] {strides = array<i32>} : memref<2048xi32, #tpu.memory_space<vmem>>, vector<16xi32>,
      %swap3A_621 = vector.shape_cast %swap3A_620 : vector<16xi32> to vector<16xi32>
      %swap3A_622 = vector.shape_cast %add3A_616 : vector<16xi32> to vector<16xi32>
      tpu.vector_store %arg22[%swap3A_619], %swap3A_622 {strides = array<i32>} : memref<2048xi32, #tpu.memory_space<vmem>>, vector<16xi32>,
    }
    %scan3A_347 = arith.constant 128 : i32
    %add3A_348 = arith.constant 81920 : i32
    %add3A_349 = arith.addi %mul3A_2, %add3A_348 : i32
    %dma_wait3A_350 = tpu.memref_slice %arg5[%add3A_349] : memref<3276800xf32, #tpu.memory_space<hbm>> -> memref<2048xf32, #tpu.memory_space<hbm>>
    %dma_wait3A_351 = tpu.memref_slice %arg5[%add3A_349] : memref<3276800xf32, #tpu.memory_space<hbm>> -> memref<2048xf32, #tpu.memory_space<hbm>>
    tpu.wait_dma2 semaphore(%arg46 : memref<!tpu.dma_semaphore, #tpu.memory_space<semaphore_mem>>) src(%arg28 : memref<2048xf32, #tpu.memory_space<vmem>>) dst(%dma_wait3A_351 : memref<2048xf32, #tpu.memory_space<hbm>>)
    %dma_start3A_352 = arith.constant 0 : i32
    %dma_start3A_353 = tpu.memref_slice %arg28[%dma_start3A_352] : memref<2048xf32, #tpu.memory_space<vmem>> -> memref<2048xf32, #tpu.memory_space<vmem>>
    %dma_start3A_354 = arith.constant 0 : i32
    %dma_start3A_355 = tpu.memref_slice %arg22[%dma_start3A_354] : memref<2048xi32, #tpu.memory_space<vmem>> -> memref<2048xi32, #tpu.memory_space<vmem>>
    %dma_start3A_356 = arith.constant 0 : i32
    %dma_start3A_357 = tpu.memref_slice %arg2[%dma_start3A_356] : memref<6500000xf32, #tpu.memory_space<hbm>> -> memref<6500000xf32, #tpu.memory_space<hbm>>
    tpu.enqueue_indirect_dma source(%dma_start3A_357 : memref<6500000xf32, #tpu.memory_space<hbm>>) target(%dma_start3A_353 : memref<2048xf32, #tpu.memory_space<vmem>>) offsets(%dma_start3A_355 : memref<2048xi32, #tpu.memory_space<vmem>>) semaphore(%arg40 : memref<!tpu.dma_semaphore, #tpu.memory_space<semaphore_mem>>)
    %dma_wait3A_358 = arith.constant 0 : i32
    %dma_wait3A_359 = tpu.memref_slice %arg29[%dma_wait3A_358] : memref<2048xf32, #tpu.memory_space<vmem>> -> memref<2048xf32, #tpu.memory_space<vmem>>
    %dma_wait3A_360 = arith.constant 0 : i32
    %dma_wait3A_361 = tpu.memref_slice %arg23[%dma_wait3A_360] : memref<2048xi32, #tpu.memory_space<vmem>> -> memref<2048xi32, #tpu.memory_space<vmem>>
    %dma_wait3A_362 = arith.constant 0 : i32
    %dma_wait3A_363 = tpu.memref_slice %arg2[%dma_wait3A_362] : memref<6500000xf32, #tpu.memory_space<hbm>> -> memref<6500000xf32, #tpu.memory_space<hbm>>
    tpu.wait_indirect_dma semaphore(%arg41 : memref<!tpu.dma_semaphore, #tpu.memory_space<semaphore_mem>>) src(%dma_wait3A_363 : memref<6500000xf32, #tpu.memory_space<hbm>>) dst(%dma_wait3A_359 : memref<2048xf32, #tpu.memory_space<vmem>>)
    %add3A_364 = arith.constant 83968 : i32
    %add3A_365 = arith.addi %mul3A_2, %add3A_364 : i32
    %dma_start3A_366 = tpu.memref_slice %arg5[%add3A_365] : memref<3276800xf32, #tpu.memory_space<hbm>> -> memref<2048xf32, #tpu.memory_space<hbm>>
    %dma_start3A_367 = tpu.memref_slice %arg5[%add3A_365] : memref<3276800xf32, #tpu.memory_space<hbm>> -> memref<2048xf32, #tpu.memory_space<hbm>>
    tpu.enqueue_dma source(%arg29 : memref<2048xf32, #tpu.memory_space<vmem>>) target(%dma_start3A_367 : memref<2048xf32, #tpu.memory_space<hbm>>) target_semaphore(%arg47 : memref<!tpu.dma_semaphore, #tpu.memory_space<semaphore_mem>>)
    %add3A_368 = arith.constant 96256 : i32
    %add3A_369 = arith.addi %mul3A_2, %add3A_368 : i32
    %dma_wait3A_370 = tpu.memref_slice %arg3[%add3A_369] : memref<3276800xi32, #tpu.memory_space<hbm>> -> memref<2048xi32, #tpu.memory_space<hbm>>
    %dma_wait3A_371 = tpu.memref_slice %arg3[%add3A_369] : memref<3276800xi32, #tpu.memory_space<hbm>> -> memref<2048xi32, #tpu.memory_space<hbm>>
    tpu.wait_dma2 semaphore(%arg35 : memref<!tpu.dma_semaphore, #tpu.memory_space<semaphore_mem>>) src(%dma_wait3A_371 : memref<2048xi32, #tpu.memory_space<hbm>>) dst(%arg11 : memref<2048xi32, #tpu.memory_space<vmem>>)
    %dma_wait3A_372 = tpu.memref_slice %arg4[%add3A_369] : memref<3276800xi32, #tpu.memory_space<hbm>> -> memref<2048xi32, #tpu.memory_space<hbm>>
    %dma_wait3A_373 = tpu.memref_slice %arg4[%add3A_369] : memref<3276800xi32, #tpu.memory_space<hbm>> -> memref<2048xi32, #tpu.memory_space<hbm>>
    tpu.wait_dma2 semaphore(%arg35 : memref<!tpu.dma_semaphore, #tpu.memory_space<semaphore_mem>>) src(%dma_wait3A_373 : memref<2048xi32, #tpu.memory_space<hbm>>) dst(%arg17 : memref<2048xi32, #tpu.memory_space<vmem>>)
    %scan3A_374 = arith.constant 0 : i32
    %scan3A_375 = arith.constant 0 : i32
    %scan3A_376 = arith.constant 128 : i32
    %scan3A_377 = arith.addi %scan3A_375, %scan3A_376 : i32
    %scan3A_378 = arith.constant 4 : i32
    scf.for %scan3A_538 = %scan3A_375 to %scan3A_377 step %scan3A_378  : i32 {
      %mul3A_539 = arith.constant 16 : i32
      %mul3A_540 = arith.muli %scan3A_538, %mul3A_539 : i32
      %get3A = arith.index_cast %mul3A_540 : i32 to index
      %get3A_541 = tpu.vector_load %arg11[%get3A] {strides = array<i32>} : memref<2048xi32, #tpu.memory_space<vmem>>, vector<16xi32>,
      %get3A_542 = vector.shape_cast %get3A_541 : vector<16xi32> to vector<16xi32>
      %mul3A_543 = arith.constant 16 : i32
      %mul3A_544 = arith.muli %scan3A_538, %mul3A_543 : i32
      %get3A_545 = arith.index_cast %mul3A_544 : i32 to index
      %get3A_546 = tpu.vector_load %arg17[%get3A_545] {strides = array<i32>} : memref<2048xi32, #tpu.memory_space<vmem>>, vector<16xi32>,
      %get3A_547 = vector.shape_cast %get3A_546 : vector<16xi32> to vector<16xi32>
      %mul3A_548 = arith.constant 100000 : i32
      %mul3A_549 = vector.broadcast %mul3A_548 : i32 to vector<16xi32>
      %mul3A_550 = arith.muli %get3A_542, %mul3A_549 : vector<16xi32>
      %add3A_551 = arith.addi %mul3A_550, %get3A_547 : vector<16xi32>
      %mul3A_552 = arith.constant 16 : i32
      %mul3A_553 = arith.muli %scan3A_538, %mul3A_552 : i32
      %swap3A = arith.index_cast %mul3A_553 : i32 to index
      %swap3A_554 = tpu.vector_load %arg23[%swap3A] {strides = array<i32>} : memref<2048xi32, #tpu.memory_space<vmem>>, vector<16xi32>,
      %swap3A_555 = vector.shape_cast %swap3A_554 : vector<16xi32> to vector<16xi32>
      %swap3A_556 = vector.shape_cast %add3A_551 : vector<16xi32> to vector<16xi32>
      tpu.vector_store %arg23[%swap3A], %swap3A_556 {strides = array<i32>} : memref<2048xi32, #tpu.memory_space<vmem>>, vector<16xi32>,
      %scan3A_557 = arith.constant 1 : i32
      %scan3A_558 = arith.addi %scan3A_538, %scan3A_557 : i32
      %mul3A_559 = arith.constant 16 : i32
      %mul3A_560 = arith.muli %scan3A_558, %mul3A_559 : i32
      %get3A_561 = arith.index_cast %mul3A_560 : i32 to index
      %get3A_562 = tpu.vector_load %arg11[%get3A_561] {strides = array<i32>} : memref<2048xi32, #tpu.memory_space<vmem>>, vector<16xi32>,
      %get3A_563 = vector.shape_cast %get3A_562 : vector<16xi32> to vector<16xi32>
      %mul3A_564 = arith.constant 16 : i32
      %mul3A_565 = arith.muli %scan3A_558, %mul3A_564 : i32
      %get3A_566 = arith.index_cast %mul3A_565 : i32 to index
      %get3A_567 = tpu.vector_load %arg17[%get3A_566] {strides = array<i32>} : memref<2048xi32, #tpu.memory_space<vmem>>, vector<16xi32>,
      %get3A_568 = vector.shape_cast %get3A_567 : vector<16xi32> to vector<16xi32>
      %mul3A_569 = arith.constant 100000 : i32
      %mul3A_570 = vector.broadcast %mul3A_569 : i32 to vector<16xi32>
      %mul3A_571 = arith.muli %get3A_563, %mul3A_570 : vector<16xi32>
      %add3A_572 = arith.addi %mul3A_571, %get3A_568 : vector<16xi32>
      %mul3A_573 = arith.constant 16 : i32
      %mul3A_574 = arith.muli %scan3A_558, %mul3A_573 : i32
      %swap3A_575 = arith.index_cast %mul3A_574 : i32 to index
      %swap3A_576 = tpu.vector_load %arg23[%swap3A_575] {strides = array<i32>} : memref<2048xi32, #tpu.memory_space<vmem>>, vector<16xi32>,
      %swap3A_577 = vector.shape_cast %swap3A_576 : vector<16xi32> to vector<16xi32>
      %swap3A_578 = vector.shape_cast %add3A_572 : vector<16xi32> to vector<16xi32>
      tpu.vector_store %arg23[%swap3A_575], %swap3A_578 {strides = array<i32>} : memref<2048xi32, #tpu.memory_space<vmem>>, vector<16xi32>,
      %scan3A_579 = arith.constant 2 : i32
      %scan3A_580 = arith.addi %scan3A_538, %scan3A_579 : i32
      %mul3A_581 = arith.constant 16 : i32
      %mul3A_582 = arith.muli %scan3A_580, %mul3A_581 : i32
      %get3A_583 = arith.index_cast %mul3A_582 : i32 to index
      %get3A_584 = tpu.vector_load %arg11[%get3A_583] {strides = array<i32>} : memref<2048xi32, #tpu.memory_space<vmem>>, vector<16xi32>,
      %get3A_585 = vector.shape_cast %get3A_584 : vector<16xi32> to vector<16xi32>
      %mul3A_586 = arith.constant 16 : i32
      %mul3A_587 = arith.muli %scan3A_580, %mul3A_586 : i32
      %get3A_588 = arith.index_cast %mul3A_587 : i32 to index
      %get3A_589 = tpu.vector_load %arg17[%get3A_588] {strides = array<i32>} : memref<2048xi32, #tpu.memory_space<vmem>>, vector<16xi32>,
      %get3A_590 = vector.shape_cast %get3A_589 : vector<16xi32> to vector<16xi32>
      %mul3A_591 = arith.constant 100000 : i32
      %mul3A_592 = vector.broadcast %mul3A_591 : i32 to vector<16xi32>
      %mul3A_593 = arith.muli %get3A_585, %mul3A_592 : vector<16xi32>
      %add3A_594 = arith.addi %mul3A_593, %get3A_590 : vector<16xi32>
      %mul3A_595 = arith.constant 16 : i32
      %mul3A_596 = arith.muli %scan3A_580, %mul3A_595 : i32
      %swap3A_597 = arith.index_cast %mul3A_596 : i32 to index
      %swap3A_598 = tpu.vector_load %arg23[%swap3A_597] {strides = array<i32>} : memref<2048xi32, #tpu.memory_space<vmem>>, vector<16xi32>,
      %swap3A_599 = vector.shape_cast %swap3A_598 : vector<16xi32> to vector<16xi32>
      %swap3A_600 = vector.shape_cast %add3A_594 : vector<16xi32> to vector<16xi32>
      tpu.vector_store %arg23[%swap3A_597], %swap3A_600 {strides = array<i32>} : memref<2048xi32, #tpu.memory_space<vmem>>, vector<16xi32>,
      %scan3A_601 = arith.constant 3 : i32
      %scan3A_602 = arith.addi %scan3A_538, %scan3A_601 : i32
      %mul3A_603 = arith.constant 16 : i32
      %mul3A_604 = arith.muli %scan3A_602, %mul3A_603 : i32
      %get3A_605 = arith.index_cast %mul3A_604 : i32 to index
      %get3A_606 = tpu.vector_load %arg11[%get3A_605] {strides = array<i32>} : memref<2048xi32, #tpu.memory_space<vmem>>, vector<16xi32>,
      %get3A_607 = vector.shape_cast %get3A_606 : vector<16xi32> to vector<16xi32>
      %mul3A_608 = arith.constant 16 : i32
      %mul3A_609 = arith.muli %scan3A_602, %mul3A_608 : i32
      %get3A_610 = arith.index_cast %mul3A_609 : i32 to index
      %get3A_611 = tpu.vector_load %arg17[%get3A_610] {strides = array<i32>} : memref<2048xi32, #tpu.memory_space<vmem>>, vector<16xi32>,
      %get3A_612 = vector.shape_cast %get3A_611 : vector<16xi32> to vector<16xi32>
      %mul3A_613 = arith.constant 100000 : i32
      %mul3A_614 = vector.broadcast %mul3A_613 : i32 to vector<16xi32>
      %mul3A_615 = arith.muli %get3A_607, %mul3A_614 : vector<16xi32>
      %add3A_616 = arith.addi %mul3A_615, %get3A_612 : vector<16xi32>
      %mul3A_617 = arith.constant 16 : i32
      %mul3A_618 = arith.muli %scan3A_602, %mul3A_617 : i32
      %swap3A_619 = arith.index_cast %mul3A_618 : i32 to index
      %swap3A_620 = tpu.vector_load %arg23[%swap3A_619] {strides = array<i32>} : memref<2048xi32, #tpu.memory_space<vmem>>, vector<16xi32>,
      %swap3A_621 = vector.shape_cast %swap3A_620 : vector<16xi32> to vector<16xi32>
      %swap3A_622 = vector.shape_cast %add3A_616 : vector<16xi32> to vector<16xi32>
      tpu.vector_store %arg23[%swap3A_619], %swap3A_622 {strides = array<i32>} : memref<2048xi32, #tpu.memory_space<vmem>>, vector<16xi32>,
    }
    %scan3A_379 = arith.constant 128 : i32
    %add3A_380 = arith.constant 83968 : i32
    %add3A_381 = arith.addi %mul3A_2, %add3A_380 : i32
    %dma_wait3A_382 = tpu.memref_slice %arg5[%add3A_381] : memref<3276800xf32, #tpu.memory_space<hbm>> -> memref<2048xf32, #tpu.memory_space<hbm>>
    %dma_wait3A_383 = tpu.memref_slice %arg5[%add3A_381] : memref<3276800xf32, #tpu.memory_space<hbm>> -> memref<2048xf32, #tpu.memory_space<hbm>>
    tpu.wait_dma2 semaphore(%arg47 : memref<!tpu.dma_semaphore, #tpu.memory_space<semaphore_mem>>) src(%arg29 : memref<2048xf32, #tpu.memory_space<vmem>>) dst(%dma_wait3A_383 : memref<2048xf32, #tpu.memory_space<hbm>>)
    %dma_start3A_384 = arith.constant 0 : i32
    %dma_start3A_385 = tpu.memref_slice %arg29[%dma_start3A_384] : memref<2048xf32, #tpu.memory_space<vmem>> -> memref<2048xf32, #tpu.memory_space<vmem>>
    %dma_start3A_386 = arith.constant 0 : i32
    %dma_start3A_387 = tpu.memref_slice %arg23[%dma_start3A_386] : memref<2048xi32, #tpu.memory_space<vmem>> -> memref<2048xi32, #tpu.memory_space<vmem>>
    %dma_start3A_388 = arith.constant 0 : i32
    %dma_start3A_389 = tpu.memref_slice %arg2[%dma_start3A_388] : memref<6500000xf32, #tpu.memory_space<hbm>> -> memref<6500000xf32, #tpu.memory_space<hbm>>
    tpu.enqueue_indirect_dma source(%dma_start3A_389 : memref<6500000xf32, #tpu.memory_space<hbm>>) target(%dma_start3A_385 : memref<2048xf32, #tpu.memory_space<vmem>>) offsets(%dma_start3A_387 : memref<2048xi32, #tpu.memory_space<vmem>>) semaphore(%arg41 : memref<!tpu.dma_semaphore, #tpu.memory_space<semaphore_mem>>)
    %dma_wait3A_390 = arith.constant 0 : i32
    %dma_wait3A_391 = tpu.memref_slice %arg24[%dma_wait3A_390] : memref<2048xf32, #tpu.memory_space<vmem>> -> memref<2048xf32, #tpu.memory_space<vmem>>
    %dma_wait3A_392 = arith.constant 0 : i32
    %dma_wait3A_393 = tpu.memref_slice %arg18[%dma_wait3A_392] : memref<2048xi32, #tpu.memory_space<vmem>> -> memref<2048xi32, #tpu.memory_space<vmem>>
    %dma_wait3A_394 = arith.constant 0 : i32
    %dma_wait3A_395 = tpu.memref_slice %arg2[%dma_wait3A_394] : memref<6500000xf32, #tpu.memory_space<hbm>> -> memref<6500000xf32, #tpu.memory_space<hbm>>
    tpu.wait_indirect_dma semaphore(%arg36 : memref<!tpu.dma_semaphore, #tpu.memory_space<semaphore_mem>>) src(%dma_wait3A_395 : memref<6500000xf32, #tpu.memory_space<hbm>>) dst(%dma_wait3A_391 : memref<2048xf32, #tpu.memory_space<vmem>>)
    %add3A_396 = arith.constant 86016 : i32
    %add3A_397 = arith.addi %mul3A_2, %add3A_396 : i32
    %dma_start3A_398 = tpu.memref_slice %arg5[%add3A_397] : memref<3276800xf32, #tpu.memory_space<hbm>> -> memref<2048xf32, #tpu.memory_space<hbm>>
    %dma_start3A_399 = tpu.memref_slice %arg5[%add3A_397] : memref<3276800xf32, #tpu.memory_space<hbm>> -> memref<2048xf32, #tpu.memory_space<hbm>>
    tpu.enqueue_dma source(%arg24 : memref<2048xf32, #tpu.memory_space<vmem>>) target(%dma_start3A_399 : memref<2048xf32, #tpu.memory_space<hbm>>) target_semaphore(%arg42 : memref<!tpu.dma_semaphore, #tpu.memory_space<semaphore_mem>>)
    %add3A_400 = arith.constant 98304 : i32
    %add3A_401 = arith.addi %mul3A_2, %add3A_400 : i32
    %dma_wait3A_402 = tpu.memref_slice %arg3[%add3A_401] : memref<3276800xi32, #tpu.memory_space<hbm>> -> memref<2048xi32, #tpu.memory_space<hbm>>
    %dma_wait3A_403 = tpu.memref_slice %arg3[%add3A_401] : memref<3276800xi32, #tpu.memory_space<hbm>> -> memref<2048xi32, #tpu.memory_space<hbm>>
    tpu.wait_dma2 semaphore(%arg30 : memref<!tpu.dma_semaphore, #tpu.memory_space<semaphore_mem>>) src(%dma_wait3A_403 : memref<2048xi32, #tpu.memory_space<hbm>>) dst(%arg6 : memref<2048xi32, #tpu.memory_space<vmem>>)
    %dma_wait3A_404 = tpu.memref_slice %arg4[%add3A_401] : memref<3276800xi32, #tpu.memory_space<hbm>> -> memref<2048xi32, #tpu.memory_space<hbm>>
    %dma_wait3A_405 = tpu.memref_slice %arg4[%add3A_401] : memref<3276800xi32, #tpu.memory_space<hbm>> -> memref<2048xi32, #tpu.memory_space<hbm>>
    tpu.wait_dma2 semaphore(%arg30 : memref<!tpu.dma_semaphore, #tpu.memory_space<semaphore_mem>>) src(%dma_wait3A_405 : memref<2048xi32, #tpu.memory_space<hbm>>) dst(%arg12 : memref<2048xi32, #tpu.memory_space<vmem>>)
    %scan3A_406 = arith.constant 0 : i32
    %scan3A_407 = arith.constant 0 : i32
    %scan3A_408 = arith.constant 128 : i32
    %scan3A_409 = arith.addi %scan3A_407, %scan3A_408 : i32
    %scan3A_410 = arith.constant 4 : i32
    scf.for %scan3A_538 = %scan3A_407 to %scan3A_409 step %scan3A_410  : i32 {
      %mul3A_539 = arith.constant 16 : i32
      %mul3A_540 = arith.muli %scan3A_538, %mul3A_539 : i32
      %get3A = arith.index_cast %mul3A_540 : i32 to index
      %get3A_541 = tpu.vector_load %arg6[%get3A] {strides = array<i32>} : memref<2048xi32, #tpu.memory_space<vmem>>, vector<16xi32>,
      %get3A_542 = vector.shape_cast %get3A_541 : vector<16xi32> to vector<16xi32>
      %mul3A_543 = arith.constant 16 : i32
      %mul3A_544 = arith.muli %scan3A_538, %mul3A_543 : i32
      %get3A_545 = arith.index_cast %mul3A_544 : i32 to index
      %get3A_546 = tpu.vector_load %arg12[%get3A_545] {strides = array<i32>} : memref<2048xi32, #tpu.memory_space<vmem>>, vector<16xi32>,
      %get3A_547 = vector.shape_cast %get3A_546 : vector<16xi32> to vector<16xi32>
      %mul3A_548 = arith.constant 100000 : i32
      %mul3A_549 = vector.broadcast %mul3A_548 : i32 to vector<16xi32>
      %mul3A_550 = arith.muli %get3A_542, %mul3A_549 : vector<16xi32>
      %add3A_551 = arith.addi %mul3A_550, %get3A_547 : vector<16xi32>
      %mul3A_552 = arith.constant 16 : i32
      %mul3A_553 = arith.muli %scan3A_538, %mul3A_552 : i32
      %swap3A = arith.index_cast %mul3A_553 : i32 to index
      %swap3A_554 = tpu.vector_load %arg18[%swap3A] {strides = array<i32>} : memref<2048xi32, #tpu.memory_space<vmem>>, vector<16xi32>,
      %swap3A_555 = vector.shape_cast %swap3A_554 : vector<16xi32> to vector<16xi32>
      %swap3A_556 = vector.shape_cast %add3A_551 : vector<16xi32> to vector<16xi32>
      tpu.vector_store %arg18[%swap3A], %swap3A_556 {strides = array<i32>} : memref<2048xi32, #tpu.memory_space<vmem>>, vector<16xi32>,
      %scan3A_557 = arith.constant 1 : i32
      %scan3A_558 = arith.addi %scan3A_538, %scan3A_557 : i32
      %mul3A_559 = arith.constant 16 : i32
      %mul3A_560 = arith.muli %scan3A_558, %mul3A_559 : i32
      %get3A_561 = arith.index_cast %mul3A_560 : i32 to index
      %get3A_562 = tpu.vector_load %arg6[%get3A_561] {strides = array<i32>} : memref<2048xi32, #tpu.memory_space<vmem>>, vector<16xi32>,
      %get3A_563 = vector.shape_cast %get3A_562 : vector<16xi32> to vector<16xi32>
      %mul3A_564 = arith.constant 16 : i32
      %mul3A_565 = arith.muli %scan3A_558, %mul3A_564 : i32
      %get3A_566 = arith.index_cast %mul3A_565 : i32 to index
      %get3A_567 = tpu.vector_load %arg12[%get3A_566] {strides = array<i32>} : memref<2048xi32, #tpu.memory_space<vmem>>, vector<16xi32>,
      %get3A_568 = vector.shape_cast %get3A_567 : vector<16xi32> to vector<16xi32>
      %mul3A_569 = arith.constant 100000 : i32
      %mul3A_570 = vector.broadcast %mul3A_569 : i32 to vector<16xi32>
      %mul3A_571 = arith.muli %get3A_563, %mul3A_570 : vector<16xi32>
      %add3A_572 = arith.addi %mul3A_571, %get3A_568 : vector<16xi32>
      %mul3A_573 = arith.constant 16 : i32
      %mul3A_574 = arith.muli %scan3A_558, %mul3A_573 : i32
      %swap3A_575 = arith.index_cast %mul3A_574 : i32 to index
      %swap3A_576 = tpu.vector_load %arg18[%swap3A_575] {strides = array<i32>} : memref<2048xi32, #tpu.memory_space<vmem>>, vector<16xi32>,
      %swap3A_577 = vector.shape_cast %swap3A_576 : vector<16xi32> to vector<16xi32>
      %swap3A_578 = vector.shape_cast %add3A_572 : vector<16xi32> to vector<16xi32>
      tpu.vector_store %arg18[%swap3A_575], %swap3A_578 {strides = array<i32>} : memref<2048xi32, #tpu.memory_space<vmem>>, vector<16xi32>,
      %scan3A_579 = arith.constant 2 : i32
      %scan3A_580 = arith.addi %scan3A_538, %scan3A_579 : i32
      %mul3A_581 = arith.constant 16 : i32
      %mul3A_582 = arith.muli %scan3A_580, %mul3A_581 : i32
      %get3A_583 = arith.index_cast %mul3A_582 : i32 to index
      %get3A_584 = tpu.vector_load %arg6[%get3A_583] {strides = array<i32>} : memref<2048xi32, #tpu.memory_space<vmem>>, vector<16xi32>,
      %get3A_585 = vector.shape_cast %get3A_584 : vector<16xi32> to vector<16xi32>
      %mul3A_586 = arith.constant 16 : i32
      %mul3A_587 = arith.muli %scan3A_580, %mul3A_586 : i32
      %get3A_588 = arith.index_cast %mul3A_587 : i32 to index
      %get3A_589 = tpu.vector_load %arg12[%get3A_588] {strides = array<i32>} : memref<2048xi32, #tpu.memory_space<vmem>>, vector<16xi32>,
      %get3A_590 = vector.shape_cast %get3A_589 : vector<16xi32> to vector<16xi32>
      %mul3A_591 = arith.constant 100000 : i32
      %mul3A_592 = vector.broadcast %mul3A_591 : i32 to vector<16xi32>
      %mul3A_593 = arith.muli %get3A_585, %mul3A_592 : vector<16xi32>
      %add3A_594 = arith.addi %mul3A_593, %get3A_590 : vector<16xi32>
      %mul3A_595 = arith.constant 16 : i32
      %mul3A_596 = arith.muli %scan3A_580, %mul3A_595 : i32
      %swap3A_597 = arith.index_cast %mul3A_596 : i32 to index
      %swap3A_598 = tpu.vector_load %arg18[%swap3A_597] {strides = array<i32>} : memref<2048xi32, #tpu.memory_space<vmem>>, vector<16xi32>,
      %swap3A_599 = vector.shape_cast %swap3A_598 : vector<16xi32> to vector<16xi32>
      %swap3A_600 = vector.shape_cast %add3A_594 : vector<16xi32> to vector<16xi32>
      tpu.vector_store %arg18[%swap3A_597], %swap3A_600 {strides = array<i32>} : memref<2048xi32, #tpu.memory_space<vmem>>, vector<16xi32>,
      %scan3A_601 = arith.constant 3 : i32
      %scan3A_602 = arith.addi %scan3A_538, %scan3A_601 : i32
      %mul3A_603 = arith.constant 16 : i32
      %mul3A_604 = arith.muli %scan3A_602, %mul3A_603 : i32
      %get3A_605 = arith.index_cast %mul3A_604 : i32 to index
      %get3A_606 = tpu.vector_load %arg6[%get3A_605] {strides = array<i32>} : memref<2048xi32, #tpu.memory_space<vmem>>, vector<16xi32>,
      %get3A_607 = vector.shape_cast %get3A_606 : vector<16xi32> to vector<16xi32>
      %mul3A_608 = arith.constant 16 : i32
      %mul3A_609 = arith.muli %scan3A_602, %mul3A_608 : i32
      %get3A_610 = arith.index_cast %mul3A_609 : i32 to index
      %get3A_611 = tpu.vector_load %arg12[%get3A_610] {strides = array<i32>} : memref<2048xi32, #tpu.memory_space<vmem>>, vector<16xi32>,
      %get3A_612 = vector.shape_cast %get3A_611 : vector<16xi32> to vector<16xi32>
      %mul3A_613 = arith.constant 100000 : i32
      %mul3A_614 = vector.broadcast %mul3A_613 : i32 to vector<16xi32>
      %mul3A_615 = arith.muli %get3A_607, %mul3A_614 : vector<16xi32>
      %add3A_616 = arith.addi %mul3A_615, %get3A_612 : vector<16xi32>
      %mul3A_617 = arith.constant 16 : i32
      %mul3A_618 = arith.muli %scan3A_602, %mul3A_617 : i32
      %swap3A_619 = arith.index_cast %mul3A_618 : i32 to index
      %swap3A_620 = tpu.vector_load %arg18[%swap3A_619] {strides = array<i32>} : memref<2048xi32, #tpu.memory_space<vmem>>, vector<16xi32>,
      %swap3A_621 = vector.shape_cast %swap3A_620 : vector<16xi32> to vector<16xi32>
      %swap3A_622 = vector.shape_cast %add3A_616 : vector<16xi32> to vector<16xi32>
      tpu.vector_store %arg18[%swap3A_619], %swap3A_622 {strides = array<i32>} : memref<2048xi32, #tpu.memory_space<vmem>>, vector<16xi32>,
    }
    %scan3A_411 = arith.constant 128 : i32
    %add3A_412 = arith.constant 86016 : i32
    %add3A_413 = arith.addi %mul3A_2, %add3A_412 : i32
    %dma_wait3A_414 = tpu.memref_slice %arg5[%add3A_413] : memref<3276800xf32, #tpu.memory_space<hbm>> -> memref<2048xf32, #tpu.memory_space<hbm>>
    %dma_wait3A_415 = tpu.memref_slice %arg5[%add3A_413] : memref<3276800xf32, #tpu.memory_space<hbm>> -> memref<2048xf32, #tpu.memory_space<hbm>>
    tpu.wait_dma2 semaphore(%arg42 : memref<!tpu.dma_semaphore, #tpu.memory_space<semaphore_mem>>) src(%arg24 : memref<2048xf32, #tpu.memory_space<vmem>>) dst(%dma_wait3A_415 : memref<2048xf32, #tpu.memory_space<hbm>>)
    %dma_start3A_416 = arith.constant 0 : i32
    %dma_start3A_417 = tpu.memref_slice %arg24[%dma_start3A_416] : memref<2048xf32, #tpu.memory_space<vmem>> -> memref<2048xf32, #tpu.memory_space<vmem>>
    %dma_start3A_418 = arith.constant 0 : i32
    %dma_start3A_419 = tpu.memref_slice %arg18[%dma_start3A_418] : memref<2048xi32, #tpu.memory_space<vmem>> -> memref<2048xi32, #tpu.memory_space<vmem>>
    %dma_start3A_420 = arith.constant 0 : i32
    %dma_start3A_421 = tpu.memref_slice %arg2[%dma_start3A_420] : memref<6500000xf32, #tpu.memory_space<hbm>> -> memref<6500000xf32, #tpu.memory_space<hbm>>
    tpu.enqueue_indirect_dma source(%dma_start3A_421 : memref<6500000xf32, #tpu.memory_space<hbm>>) target(%dma_start3A_417 : memref<2048xf32, #tpu.memory_space<vmem>>) offsets(%dma_start3A_419 : memref<2048xi32, #tpu.memory_space<vmem>>) semaphore(%arg36 : memref<!tpu.dma_semaphore, #tpu.memory_space<semaphore_mem>>)
    %dma_wait3A_422 = arith.constant 0 : i32
    %dma_wait3A_423 = tpu.memref_slice %arg25[%dma_wait3A_422] : memref<2048xf32, #tpu.memory_space<vmem>> -> memref<2048xf32, #tpu.memory_space<vmem>>
    %dma_wait3A_424 = arith.constant 0 : i32
    %dma_wait3A_425 = tpu.memref_slice %arg19[%dma_wait3A_424] : memref<2048xi32, #tpu.memory_space<vmem>> -> memref<2048xi32, #tpu.memory_space<vmem>>
    %dma_wait3A_426 = arith.constant 0 : i32
    %dma_wait3A_427 = tpu.memref_slice %arg2[%dma_wait3A_426] : memref<6500000xf32, #tpu.memory_space<hbm>> -> memref<6500000xf32, #tpu.memory_space<hbm>>
    tpu.wait_indirect_dma semaphore(%arg37 : memref<!tpu.dma_semaphore, #tpu.memory_space<semaphore_mem>>) src(%dma_wait3A_427 : memref<6500000xf32, #tpu.memory_space<hbm>>) dst(%dma_wait3A_423 : memref<2048xf32, #tpu.memory_space<vmem>>)
    %add3A_428 = arith.constant 88064 : i32
    %add3A_429 = arith.addi %mul3A_2, %add3A_428 : i32
    %dma_start3A_430 = tpu.memref_slice %arg5[%add3A_429] : memref<3276800xf32, #tpu.memory_space<hbm>> -> memref<2048xf32, #tpu.memory_space<hbm>>
    %dma_start3A_431 = tpu.memref_slice %arg5[%add3A_429] : memref<3276800xf32, #tpu.memory_space<hbm>> -> memref<2048xf32, #tpu.memory_space<hbm>>
    tpu.enqueue_dma source(%arg25 : memref<2048xf32, #tpu.memory_space<vmem>>) target(%dma_start3A_431 : memref<2048xf32, #tpu.memory_space<hbm>>) target_semaphore(%arg43 : memref<!tpu.dma_semaphore, #tpu.memory_space<semaphore_mem>>)
    %add3A_432 = arith.constant 100352 : i32
    %add3A_433 = arith.addi %mul3A_2, %add3A_432 : i32
    %dma_wait3A_434 = tpu.memref_slice %arg3[%add3A_433] : memref<3276800xi32, #tpu.memory_space<hbm>> -> memref<2048xi32, #tpu.memory_space<hbm>>
    %dma_wait3A_435 = tpu.memref_slice %arg3[%add3A_433] : memref<3276800xi32, #tpu.memory_space<hbm>> -> memref<2048xi32, #tpu.memory_space<hbm>>
    tpu.wait_dma2 semaphore(%arg31 : memref<!tpu.dma_semaphore, #tpu.memory_space<semaphore_mem>>) src(%dma_wait3A_435 : memref<2048xi32, #tpu.memory_space<hbm>>) dst(%arg7 : memref<2048xi32, #tpu.memory_space<vmem>>)
    %dma_wait3A_436 = tpu.memref_slice %arg4[%add3A_433] : memref<3276800xi32, #tpu.memory_space<hbm>> -> memref<2048xi32, #tpu.memory_space<hbm>>
    %dma_wait3A_437 = tpu.memref_slice %arg4[%add3A_433] : memref<3276800xi32, #tpu.memory_space<hbm>> -> memref<2048xi32, #tpu.memory_space<hbm>>
    tpu.wait_dma2 semaphore(%arg31 : memref<!tpu.dma_semaphore, #tpu.memory_space<semaphore_mem>>) src(%dma_wait3A_437 : memref<2048xi32, #tpu.memory_space<hbm>>) dst(%arg13 : memref<2048xi32, #tpu.memory_space<vmem>>)
    %scan3A_438 = arith.constant 0 : i32
    %scan3A_439 = arith.constant 0 : i32
    %scan3A_440 = arith.constant 128 : i32
    %scan3A_441 = arith.addi %scan3A_439, %scan3A_440 : i32
    %scan3A_442 = arith.constant 4 : i32
    scf.for %scan3A_538 = %scan3A_439 to %scan3A_441 step %scan3A_442  : i32 {
      %mul3A_539 = arith.constant 16 : i32
      %mul3A_540 = arith.muli %scan3A_538, %mul3A_539 : i32
      %get3A = arith.index_cast %mul3A_540 : i32 to index
      %get3A_541 = tpu.vector_load %arg7[%get3A] {strides = array<i32>} : memref<2048xi32, #tpu.memory_space<vmem>>, vector<16xi32>,
      %get3A_542 = vector.shape_cast %get3A_541 : vector<16xi32> to vector<16xi32>
      %mul3A_543 = arith.constant 16 : i32
      %mul3A_544 = arith.muli %scan3A_538, %mul3A_543 : i32
      %get3A_545 = arith.index_cast %mul3A_544 : i32 to index
      %get3A_546 = tpu.vector_load %arg13[%get3A_545] {strides = array<i32>} : memref<2048xi32, #tpu.memory_space<vmem>>, vector<16xi32>,
      %get3A_547 = vector.shape_cast %get3A_546 : vector<16xi32> to vector<16xi32>
      %mul3A_548 = arith.constant 100000 : i32
      %mul3A_549 = vector.broadcast %mul3A_548 : i32 to vector<16xi32>
      %mul3A_550 = arith.muli %get3A_542, %mul3A_549 : vector<16xi32>
      %add3A_551 = arith.addi %mul3A_550, %get3A_547 : vector<16xi32>
      %mul3A_552 = arith.constant 16 : i32
      %mul3A_553 = arith.muli %scan3A_538, %mul3A_552 : i32
      %swap3A = arith.index_cast %mul3A_553 : i32 to index
      %swap3A_554 = tpu.vector_load %arg19[%swap3A] {strides = array<i32>} : memref<2048xi32, #tpu.memory_space<vmem>>, vector<16xi32>,
      %swap3A_555 = vector.shape_cast %swap3A_554 : vector<16xi32> to vector<16xi32>
      %swap3A_556 = vector.shape_cast %add3A_551 : vector<16xi32> to vector<16xi32>
      tpu.vector_store %arg19[%swap3A], %swap3A_556 {strides = array<i32>} : memref<2048xi32, #tpu.memory_space<vmem>>, vector<16xi32>,
      %scan3A_557 = arith.constant 1 : i32
      %scan3A_558 = arith.addi %scan3A_538, %scan3A_557 : i32
      %mul3A_559 = arith.constant 16 : i32
      %mul3A_560 = arith.muli %scan3A_558, %mul3A_559 : i32
      %get3A_561 = arith.index_cast %mul3A_560 : i32 to index
      %get3A_562 = tpu.vector_load %arg7[%get3A_561] {strides = array<i32>} : memref<2048xi32, #tpu.memory_space<vmem>>, vector<16xi32>,
      %get3A_563 = vector.shape_cast %get3A_562 : vector<16xi32> to vector<16xi32>
      %mul3A_564 = arith.constant 16 : i32
      %mul3A_565 = arith.muli %scan3A_558, %mul3A_564 : i32
      %get3A_566 = arith.index_cast %mul3A_565 : i32 to index
      %get3A_567 = tpu.vector_load %arg13[%get3A_566] {strides = array<i32>} : memref<2048xi32, #tpu.memory_space<vmem>>, vector<16xi32>,
      %get3A_568 = vector.shape_cast %get3A_567 : vector<16xi32> to vector<16xi32>
      %mul3A_569 = arith.constant 100000 : i32
      %mul3A_570 = vector.broadcast %mul3A_569 : i32 to vector<16xi32>
      %mul3A_571 = arith.muli %get3A_563, %mul3A_570 : vector<16xi32>
      %add3A_572 = arith.addi %mul3A_571, %get3A_568 : vector<16xi32>
      %mul3A_573 = arith.constant 16 : i32
      %mul3A_574 = arith.muli %scan3A_558, %mul3A_573 : i32
      %swap3A_575 = arith.index_cast %mul3A_574 : i32 to index
      %swap3A_576 = tpu.vector_load %arg19[%swap3A_575] {strides = array<i32>} : memref<2048xi32, #tpu.memory_space<vmem>>, vector<16xi32>,
      %swap3A_577 = vector.shape_cast %swap3A_576 : vector<16xi32> to vector<16xi32>
      %swap3A_578 = vector.shape_cast %add3A_572 : vector<16xi32> to vector<16xi32>
      tpu.vector_store %arg19[%swap3A_575], %swap3A_578 {strides = array<i32>} : memref<2048xi32, #tpu.memory_space<vmem>>, vector<16xi32>,
      %scan3A_579 = arith.constant 2 : i32
      %scan3A_580 = arith.addi %scan3A_538, %scan3A_579 : i32
      %mul3A_581 = arith.constant 16 : i32
      %mul3A_582 = arith.muli %scan3A_580, %mul3A_581 : i32
      %get3A_583 = arith.index_cast %mul3A_582 : i32 to index
      %get3A_584 = tpu.vector_load %arg7[%get3A_583] {strides = array<i32>} : memref<2048xi32, #tpu.memory_space<vmem>>, vector<16xi32>,
      %get3A_585 = vector.shape_cast %get3A_584 : vector<16xi32> to vector<16xi32>
      %mul3A_586 = arith.constant 16 : i32
      %mul3A_587 = arith.muli %scan3A_580, %mul3A_586 : i32
      %get3A_588 = arith.index_cast %mul3A_587 : i32 to index
      %get3A_589 = tpu.vector_load %arg13[%get3A_588] {strides = array<i32>} : memref<2048xi32, #tpu.memory_space<vmem>>, vector<16xi32>,
      %get3A_590 = vector.shape_cast %get3A_589 : vector<16xi32> to vector<16xi32>
      %mul3A_591 = arith.constant 100000 : i32
      %mul3A_592 = vector.broadcast %mul3A_591 : i32 to vector<16xi32>
      %mul3A_593 = arith.muli %get3A_585, %mul3A_592 : vector<16xi32>
      %add3A_594 = arith.addi %mul3A_593, %get3A_590 : vector<16xi32>
      %mul3A_595 = arith.constant 16 : i32
      %mul3A_596 = arith.muli %scan3A_580, %mul3A_595 : i32
      %swap3A_597 = arith.index_cast %mul3A_596 : i32 to index
      %swap3A_598 = tpu.vector_load %arg19[%swap3A_597] {strides = array<i32>} : memref<2048xi32, #tpu.memory_space<vmem>>, vector<16xi32>,
      %swap3A_599 = vector.shape_cast %swap3A_598 : vector<16xi32> to vector<16xi32>
      %swap3A_600 = vector.shape_cast %add3A_594 : vector<16xi32> to vector<16xi32>
      tpu.vector_store %arg19[%swap3A_597], %swap3A_600 {strides = array<i32>} : memref<2048xi32, #tpu.memory_space<vmem>>, vector<16xi32>,
      %scan3A_601 = arith.constant 3 : i32
      %scan3A_602 = arith.addi %scan3A_538, %scan3A_601 : i32
      %mul3A_603 = arith.constant 16 : i32
      %mul3A_604 = arith.muli %scan3A_602, %mul3A_603 : i32
      %get3A_605 = arith.index_cast %mul3A_604 : i32 to index
      %get3A_606 = tpu.vector_load %arg7[%get3A_605] {strides = array<i32>} : memref<2048xi32, #tpu.memory_space<vmem>>, vector<16xi32>,
      %get3A_607 = vector.shape_cast %get3A_606 : vector<16xi32> to vector<16xi32>
      %mul3A_608 = arith.constant 16 : i32
      %mul3A_609 = arith.muli %scan3A_602, %mul3A_608 : i32
      %get3A_610 = arith.index_cast %mul3A_609 : i32 to index
      %get3A_611 = tpu.vector_load %arg13[%get3A_610] {strides = array<i32>} : memref<2048xi32, #tpu.memory_space<vmem>>, vector<16xi32>,
      %get3A_612 = vector.shape_cast %get3A_611 : vector<16xi32> to vector<16xi32>
      %mul3A_613 = arith.constant 100000 : i32
      %mul3A_614 = vector.broadcast %mul3A_613 : i32 to vector<16xi32>
      %mul3A_615 = arith.muli %get3A_607, %mul3A_614 : vector<16xi32>
      %add3A_616 = arith.addi %mul3A_615, %get3A_612 : vector<16xi32>
      %mul3A_617 = arith.constant 16 : i32
      %mul3A_618 = arith.muli %scan3A_602, %mul3A_617 : i32
      %swap3A_619 = arith.index_cast %mul3A_618 : i32 to index
      %swap3A_620 = tpu.vector_load %arg19[%swap3A_619] {strides = array<i32>} : memref<2048xi32, #tpu.memory_space<vmem>>, vector<16xi32>,
      %swap3A_621 = vector.shape_cast %swap3A_620 : vector<16xi32> to vector<16xi32>
      %swap3A_622 = vector.shape_cast %add3A_616 : vector<16xi32> to vector<16xi32>
      tpu.vector_store %arg19[%swap3A_619], %swap3A_622 {strides = array<i32>} : memref<2048xi32, #tpu.memory_space<vmem>>, vector<16xi32>,
    }
    %scan3A_443 = arith.constant 128 : i32
    %add3A_444 = arith.constant 88064 : i32
    %add3A_445 = arith.addi %mul3A_2, %add3A_444 : i32
    %dma_wait3A_446 = tpu.memref_slice %arg5[%add3A_445] : memref<3276800xf32, #tpu.memory_space<hbm>> -> memref<2048xf32, #tpu.memory_space<hbm>>
    %dma_wait3A_447 = tpu.memref_slice %arg5[%add3A_445] : memref<3276800xf32, #tpu.memory_space<hbm>> -> memref<2048xf32, #tpu.memory_space<hbm>>
    tpu.wait_dma2 semaphore(%arg43 : memref<!tpu.dma_semaphore, #tpu.memory_space<semaphore_mem>>) src(%arg25 : memref<2048xf32, #tpu.memory_space<vmem>>) dst(%dma_wait3A_447 : memref<2048xf32, #tpu.memory_space<hbm>>)
    %dma_start3A_448 = arith.constant 0 : i32
    %dma_start3A_449 = tpu.memref_slice %arg25[%dma_start3A_448] : memref<2048xf32, #tpu.memory_space<vmem>> -> memref<2048xf32, #tpu.memory_space<vmem>>
    %dma_start3A_450 = arith.constant 0 : i32
    %dma_start3A_451 = tpu.memref_slice %arg19[%dma_start3A_450] : memref<2048xi32, #tpu.memory_space<vmem>> -> memref<2048xi32, #tpu.memory_space<vmem>>
    %dma_start3A_452 = arith.constant 0 : i32
    %dma_start3A_453 = tpu.memref_slice %arg2[%dma_start3A_452] : memref<6500000xf32, #tpu.memory_space<hbm>> -> memref<6500000xf32, #tpu.memory_space<hbm>>
    tpu.enqueue_indirect_dma source(%dma_start3A_453 : memref<6500000xf32, #tpu.memory_space<hbm>>) target(%dma_start3A_449 : memref<2048xf32, #tpu.memory_space<vmem>>) offsets(%dma_start3A_451 : memref<2048xi32, #tpu.memory_space<vmem>>) semaphore(%arg37 : memref<!tpu.dma_semaphore, #tpu.memory_space<semaphore_mem>>)
    %dma_wait3A_454 = arith.constant 0 : i32
    %dma_wait3A_455 = tpu.memref_slice %arg26[%dma_wait3A_454] : memref<2048xf32, #tpu.memory_space<vmem>> -> memref<2048xf32, #tpu.memory_space<vmem>>
    %dma_wait3A_456 = arith.constant 0 : i32
    %dma_wait3A_457 = tpu.memref_slice %arg20[%dma_wait3A_456] : memref<2048xi32, #tpu.memory_space<vmem>> -> memref<2048xi32, #tpu.memory_space<vmem>>
    %dma_wait3A_458 = arith.constant 0 : i32
    %dma_wait3A_459 = tpu.memref_slice %arg2[%dma_wait3A_458] : memref<6500000xf32, #tpu.memory_space<hbm>> -> memref<6500000xf32, #tpu.memory_space<hbm>>
    tpu.wait_indirect_dma semaphore(%arg38 : memref<!tpu.dma_semaphore, #tpu.memory_space<semaphore_mem>>) src(%dma_wait3A_459 : memref<6500000xf32, #tpu.memory_space<hbm>>) dst(%dma_wait3A_455 : memref<2048xf32, #tpu.memory_space<vmem>>)
    %add3A_460 = arith.constant 90112 : i32
    %add3A_461 = arith.addi %mul3A_2, %add3A_460 : i32
    %dma_start3A_462 = tpu.memref_slice %arg5[%add3A_461] : memref<3276800xf32, #tpu.memory_space<hbm>> -> memref<2048xf32, #tpu.memory_space<hbm>>
    %dma_start3A_463 = tpu.memref_slice %arg5[%add3A_461] : memref<3276800xf32, #tpu.memory_space<hbm>> -> memref<2048xf32, #tpu.memory_space<hbm>>
    tpu.enqueue_dma source(%arg26 : memref<2048xf32, #tpu.memory_space<vmem>>) target(%dma_start3A_463 : memref<2048xf32, #tpu.memory_space<hbm>>) target_semaphore(%arg44 : memref<!tpu.dma_semaphore, #tpu.memory_space<semaphore_mem>>)
    %dma_wait3A_464 = arith.constant 0 : i32
    %dma_wait3A_465 = tpu.memref_slice %arg27[%dma_wait3A_464] : memref<2048xf32, #tpu.memory_space<vmem>> -> memref<2048xf32, #tpu.memory_space<vmem>>
    %dma_wait3A_466 = arith.constant 0 : i32
    %dma_wait3A_467 = tpu.memref_slice %arg21[%dma_wait3A_466] : memref<2048xi32, #tpu.memory_space<vmem>> -> memref<2048xi32, #tpu.memory_space<vmem>>
    %dma_wait3A_468 = arith.constant 0 : i32
    %dma_wait3A_469 = tpu.memref_slice %arg2[%dma_wait3A_468] : memref<6500000xf32, #tpu.memory_space<hbm>> -> memref<6500000xf32, #tpu.memory_space<hbm>>
    tpu.wait_indirect_dma semaphore(%arg39 : memref<!tpu.dma_semaphore, #tpu.memory_space<semaphore_mem>>) src(%dma_wait3A_469 : memref<6500000xf32, #tpu.memory_space<hbm>>) dst(%dma_wait3A_465 : memref<2048xf32, #tpu.memory_space<vmem>>)
    %add3A_470 = arith.constant 92160 : i32
    %add3A_471 = arith.addi %mul3A_2, %add3A_470 : i32
    %dma_start3A_472 = tpu.memref_slice %arg5[%add3A_471] : memref<3276800xf32, #tpu.memory_space<hbm>> -> memref<2048xf32, #tpu.memory_space<hbm>>
    %dma_start3A_473 = tpu.memref_slice %arg5[%add3A_471] : memref<3276800xf32, #tpu.memory_space<hbm>> -> memref<2048xf32, #tpu.memory_space<hbm>>
    tpu.enqueue_dma source(%arg27 : memref<2048xf32, #tpu.memory_space<vmem>>) target(%dma_start3A_473 : memref<2048xf32, #tpu.memory_space<hbm>>) target_semaphore(%arg45 : memref<!tpu.dma_semaphore, #tpu.memory_space<semaphore_mem>>)
    %dma_wait3A_474 = arith.constant 0 : i32
    %dma_wait3A_475 = tpu.memref_slice %arg28[%dma_wait3A_474] : memref<2048xf32, #tpu.memory_space<vmem>> -> memref<2048xf32, #tpu.memory_space<vmem>>
    %dma_wait3A_476 = arith.constant 0 : i32
    %dma_wait3A_477 = tpu.memref_slice %arg22[%dma_wait3A_476] : memref<2048xi32, #tpu.memory_space<vmem>> -> memref<2048xi32, #tpu.memory_space<vmem>>
    %dma_wait3A_478 = arith.constant 0 : i32
    %dma_wait3A_479 = tpu.memref_slice %arg2[%dma_wait3A_478] : memref<6500000xf32, #tpu.memory_space<hbm>> -> memref<6500000xf32, #tpu.memory_space<hbm>>
    tpu.wait_indirect_dma semaphore(%arg40 : memref<!tpu.dma_semaphore, #tpu.memory_space<semaphore_mem>>) src(%dma_wait3A_479 : memref<6500000xf32, #tpu.memory_space<hbm>>) dst(%dma_wait3A_475 : memref<2048xf32, #tpu.memory_space<vmem>>)
    %add3A_480 = arith.constant 94208 : i32
    %add3A_481 = arith.addi %mul3A_2, %add3A_480 : i32
    %dma_start3A_482 = tpu.memref_slice %arg5[%add3A_481] : memref<3276800xf32, #tpu.memory_space<hbm>> -> memref<2048xf32, #tpu.memory_space<hbm>>
    %dma_start3A_483 = tpu.memref_slice %arg5[%add3A_481] : memref<3276800xf32, #tpu.memory_space<hbm>> -> memref<2048xf32, #tpu.memory_space<hbm>>
    tpu.enqueue_dma source(%arg28 : memref<2048xf32, #tpu.memory_space<vmem>>) target(%dma_start3A_483 : memref<2048xf32, #tpu.memory_space<hbm>>) target_semaphore(%arg46 : memref<!tpu.dma_semaphore, #tpu.memory_space<semaphore_mem>>)
    %dma_wait3A_484 = arith.constant 0 : i32
    %dma_wait3A_485 = tpu.memref_slice %arg29[%dma_wait3A_484] : memref<2048xf32, #tpu.memory_space<vmem>> -> memref<2048xf32, #tpu.memory_space<vmem>>
    %dma_wait3A_486 = arith.constant 0 : i32
    %dma_wait3A_487 = tpu.memref_slice %arg23[%dma_wait3A_486] : memref<2048xi32, #tpu.memory_space<vmem>> -> memref<2048xi32, #tpu.memory_space<vmem>>
    %dma_wait3A_488 = arith.constant 0 : i32
    %dma_wait3A_489 = tpu.memref_slice %arg2[%dma_wait3A_488] : memref<6500000xf32, #tpu.memory_space<hbm>> -> memref<6500000xf32, #tpu.memory_space<hbm>>
    tpu.wait_indirect_dma semaphore(%arg41 : memref<!tpu.dma_semaphore, #tpu.memory_space<semaphore_mem>>) src(%dma_wait3A_489 : memref<6500000xf32, #tpu.memory_space<hbm>>) dst(%dma_wait3A_485 : memref<2048xf32, #tpu.memory_space<vmem>>)
    %add3A_490 = arith.constant 96256 : i32
    %add3A_491 = arith.addi %mul3A_2, %add3A_490 : i32
    %dma_start3A_492 = tpu.memref_slice %arg5[%add3A_491] : memref<3276800xf32, #tpu.memory_space<hbm>> -> memref<2048xf32, #tpu.memory_space<hbm>>
    %dma_start3A_493 = tpu.memref_slice %arg5[%add3A_491] : memref<3276800xf32, #tpu.memory_space<hbm>> -> memref<2048xf32, #tpu.memory_space<hbm>>
    tpu.enqueue_dma source(%arg29 : memref<2048xf32, #tpu.memory_space<vmem>>) target(%dma_start3A_493 : memref<2048xf32, #tpu.memory_space<hbm>>) target_semaphore(%arg47 : memref<!tpu.dma_semaphore, #tpu.memory_space<semaphore_mem>>)
    %dma_wait3A_494 = arith.constant 0 : i32
    %dma_wait3A_495 = tpu.memref_slice %arg24[%dma_wait3A_494] : memref<2048xf32, #tpu.memory_space<vmem>> -> memref<2048xf32, #tpu.memory_space<vmem>>
    %dma_wait3A_496 = arith.constant 0 : i32
    %dma_wait3A_497 = tpu.memref_slice %arg18[%dma_wait3A_496] : memref<2048xi32, #tpu.memory_space<vmem>> -> memref<2048xi32, #tpu.memory_space<vmem>>
    %dma_wait3A_498 = arith.constant 0 : i32
    %dma_wait3A_499 = tpu.memref_slice %arg2[%dma_wait3A_498] : memref<6500000xf32, #tpu.memory_space<hbm>> -> memref<6500000xf32, #tpu.memory_space<hbm>>
    tpu.wait_indirect_dma semaphore(%arg36 : memref<!tpu.dma_semaphore, #tpu.memory_space<semaphore_mem>>) src(%dma_wait3A_499 : memref<6500000xf32, #tpu.memory_space<hbm>>) dst(%dma_wait3A_495 : memref<2048xf32, #tpu.memory_space<vmem>>)
    %add3A_500 = arith.constant 98304 : i32
    %add3A_501 = arith.addi %mul3A_2, %add3A_500 : i32
    %dma_start3A_502 = tpu.memref_slice %arg5[%add3A_501] : memref<3276800xf32, #tpu.memory_space<hbm>> -> memref<2048xf32, #tpu.memory_space<hbm>>
    %dma_start3A_503 = tpu.memref_slice %arg5[%add3A_501] : memref<3276800xf32, #tpu.memory_space<hbm>> -> memref<2048xf32, #tpu.memory_space<hbm>>
    tpu.enqueue_dma source(%arg24 : memref<2048xf32, #tpu.memory_space<vmem>>) target(%dma_start3A_503 : memref<2048xf32, #tpu.memory_space<hbm>>) target_semaphore(%arg42 : memref<!tpu.dma_semaphore, #tpu.memory_space<semaphore_mem>>)
    %dma_wait3A_504 = arith.constant 0 : i32
    %dma_wait3A_505 = tpu.memref_slice %arg25[%dma_wait3A_504] : memref<2048xf32, #tpu.memory_space<vmem>> -> memref<2048xf32, #tpu.memory_space<vmem>>
    %dma_wait3A_506 = arith.constant 0 : i32
    %dma_wait3A_507 = tpu.memref_slice %arg19[%dma_wait3A_506] : memref<2048xi32, #tpu.memory_space<vmem>> -> memref<2048xi32, #tpu.memory_space<vmem>>
    %dma_wait3A_508 = arith.constant 0 : i32
    %dma_wait3A_509 = tpu.memref_slice %arg2[%dma_wait3A_508] : memref<6500000xf32, #tpu.memory_space<hbm>> -> memref<6500000xf32, #tpu.memory_space<hbm>>
    tpu.wait_indirect_dma semaphore(%arg37 : memref<!tpu.dma_semaphore, #tpu.memory_space<semaphore_mem>>) src(%dma_wait3A_509 : memref<6500000xf32, #tpu.memory_space<hbm>>) dst(%dma_wait3A_505 : memref<2048xf32, #tpu.memory_space<vmem>>)
    %add3A_510 = arith.constant 100352 : i32
    %add3A_511 = arith.addi %mul3A_2, %add3A_510 : i32
    %dma_start3A_512 = tpu.memref_slice %arg5[%add3A_511] : memref<3276800xf32, #tpu.memory_space<hbm>> -> memref<2048xf32, #tpu.memory_space<hbm>>
    %dma_start3A_513 = tpu.memref_slice %arg5[%add3A_511] : memref<3276800xf32, #tpu.memory_space<hbm>> -> memref<2048xf32, #tpu.memory_space<hbm>>
    tpu.enqueue_dma source(%arg25 : memref<2048xf32, #tpu.memory_space<vmem>>) target(%dma_start3A_513 : memref<2048xf32, #tpu.memory_space<hbm>>) target_semaphore(%arg43 : memref<!tpu.dma_semaphore, #tpu.memory_space<semaphore_mem>>)
    %add3A_514 = arith.constant 90112 : i32
    %add3A_515 = arith.addi %mul3A_2, %add3A_514 : i32
    %dma_wait3A_516 = tpu.memref_slice %arg5[%add3A_515] : memref<3276800xf32, #tpu.memory_space<hbm>> -> memref<2048xf32, #tpu.memory_space<hbm>>
    %dma_wait3A_517 = tpu.memref_slice %arg5[%add3A_515] : memref<3276800xf32, #tpu.memory_space<hbm>> -> memref<2048xf32, #tpu.memory_space<hbm>>
    tpu.wait_dma2 semaphore(%arg44 : memref<!tpu.dma_semaphore, #tpu.memory_space<semaphore_mem>>) src(%arg26 : memref<2048xf32, #tpu.memory_space<vmem>>) dst(%dma_wait3A_517 : memref<2048xf32, #tpu.memory_space<hbm>>)
    %add3A_518 = arith.constant 92160 : i32
    %add3A_519 = arith.addi %mul3A_2, %add3A_518 : i32
    %dma_wait3A_520 = tpu.memref_slice %arg5[%add3A_519] : memref<3276800xf32, #tpu.memory_space<hbm>> -> memref<2048xf32, #tpu.memory_space<hbm>>
    %dma_wait3A_521 = tpu.memref_slice %arg5[%add3A_519] : memref<3276800xf32, #tpu.memory_space<hbm>> -> memref<2048xf32, #tpu.memory_space<hbm>>
    tpu.wait_dma2 semaphore(%arg45 : memref<!tpu.dma_semaphore, #tpu.memory_space<semaphore_mem>>) src(%arg27 : memref<2048xf32, #tpu.memory_space<vmem>>) dst(%dma_wait3A_521 : memref<2048xf32, #tpu.memory_space<hbm>>)
    %add3A_522 = arith.constant 94208 : i32
    %add3A_523 = arith.addi %mul3A_2, %add3A_522 : i32
    %dma_wait3A_524 = tpu.memref_slice %arg5[%add3A_523] : memref<3276800xf32, #tpu.memory_space<hbm>> -> memref<2048xf32, #tpu.memory_space<hbm>>
    %dma_wait3A_525 = tpu.memref_slice %arg5[%add3A_523] : memref<3276800xf32, #tpu.memory_space<hbm>> -> memref<2048xf32, #tpu.memory_space<hbm>>
    tpu.wait_dma2 semaphore(%arg46 : memref<!tpu.dma_semaphore, #tpu.memory_space<semaphore_mem>>) src(%arg28 : memref<2048xf32, #tpu.memory_space<vmem>>) dst(%dma_wait3A_525 : memref<2048xf32, #tpu.memory_space<hbm>>)
    %add3A_526 = arith.constant 96256 : i32
    %add3A_527 = arith.addi %mul3A_2, %add3A_526 : i32
    %dma_wait3A_528 = tpu.memref_slice %arg5[%add3A_527] : memref<3276800xf32, #tpu.memory_space<hbm>> -> memref<2048xf32, #tpu.memory_space<hbm>>
    %dma_wait3A_529 = tpu.memref_slice %arg5[%add3A_527] : memref<3276800xf32, #tpu.memory_space<hbm>> -> memref<2048xf32, #tpu.memory_space<hbm>>
    tpu.wait_dma2 semaphore(%arg47 : memref<!tpu.dma_semaphore, #tpu.memory_space<semaphore_mem>>) src(%arg29 : memref<2048xf32, #tpu.memory_space<vmem>>) dst(%dma_wait3A_529 : memref<2048xf32, #tpu.memory_space<hbm>>)
    %add3A_530 = arith.constant 98304 : i32
    %add3A_531 = arith.addi %mul3A_2, %add3A_530 : i32
    %dma_wait3A_532 = tpu.memref_slice %arg5[%add3A_531] : memref<3276800xf32, #tpu.memory_space<hbm>> -> memref<2048xf32, #tpu.memory_space<hbm>>
    %dma_wait3A_533 = tpu.memref_slice %arg5[%add3A_531] : memref<3276800xf32, #tpu.memory_space<hbm>> -> memref<2048xf32, #tpu.memory_space<hbm>>
    tpu.wait_dma2 semaphore(%arg42 : memref<!tpu.dma_semaphore, #tpu.memory_space<semaphore_mem>>) src(%arg24 : memref<2048xf32, #tpu.memory_space<vmem>>) dst(%dma_wait3A_533 : memref<2048xf32, #tpu.memory_space<hbm>>)
    %add3A_534 = arith.constant 100352 : i32
    %add3A_535 = arith.addi %mul3A_2, %add3A_534 : i32
    %dma_wait3A_536 = tpu.memref_slice %arg5[%add3A_535] : memref<3276800xf32, #tpu.memory_space<hbm>> -> memref<2048xf32, #tpu.memory_space<hbm>>
    %dma_wait3A_537 = tpu.memref_slice %arg5[%add3A_535] : memref<3276800xf32, #tpu.memory_space<hbm>> -> memref<2048xf32, #tpu.memory_space<hbm>>
    tpu.wait_dma2 semaphore(%arg43 : memref<!tpu.dma_semaphore, #tpu.memory_space<semaphore_mem>>) src(%arg25 : memref<2048xf32, #tpu.memory_space<vmem>>) dst(%dma_wait3A_537 : memref<2048xf32, #tpu.memory_space<hbm>>)
    return
  }
}

</mosaic_0001>

<sc_bundles>
// kernel: kernel.3.cloned.1.call-start
scs
__scs_entry_jumppad:
0x0: {  	(pc) =	sbr.rel $0x88, $3  }
0x1: {  	(tag) =	ssettag $0x0;
	lr =	simm.s32 $0x1  }
0x2: {  	[smem:$0x3F9E] =	sst lr;
	_ =	strace $0xD0000000  }
0x3: {  	_ = 	snop  }
0x4: {  	_ = 	snop  }
0x5: {  	_ = 	snop  }
0x6: {  	_ = 	snop  }
0x7: {  	_ = 	snop  }
__scs_overlays_trampoline_lowered:
0x8: {  	[smem:$0x3FAD] =	sst s0  }
0x9: {  	[smem:$0x3FAE] =	sst s1  }
0xa: {  	[smem:$0x3FAF] =	sst s2  }
0xb: {  	[smem:$0x3FB0] =	sst s3  }
0xc: {  	[smem:$0x3FB1] =	sst s4  }
0xd: {  	[smem:$0x3FB2] =	sst s5  }
0xe: {  	[smem:$0x3FB3] =	sst s6  }
0xf: {  	[smem:$0x3FB4] =	sst s7  }
0x10: {  	[smem:$0x3FB5] =	sst s8  }
0x11: {  	[smem:$0x3FB6] =	sst s9;
	s0 =	simm.s32 @!p0 $0x0  }
0x12: {  	s1 =	sld [smem:$0x3F9C];
	s0 =	simm.s32 @p0 $0x1  }
0x13: {  	[smem:$0x3FB7] =	sst s0;
	s0 =	simm.s32 @!p1 $0x0  }
0x14: {  	s2 =	sld [smem:$0x3F9B];
	s0 =	simm.s32 @p1 $0x1  }
0x15: {  	[smem:$0x3FB8] =	sst s0;
	s0 =	simm.s32 @!p2 $0x0  }
0x16: {  	s3 =	sld [smem:$0x3FDB];
	s0 =	simm.s32 @p2 $0x1  }
0x17: {  	s4 =	simm.s32 $0x1BF5;
	[smem:$0x3FBA] =	sst s0  }
0x18: {  	s0 =	sld [smem:$0x3F9D];
	_ =	swait.ge [sflag:s4], $0x0  }
0x19: {  	s7 =	sld [smem:$0x3F9E]  }
0x1a: {  	s8 =	sadd.s32 $0xFFFFE003, lr  }
0x1b: {  	s9 =	sadd.s32 $0xFFFFFEF7, lr;
	s5 =	simm.s32 $0xFFFFFFFF;
	p2 =	slt.u32 s8, $0xFFFFF086  }
0x1c: {  	p1 =	slt.u32 s9, $0xF7A;
	s5 =	simm.s32 @!p2 $0x0  }
0x1d: {  	s5 =	simm.s32 @p1 $0x1;
	p0 =	seq.s32 s7, s2  }
0x1e: {  	s7 =	smul.u32 @!p0 $0xF7A, s2;
	p2 =	seq.s32 @!p0 s5, $0x0  }
0x1f: {  	s9 =	smul.u32 $0xF7A, s1;
	s8 =	simm.s32 @!p0 $0x1BF5;
	p2 =	por !p2, p0  }
0x20: {  	[sflag:s8] =	ssyncset.s32 @!p0 $0xFFFFF086;
	s6 =	sadd.s32 @!p0 s3, s7;
	s7 =	simm.s32 @!p0 $0x108  }
0x21: {  	s3 =	sadd.s32 s3, s9;
	s6 =	sadd.s32 @!p0 $0x88, s6;
	s7 =	simm.s32 @p2 $0x1082  }
0x22: {  	[simem:s7], [sflag:s8] =	dma.local @!p0 [hbm:s6], $0xF7A  }
0x23: {  	s9 =	sor.u32 $0xD0000000, s2;
	s6 =	simm.s32 $0x108;
	_ =	swait.ge @!p0 [sflag:s8], $0x0  }
0x24: {  	s3 =	sadd.s32 $0x88, s3;
	s6 =	simm.s32 @!p1 $0x1082;
	[sflag:s4] =	ssyncset.s32 $0xFFFFF086  }
0x25: {  	[simem:s6], [sflag:s4] =	dma.local [hbm:s3], $0xF7A  }
0x26: {  	[smem:$0x3F9E] =	sst s1;
	(tag) =	ssettag s2;
	_ =	strace s9  }
0x27: {  	s1 =	sld [smem:$0x3FAE]  }
0x28: {  	s2 =	sld [smem:$0x3FAF]  }
0x29: {  	s4 =	sld [smem:$0x3FB1]  }
0x2a: {  	p0 =	seq.s32 s5, $0x0;
	s5 =	sld [smem:$0x3FB2]  }
0x2b: {  	s6 =	sld [smem:$0x3FB3]  }
0x2c: {  	s7 =	sld [smem:$0x3FB4]  }
0x2d: {  	s3 =	simm.s32 $0x108;
	s8 =	sld [smem:$0x3FB5]  }
0x2e: {  	s3 =	simm.s32 @!p0 $0x1082;
	s9 =	sld [smem:$0x3FB6]  }
0x2f: {  	lr =	sadd.s32 s0, s3;
	s0 =	sld [smem:$0x3FAD]  }
0x30: {  	s3 =	sld [smem:$0x3FB0]  }
0x31: {  	[smem:$0x3FB9] =	sst s10  }
0x32: {  	s10 =	sld [smem:$0x3FB7];
	_ =	sdelay $0x3  }
0x33: {  	p0 =	seq.s32 s10, $0x1;
	s10 =	sld [smem:$0x3FB9];
	_ =	sdelay $0x3  }
0x34: {  	[smem:$0x3FB9] =	sst s10  }
0x35: {  	s10 =	sld [smem:$0x3FB8];
	_ =	sdelay $0x3  }
0x36: {  	p1 =	seq.s32 s10, $0x1;
	s10 =	sld [smem:$0x3FB9];
	_ =	sdelay $0x3  }
0x37: {  	[smem:$0x3FB9] =	sst s10  }
0x38: {  	s10 =	sld [smem:$0x3FBA]  }
0x39: {  	_ = 	snop;
	(pc) =	sbr.ind lr, $3  }
0x3a: {  	_ = 	snop  }
0x3b: {  	_ = 	snop  }
0x3c: {  	p2 =	seq.s32 s10, $0x1;
	s10 =	sld [smem:$0x3FB9]  }
0x3d: {  	_ =	shalt  }
0x3e: {  	_ =	shalt  }
0x3f: {  	_ =	shalt  }
0x40: {  	_ =	shalt  }
0x41: {  	_ =	shalt  }
0x42: {  	_ =	shalt  }
0x43: {  	_ =	shalt  }
0x44: {  	_ =	shalt  }
0x45: {  	_ =	shalt  }
0x46: {  	_ =	shalt  }
0x47: {  	_ =	shalt  }
0x48: {  	_ =	shalt  }
0x49: {  	_ =	shalt  }
0x4a: {  	_ =	shalt  }
0x4b: {  	_ =	shalt  }
0x4c: {  	_ =	shalt  }
0x4d: {  	_ =	shalt  }
0x4e: {  	_ =	shalt  }
0x4f: {  	_ =	shalt  }
0x50: {  	_ =	shalt  }
0x51: {  	_ =	shalt  }
0x52: {  	_ =	shalt  }
0x53: {  	_ =	shalt  }
0x54: {  	_ =	shalt  }
0x55: {  	_ =	shalt  }
0x56: {  	_ =	shalt  }
0x57: {  	_ =	shalt  }
0x58: {  	_ =	shalt  }
0x59: {  	_ =	shalt  }
0x5a: {  	_ =	shalt  }
0x5b: {  	_ =	shalt  }
0x5c: {  	_ =	shalt  }
0x5d: {  	_ =	shalt  }
0x5e: {  	_ =	shalt  }
0x5f: {  	_ =	shalt  }
0x60: {  	_ =	shalt  }
0x61: {  	_ =	shalt  }
0x62: {  	_ =	shalt  }
0x63: {  	_ =	shalt  }
0x64: {  	_ =	shalt  }
0x65: {  	_ =	shalt  }
0x66: {  	_ =	shalt  }
0x67: {  	_ =	shalt  }
0x68: {  	_ =	shalt  }
0x69: {  	_ =	shalt  }
0x6a: {  	_ =	shalt  }
0x6b: {  	_ =	shalt  }
0x6c: {  	_ =	shalt  }
0x6d: {  	_ =	shalt  }
0x6e: {  	_ =	shalt  }
0x6f: {  	_ =	shalt  }
0x70: {  	_ =	shalt  }
0x71: {  	_ =	shalt  }
0x72: {  	_ =	shalt  }
0x73: {  	_ =	shalt  }
0x74: {  	_ =	shalt  }
0x75: {  	_ =	shalt  }
0x76: {  	_ =	shalt  }
0x77: {  	_ =	shalt  }
0x78: {  	_ =	shalt  }
0x79: {  	_ =	shalt  }
0x7a: {  	_ =	shalt  }
0x7b: {  	_ =	shalt  }
0x7c: {  	_ =	shalt  }
0x7d: {  	_ =	shalt  }
0x7e: {  	_ =	shalt  }
0x7f: {  	_ =	shalt  }
0x80: {  	_ =	shalt  }
0x81: {  	_ =	shalt  }
0x82: {  	_ =	shalt  }
0x83: {  	_ =	shalt  }
0x84: {  	_ =	shalt  }
0x85: {  	_ =	shalt  }
0x86: {  	_ =	shalt  }
0x87: {  	_ =	shalt  }
.Lfunc_end0:
.L_simem_size_0:
called_computation_lowered:
.L_overlay_start_0:
0x88: {  	s2 =	sld [smem:$0x3FD9]  }
0x89: {  	s3 =	sld [smem:$0x3FFE];
	_ =	sdelay $0x1  }
0x8a: {  	s1 =	srdreg.scid  }
0x8b: {  	s0 =	sand.u32 $0x1, s1  }
0x8c: {  	s17 =	sshll.u32 s0, $0xA;
	s2 =	sadd.s32 s3, s2  }
0x8d: {  	s2 =	sadd.s32 s2, s17  }
0x8e: {  	[smem:$0x3FC5] =	sst s2  }
0x8f: {  	_ = 	snop  }
0x90: {  	s2 =	sld [smem:$0x3FC8]  }
0x91: {  	s18 =	sld [smem:$0x3FC7]  }
0x92: {  	s4 =	sld [smem:$0x3FD0];
	(tm) =	ssettm $0x1  }
0x93: {  	s5 =	sld [smem:$0x3FFB];
	_ =	sdelay $0x3  }
0x94: {  	_ =	strace s5  }
0x95: {  	s5 =	sld [smem:$0x3FFC];
	_ =	sdelay $0x3  }
0x96: {  	_ =	strace s5  }
0x97: {  	s5 =	sld [smem:$0x3FFD];
	_ =	sdelay $0x3  }
0x98: {  	_ =	strace s5  }
0x99: {  	_ =	strace $0x8FFFFFFF  }
0x9a: {  	s19 =	sld [smem:$0x3FDB];
	_ =	sdelay $0x1  }
0x9b: {  	s6 =	simm.s32 $_scs_section_size  }
0x9c: {  	s7 =	simm.s32 $_size__tile_overlayer_lowered;
	s8 =	simm.s32 $_tile_overlayer_lowered  }
0x9d: {  	s22 =	simm.s32 $0x1BFF;
	s21 =	sshll.u32 s8, $0x1;
	s5 =	sadd.s32 s6, s19  }
0x9e: {  	s9 =	simm.s32 $0x0;
	s20 =	sshll.u32 s7, $0x1;
	s7 =	sadd.s32 s21, s5  }
0x9f: {  	[timem:s9], [sflag:s22] =	dma.local [hbm:s7], s20  }
0xa0: {  	_ =	swait.ge [sflag:s22], s20  }
0xa1: {  	s6 =	ssub.s32 $0x0, s20;
	[sflag:s22] =	ssyncset.done $0x0  }
0xa2: {  	[sflag:s22] =	ssyncadd.s32 s6;
	_ =	sdelay $0x1  }
0xa3: {  	s23 =	simm.s32 $0x1B8B  }
0xa4: {  	_ =	swait.ge [sflag:s23], $0x1  }
0xa5: {  	[sflag:s23] =	ssyncset.done $0x0  }
0xa6: {  	s25 =	simm.s32 $0x1B8E;
	s24 =	sld [smem:$0x3FFE];
	[sflag:s23] =	ssyncadd.s32 $0xFFFFFFFF  }
0xa7: {  	s26 =	simm.s32 $execute0_lowered;
	[smem:$0x3FD2] =	sst s25  }
0xa8: {  	s7 =	sshll.u32 s26, $0x1;
	_ =	strace $0x80000046;
	[dreg:$0x1] =	wrdreg $0xFFFFFFFF  }
0xa9: {  	s28 =	simm.s32 $_size_execute0_lowered;
	s5 =	sadd.s32 s5, s7;
	[dreg:$0x0] =	wrdreg $0x0  }
0xaa: {  	s7 =	sshll.u32 s28, $0x1;
	[dreg:$0x2] =	wrdreg s5  }
0xab: {  	[dreg:$0x3] =	wrdreg s7  }
0xac: {  	[dreg:$0x4] =	wrdreg $0xC0  }
0xad: {  	_ =	task [dreg:s9], $0x5FFFF  }
0xae: {  	[dreg:$0x1] =	wrdreg $0xFFFFFFFF  }
0xaf: {  	[dreg:$0x0] =	wrdreg $0x60  }
0xb0: {  	[dreg:$0x2] =	wrdreg s24  }
0xb1: {  	[dreg:$0x3] =	wrdreg s2  }
0xb2: {  	[dreg:$0x4] =	wrdreg s18  }
0xb3: {  	[dreg:$0x5] =	wrdreg s4  }
0xb4: {  	[dreg:$0x6] =	wrdreg $0x9  }
0xb5: {  	_ =	task.clear_ibuf [dreg:s9], $0x7FFFF;
	_ =	strace $0x90000046  }
0xb6: {  	s29 =	simm.s32 $0x9;
	_ =	strace $0x80000048  }
0xb7: {  	_ =	swait.ge [sflag:s29], $0x1  }
0xb8: {  	[sflag:s29] =	ssyncadd.s32 $0xFFFFFFFF  }
0xb9: {  	_ =	strace $0x90000048  }
0xba: {  	_ =	sfence  }
0xbb: {  	s30 =	sld [smem:$0x0];
	_ =	sdelay $0x2  }
0xbc: {  	s31 =	sshll.u32 s1, $0xD;
	s1 =	sshrl.u32 s1, $0x2  }
0xbd: {  	s3 =	sand.u32 $0x4000, s31;
	s1 =	sadd.s32 s1, s30  }
0xbe: {  	s0 =	sor.u32 s3, s0;
	s1 =	sshll.u32 s1, $0x11  }
0xbf: {  	s0 =	sor.u32 s1, s0  }
0xc0: {  	s0 =	sadd.s32 $0x8F2B, s0  }
0xc1: {  	[sflag:s0] =	ssyncadd.remote.s32 $0x1  }
0xc2: {  	_ =	sfence.sel $0xFFFF  }
0xc3: {  	[dreg:$0x0] =	wrdreg $0xFFFFFFFF;
	(pc) =	sbr.abs _section_cstart, $3  }
0xc4: {  	[dreg:$0x1] =	wrdreg $0xFFFFFFFF  }
0xc5: {  	_ =	task.clear_ibuf [dreg:s9], $0x2FFFF;
	_ =	strace $0x9FFFFFFF  }
0xc6: {  	(tm) =	ssettm $0x7FFFFFFF  }
0xc7: {  	_ =	shalt  }
tec
execute0_lowered:
.L_overlay_start_1:
0x0: {  	(tag) =	ssettag $0x1  }
0x1: {  	s0 =	rddreg [dreg:$0x0]  }
0x2: {  	s2 =	srdreg.scid;
	s4 =	stileid.u32  }
0x3: {  	s1 =	rddreg [dreg:$0x1];
	s2 =	sand.u32 $0x1, s2;
	s5 =	sshll.u32 s4, $0x1  }
0x4: {  	s3 =	rddreg [dreg:$0x2];
	s6 =	sor.u32 s2, s5  }
0x5: {  	s4 =	rddreg [dreg:$0x3];
	s5 =	simm.s32 $0x0;
	s9 =	smul.u32 $0x19000, s6  }
0x6: {  	s7 =	sadd.s32 $0x400, s0;
	s2 =	ssub.s32 $0x2, s2;
	[smem:$0x7FF] =	sst s5  }
0x7: {  	_ =	strace $0x80000047;
	s10 =	sadd.s32 $0x3000, s9;
	[dreg:$0x5] =	wrdreg s9  }
0x8: {  	s12 =	sshrl.u32 s2, $0x1;
	s25 =	sadd.s32 $0x3800, s9;
	[dreg:$0xd] =	wrdreg s10  }
0x9: {  	s0 =	ssub.s32 s2, s12;
	s31 =	sadd.s32 $0x4000, s9;
	[dreg:$0x12] =	wrdreg s25  }
0xa: {  	s8 =	sshrl.u32 s9, $0x3;
	s12 =	sadd.s32 $0x4800, s9;
	[dreg:$0x14] =	wrdreg s31  }
0xb: {  	s0 =	smax.u32 s0, $0x1;
	s13 =	sor.u32 $0x100, s8;
	[dreg:$0x16] =	wrdreg s12  }
0xc: {  	s23 =	sshrl.u32 s10, $0x3;
	s10 =	sadd.s32 s4, s8;
	[smem:$0x7EC] =	sst s0  }
0xd: {  	s14 =	sadd.s32 s1, s13;
	[smem:$0x7FC] =	sst s10  }
0xe: {  	s15 =	sadd.s32 $0x200, s8;
	s2 =	sadd.s32 s3, s13;
	[dreg:$0x6] =	wrdreg s14  }
0xf: {  	s17 =	sadd.s32 $0x300, s8;
	s16 =	sadd.s32 s1, s15;
	[dreg:$0x7] =	wrdreg s2  }
0x10: {  	s19 =	sadd.s32 $0x400, s8;
	s18 =	sadd.s32 s1, s17;
	[dreg:$0x8] =	wrdreg s16  }
0x11: {  	s21 =	sadd.s32 $0x500, s8;
	s20 =	sadd.s32 s1, s19;
	[dreg:$0xa] =	wrdreg s18  }
0x12: {  	s22 =	sadd.s32 s1, s21;
	[dreg:$0xc] =	wrdreg s20  }
0x13: {  	s6 =	sadd.s32 s3, s21;
	[dreg:$0xf] =	wrdreg s22  }
0x14: {  	s26 =	sshrl.u32 s25, $0x3;
	s24 =	sadd.s32 s1, s23;
	[dreg:$0x10] =	wrdreg s6  }
0x15: {  	s11 =	sadd.s32 s1, s26;
	[dreg:$0x11] =	wrdreg s24  }
0x16: {  	s21 =	sadd.s32 s1, s8;
	[dreg:$0x15] =	wrdreg s11  }
0x17: {  	s2 =	sadd.s32 s3, s15;
	[smem:$0x7E4] =	sst s21  }
0x18: {  	s16 =	sadd.s32 $0x5000, s9;
	[dreg:$0x9] =	wrdreg s2  }
0x19: {  	s18 =	sadd.s32 $0x5800, s9;
	[dreg:$0x1b] =	wrdreg s16  }
0x1a: {  	s22 =	sadd.s32 s3, s8;
	[dreg:$0x1d] =	wrdreg s18  }
0x1b: {  	s14 =	sshrl.u32 s12, $0x3;
	s12 =	sadd.s32 $0xFFFFD800, s9;
	[smem:$0x7E5] =	sst s22  }
0x1c: {  	s21 =	sadd.s32 $0x2900, s10;
	[smem:$0x7ED] =	sst s12  }
0x1d: {  	s6 =	sshrl.u32 s31, $0x3;
	s2 =	sadd.s32 s3, s17;
	[smem:$0x7F6] =	sst s21  }
0x1e: {  	s13 =	sadd.s32 s1, s6;
	[dreg:$0xb] =	wrdreg s2  }
0x1f: {  	s6 =	sadd.s32 s3, s6;
	[dreg:$0x18] =	wrdreg s13  }
0x20: {  	s24 =	sadd.s32 $0x3100, s8;
	s15 =	sadd.s32 s1, s14;
	[dreg:$0x19] =	wrdreg s6  }
0x21: {  	s31 =	sadd.s32 s1, s24;
	[dreg:$0x1a] =	wrdreg s15  }
0x22: {  	s11 =	sadd.s32 s4, s24;
	[smem:$0x7E9] =	sst s31  }
0x23: {  	s17 =	sshrl.u32 s16, $0x3;
	s16 =	sadd.s32 $0xFFFFF800, s9;
	[smem:$0x7EB] =	sst s11  }
0x24: {  	s20 =	sshrl.u32 s18, $0x3;
	s18 =	sadd.s32 $0x2600, s10;
	[smem:$0x7F1] =	sst s16  }
0x25: {  	s22 =	sadd.s32 $0x2A00, s10;
	[smem:$0x7F3] =	sst s18  }
0x26: {  	s2 =	sadd.s32 s3, s19;
	[smem:$0x7F7] =	sst s22  }
0x27: {  	s19 =	sadd.s32 s1, s17;
	[dreg:$0xe] =	wrdreg s2  }
0x28: {  	s6 =	sadd.s32 s1, s20;
	[dreg:$0x1e] =	wrdreg s19  }
0x29: {  	s30 =	simm.s32 $0xA;
	s13 =	sadd.s32 $0xFFFFE000, s9;
	[smem:$0x7E2] =	sst s6  }
0x2a: {  	s28 =	simm.s32 $0xC;
	s15 =	sadd.s32 $0xFFFFF000, s9;
	[smem:$0x7EE] =	sst s13  }
0x2b: {  	s29 =	simm.s32 $0x12;
	s31 =	sadd.s32 $0x2F00, s10;
	[smem:$0x7F0] =	sst s15  }
0x2c: {  	s0 =	simm.s32 $0x6;
	s2 =	sadd.s32 s3, s23;
	[smem:$0x7FD] =	sst s31  }
0x2d: {  	s23 =	sadd.s32 $0x3000, s8;
	s8 =	sadd.s32 s3, s24;
	[dreg:$0x13] =	wrdreg s2  }
0x2e: {  	s18 =	simm.s32 $0x1;
	s19 =	sadd.s32 $0x2700, s10;
	[smem:$0x7EA] =	sst s8  }
0x2f: {  	s11 =	simm.s32 $0x3;
	s24 =	sadd.s32 $0x2C00, s10;
	[smem:$0x7F4] =	sst s19  }
0x30: {  	s16 =	simm.s32 $0x4;
	s2 =	sadd.s32 s3, s26;
	[smem:$0x7F9] =	sst s24  }
0x31: {  	s22 =	simm.s32 $0x9;
	s25 =	sadd.s32 s1, s23;
	[dreg:$0x17] =	wrdreg s2  }
0x32: {  	s15 =	simm.s32 $0xD;
	s26 =	sadd.s32 s3, s23;
	[smem:$0x7E6] =	sst s25  }
0x33: {  	s6 =	simm.s32 $0x8;
	s2 =	sadd.s32 s3, s14;
	[smem:$0x7E7] =	sst s26  }
0x34: {  	s13 =	simm.s32 $0x0;
	s14 =	sadd.s32 $0xFFFFE800, s9;
	[dreg:$0x1c] =	wrdreg s2  }
0x35: {  	s8 =	simm.s32 $0x2;
	s25 =	sadd.s32 $0x2D00, s10;
	[smem:$0x7EF] =	sst s14  }
0x36: {  	s24 =	simm.s32 $0xF;
	s26 =	sadd.s32 $0x2E00, s10;
	[smem:$0x7FA] =	sst s25  }
0x37: {  	s9 =	simm.s32 $0x7;
	s2 =	sadd.s32 s3, s17;
	[smem:$0x7FB] =	sst s26  }
0x38: {  	s17 =	sadd.s32 $0x2500, s10;
	s25 =	simm.s32 $0xB;
	[dreg:$0x1f] =	wrdreg s2  }
0x39: {  	s26 =	simm.s32 $0x11;
	s2 =	sadd.s32 s3, s20;
	[smem:$0x7F2] =	sst s17  }
0x3a: {  	s20 =	sadd.s32 $0x2800, s10;
	s17 =	simm.s32 $0x5;
	[smem:$0x7E3] =	sst s2  }
0x3b: {  	s2 =	sadd.s32 s4, s23;
	[smem:$0x7F5] =	sst s20;
	s23 =	sadd.s32 $0x2B00, s10  }
0x3c: {  	s10 =	simm.s32 $0x9800;
	s20 =	simm.s32 $0xE;
	[smem:$0x7E8] =	sst s2  }
0x3d: {  	[smem:$0x7F8] =	sst s23;
	s23 =	simm.s32 $0x800;
	s2 =	simm.s32 $0x10  }
.LBB2_1:
0x3e: {  	s12 =	sld [smem:$0x7E4]  }
0x3f: {  	[smem:$0x7E1] =	sst s13  }
0x40: {  	s13 =	sld [smem:$0x7E5]  }
0x41: {  	[tilespmem:s5], [sflag:$0x1] =	stream.linear.gather [hbm4b:s12+s5], $0x800, $0x38;
	[tilespmem:$0xC000] =	vst v63  }
0x42: {  	s14 =	simm.s32 $0x3000  }
0x43: {  	[tilespmem:s14], [sflag:$0x1] =	stream.linear.gather [hbm4b:s13+s5], $0x800, $0x38;
	[tilespmem:$0xC000] =	vst v63  }
0x44: {  	s19 =	rddreg [dreg:$0x6]  }
0x45: {  	[tilespmem:s23], [sflag:$0x2] =	stream.linear.gather [hbm4b:s19+s5], $0x800, $0x38;
	[tilespmem:$0xC000] =	vst v63  }
0x46: {  	s21 =	rddreg [dreg:$0x7];
	s31 =	simm.s32 $0x3800  }
0x47: {  	[tilespmem:s31], [sflag:$0x2] =	stream.linear.gather [hbm4b:s21+s5], $0x800, $0x38;
	[tilespmem:$0xC000] =	vst v63  }
0x48: {  	s14 =	rddreg [dreg:$0x8];
	s19 =	simm.s32 $0x1000  }
0x49: {  	[tilespmem:s19], [sflag:$0x3] =	stream.linear.gather [hbm4b:s14+s5], $0x800, $0x38;
	[tilespmem:$0xC000] =	vst v63  }
0x4a: {  	s21 =	rddreg [dreg:$0x9];
	s31 =	simm.s32 $0x4000  }
0x4b: {  	[tilespmem:s31], [sflag:$0x3] =	stream.linear.gather [hbm4b:s21+s5], $0x800, $0x38;
	[tilespmem:$0xC000] =	vst v63  }
0x4c: {  	s14 =	rddreg [dreg:$0xa];
	s19 =	simm.s32 $0x1800  }
0x4d: {  	[tilespmem:s19], [sflag:$0x4] =	stream.linear.gather [hbm4b:s14+s5], $0x800, $0x38;
	[tilespmem:$0xC000] =	vst v63  }
0x4e: {  	s21 =	rddreg [dreg:$0xb];
	s31 =	simm.s32 $0x4800  }
0x4f: {  	[tilespmem:s31], [sflag:$0x4] =	stream.linear.gather [hbm4b:s21+s5], $0x800, $0x38;
	[tilespmem:$0xC000] =	vst v63  }
0x50: {  	s14 =	rddreg [dreg:$0xc];
	s19 =	simm.s32 $0x2000  }
0x51: {  	[tilespmem:s19], [sflag:$0x5] =	stream.linear.gather [hbm4b:s14+s5], $0x800, $0x38;
	[tilespmem:$0xC000] =	vst v63  }
0x52: {  	s21 =	rddreg [dreg:$0xe];
	s31 =	simm.s32 $0x5000  }
0x53: {  	[tilespmem:s31], [sflag:$0x5] =	stream.linear.gather [hbm4b:s21+s5], $0x800, $0x38;
	[tilespmem:$0xC000] =	vst v63  }
0x54: {  	s13 =	rddreg [dreg:$0xf];
	s14 =	simm.s32 $0x2800  }
0x55: {  	[tilespmem:s14], [sflag:$0x6] =	stream.linear.gather [hbm4b:s13+s5], $0x800, $0x38;
	[tilespmem:$0xC000] =	vst v63  }
0x56: {  	s19 =	rddreg [dreg:$0x10];
	s21 =	simm.s32 $0x5800  }
0x57: {  	[tilespmem:s21], [sflag:$0x6] =	stream.linear.gather [hbm4b:s19+s5], $0x800, $0x38;
	[tilespmem:$0xC000] =	vst v63  }
0x58: {  	_ =	swait.ge [sflag:s18], $0x800  }
0x59: {  	[sflag:s18] =	ssyncset.done $0x0  }
0x5a: {  	[sflag:s18] =	ssyncadd.s32 $0xFFFFF800  }
0x5b: {  	_ =	swait.ge [sflag:s18], $0x800  }
0x5c: {  	[sflag:s18] =	ssyncset.done $0x0  }
0x5d: {  	s31 =	simm.s32 $0x20;
	[sflag:s18] =	ssyncadd.s32 $0xFFFFF800  }
0x5e: {  	v0 =	vld [tilespmem:s31+$0xFFFFFFE0]  }
0x5f: {  	s14 =	simm.s32 $0x3020  }
0x60: {  	v1 =	vld [tilespmem:s14+$0xFFFFFFE0];
	_ =	sdelay $0x2  }
0x61: {  	v0 =	vmul.u32 $0x186A0, v0;
	_ =	sdelay $0x1  }
0x62: {  	s12 =	simm.s32 $0x6020;
	v0 =	vadd.s32 v1, v0  }
0x63: {  	[tilespmem:s12+$0xFFFFFFE0] =	vst v0  }
0x64: {  	v0 =	vld [tilespmem:s31+$0xFFFFFFF0];
	_ =	sdelay $0x1  }
0x65: {  	v61 =	vld [tilespmem:s14+$0xFFFFFFF0];
	_ =	sdelay $0x2  }
0x66: {  	v0 =	vmul.u32 $0x186A0, v0;
	_ =	sdelay $0x1  }
0x67: {  	v0 =	vadd.s32 v61, v0  }
0x68: {  	[tilespmem:s12+$0xFFFFFFF0] =	vst v0  }
0x69: {  	v0 =	vld [tilespmem:s31+$0x0];
	_ =	sdelay $0x1  }
0x6a: {  	v62 =	vld [tilespmem:s14+$0x0];
	_ =	sdelay $0x2  }
0x6b: {  	v0 =	vmul.u32 $0x186A0, v0;
	_ =	sdelay $0x1  }
0x6c: {  	v0 =	vadd.s32 v62, v0  }
0x6d: {  	[tilespmem:s12+$0x0] =	vst v0  }
0x6e: {  	v0 =	vld [tilespmem:s31+$0x10];
	_ =	sdelay $0x1  }
0x6f: {  	v63 =	vld [tilespmem:s14+$0x10];
	_ =	sdelay $0x2  }
0x70: {  	v0 =	vmul.u32 $0x186A0, v0;
	_ =	sdelay $0x1  }
0x71: {  	v0 =	vadd.s32 v63, v0  }
0x72: {  	s21 =	simm.s32 $0x0;
	s19 =	simm.s32 $0x60;
	[tilespmem:s12+$0x10] =	vst v0  }
.LBB2_2:
0x73: {  	v0 =	vld [tilespmem:s19+$0xFFFFFFE0];
	s21 =	sadd.s32 $0x4, s21;
	s14 =	sadd.s32 $0x40, s14  }
0x74: {  	v1 =	vld [tilespmem:s14+$0xFFFFFFE0];
	p0 =	slt.u32 s21, $0x7C;
	_ =	sdelay $0x3  }
0x75: {  	v0 =	vmul.u32 $0x186A0, v0;
	_ =	sdelay $0x1  }
0x76: {  	s12 =	sadd.s32 $0x40, s12;
	v0 =	vadd.s32 v1, v0  }
0x77: {  	[tilespmem:s12+$0xFFFFFFE0] =	vst v0  }
0x78: {  	v0 =	vld [tilespmem:s19+$0xFFFFFFF0];
	_ =	sdelay $0x1  }
0x79: {  	v1 =	vld [tilespmem:s14+$0xFFFFFFF0];
	_ =	sdelay $0x2  }
0x7a: {  	v0 =	vmul.u32 $0x186A0, v0;
	_ =	sdelay $0x1  }
0x7b: {  	v0 =	vadd.s32 v1, v0  }
0x7c: {  	[tilespmem:s12+$0xFFFFFFF0] =	vst v0  }
0x7d: {  	v0 =	vld [tilespmem:s19+$0x0];
	_ =	sdelay $0x1  }
0x7e: {  	v1 =	vld [tilespmem:s14+$0x0];
	_ =	sdelay $0x2  }
0x7f: {  	v0 =	vmul.u32 $0x186A0, v0;
	_ =	sdelay $0x1  }
0x80: {  	v0 =	vadd.s32 v1, v0  }
0x81: {  	[tilespmem:s12+$0x0] =	vst v0  }
0x82: {  	v0 =	vld [tilespmem:s19+$0x10]  }
0x83: {  	v1 =	vld [tilespmem:s14+$0x10];
	_ =	sdelay $0x2  }
.Ltmp0:
0x84: {  	(pc) =	sbr.rel @p0 .LBB2_2-.Ltmp0, $3  }
0x85: {  	v0 =	vmul.u32 $0x186A0, v0;
	_ =	sdelay $0x1  }
0x86: {  	v0 =	vadd.s32 v1, v0  }
0x87: {  	s19 =	sadd.s32 $0x40, s19;
	[tilespmem:s12+$0x10] =	vst v0  }
0x88: {  	s12 =	simm.s32 $0x6000;
	s13 =	simm.s32 $0x9000  }
0x89: {  	[tilespmem:s13], [sflag:$0x7] =	stream.indirect.gather [hbm4b:s7+s23], $0x1, s12, s23, $0xb8;
	[tilespmem:$0xC000] =	vst v63  }
0x8a: {  	s14 =	rddreg [dreg:$0x11]  }
0x8b: {  	[tilespmem:s5], [sflag:$0x1] =	stream.linear.gather [hbm4b:s14+s5], $0x800, $0x38;
	[tilespmem:$0xC000] =	vst v63  }
0x8c: {  	s19 =	rddreg [dreg:$0x13];
	s21 =	simm.s32 $0x3000  }
0x8d: {  	[tilespmem:s21], [sflag:$0x1] =	stream.linear.gather [hbm4b:s19+s5], $0x800, $0x38;
	[tilespmem:$0xC000] =	vst v63  }
0x8e: {  	_ =	swait.ge [sflag:s8], $0x800  }
0x8f: {  	[sflag:s8] =	ssyncset.done $0x0  }
0x90: {  	[sflag:s8] =	ssyncadd.s32 $0xFFFFF800  }
0x91: {  	_ =	swait.ge [sflag:s8], $0x800  }
0x92: {  	[sflag:s8] =	ssyncset.done $0x0  }
0x93: {  	s31 =	simm.s32 $0x820;
	[sflag:s8] =	ssyncadd.s32 $0xFFFFF800  }
0x94: {  	v0 =	vld [tilespmem:s31+$0xFFFFFFE0]  }
0x95: {  	s14 =	simm.s32 $0x3820  }
0x96: {  	v1 =	vld [tilespmem:s14+$0xFFFFFFE0];
	_ =	sdelay $0x2  }
0x97: {  	v0 =	vmul.u32 $0x186A0, v0;
	_ =	sdelay $0x1  }
0x98: {  	s12 =	simm.s32 $0x6820;
	v0 =	vadd.s32 v1, v0  }
0x99: {  	[tilespmem:s12+$0xFFFFFFE0] =	vst v0  }
0x9a: {  	v0 =	vld [tilespmem:s31+$0xFFFFFFF0];
	_ =	sdelay $0x1  }
0x9b: {  	v61 =	vld [tilespmem:s14+$0xFFFFFFF0];
	_ =	sdelay $0x2  }
0x9c: {  	v0 =	vmul.u32 $0x186A0, v0;
	_ =	sdelay $0x1  }
0x9d: {  	v0 =	vadd.s32 v61, v0  }
0x9e: {  	[tilespmem:s12+$0xFFFFFFF0] =	vst v0  }
0x9f: {  	v0 =	vld [tilespmem:s31+$0x0];
	_ =	sdelay $0x1  }
0xa0: {  	v62 =	vld [tilespmem:s14+$0x0];
	_ =	sdelay $0x2  }
0xa1: {  	v0 =	vmul.u32 $0x186A0, v0;
	_ =	sdelay $0x1  }
0xa2: {  	v0 =	vadd.s32 v62, v0  }
0xa3: {  	[tilespmem:s12+$0x0] =	vst v0  }
0xa4: {  	v0 =	vld [tilespmem:s31+$0x10];
	_ =	sdelay $0x1  }
0xa5: {  	v63 =	vld [tilespmem:s14+$0x10];
	_ =	sdelay $0x2  }
0xa6: {  	v0 =	vmul.u32 $0x186A0, v0;
	_ =	sdelay $0x1  }
0xa7: {  	v0 =	vadd.s32 v63, v0  }
0xa8: {  	s21 =	simm.s32 $0x0;
	s19 =	simm.s32 $0x860;
	[tilespmem:s12+$0x10] =	vst v0  }
.LBB2_4:
0xa9: {  	v0 =	vld [tilespmem:s19+$0xFFFFFFE0];
	s21 =	sadd.s32 $0x4, s21;
	s14 =	sadd.s32 $0x40, s14  }
0xaa: {  	v1 =	vld [tilespmem:s14+$0xFFFFFFE0];
	p0 =	slt.u32 s21, $0x7C;
	_ =	sdelay $0x3  }
0xab: {  	v0 =	vmul.u32 $0x186A0, v0;
	_ =	sdelay $0x1  }
0xac: {  	s12 =	sadd.s32 $0x40, s12;
	v0 =	vadd.s32 v1, v0  }
0xad: {  	[tilespmem:s12+$0xFFFFFFE0] =	vst v0  }
0xae: {  	v0 =	vld [tilespmem:s19+$0xFFFFFFF0];
	_ =	sdelay $0x1  }
0xaf: {  	v1 =	vld [tilespmem:s14+$0xFFFFFFF0];
	_ =	sdelay $0x2  }
0xb0: {  	v0 =	vmul.u32 $0x186A0, v0;
	_ =	sdelay $0x1  }
0xb1: {  	v0 =	vadd.s32 v1, v0  }
0xb2: {  	[tilespmem:s12+$0xFFFFFFF0] =	vst v0  }
0xb3: {  	v0 =	vld [tilespmem:s19+$0x0];
	_ =	sdelay $0x1  }
0xb4: {  	v1 =	vld [tilespmem:s14+$0x0];
	_ =	sdelay $0x2  }
0xb5: {  	v0 =	vmul.u32 $0x186A0, v0;
	_ =	sdelay $0x1  }
0xb6: {  	v0 =	vadd.s32 v1, v0  }
0xb7: {  	[tilespmem:s12+$0x0] =	vst v0  }
0xb8: {  	v0 =	vld [tilespmem:s19+$0x10]  }
0xb9: {  	v1 =	vld [tilespmem:s14+$0x10];
	_ =	sdelay $0x2  }
.Ltmp1:
0xba: {  	(pc) =	sbr.rel @p0 .LBB2_4-.Ltmp1, $3  }
0xbb: {  	v0 =	vmul.u32 $0x186A0, v0;
	_ =	sdelay $0x1  }
0xbc: {  	v0 =	vadd.s32 v1, v0  }
0xbd: {  	s19 =	sadd.s32 $0x40, s19;
	[tilespmem:s12+$0x10] =	vst v0  }
0xbe: {  	s12 =	simm.s32 $0x6800  }
0xbf: {  	[tilespmem:s10], [sflag:$0x8] =	stream.indirect.gather [hbm4b:s7+s23], $0x1, s12, s23, $0xb8;
	[tilespmem:$0xC000] =	vst v63  }
0xc0: {  	s19 =	rddreg [dreg:$0x15]  }
0xc1: {  	[tilespmem:s23], [sflag:$0x2] =	stream.linear.gather [hbm4b:s19+s5], $0x800, $0x38;
	[tilespmem:$0xC000] =	vst v63  }
0xc2: {  	s21 =	rddreg [dreg:$0x17];
	s13 =	simm.s32 $0x3800  }
0xc3: {  	[tilespmem:s13], [sflag:$0x2] =	stream.linear.gather [hbm4b:s21+s5], $0x800, $0x38;
	[tilespmem:$0xC000] =	vst v63  }
0xc4: {  	_ =	swait.ge [sflag:s11], $0x800  }
0xc5: {  	[sflag:s11] =	ssyncset.done $0x0  }
0xc6: {  	[sflag:s11] =	ssyncadd.s32 $0xFFFFF800  }
0xc7: {  	_ =	swait.ge [sflag:s11], $0x800  }
0xc8: {  	[sflag:s11] =	ssyncset.done $0x0  }
0xc9: {  	s31 =	simm.s32 $0x1020;
	[sflag:s11] =	ssyncadd.s32 $0xFFFFF800  }
0xca: {  	v0 =	vld [tilespmem:s31+$0xFFFFFFE0]  }
0xcb: {  	s14 =	simm.s32 $0x4020  }
0xcc: {  	v1 =	vld [tilespmem:s14+$0xFFFFFFE0];
	_ =	sdelay $0x2  }
0xcd: {  	v0 =	vmul.u32 $0x186A0, v0;
	_ =	sdelay $0x1  }
0xce: {  	s12 =	simm.s32 $0x7020;
	v0 =	vadd.s32 v1, v0  }
0xcf: {  	[tilespmem:s12+$0xFFFFFFE0] =	vst v0  }
0xd0: {  	v0 =	vld [tilespmem:s31+$0xFFFFFFF0];
	_ =	sdelay $0x1  }
0xd1: {  	v61 =	vld [tilespmem:s14+$0xFFFFFFF0];
	_ =	sdelay $0x2  }
0xd2: {  	v0 =	vmul.u32 $0x186A0, v0;
	_ =	sdelay $0x1  }
0xd3: {  	v0 =	vadd.s32 v61, v0  }
0xd4: {  	[tilespmem:s12+$0xFFFFFFF0] =	vst v0  }
0xd5: {  	v0 =	vld [tilespmem:s31+$0x0];
	_ =	sdelay $0x1  }
0xd6: {  	v62 =	vld [tilespmem:s14+$0x0];
	_ =	sdelay $0x2  }
0xd7: {  	v0 =	vmul.u32 $0x186A0, v0;
	_ =	sdelay $0x1  }
0xd8: {  	v0 =	vadd.s32 v62, v0  }
0xd9: {  	[tilespmem:s12+$0x0] =	vst v0  }
0xda: {  	v0 =	vld [tilespmem:s31+$0x10];
	_ =	sdelay $0x1  }
0xdb: {  	v63 =	vld [tilespmem:s14+$0x10];
	_ =	sdelay $0x2  }
0xdc: {  	v0 =	vmul.u32 $0x186A0, v0;
	_ =	sdelay $0x1  }
0xdd: {  	v0 =	vadd.s32 v63, v0  }
0xde: {  	s19 =	simm.s32 $0x1060;
	s21 =	simm.s32 $0x0;
	[tilespmem:s12+$0x10] =	vst v0  }
.LBB2_6:
0xdf: {  	v0 =	vld [tilespmem:s19+$0xFFFFFFE0];
	s21 =	sadd.s32 $0x4, s21;
	s14 =	sadd.s32 $0x40, s14  }
0xe0: {  	v1 =	vld [tilespmem:s14+$0xFFFFFFE0];
	p0 =	slt.u32 s21, $0x7C;
	_ =	sdelay $0x3  }
0xe1: {  	v0 =	vmul.u32 $0x186A0, v0;
	_ =	sdelay $0x1  }
0xe2: {  	s12 =	sadd.s32 $0x40, s12;
	v0 =	vadd.s32 v1, v0  }
0xe3: {  	[tilespmem:s12+$0xFFFFFFE0] =	vst v0  }
0xe4: {  	v0 =	vld [tilespmem:s19+$0xFFFFFFF0];
	_ =	sdelay $0x1  }
0xe5: {  	v1 =	vld [tilespmem:s14+$0xFFFFFFF0];
	_ =	sdelay $0x2  }
0xe6: {  	v0 =	vmul.u32 $0x186A0, v0;
	_ =	sdelay $0x1  }
0xe7: {  	v0 =	vadd.s32 v1, v0  }
0xe8: {  	[tilespmem:s12+$0xFFFFFFF0] =	vst v0  }
0xe9: {  	v0 =	vld [tilespmem:s19+$0x0];
	_ =	sdelay $0x1  }
0xea: {  	v1 =	vld [tilespmem:s14+$0x0];
	_ =	sdelay $0x2  }
0xeb: {  	v0 =	vmul.u32 $0x186A0, v0;
	_ =	sdelay $0x1  }
0xec: {  	v0 =	vadd.s32 v1, v0  }
0xed: {  	[tilespmem:s12+$0x0] =	vst v0  }
0xee: {  	v0 =	vld [tilespmem:s19+$0x10]  }
0xef: {  	v1 =	vld [tilespmem:s14+$0x10];
	_ =	sdelay $0x2  }
.Ltmp2:
0xf0: {  	(pc) =	sbr.rel @p0 .LBB2_6-.Ltmp2, $3  }
0xf1: {  	v0 =	vmul.u32 $0x186A0, v0;
	_ =	sdelay $0x1  }
0xf2: {  	v0 =	vadd.s32 v1, v0  }
0xf3: {  	s19 =	sadd.s32 $0x40, s19;
	[tilespmem:s12+$0x10] =	vst v0  }
0xf4: {  	s12 =	simm.s32 $0x7000;
	s13 =	simm.s32 $0xA000  }
0xf5: {  	[tilespmem:s13], [sflag:$0x9] =	stream.indirect.gather [hbm4b:s7+s23], $0x1, s12, s23, $0xb8;
	[tilespmem:$0xC000] =	vst v63  }
0xf6: {  	s14 =	simm.s32 $0x1000;
	s13 =	rddreg [dreg:$0x18]  }
0xf7: {  	[tilespmem:s14], [sflag:$0x3] =	stream.linear.gather [hbm4b:s13+s5], $0x800, $0x38;
	[tilespmem:$0xC000] =	vst v63  }
0xf8: {  	s19 =	rddreg [dreg:$0x19];
	s21 =	simm.s32 $0x4000  }
0xf9: {  	[tilespmem:s21], [sflag:$0x3] =	stream.linear.gather [hbm4b:s19+s5], $0x800, $0x38;
	[tilespmem:$0xC000] =	vst v63  }
0xfa: {  	_ =	swait.ge [sflag:s16], $0x800  }
0xfb: {  	[sflag:s16] =	ssyncset.done $0x0  }
0xfc: {  	[sflag:s16] =	ssyncadd.s32 $0xFFFFF800  }
0xfd: {  	_ =	swait.ge [sflag:s16], $0x800  }
0xfe: {  	[sflag:s16] =	ssyncset.done $0x0  }
0xff: {  	s31 =	simm.s32 $0x1820;
	[sflag:s16] =	ssyncadd.s32 $0xFFFFF800  }
0x100: {  	v0 =	vld [tilespmem:s31+$0xFFFFFFE0]  }
0x101: {  	s14 =	simm.s32 $0x4820  }
0x102: {  	v1 =	vld [tilespmem:s14+$0xFFFFFFE0];
	_ =	sdelay $0x2  }
0x103: {  	v0 =	vmul.u32 $0x186A0, v0;
	_ =	sdelay $0x1  }
0x104: {  	s12 =	simm.s32 $0x7820;
	v0 =	vadd.s32 v1, v0  }
0x105: {  	[tilespmem:s12+$0xFFFFFFE0] =	vst v0  }
0x106: {  	v0 =	vld [tilespmem:s31+$0xFFFFFFF0];
	_ =	sdelay $0x1  }
0x107: {  	v61 =	vld [tilespmem:s14+$0xFFFFFFF0];
	_ =	sdelay $0x2  }
0x108: {  	v0 =	vmul.u32 $0x186A0, v0;
	_ =	sdelay $0x1  }
0x109: {  	v0 =	vadd.s32 v61, v0  }
0x10a: {  	[tilespmem:s12+$0xFFFFFFF0] =	vst v0  }
0x10b: {  	v0 =	vld [tilespmem:s31+$0x0];
	_ =	sdelay $0x1  }
0x10c: {  	v62 =	vld [tilespmem:s14+$0x0];
	_ =	sdelay $0x2  }
0x10d: {  	v0 =	vmul.u32 $0x186A0, v0;
	_ =	sdelay $0x1  }
0x10e: {  	v0 =	vadd.s32 v62, v0  }
0x10f: {  	[tilespmem:s12+$0x0] =	vst v0  }
0x110: {  	v0 =	vld [tilespmem:s31+$0x10];
	_ =	sdelay $0x1  }
0x111: {  	v63 =	vld [tilespmem:s14+$0x10];
	_ =	sdelay $0x2  }
0x112: {  	v0 =	vmul.u32 $0x186A0, v0;
	_ =	sdelay $0x1  }
0x113: {  	v0 =	vadd.s32 v63, v0  }
0x114: {  	s21 =	simm.s32 $0x0;
	s19 =	simm.s32 $0x1860;
	[tilespmem:s12+$0x10] =	vst v0  }
.LBB2_8:
0x115: {  	v0 =	vld [tilespmem:s19+$0xFFFFFFE0];
	s21 =	sadd.s32 $0x4, s21;
	s14 =	sadd.s32 $0x40, s14  }
0x116: {  	v1 =	vld [tilespmem:s14+$0xFFFFFFE0];
	p0 =	slt.u32 s21, $0x7C;
	_ =	sdelay $0x3  }
0x117: {  	v0 =	vmul.u32 $0x186A0, v0;
	_ =	sdelay $0x1  }
0x118: {  	s12 =	sadd.s32 $0x40, s12;
	v0 =	vadd.s32 v1, v0  }
0x119: {  	[tilespmem:s12+$0xFFFFFFE0] =	vst v0  }
0x11a: {  	v0 =	vld [tilespmem:s19+$0xFFFFFFF0];
	_ =	sdelay $0x1  }
0x11b: {  	v1 =	vld [tilespmem:s14+$0xFFFFFFF0];
	_ =	sdelay $0x2  }
0x11c: {  	v0 =	vmul.u32 $0x186A0, v0;
	_ =	sdelay $0x1  }
0x11d: {  	v0 =	vadd.s32 v1, v0  }
0x11e: {  	[tilespmem:s12+$0xFFFFFFF0] =	vst v0  }
0x11f: {  	v0 =	vld [tilespmem:s19+$0x0];
	_ =	sdelay $0x1  }
0x120: {  	v1 =	vld [tilespmem:s14+$0x0];
	_ =	sdelay $0x2  }
0x121: {  	v0 =	vmul.u32 $0x186A0, v0;
	_ =	sdelay $0x1  }
0x122: {  	v0 =	vadd.s32 v1, v0  }
0x123: {  	[tilespmem:s12+$0x0] =	vst v0  }
0x124: {  	v0 =	vld [tilespmem:s19+$0x10]  }
0x125: {  	v1 =	vld [tilespmem:s14+$0x10];
	_ =	sdelay $0x2  }
.Ltmp3:
0x126: {  	(pc) =	sbr.rel @p0 .LBB2_8-.Ltmp3, $3  }
0x127: {  	v0 =	vmul.u32 $0x186A0, v0;
	_ =	sdelay $0x1  }
0x128: {  	v0 =	vadd.s32 v1, v0  }
0x129: {  	s19 =	sadd.s32 $0x40, s19;
	[tilespmem:s12+$0x10] =	vst v0  }
0x12a: {  	s12 =	simm.s32 $0x7800;
	s13 =	simm.s32 $0xA800  }
0x12b: {  	[tilespmem:s13], [sflag:$0xA] =	stream.indirect.gather [hbm4b:s7+s23], $0x1, s12, s23, $0xb8;
	[tilespmem:$0xC000] =	vst v63  }
0x12c: {  	s14 =	simm.s32 $0x1800;
	s13 =	rddreg [dreg:$0x1a]  }
0x12d: {  	[tilespmem:s14], [sflag:$0x4] =	stream.linear.gather [hbm4b:s13+s5], $0x800, $0x38;
	[tilespmem:$0xC000] =	vst v63  }
0x12e: {  	s19 =	rddreg [dreg:$0x1c];
	s21 =	simm.s32 $0x4800  }
0x12f: {  	[tilespmem:s21], [sflag:$0x4] =	stream.linear.gather [hbm4b:s19+s5], $0x800, $0x38;
	[tilespmem:$0xC000] =	vst v63  }
0x130: {  	_ =	swait.ge [sflag:s17], $0x800  }
0x131: {  	[sflag:s17] =	ssyncset.done $0x0  }
0x132: {  	[sflag:s17] =	ssyncadd.s32 $0xFFFFF800  }
0x133: {  	_ =	swait.ge [sflag:s17], $0x800  }
0x134: {  	[sflag:s17] =	ssyncset.done $0x0  }
0x135: {  	s31 =	simm.s32 $0x2020;
	[sflag:s17] =	ssyncadd.s32 $0xFFFFF800  }
0x136: {  	v0 =	vld [tilespmem:s31+$0xFFFFFFE0]  }
0x137: {  	s14 =	simm.s32 $0x5020  }
0x138: {  	v1 =	vld [tilespmem:s14+$0xFFFFFFE0];
	_ =	sdelay $0x2  }
0x139: {  	v0 =	vmul.u32 $0x186A0, v0;
	_ =	sdelay $0x1  }
0x13a: {  	s12 =	simm.s32 $0x8020;
	v0 =	vadd.s32 v1, v0  }
0x13b: {  	[tilespmem:s12+$0xFFFFFFE0] =	vst v0  }
0x13c: {  	v0 =	vld [tilespmem:s31+$0xFFFFFFF0];
	_ =	sdelay $0x1  }
0x13d: {  	v61 =	vld [tilespmem:s14+$0xFFFFFFF0];
	_ =	sdelay $0x2  }
0x13e: {  	v0 =	vmul.u32 $0x186A0, v0;
	_ =	sdelay $0x1  }
0x13f: {  	v0 =	vadd.s32 v61, v0  }
0x140: {  	[tilespmem:s12+$0xFFFFFFF0] =	vst v0  }
0x141: {  	v0 =	vld [tilespmem:s31+$0x0];
	_ =	sdelay $0x1  }
0x142: {  	v62 =	vld [tilespmem:s14+$0x0];
	_ =	sdelay $0x2  }
0x143: {  	v0 =	vmul.u32 $0x186A0, v0;
	_ =	sdelay $0x1  }
0x144: {  	v0 =	vadd.s32 v62, v0  }
0x145: {  	[tilespmem:s12+$0x0] =	vst v0  }
0x146: {  	v0 =	vld [tilespmem:s31+$0x10];
	_ =	sdelay $0x1  }
0x147: {  	v63 =	vld [tilespmem:s14+$0x10];
	_ =	sdelay $0x2  }
0x148: {  	v0 =	vmul.u32 $0x186A0, v0;
	_ =	sdelay $0x1  }
0x149: {  	v0 =	vadd.s32 v63, v0  }
0x14a: {  	s21 =	simm.s32 $0x0;
	s19 =	simm.s32 $0x2060;
	[tilespmem:s12+$0x10] =	vst v0  }
.LBB2_10:
0x14b: {  	v0 =	vld [tilespmem:s19+$0xFFFFFFE0];
	s21 =	sadd.s32 $0x4, s21;
	s14 =	sadd.s32 $0x40, s14  }
0x14c: {  	v1 =	vld [tilespmem:s14+$0xFFFFFFE0];
	p0 =	slt.u32 s21, $0x7C;
	_ =	sdelay $0x3  }
0x14d: {  	v0 =	vmul.u32 $0x186A0, v0;
	_ =	sdelay $0x1  }
0x14e: {  	s12 =	sadd.s32 $0x40, s12;
	v0 =	vadd.s32 v1, v0  }
0x14f: {  	[tilespmem:s12+$0xFFFFFFE0] =	vst v0  }
0x150: {  	v0 =	vld [tilespmem:s19+$0xFFFFFFF0];
	_ =	sdelay $0x1  }
0x151: {  	v1 =	vld [tilespmem:s14+$0xFFFFFFF0];
	_ =	sdelay $0x2  }
0x152: {  	v0 =	vmul.u32 $0x186A0, v0;
	_ =	sdelay $0x1  }
0x153: {  	v0 =	vadd.s32 v1, v0  }
0x154: {  	[tilespmem:s12+$0xFFFFFFF0] =	vst v0  }
0x155: {  	v0 =	vld [tilespmem:s19+$0x0];
	_ =	sdelay $0x1  }
0x156: {  	v1 =	vld [tilespmem:s14+$0x0];
	_ =	sdelay $0x2  }
0x157: {  	v0 =	vmul.u32 $0x186A0, v0;
	_ =	sdelay $0x1  }
0x158: {  	v0 =	vadd.s32 v1, v0  }
0x159: {  	[tilespmem:s12+$0x0] =	vst v0  }
0x15a: {  	v0 =	vld [tilespmem:s19+$0x10]  }
0x15b: {  	v1 =	vld [tilespmem:s14+$0x10];
	_ =	sdelay $0x2  }
.Ltmp4:
0x15c: {  	(pc) =	sbr.rel @p0 .LBB2_10-.Ltmp4, $3  }
0x15d: {  	v0 =	vmul.u32 $0x186A0, v0;
	_ =	sdelay $0x1  }
0x15e: {  	v0 =	vadd.s32 v1, v0  }
0x15f: {  	s19 =	sadd.s32 $0x40, s19;
	[tilespmem:s12+$0x10] =	vst v0  }
0x160: {  	s12 =	simm.s32 $0x8000;
	s13 =	simm.s32 $0xB000  }
0x161: {  	[tilespmem:s13], [sflag:$0xB] =	stream.indirect.gather [hbm4b:s7+s23], $0x1, s12, s23, $0xb8;
	[tilespmem:$0xC000] =	vst v63  }
0x162: {  	s14 =	simm.s32 $0x2000;
	s13 =	rddreg [dreg:$0x1e]  }
0x163: {  	[tilespmem:s14], [sflag:$0x5] =	stream.linear.gather [hbm4b:s13+s5], $0x800, $0x38;
	[tilespmem:$0xC000] =	vst v63  }
0x164: {  	s19 =	rddreg [dreg:$0x1f];
	s21 =	simm.s32 $0x5000  }
0x165: {  	[tilespmem:s21], [sflag:$0x5] =	stream.linear.gather [hbm4b:s19+s5], $0x800, $0x38;
	[tilespmem:$0xC000] =	vst v63  }
0x166: {  	_ =	swait.ge [sflag:s0], $0x800  }
0x167: {  	[sflag:s0] =	ssyncset.done $0x0  }
0x168: {  	[sflag:s0] =	ssyncadd.s32 $0xFFFFF800  }
0x169: {  	_ =	swait.ge [sflag:s0], $0x800  }
0x16a: {  	[sflag:s0] =	ssyncset.done $0x0  }
0x16b: {  	s31 =	simm.s32 $0x2820;
	[sflag:s0] =	ssyncadd.s32 $0xFFFFF800  }
0x16c: {  	v0 =	vld [tilespmem:s31+$0xFFFFFFE0]  }
0x16d: {  	s14 =	simm.s32 $0x5820  }
0x16e: {  	v1 =	vld [tilespmem:s14+$0xFFFFFFE0];
	_ =	sdelay $0x2  }
0x16f: {  	v0 =	vmul.u32 $0x186A0, v0;
	_ =	sdelay $0x1  }
0x170: {  	s12 =	simm.s32 $0x8820;
	v0 =	vadd.s32 v1, v0  }
0x171: {  	[tilespmem:s12+$0xFFFFFFE0] =	vst v0  }
0x172: {  	v0 =	vld [tilespmem:s31+$0xFFFFFFF0];
	_ =	sdelay $0x1  }
0x173: {  	v61 =	vld [tilespmem:s14+$0xFFFFFFF0];
	_ =	sdelay $0x2  }
0x174: {  	v0 =	vmul.u32 $0x186A0, v0;
	_ =	sdelay $0x1  }
0x175: {  	v0 =	vadd.s32 v61, v0  }
0x176: {  	[tilespmem:s12+$0xFFFFFFF0] =	vst v0  }
0x177: {  	v0 =	vld [tilespmem:s31+$0x0];
	_ =	sdelay $0x1  }
0x178: {  	v62 =	vld [tilespmem:s14+$0x0];
	_ =	sdelay $0x2  }
0x179: {  	v0 =	vmul.u32 $0x186A0, v0;
	_ =	sdelay $0x1  }
0x17a: {  	v0 =	vadd.s32 v62, v0  }
0x17b: {  	[tilespmem:s12+$0x0] =	vst v0  }
0x17c: {  	v0 =	vld [tilespmem:s31+$0x10];
	_ =	sdelay $0x1  }
0x17d: {  	v63 =	vld [tilespmem:s14+$0x10];
	_ =	sdelay $0x2  }
0x17e: {  	v0 =	vmul.u32 $0x186A0, v0;
	_ =	sdelay $0x1  }
0x17f: {  	v0 =	vadd.s32 v63, v0  }
0x180: {  	s21 =	simm.s32 $0x0;
	s19 =	simm.s32 $0x2860;
	[tilespmem:s12+$0x10] =	vst v0  }
.LBB2_12:
0x181: {  	v0 =	vld [tilespmem:s19+$0xFFFFFFE0];
	s21 =	sadd.s32 $0x4, s21;
	s14 =	sadd.s32 $0x40, s14  }
0x182: {  	v1 =	vld [tilespmem:s14+$0xFFFFFFE0];
	p0 =	slt.u32 s21, $0x7C;
	_ =	sdelay $0x3  }
0x183: {  	v0 =	vmul.u32 $0x186A0, v0;
	_ =	sdelay $0x1  }
0x184: {  	s12 =	sadd.s32 $0x40, s12;
	v0 =	vadd.s32 v1, v0  }
0x185: {  	[tilespmem:s12+$0xFFFFFFE0] =	vst v0  }
0x186: {  	v0 =	vld [tilespmem:s19+$0xFFFFFFF0];
	_ =	sdelay $0x1  }
0x187: {  	v1 =	vld [tilespmem:s14+$0xFFFFFFF0];
	_ =	sdelay $0x2  }
0x188: {  	v0 =	vmul.u32 $0x186A0, v0;
	_ =	sdelay $0x1  }
0x189: {  	v0 =	vadd.s32 v1, v0  }
0x18a: {  	[tilespmem:s12+$0xFFFFFFF0] =	vst v0  }
0x18b: {  	v0 =	vld [tilespmem:s19+$0x0];
	_ =	sdelay $0x1  }
0x18c: {  	v1 =	vld [tilespmem:s14+$0x0];
	_ =	sdelay $0x2  }
0x18d: {  	v0 =	vmul.u32 $0x186A0, v0;
	_ =	sdelay $0x1  }
0x18e: {  	v0 =	vadd.s32 v1, v0  }
0x18f: {  	[tilespmem:s12+$0x0] =	vst v0  }
0x190: {  	v0 =	vld [tilespmem:s19+$0x10]  }
0x191: {  	v1 =	vld [tilespmem:s14+$0x10];
	_ =	sdelay $0x2  }
.Ltmp5:
0x192: {  	(pc) =	sbr.rel @p0 .LBB2_12-.Ltmp5, $3  }
0x193: {  	v0 =	vmul.u32 $0x186A0, v0;
	_ =	sdelay $0x1  }
0x194: {  	v0 =	vadd.s32 v1, v0  }
0x195: {  	s19 =	sadd.s32 $0x40, s19;
	[tilespmem:s12+$0x10] =	vst v0  }
0x196: {  	s12 =	simm.s32 $0x8800;
	s13 =	simm.s32 $0xB800  }
0x197: {  	[tilespmem:s13], [sflag:$0xC] =	stream.indirect.gather [hbm4b:s7+s23], $0x1, s12, s23, $0xb8;
	[tilespmem:$0xC000] =	vst v63  }
0x198: {  	_ =	swait.ge [sflag:s9], $0x800  }
0x199: {  	s19 =	sld [smem:$0x7FC]  }
0x19a: {  	[sflag:s9] =	ssyncset.done $0x0  }
0x19b: {  	s21 =	simm.s32 $0x9000;
	s13 =	sld [smem:$0x7E2];
	[sflag:s9] =	ssyncadd.s32 $0xFFFFF800  }
0x19c: {  	[hbm4b:s19+s5] =	stream.linear.scatter [tilespmem:s21], [sflag:$0xD], $0x800, $0x38;
	[tilespmem:$0xC000] =	vst v63  }
0x19d: {  	s14 =	simm.s32 $0x2800;
	s19 =	sld [smem:$0x7E3]  }
0x19e: {  	[tilespmem:s14], [sflag:$0x6] =	stream.linear.gather [hbm4b:s13+s5], $0x800, $0x38;
	[tilespmem:$0xC000] =	vst v63  }
0x19f: {  	s31 =	simm.s32 $0x1;
	s21 =	simm.s32 $0x5800  }
0x1a0: {  	[tilespmem:s21], [sflag:$0x6] =	stream.linear.gather [hbm4b:s19+s5], $0x800, $0x38;
	[tilespmem:$0xC000] =	vst v63  }
.LBB2_14:
0x1a1: {  	_ =	swait.ge [sflag:s18], $0x800  }
0x1a2: {  	[sflag:s18] =	ssyncset.done $0x0  }
0x1a3: {  	[sflag:s18] =	ssyncadd.s32 $0xFFFFF800  }
0x1a4: {  	_ =	swait.ge [sflag:s18], $0x800  }
0x1a5: {  	[sflag:s18] =	ssyncset.done $0x0  }
0x1a6: {  	s13 =	simm.s32 $0x20;
	[sflag:s18] =	ssyncadd.s32 $0xFFFFF800  }
0x1a7: {  	v0 =	vld [tilespmem:s13+$0xFFFFFFE0]  }
0x1a8: {  	s14 =	simm.s32 $0x3020  }
0x1a9: {  	v1 =	vld [tilespmem:s14+$0xFFFFFFE0];
	_ =	sdelay $0x2  }
0x1aa: {  	v0 =	vmul.u32 $0x186A0, v0;
	_ =	sdelay $0x1  }
0x1ab: {  	s12 =	simm.s32 $0x6020;
	v0 =	vadd.s32 v1, v0  }
0x1ac: {  	[tilespmem:s12+$0xFFFFFFE0] =	vst v0  }
0x1ad: {  	v0 =	vld [tilespmem:s13+$0xFFFFFFF0];
	_ =	sdelay $0x1  }
0x1ae: {  	v61 =	vld [tilespmem:s14+$0xFFFFFFF0];
	_ =	sdelay $0x2  }
0x1af: {  	v0 =	vmul.u32 $0x186A0, v0;
	_ =	sdelay $0x1  }
0x1b0: {  	v0 =	vadd.s32 v61, v0  }
0x1b1: {  	[tilespmem:s12+$0xFFFFFFF0] =	vst v0  }
0x1b2: {  	v0 =	vld [tilespmem:s13+$0x0];
	_ =	sdelay $0x1  }
0x1b3: {  	v62 =	vld [tilespmem:s14+$0x0];
	_ =	sdelay $0x2  }
0x1b4: {  	v0 =	vmul.u32 $0x186A0, v0;
	_ =	sdelay $0x1  }
0x1b5: {  	v0 =	vadd.s32 v62, v0  }
0x1b6: {  	[tilespmem:s12+$0x0] =	vst v0  }
0x1b7: {  	v0 =	vld [tilespmem:s13+$0x10];
	_ =	sdelay $0x1  }
0x1b8: {  	v63 =	vld [tilespmem:s14+$0x10];
	_ =	sdelay $0x2  }
0x1b9: {  	v0 =	vmul.u32 $0x186A0, v0;
	_ =	sdelay $0x1  }
0x1ba: {  	v0 =	vadd.s32 v63, v0  }
0x1bb: {  	s21 =	simm.s32 $0x0;
	s19 =	simm.s32 $0x60;
	[tilespmem:s12+$0x10] =	vst v0  }
.LBB2_15:
0x1bc: {  	v0 =	vld [tilespmem:s19+$0xFFFFFFE0];
	s21 =	sadd.s32 $0x4, s21;
	s14 =	sadd.s32 $0x40, s14  }
0x1bd: {  	v1 =	vld [tilespmem:s14+$0xFFFFFFE0];
	p0 =	slt.u32 s21, $0x7C;
	_ =	sdelay $0x3  }
0x1be: {  	v0 =	vmul.u32 $0x186A0, v0;
	_ =	sdelay $0x1  }
0x1bf: {  	s12 =	sadd.s32 $0x40, s12;
	v0 =	vadd.s32 v1, v0  }
0x1c0: {  	[tilespmem:s12+$0xFFFFFFE0] =	vst v0  }
0x1c1: {  	v0 =	vld [tilespmem:s19+$0xFFFFFFF0];
	_ =	sdelay $0x1  }
0x1c2: {  	v1 =	vld [tilespmem:s14+$0xFFFFFFF0];
	_ =	sdelay $0x2  }
0x1c3: {  	v0 =	vmul.u32 $0x186A0, v0;
	_ =	sdelay $0x1  }
0x1c4: {  	v0 =	vadd.s32 v1, v0  }
0x1c5: {  	[tilespmem:s12+$0xFFFFFFF0] =	vst v0  }
0x1c6: {  	v0 =	vld [tilespmem:s19+$0x0];
	_ =	sdelay $0x1  }
0x1c7: {  	v1 =	vld [tilespmem:s14+$0x0];
	_ =	sdelay $0x2  }
0x1c8: {  	v0 =	vmul.u32 $0x186A0, v0;
	_ =	sdelay $0x1  }
0x1c9: {  	v0 =	vadd.s32 v1, v0  }
0x1ca: {  	[tilespmem:s12+$0x0] =	vst v0  }
0x1cb: {  	v0 =	vld [tilespmem:s19+$0x10]  }
0x1cc: {  	v1 =	vld [tilespmem:s14+$0x10];
	_ =	sdelay $0x2  }
.Ltmp6:
0x1cd: {  	(pc) =	sbr.rel @p0 .LBB2_15-.Ltmp6, $3  }
0x1ce: {  	v0 =	vmul.u32 $0x186A0, v0;
	_ =	sdelay $0x1  }
0x1cf: {  	v0 =	vadd.s32 v1, v0  }
0x1d0: {  	s19 =	sadd.s32 $0x40, s19;
	[tilespmem:s12+$0x10] =	vst v0  }
0x1d1: {  	_ =	swait.ge [sflag:s15], $0x800  }
0x1d2: {  	[sflag:s15] =	ssyncset.done $0x0  }
0x1d3: {  	s12 =	simm.s32 $0x6000;
	s13 =	simm.s32 $0x9000;
	[sflag:s15] =	ssyncadd.s32 $0xFFFFF800  }
0x1d4: {  	[tilespmem:s13], [sflag:$0x7] =	stream.indirect.gather [hbm4b:s7+s23], $0x1, s12, s23, $0xb8;
	[tilespmem:$0xC000] =	vst v63  }
0x1d5: {  	_ =	swait.ge [sflag:s6], $0x800  }
0x1d6: {  	s21 =	sld [smem:$0x7ED]  }
0x1d7: {  	s14 =	smul.u32 $0x3000, s31;
	_ =	sdelay $0x1  }
0x1d8: {  	s12 =	sadd.s32 s14, s21  }
0x1d9: {  	[sflag:s6] =	ssyncset.done $0x0;
	s12 =	sshrl.u32 s12, $0x3  }
0x1da: {  	s13 =	rddreg [dreg:$0xd];
	[sflag:s6] =	ssyncadd.s32 $0xFFFFF800;
	s12 =	sadd.s32 s4, s12  }
0x1db: {  	[hbm4b:s12+s5] =	stream.linear.scatter [tilespmem:s10], [sflag:$0xE], $0x800, $0x38;
	[tilespmem:$0xC000] =	vst v63  }
0x1dc: {  	s12 =	sadd.s32 s14, s13  }
0x1dd: {  	s12 =	sshrl.u32 s12, $0x3  }
0x1de: {  	s19 =	sadd.s32 s1, s12  }
0x1df: {  	[tilespmem:s5], [sflag:$0x1] =	stream.linear.gather [hbm4b:s19+s5], $0x800, $0x38;
	[tilespmem:$0xC000] =	vst v63  }
0x1e0: {  	s21 =	simm.s32 $0x3000;
	s12 =	sadd.s32 s3, s12  }
0x1e1: {  	[tilespmem:s21], [sflag:$0x1] =	stream.linear.gather [hbm4b:s12+s5], $0x800, $0x38;
	[tilespmem:$0xC000] =	vst v63  }
0x1e2: {  	_ =	swait.ge [sflag:s8], $0x800  }
0x1e3: {  	[sflag:s8] =	ssyncset.done $0x0  }
0x1e4: {  	[sflag:s8] =	ssyncadd.s32 $0xFFFFF800  }
0x1e5: {  	_ =	swait.ge [sflag:s8], $0x800  }
0x1e6: {  	[sflag:s8] =	ssyncset.done $0x0  }
0x1e7: {  	s19 =	simm.s32 $0x820;
	[sflag:s8] =	ssyncadd.s32 $0xFFFFF800  }
0x1e8: {  	v0 =	vld [tilespmem:s19+$0xFFFFFFE0]  }
0x1e9: {  	s12 =	simm.s32 $0x3820  }
0x1ea: {  	v1 =	vld [tilespmem:s12+$0xFFFFFFE0];
	_ =	sdelay $0x2  }
0x1eb: {  	v0 =	vmul.u32 $0x186A0, v0;
	_ =	sdelay $0x1  }
0x1ec: {  	s21 =	simm.s32 $0x6820;
	v0 =	vadd.s32 v1, v0  }
0x1ed: {  	[tilespmem:s21+$0xFFFFFFE0] =	vst v0  }
0x1ee: {  	v0 =	vld [tilespmem:s19+$0xFFFFFFF0];
	_ =	sdelay $0x1  }
0x1ef: {  	v61 =	vld [tilespmem:s12+$0xFFFFFFF0];
	_ =	sdelay $0x2  }
0x1f0: {  	v0 =	vmul.u32 $0x186A0, v0;
	_ =	sdelay $0x1  }
0x1f1: {  	v0 =	vadd.s32 v61, v0  }
0x1f2: {  	[tilespmem:s21+$0xFFFFFFF0] =	vst v0  }
0x1f3: {  	v0 =	vld [tilespmem:s19+$0x0];
	_ =	sdelay $0x1  }
0x1f4: {  	v62 =	vld [tilespmem:s12+$0x0];
	_ =	sdelay $0x2  }
0x1f5: {  	v0 =	vmul.u32 $0x186A0, v0;
	_ =	sdelay $0x1  }
0x1f6: {  	v0 =	vadd.s32 v62, v0  }
0x1f7: {  	[tilespmem:s21+$0x0] =	vst v0  }
0x1f8: {  	v0 =	vld [tilespmem:s19+$0x10];
	_ =	sdelay $0x1  }
0x1f9: {  	v63 =	vld [tilespmem:s12+$0x10];
	_ =	sdelay $0x2  }
0x1fa: {  	v0 =	vmul.u32 $0x186A0, v0;
	_ =	sdelay $0x1  }
0x1fb: {  	v0 =	vadd.s32 v63, v0  }
0x1fc: {  	s13 =	simm.s32 $0x860;
	s19 =	simm.s32 $0x0;
	[tilespmem:s21+$0x10] =	vst v0  }
.LBB2_17:
0x1fd: {  	v0 =	vld [tilespmem:s13+$0xFFFFFFE0];
	s19 =	sadd.s32 $0x4, s19;
	s12 =	sadd.s32 $0x40, s12  }
0x1fe: {  	v1 =	vld [tilespmem:s12+$0xFFFFFFE0];
	p0 =	slt.u32 s19, $0x7C;
	_ =	sdelay $0x3  }
0x1ff: {  	v0 =	vmul.u32 $0x186A0, v0;
	_ =	sdelay $0x1  }
0x200: {  	s21 =	sadd.s32 $0x40, s21;
	v0 =	vadd.s32 v1, v0  }
0x201: {  	[tilespmem:s21+$0xFFFFFFE0] =	vst v0  }
0x202: {  	v0 =	vld [tilespmem:s13+$0xFFFFFFF0];
	_ =	sdelay $0x1  }
0x203: {  	v1 =	vld [tilespmem:s12+$0xFFFFFFF0];
	_ =	sdelay $0x2  }
0x204: {  	v0 =	vmul.u32 $0x186A0, v0;
	_ =	sdelay $0x1  }
0x205: {  	v0 =	vadd.s32 v1, v0  }
0x206: {  	[tilespmem:s21+$0xFFFFFFF0] =	vst v0  }
0x207: {  	v0 =	vld [tilespmem:s13+$0x0];
	_ =	sdelay $0x1  }
0x208: {  	v1 =	vld [tilespmem:s12+$0x0];
	_ =	sdelay $0x2  }
0x209: {  	v0 =	vmul.u32 $0x186A0, v0;
	_ =	sdelay $0x1  }
0x20a: {  	v0 =	vadd.s32 v1, v0  }
0x20b: {  	[tilespmem:s21+$0x0] =	vst v0  }
0x20c: {  	v0 =	vld [tilespmem:s13+$0x10]  }
0x20d: {  	v1 =	vld [tilespmem:s12+$0x10];
	_ =	sdelay $0x2  }
.Ltmp7:
0x20e: {  	(pc) =	sbr.rel @p0 .LBB2_17-.Ltmp7, $3  }
0x20f: {  	v0 =	vmul.u32 $0x186A0, v0;
	_ =	sdelay $0x1  }
0x210: {  	v0 =	vadd.s32 v1, v0  }
0x211: {  	s13 =	sadd.s32 $0x40, s13;
	[tilespmem:s21+$0x10] =	vst v0  }
0x212: {  	_ =	swait.ge [sflag:s20], $0x800  }
0x213: {  	[sflag:s20] =	ssyncset.done $0x0  }
0x214: {  	s12 =	simm.s32 $0x6800;
	[sflag:s20] =	ssyncadd.s32 $0xFFFFF800  }
0x215: {  	[tilespmem:s10], [sflag:$0x8] =	stream.indirect.gather [hbm4b:s7+s23], $0x1, s12, s23, $0xb8;
	[tilespmem:$0xC000] =	vst v63  }
0x216: {  	_ =	swait.ge [sflag:s22], $0x800  }
0x217: {  	s21 =	sld [smem:$0x7EE];
	_ =	sdelay $0x2  }
0x218: {  	s12 =	sadd.s32 s14, s21  }
0x219: {  	[sflag:s22] =	ssyncset.done $0x0;
	s12 =	sshrl.u32 s12, $0x3  }
0x21a: {  	s13 =	simm.s32 $0xA000;
	[sflag:s22] =	ssyncadd.s32 $0xFFFFF800;
	s12 =	sadd.s32 s4, s12  }
0x21b: {  	[hbm4b:s12+s5] =	stream.linear.scatter [tilespmem:s13], [sflag:$0xF], $0x800, $0x38;
	[tilespmem:$0xC000] =	vst v63  }
0x21c: {  	s13 =	rddreg [dreg:$0x12]  }
0x21d: {  	s12 =	sadd.s32 s14, s13  }
0x21e: {  	s12 =	sshrl.u32 s12, $0x3  }
0x21f: {  	s19 =	sadd.s32 s1, s12  }
0x220: {  	[tilespmem:s23], [sflag:$0x2] =	stream.linear.gather [hbm4b:s19+s5], $0x800, $0x38;
	[tilespmem:$0xC000] =	vst v63  }
0x221: {  	s21 =	simm.s32 $0x3800;
	s12 =	sadd.s32 s3, s12  }
0x222: {  	[tilespmem:s21], [sflag:$0x2] =	stream.linear.gather [hbm4b:s12+s5], $0x800, $0x38;
	[tilespmem:$0xC000] =	vst v63  }
0x223: {  	_ =	swait.ge [sflag:s11], $0x800  }
0x224: {  	[sflag:s11] =	ssyncset.done $0x0  }
0x225: {  	[sflag:s11] =	ssyncadd.s32 $0xFFFFF800  }
0x226: {  	_ =	swait.ge [sflag:s11], $0x800  }
0x227: {  	[sflag:s11] =	ssyncset.done $0x0  }
0x228: {  	s19 =	simm.s32 $0x1020;
	[sflag:s11] =	ssyncadd.s32 $0xFFFFF800  }
0x229: {  	v0 =	vld [tilespmem:s19+$0xFFFFFFE0]  }
0x22a: {  	s12 =	simm.s32 $0x4020  }
0x22b: {  	v1 =	vld [tilespmem:s12+$0xFFFFFFE0];
	_ =	sdelay $0x2  }
0x22c: {  	v0 =	vmul.u32 $0x186A0, v0;
	_ =	sdelay $0x1  }
0x22d: {  	s21 =	simm.s32 $0x7020;
	v0 =	vadd.s32 v1, v0  }
0x22e: {  	[tilespmem:s21+$0xFFFFFFE0] =	vst v0  }
0x22f: {  	v0 =	vld [tilespmem:s19+$0xFFFFFFF0];
	_ =	sdelay $0x1  }
0x230: {  	v61 =	vld [tilespmem:s12+$0xFFFFFFF0];
	_ =	sdelay $0x2  }
0x231: {  	v0 =	vmul.u32 $0x186A0, v0;
	_ =	sdelay $0x1  }
0x232: {  	v0 =	vadd.s32 v61, v0  }
0x233: {  	[tilespmem:s21+$0xFFFFFFF0] =	vst v0  }
0x234: {  	v0 =	vld [tilespmem:s19+$0x0];
	_ =	sdelay $0x1  }
0x235: {  	v62 =	vld [tilespmem:s12+$0x0];
	_ =	sdelay $0x2  }
0x236: {  	v0 =	vmul.u32 $0x186A0, v0;
	_ =	sdelay $0x1  }
0x237: {  	v0 =	vadd.s32 v62, v0  }
0x238: {  	[tilespmem:s21+$0x0] =	vst v0  }
0x239: {  	v0 =	vld [tilespmem:s19+$0x10];
	_ =	sdelay $0x1  }
0x23a: {  	v63 =	vld [tilespmem:s12+$0x10];
	_ =	sdelay $0x2  }
0x23b: {  	v0 =	vmul.u32 $0x186A0, v0;
	_ =	sdelay $0x1  }
0x23c: {  	v0 =	vadd.s32 v63, v0  }
0x23d: {  	s13 =	simm.s32 $0x1060;
	s19 =	simm.s32 $0x0;
	[tilespmem:s21+$0x10] =	vst v0  }
.LBB2_19:
0x23e: {  	v0 =	vld [tilespmem:s13+$0xFFFFFFE0];
	s19 =	sadd.s32 $0x4, s19;
	s12 =	sadd.s32 $0x40, s12  }
0x23f: {  	v1 =	vld [tilespmem:s12+$0xFFFFFFE0];
	p0 =	slt.u32 s19, $0x7C;
	_ =	sdelay $0x3  }
0x240: {  	v0 =	vmul.u32 $0x186A0, v0;
	_ =	sdelay $0x1  }
0x241: {  	s21 =	sadd.s32 $0x40, s21;
	v0 =	vadd.s32 v1, v0  }
0x242: {  	[tilespmem:s21+$0xFFFFFFE0] =	vst v0  }
0x243: {  	v0 =	vld [tilespmem:s13+$0xFFFFFFF0];
	_ =	sdelay $0x1  }
0x244: {  	v1 =	vld [tilespmem:s12+$0xFFFFFFF0];
	_ =	sdelay $0x2  }
0x245: {  	v0 =	vmul.u32 $0x186A0, v0;
	_ =	sdelay $0x1  }
0x246: {  	v0 =	vadd.s32 v1, v0  }
0x247: {  	[tilespmem:s21+$0xFFFFFFF0] =	vst v0  }
0x248: {  	v0 =	vld [tilespmem:s13+$0x0];
	_ =	sdelay $0x1  }
0x249: {  	v1 =	vld [tilespmem:s12+$0x0];
	_ =	sdelay $0x2  }
0x24a: {  	v0 =	vmul.u32 $0x186A0, v0;
	_ =	sdelay $0x1  }
0x24b: {  	v0 =	vadd.s32 v1, v0  }
0x24c: {  	[tilespmem:s21+$0x0] =	vst v0  }
0x24d: {  	v0 =	vld [tilespmem:s13+$0x10]  }
0x24e: {  	v1 =	vld [tilespmem:s12+$0x10];
	_ =	sdelay $0x2  }
.Ltmp8:
0x24f: {  	(pc) =	sbr.rel @p0 .LBB2_19-.Ltmp8, $3  }
0x250: {  	v0 =	vmul.u32 $0x186A0, v0;
	_ =	sdelay $0x1  }
0x251: {  	v0 =	vadd.s32 v1, v0  }
0x252: {  	s13 =	sadd.s32 $0x40, s13;
	[tilespmem:s21+$0x10] =	vst v0  }
0x253: {  	_ =	swait.ge [sflag:s24], $0x800  }
0x254: {  	[sflag:s24] =	ssyncset.done $0x0  }
0x255: {  	s12 =	simm.s32 $0x7000;
	s13 =	simm.s32 $0xA000;
	[sflag:s24] =	ssyncadd.s32 $0xFFFFF800  }
0x256: {  	[tilespmem:s13], [sflag:$0x9] =	stream.indirect.gather [hbm4b:s7+s23], $0x1, s12, s23, $0xb8;
	[tilespmem:$0xC000] =	vst v63  }
0x257: {  	_ =	swait.ge [sflag:s30], $0x800  }
0x258: {  	s19 =	sld [smem:$0x7EF];
	_ =	sdelay $0x2  }
0x259: {  	s12 =	sadd.s32 s14, s19  }
0x25a: {  	s21 =	simm.s32 $0xA800;
	[sflag:s30] =	ssyncset.done $0x0;
	s12 =	sshrl.u32 s12, $0x3  }
0x25b: {  	[sflag:s30] =	ssyncadd.s32 $0xFFFFF800;
	s19 =	rddreg [dreg:$0x14];
	s12 =	sadd.s32 s4, s12  }
0x25c: {  	[hbm4b:s12+s5] =	stream.linear.scatter [tilespmem:s21], [sflag:$0x10], $0x800, $0x38;
	[tilespmem:$0xC000] =	vst v63  }
0x25d: {  	s12 =	sadd.s32 s14, s19  }
0x25e: {  	s12 =	sshrl.u32 s12, $0x3  }
0x25f: {  	s19 =	simm.s32 $0x1000;
	s21 =	sadd.s32 s1, s12  }
0x260: {  	[tilespmem:s19], [sflag:$0x3] =	stream.linear.gather [hbm4b:s21+s5], $0x800, $0x38;
	[tilespmem:$0xC000] =	vst v63  }
0x261: {  	s12 =	sadd.s32 s3, s12;
	s21 =	simm.s32 $0x4000  }
0x262: {  	[tilespmem:s21], [sflag:$0x3] =	stream.linear.gather [hbm4b:s12+s5], $0x800, $0x38;
	[tilespmem:$0xC000] =	vst v63  }
0x263: {  	_ =	swait.ge [sflag:s16], $0x800  }
0x264: {  	[sflag:s16] =	ssyncset.done $0x0  }
0x265: {  	[sflag:s16] =	ssyncadd.s32 $0xFFFFF800  }
0x266: {  	_ =	swait.ge [sflag:s16], $0x800  }
0x267: {  	[sflag:s16] =	ssyncset.done $0x0  }
0x268: {  	s19 =	simm.s32 $0x1820;
	[sflag:s16] =	ssyncadd.s32 $0xFFFFF800  }
0x269: {  	v0 =	vld [tilespmem:s19+$0xFFFFFFE0]  }
0x26a: {  	s12 =	simm.s32 $0x4820  }
0x26b: {  	v1 =	vld [tilespmem:s12+$0xFFFFFFE0];
	_ =	sdelay $0x2  }
0x26c: {  	v0 =	vmul.u32 $0x186A0, v0;
	_ =	sdelay $0x1  }
0x26d: {  	s21 =	simm.s32 $0x7820;
	v0 =	vadd.s32 v1, v0  }
0x26e: {  	[tilespmem:s21+$0xFFFFFFE0] =	vst v0  }
0x26f: {  	v0 =	vld [tilespmem:s19+$0xFFFFFFF0];
	_ =	sdelay $0x1  }
0x270: {  	v61 =	vld [tilespmem:s12+$0xFFFFFFF0];
	_ =	sdelay $0x2  }
0x271: {  	v0 =	vmul.u32 $0x186A0, v0;
	_ =	sdelay $0x1  }
0x272: {  	v0 =	vadd.s32 v61, v0  }
0x273: {  	[tilespmem:s21+$0xFFFFFFF0] =	vst v0  }
0x274: {  	v0 =	vld [tilespmem:s19+$0x0];
	_ =	sdelay $0x1  }
0x275: {  	v62 =	vld [tilespmem:s12+$0x0];
	_ =	sdelay $0x2  }
0x276: {  	v0 =	vmul.u32 $0x186A0, v0;
	_ =	sdelay $0x1  }
0x277: {  	v0 =	vadd.s32 v62, v0  }
0x278: {  	[tilespmem:s21+$0x0] =	vst v0  }
0x279: {  	v0 =	vld [tilespmem:s19+$0x10];
	_ =	sdelay $0x1  }
0x27a: {  	v63 =	vld [tilespmem:s12+$0x10];
	_ =	sdelay $0x2  }
0x27b: {  	v0 =	vmul.u32 $0x186A0, v0;
	_ =	sdelay $0x1  }
0x27c: {  	v0 =	vadd.s32 v63, v0  }
0x27d: {  	s13 =	simm.s32 $0x1860;
	s19 =	simm.s32 $0x0;
	[tilespmem:s21+$0x10] =	vst v0  }
.LBB2_21:
0x27e: {  	v0 =	vld [tilespmem:s13+$0xFFFFFFE0];
	s19 =	sadd.s32 $0x4, s19;
	s12 =	sadd.s32 $0x40, s12  }
0x27f: {  	v1 =	vld [tilespmem:s12+$0xFFFFFFE0];
	p0 =	slt.u32 s19, $0x7C;
	_ =	sdelay $0x3  }
0x280: {  	v0 =	vmul.u32 $0x186A0, v0;
	_ =	sdelay $0x1  }
0x281: {  	s21 =	sadd.s32 $0x40, s21;
	v0 =	vadd.s32 v1, v0  }
0x282: {  	[tilespmem:s21+$0xFFFFFFE0] =	vst v0  }
0x283: {  	v0 =	vld [tilespmem:s13+$0xFFFFFFF0];
	_ =	sdelay $0x1  }
0x284: {  	v1 =	vld [tilespmem:s12+$0xFFFFFFF0];
	_ =	sdelay $0x2  }
0x285: {  	v0 =	vmul.u32 $0x186A0, v0;
	_ =	sdelay $0x1  }
0x286: {  	v0 =	vadd.s32 v1, v0  }
0x287: {  	[tilespmem:s21+$0xFFFFFFF0] =	vst v0  }
0x288: {  	v0 =	vld [tilespmem:s13+$0x0];
	_ =	sdelay $0x1  }
0x289: {  	v1 =	vld [tilespmem:s12+$0x0];
	_ =	sdelay $0x2  }
0x28a: {  	v0 =	vmul.u32 $0x186A0, v0;
	_ =	sdelay $0x1  }
0x28b: {  	v0 =	vadd.s32 v1, v0  }
0x28c: {  	[tilespmem:s21+$0x0] =	vst v0  }
0x28d: {  	v0 =	vld [tilespmem:s13+$0x10]  }
0x28e: {  	v1 =	vld [tilespmem:s12+$0x10];
	_ =	sdelay $0x2  }
.Ltmp9:
0x28f: {  	(pc) =	sbr.rel @p0 .LBB2_21-.Ltmp9, $3  }
0x290: {  	v0 =	vmul.u32 $0x186A0, v0;
	_ =	sdelay $0x1  }
0x291: {  	v0 =	vadd.s32 v1, v0  }
0x292: {  	s13 =	sadd.s32 $0x40, s13;
	[tilespmem:s21+$0x10] =	vst v0  }
0x293: {  	_ =	swait.ge [sflag:s2], $0x800  }
0x294: {  	[sflag:s2] =	ssyncset.done $0x0  }
0x295: {  	s12 =	simm.s32 $0x7800;
	s13 =	simm.s32 $0xA800;
	[sflag:s2] =	ssyncadd.s32 $0xFFFFF800  }
0x296: {  	[tilespmem:s13], [sflag:$0xA] =	stream.indirect.gather [hbm4b:s7+s23], $0x1, s12, s23, $0xb8;
	[tilespmem:$0xC000] =	vst v63  }
0x297: {  	_ =	swait.ge [sflag:s25], $0x800  }
0x298: {  	s19 =	sld [smem:$0x7F0];
	_ =	sdelay $0x2  }
0x299: {  	s12 =	sadd.s32 s14, s19  }
0x29a: {  	s21 =	simm.s32 $0xB000;
	[sflag:s25] =	ssyncset.done $0x0;
	s12 =	sshrl.u32 s12, $0x3  }
0x29b: {  	[sflag:s25] =	ssyncadd.s32 $0xFFFFF800;
	s19 =	rddreg [dreg:$0x16];
	s12 =	sadd.s32 s4, s12  }
0x29c: {  	[hbm4b:s12+s5] =	stream.linear.scatter [tilespmem:s21], [sflag:$0x11], $0x800, $0x38;
	[tilespmem:$0xC000] =	vst v63  }
0x29d: {  	s12 =	sadd.s32 s14, s19  }
0x29e: {  	s12 =	sshrl.u32 s12, $0x3  }
0x29f: {  	s19 =	simm.s32 $0x1800;
	s21 =	sadd.s32 s1, s12  }
0x2a0: {  	[tilespmem:s19], [sflag:$0x4] =	stream.linear.gather [hbm4b:s21+s5], $0x800, $0x38;
	[tilespmem:$0xC000] =	vst v63  }
0x2a1: {  	s12 =	sadd.s32 s3, s12;
	s21 =	simm.s32 $0x4800  }
0x2a2: {  	[tilespmem:s21], [sflag:$0x4] =	stream.linear.gather [hbm4b:s12+s5], $0x800, $0x38;
	[tilespmem:$0xC000] =	vst v63  }
0x2a3: {  	_ =	swait.ge [sflag:s17], $0x800  }
0x2a4: {  	[sflag:s17] =	ssyncset.done $0x0  }
0x2a5: {  	[sflag:s17] =	ssyncadd.s32 $0xFFFFF800  }
0x2a6: {  	_ =	swait.ge [sflag:s17], $0x800  }
0x2a7: {  	[sflag:s17] =	ssyncset.done $0x0  }
0x2a8: {  	s19 =	simm.s32 $0x2020;
	[sflag:s17] =	ssyncadd.s32 $0xFFFFF800  }
0x2a9: {  	v0 =	vld [tilespmem:s19+$0xFFFFFFE0]  }
0x2aa: {  	s12 =	simm.s32 $0x5020  }
0x2ab: {  	v1 =	vld [tilespmem:s12+$0xFFFFFFE0];
	_ =	sdelay $0x2  }
0x2ac: {  	v0 =	vmul.u32 $0x186A0, v0;
	_ =	sdelay $0x1  }
0x2ad: {  	s21 =	simm.s32 $0x8020;
	v0 =	vadd.s32 v1, v0  }
0x2ae: {  	[tilespmem:s21+$0xFFFFFFE0] =	vst v0  }
0x2af: {  	v0 =	vld [tilespmem:s19+$0xFFFFFFF0];
	_ =	sdelay $0x1  }
0x2b0: {  	v61 =	vld [tilespmem:s12+$0xFFFFFFF0];
	_ =	sdelay $0x2  }
0x2b1: {  	v0 =	vmul.u32 $0x186A0, v0;
	_ =	sdelay $0x1  }
0x2b2: {  	v0 =	vadd.s32 v61, v0  }
0x2b3: {  	[tilespmem:s21+$0xFFFFFFF0] =	vst v0  }
0x2b4: {  	v0 =	vld [tilespmem:s19+$0x0];
	_ =	sdelay $0x1  }
0x2b5: {  	v62 =	vld [tilespmem:s12+$0x0];
	_ =	sdelay $0x2  }
0x2b6: {  	v0 =	vmul.u32 $0x186A0, v0;
	_ =	sdelay $0x1  }
0x2b7: {  	v0 =	vadd.s32 v62, v0  }
0x2b8: {  	[tilespmem:s21+$0x0] =	vst v0  }
0x2b9: {  	v0 =	vld [tilespmem:s19+$0x10];
	_ =	sdelay $0x1  }
0x2ba: {  	v63 =	vld [tilespmem:s12+$0x10];
	_ =	sdelay $0x2  }
0x2bb: {  	v0 =	vmul.u32 $0x186A0, v0;
	_ =	sdelay $0x1  }
0x2bc: {  	v0 =	vadd.s32 v63, v0  }
0x2bd: {  	s13 =	simm.s32 $0x2060;
	s19 =	simm.s32 $0x0;
	[tilespmem:s21+$0x10] =	vst v0  }
.LBB2_23:
0x2be: {  	v0 =	vld [tilespmem:s13+$0xFFFFFFE0];
	s19 =	sadd.s32 $0x4, s19;
	s12 =	sadd.s32 $0x40, s12  }
0x2bf: {  	v1 =	vld [tilespmem:s12+$0xFFFFFFE0];
	p0 =	slt.u32 s19, $0x7C;
	_ =	sdelay $0x3  }
0x2c0: {  	v0 =	vmul.u32 $0x186A0, v0;
	_ =	sdelay $0x1  }
0x2c1: {  	s21 =	sadd.s32 $0x40, s21;
	v0 =	vadd.s32 v1, v0  }
0x2c2: {  	[tilespmem:s21+$0xFFFFFFE0] =	vst v0  }
0x2c3: {  	v0 =	vld [tilespmem:s13+$0xFFFFFFF0];
	_ =	sdelay $0x1  }
0x2c4: {  	v1 =	vld [tilespmem:s12+$0xFFFFFFF0];
	_ =	sdelay $0x2  }
0x2c5: {  	v0 =	vmul.u32 $0x186A0, v0;
	_ =	sdelay $0x1  }
0x2c6: {  	v0 =	vadd.s32 v1, v0  }
0x2c7: {  	[tilespmem:s21+$0xFFFFFFF0] =	vst v0  }
0x2c8: {  	v0 =	vld [tilespmem:s13+$0x0];
	_ =	sdelay $0x1  }
0x2c9: {  	v1 =	vld [tilespmem:s12+$0x0];
	_ =	sdelay $0x2  }
0x2ca: {  	v0 =	vmul.u32 $0x186A0, v0;
	_ =	sdelay $0x1  }
0x2cb: {  	v0 =	vadd.s32 v1, v0  }
0x2cc: {  	[tilespmem:s21+$0x0] =	vst v0  }
0x2cd: {  	v0 =	vld [tilespmem:s13+$0x10]  }
0x2ce: {  	v1 =	vld [tilespmem:s12+$0x10];
	_ =	sdelay $0x2  }
.Ltmp10:
0x2cf: {  	(pc) =	sbr.rel @p0 .LBB2_23-.Ltmp10, $3  }
0x2d0: {  	v0 =	vmul.u32 $0x186A0, v0;
	_ =	sdelay $0x1  }
0x2d1: {  	v0 =	vadd.s32 v1, v0  }
0x2d2: {  	s13 =	sadd.s32 $0x40, s13;
	[tilespmem:s21+$0x10] =	vst v0  }
0x2d3: {  	_ =	swait.ge [sflag:s26], $0x800  }
0x2d4: {  	[sflag:s26] =	ssyncset.done $0x0  }
0x2d5: {  	s12 =	simm.s32 $0x8000;
	s13 =	simm.s32 $0xB000;
	[sflag:s26] =	ssyncadd.s32 $0xFFFFF800  }
0x2d6: {  	[tilespmem:s13], [sflag:$0xB] =	stream.indirect.gather [hbm4b:s7+s23], $0x1, s12, s23, $0xb8;
	[tilespmem:$0xC000] =	vst v63  }
0x2d7: {  	_ =	swait.ge [sflag:s28], $0x800  }
0x2d8: {  	s19 =	sld [smem:$0x7F1];
	_ =	sdelay $0x2  }
0x2d9: {  	s12 =	sadd.s32 s14, s19  }
0x2da: {  	s21 =	simm.s32 $0xB800;
	[sflag:s28] =	ssyncset.done $0x0;
	s12 =	sshrl.u32 s12, $0x3  }
0x2db: {  	[sflag:s28] =	ssyncadd.s32 $0xFFFFF800;
	s19 =	rddreg [dreg:$0x1b];
	s12 =	sadd.s32 s4, s12  }
0x2dc: {  	[hbm4b:s12+s5] =	stream.linear.scatter [tilespmem:s21], [sflag:$0x12], $0x800, $0x38;
	[tilespmem:$0xC000] =	vst v63  }
0x2dd: {  	s12 =	sadd.s32 s14, s19  }
0x2de: {  	s12 =	sshrl.u32 s12, $0x3  }
0x2df: {  	s19 =	simm.s32 $0x2000;
	s21 =	sadd.s32 s1, s12  }
0x2e0: {  	[tilespmem:s19], [sflag:$0x5] =	stream.linear.gather [hbm4b:s21+s5], $0x800, $0x38;
	[tilespmem:$0xC000] =	vst v63  }
0x2e1: {  	s12 =	sadd.s32 s3, s12;
	s21 =	simm.s32 $0x5000  }
0x2e2: {  	[tilespmem:s21], [sflag:$0x5] =	stream.linear.gather [hbm4b:s12+s5], $0x800, $0x38;
	[tilespmem:$0xC000] =	vst v63  }
0x2e3: {  	_ =	swait.ge [sflag:s0], $0x800  }
0x2e4: {  	[sflag:s0] =	ssyncset.done $0x0  }
0x2e5: {  	[sflag:s0] =	ssyncadd.s32 $0xFFFFF800  }
0x2e6: {  	_ =	swait.ge [sflag:s0], $0x800  }
0x2e7: {  	[sflag:s0] =	ssyncset.done $0x0  }
0x2e8: {  	s19 =	simm.s32 $0x2820;
	[sflag:s0] =	ssyncadd.s32 $0xFFFFF800  }
0x2e9: {  	v0 =	vld [tilespmem:s19+$0xFFFFFFE0]  }
0x2ea: {  	s12 =	simm.s32 $0x5820  }
0x2eb: {  	v1 =	vld [tilespmem:s12+$0xFFFFFFE0];
	_ =	sdelay $0x2  }
0x2ec: {  	v0 =	vmul.u32 $0x186A0, v0;
	_ =	sdelay $0x1  }
0x2ed: {  	s21 =	simm.s32 $0x8820;
	v0 =	vadd.s32 v1, v0  }
0x2ee: {  	[tilespmem:s21+$0xFFFFFFE0] =	vst v0  }
0x2ef: {  	v0 =	vld [tilespmem:s19+$0xFFFFFFF0];
	_ =	sdelay $0x1  }
0x2f0: {  	v61 =	vld [tilespmem:s12+$0xFFFFFFF0];
	_ =	sdelay $0x2  }
0x2f1: {  	v0 =	vmul.u32 $0x186A0, v0;
	_ =	sdelay $0x1  }
0x2f2: {  	v0 =	vadd.s32 v61, v0  }
0x2f3: {  	[tilespmem:s21+$0xFFFFFFF0] =	vst v0  }
0x2f4: {  	v0 =	vld [tilespmem:s19+$0x0];
	_ =	sdelay $0x1  }
0x2f5: {  	v62 =	vld [tilespmem:s12+$0x0];
	_ =	sdelay $0x2  }
0x2f6: {  	v0 =	vmul.u32 $0x186A0, v0;
	_ =	sdelay $0x1  }
0x2f7: {  	v0 =	vadd.s32 v62, v0  }
0x2f8: {  	[tilespmem:s21+$0x0] =	vst v0  }
0x2f9: {  	v0 =	vld [tilespmem:s19+$0x10];
	_ =	sdelay $0x1  }
0x2fa: {  	v63 =	vld [tilespmem:s12+$0x10];
	_ =	sdelay $0x2  }
0x2fb: {  	v0 =	vmul.u32 $0x186A0, v0;
	_ =	sdelay $0x1  }
0x2fc: {  	v0 =	vadd.s32 v63, v0  }
0x2fd: {  	s13 =	simm.s32 $0x2860;
	s19 =	simm.s32 $0x0;
	[tilespmem:s21+$0x10] =	vst v0  }
.LBB2_25:
0x2fe: {  	v0 =	vld [tilespmem:s13+$0xFFFFFFE0];
	s19 =	sadd.s32 $0x4, s19;
	s12 =	sadd.s32 $0x40, s12  }
0x2ff: {  	v1 =	vld [tilespmem:s12+$0xFFFFFFE0];
	p0 =	slt.u32 s19, $0x7C;
	_ =	sdelay $0x3  }
0x300: {  	v0 =	vmul.u32 $0x186A0, v0;
	_ =	sdelay $0x1  }
0x301: {  	s21 =	sadd.s32 $0x40, s21;
	v0 =	vadd.s32 v1, v0  }
0x302: {  	[tilespmem:s21+$0xFFFFFFE0] =	vst v0  }
0x303: {  	v0 =	vld [tilespmem:s13+$0xFFFFFFF0];
	_ =	sdelay $0x1  }
0x304: {  	v1 =	vld [tilespmem:s12+$0xFFFFFFF0];
	_ =	sdelay $0x2  }
0x305: {  	v0 =	vmul.u32 $0x186A0, v0;
	_ =	sdelay $0x1  }
0x306: {  	v0 =	vadd.s32 v1, v0  }
0x307: {  	[tilespmem:s21+$0xFFFFFFF0] =	vst v0  }
0x308: {  	v0 =	vld [tilespmem:s13+$0x0];
	_ =	sdelay $0x1  }
0x309: {  	v1 =	vld [tilespmem:s12+$0x0];
	_ =	sdelay $0x2  }
0x30a: {  	v0 =	vmul.u32 $0x186A0, v0;
	_ =	sdelay $0x1  }
0x30b: {  	v0 =	vadd.s32 v1, v0  }
0x30c: {  	[tilespmem:s21+$0x0] =	vst v0  }
0x30d: {  	v0 =	vld [tilespmem:s13+$0x10]  }
0x30e: {  	v1 =	vld [tilespmem:s12+$0x10];
	_ =	sdelay $0x2  }
.Ltmp11:
0x30f: {  	(pc) =	sbr.rel @p0 .LBB2_25-.Ltmp11, $3  }
0x310: {  	v0 =	vmul.u32 $0x186A0, v0;
	_ =	sdelay $0x1  }
0x311: {  	v0 =	vadd.s32 v1, v0  }
0x312: {  	s13 =	sadd.s32 $0x40, s13;
	[tilespmem:s21+$0x10] =	vst v0  }
0x313: {  	_ =	swait.ge [sflag:s29], $0x800  }
0x314: {  	s12 =	simm.s32 $0x8800;
	[sflag:s29] =	ssyncset.done $0x0  }
0x315: {  	s13 =	simm.s32 $0xB800;
	s19 =	rddreg [dreg:$0x5];
	[sflag:s29] =	ssyncadd.s32 $0xFFFFF800  }
0x316: {  	[tilespmem:s13], [sflag:$0xC] =	stream.indirect.gather [hbm4b:s7+s23], $0x1, s12, s23, $0xb8;
	[tilespmem:$0xC000] =	vst v63  }
0x317: {  	s21 =	simm.s32 $0x9000;
	s12 =	sadd.s32 s19, s14;
	_ =	swait.ge [sflag:s9], $0x800  }
0x318: {  	s31 =	sadd.s32 $0x1, s31;
	s12 =	sshrl.u32 s12, $0x3;
	[sflag:s9] =	ssyncset.done $0x0  }
0x319: {  	s12 =	sadd.s32 s4, s12;
	s13 =	rddreg [dreg:$0x1d];
	[sflag:s9] =	ssyncadd.s32 $0xFFFFF800  }
0x31a: {  	[hbm4b:s12+s5] =	stream.linear.scatter [tilespmem:s21], [sflag:$0xD], $0x800, $0x38;
	[tilespmem:$0xC000] =	vst v63  }
0x31b: {  	p0 =	sne.s32 s31, $0x7;
	s12 =	sadd.s32 s14, s13  }
.Ltmp12:
0x31c: {  	s12 =	sshrl.u32 s12, $0x3;
	(pc) =	sbr.rel @p0 .LBB2_14-.Ltmp12, $4  }
0x31d: {  	s19 =	simm.s32 $0x2800;
	s14 =	sadd.s32 s1, s12  }
0x31e: {  	[tilespmem:s19], [sflag:$0x6] =	stream.linear.gather [hbm4b:s14+s5], $0x800, $0x38;
	[tilespmem:$0xC000] =	vst v63  }
0x31f: {  	s21 =	simm.s32 $0x5800;
	s12 =	sadd.s32 s3, s12  }
0x320: {  	[tilespmem:s21], [sflag:$0x6] =	stream.linear.gather [hbm4b:s12+s5], $0x800, $0x38;
	[tilespmem:$0xC000] =	vst v63  }
0x321: {  	_ =	swait.ge [sflag:s18], $0x800  }
0x322: {  	[sflag:s18] =	ssyncset.done $0x0  }
0x323: {  	[sflag:s18] =	ssyncadd.s32 $0xFFFFF800  }
0x324: {  	_ =	swait.ge [sflag:s18], $0x800  }
0x325: {  	[sflag:s18] =	ssyncset.done $0x0  }
0x326: {  	s13 =	simm.s32 $0x20;
	[sflag:s18] =	ssyncadd.s32 $0xFFFFF800  }
0x327: {  	v0 =	vld [tilespmem:s13+$0xFFFFFFE0]  }
0x328: {  	s12 =	simm.s32 $0x3020  }
0x329: {  	v1 =	vld [tilespmem:s12+$0xFFFFFFE0];
	_ =	sdelay $0x2  }
0x32a: {  	v0 =	vmul.u32 $0x186A0, v0;
	_ =	sdelay $0x1  }
0x32b: {  	s14 =	simm.s32 $0x6020;
	v0 =	vadd.s32 v1, v0  }
0x32c: {  	[tilespmem:s14+$0xFFFFFFE0] =	vst v0  }
0x32d: {  	v0 =	vld [tilespmem:s13+$0xFFFFFFF0];
	_ =	sdelay $0x1  }
0x32e: {  	v61 =	vld [tilespmem:s12+$0xFFFFFFF0];
	_ =	sdelay $0x2  }
0x32f: {  	v0 =	vmul.u32 $0x186A0, v0;
	_ =	sdelay $0x1  }
0x330: {  	v0 =	vadd.s32 v61, v0  }
0x331: {  	[tilespmem:s14+$0xFFFFFFF0] =	vst v0  }
0x332: {  	v0 =	vld [tilespmem:s13+$0x0];
	_ =	sdelay $0x1  }
0x333: {  	v62 =	vld [tilespmem:s12+$0x0];
	_ =	sdelay $0x2  }
0x334: {  	v0 =	vmul.u32 $0x186A0, v0;
	_ =	sdelay $0x1  }
0x335: {  	v0 =	vadd.s32 v62, v0  }
0x336: {  	[tilespmem:s14+$0x0] =	vst v0  }
0x337: {  	v0 =	vld [tilespmem:s13+$0x10];
	_ =	sdelay $0x1  }
0x338: {  	v63 =	vld [tilespmem:s12+$0x10];
	_ =	sdelay $0x2  }
0x339: {  	v0 =	vmul.u32 $0x186A0, v0;
	_ =	sdelay $0x1  }
0x33a: {  	v0 =	vadd.s32 v63, v0  }
0x33b: {  	s19 =	simm.s32 $0x0;
	s13 =	simm.s32 $0x60;
	[tilespmem:s14+$0x10] =	vst v0  }
.LBB2_28:
0x33c: {  	v0 =	vld [tilespmem:s13+$0xFFFFFFE0];
	s19 =	sadd.s32 $0x4, s19;
	s12 =	sadd.s32 $0x40, s12  }
0x33d: {  	v1 =	vld [tilespmem:s12+$0xFFFFFFE0];
	p0 =	slt.u32 s19, $0x7C;
	_ =	sdelay $0x3  }
0x33e: {  	v0 =	vmul.u32 $0x186A0, v0;
	_ =	sdelay $0x1  }
0x33f: {  	s14 =	sadd.s32 $0x40, s14;
	v0 =	vadd.s32 v1, v0  }
0x340: {  	[tilespmem:s14+$0xFFFFFFE0] =	vst v0  }
0x341: {  	v0 =	vld [tilespmem:s13+$0xFFFFFFF0];
	_ =	sdelay $0x1  }
0x342: {  	v1 =	vld [tilespmem:s12+$0xFFFFFFF0];
	_ =	sdelay $0x2  }
0x343: {  	v0 =	vmul.u32 $0x186A0, v0;
	_ =	sdelay $0x1  }
0x344: {  	v0 =	vadd.s32 v1, v0  }
0x345: {  	[tilespmem:s14+$0xFFFFFFF0] =	vst v0  }
0x346: {  	v0 =	vld [tilespmem:s13+$0x0];
	_ =	sdelay $0x1  }
0x347: {  	v1 =	vld [tilespmem:s12+$0x0];
	_ =	sdelay $0x2  }
0x348: {  	v0 =	vmul.u32 $0x186A0, v0;
	_ =	sdelay $0x1  }
0x349: {  	v0 =	vadd.s32 v1, v0  }
0x34a: {  	[tilespmem:s14+$0x0] =	vst v0  }
0x34b: {  	v0 =	vld [tilespmem:s13+$0x10]  }
0x34c: {  	v1 =	vld [tilespmem:s12+$0x10];
	_ =	sdelay $0x2  }
.Ltmp13:
0x34d: {  	(pc) =	sbr.rel @p0 .LBB2_28-.Ltmp13, $3  }
0x34e: {  	v0 =	vmul.u32 $0x186A0, v0;
	_ =	sdelay $0x1  }
0x34f: {  	v0 =	vadd.s32 v1, v0  }
0x350: {  	s13 =	sadd.s32 $0x40, s13;
	[tilespmem:s14+$0x10] =	vst v0  }
0x351: {  	_ =	swait.ge [sflag:s15], $0x800  }
0x352: {  	[sflag:s15] =	ssyncset.done $0x0  }
0x353: {  	s12 =	simm.s32 $0x6000;
	s13 =	simm.s32 $0x9000;
	[sflag:s15] =	ssyncadd.s32 $0xFFFFF800  }
0x354: {  	[tilespmem:s13], [sflag:$0x7] =	stream.indirect.gather [hbm4b:s7+s23], $0x1, s12, s23, $0xb8;
	[tilespmem:$0xC000] =	vst v63  }
0x355: {  	_ =	swait.ge [sflag:s6], $0x800  }
0x356: {  	s13 =	sld [smem:$0x7F2]  }
0x357: {  	[sflag:s6] =	ssyncset.done $0x0  }
0x358: {  	s14 =	sld [smem:$0x7E6];
	[sflag:s6] =	ssyncadd.s32 $0xFFFFF800  }
0x359: {  	[hbm4b:s13+s5] =	stream.linear.scatter [tilespmem:s10], [sflag:$0xE], $0x800, $0x38;
	[tilespmem:$0xC000] =	vst v63  }
0x35a: {  	s19 =	sld [smem:$0x7E7]  }
0x35b: {  	[tilespmem:s5], [sflag:$0x1] =	stream.linear.gather [hbm4b:s14+s5], $0x800, $0x38;
	[tilespmem:$0xC000] =	vst v63  }
0x35c: {  	s21 =	simm.s32 $0x3000  }
0x35d: {  	[tilespmem:s21], [sflag:$0x1] =	stream.linear.gather [hbm4b:s19+s5], $0x800, $0x38;
	[tilespmem:$0xC000] =	vst v63  }
0x35e: {  	_ =	swait.ge [sflag:s8], $0x800  }
0x35f: {  	[sflag:s8] =	ssyncset.done $0x0  }
0x360: {  	[sflag:s8] =	ssyncadd.s32 $0xFFFFF800  }
0x361: {  	_ =	swait.ge [sflag:s8], $0x800  }
0x362: {  	[sflag:s8] =	ssyncset.done $0x0  }
0x363: {  	s31 =	simm.s32 $0x820;
	[sflag:s8] =	ssyncadd.s32 $0xFFFFF800  }
0x364: {  	v0 =	vld [tilespmem:s31+$0xFFFFFFE0]  }
0x365: {  	s12 =	simm.s32 $0x3820  }
0x366: {  	v1 =	vld [tilespmem:s12+$0xFFFFFFE0];
	_ =	sdelay $0x2  }
0x367: {  	v0 =	vmul.u32 $0x186A0, v0;
	_ =	sdelay $0x1  }
0x368: {  	s14 =	simm.s32 $0x6820;
	v0 =	vadd.s32 v1, v0  }
0x369: {  	[tilespmem:s14+$0xFFFFFFE0] =	vst v0  }
0x36a: {  	v0 =	vld [tilespmem:s31+$0xFFFFFFF0];
	_ =	sdelay $0x1  }
0x36b: {  	v61 =	vld [tilespmem:s12+$0xFFFFFFF0];
	_ =	sdelay $0x2  }
0x36c: {  	v0 =	vmul.u32 $0x186A0, v0;
	_ =	sdelay $0x1  }
0x36d: {  	v0 =	vadd.s32 v61, v0  }
0x36e: {  	[tilespmem:s14+$0xFFFFFFF0] =	vst v0  }
0x36f: {  	v0 =	vld [tilespmem:s31+$0x0];
	_ =	sdelay $0x1  }
0x370: {  	v62 =	vld [tilespmem:s12+$0x0];
	_ =	sdelay $0x2  }
0x371: {  	v0 =	vmul.u32 $0x186A0, v0;
	_ =	sdelay $0x1  }
0x372: {  	v0 =	vadd.s32 v62, v0  }
0x373: {  	[tilespmem:s14+$0x0] =	vst v0  }
0x374: {  	v0 =	vld [tilespmem:s31+$0x10];
	_ =	sdelay $0x1  }
0x375: {  	v63 =	vld [tilespmem:s12+$0x10];
	_ =	sdelay $0x2  }
0x376: {  	v0 =	vmul.u32 $0x186A0, v0;
	_ =	sdelay $0x1  }
0x377: {  	v0 =	vadd.s32 v63, v0  }
0x378: {  	s13 =	simm.s32 $0x860;
	s19 =	simm.s32 $0x0;
	[tilespmem:s14+$0x10] =	vst v0  }
.LBB2_30:
0x379: {  	v0 =	vld [tilespmem:s13+$0xFFFFFFE0];
	s19 =	sadd.s32 $0x4, s19;
	s12 =	sadd.s32 $0x40, s12  }
0x37a: {  	v1 =	vld [tilespmem:s12+$0xFFFFFFE0];
	p0 =	slt.u32 s19, $0x7C;
	_ =	sdelay $0x3  }
0x37b: {  	v0 =	vmul.u32 $0x186A0, v0;
	_ =	sdelay $0x1  }
0x37c: {  	s14 =	sadd.s32 $0x40, s14;
	v0 =	vadd.s32 v1, v0  }
0x37d: {  	[tilespmem:s14+$0xFFFFFFE0] =	vst v0  }
0x37e: {  	v0 =	vld [tilespmem:s13+$0xFFFFFFF0];
	_ =	sdelay $0x1  }
0x37f: {  	v1 =	vld [tilespmem:s12+$0xFFFFFFF0];
	_ =	sdelay $0x2  }
0x380: {  	v0 =	vmul.u32 $0x186A0, v0;
	_ =	sdelay $0x1  }
0x381: {  	v0 =	vadd.s32 v1, v0  }
0x382: {  	[tilespmem:s14+$0xFFFFFFF0] =	vst v0  }
0x383: {  	v0 =	vld [tilespmem:s13+$0x0];
	_ =	sdelay $0x1  }
0x384: {  	v1 =	vld [tilespmem:s12+$0x0];
	_ =	sdelay $0x2  }
0x385: {  	v0 =	vmul.u32 $0x186A0, v0;
	_ =	sdelay $0x1  }
0x386: {  	v0 =	vadd.s32 v1, v0  }
0x387: {  	[tilespmem:s14+$0x0] =	vst v0  }
0x388: {  	v0 =	vld [tilespmem:s13+$0x10]  }
0x389: {  	v1 =	vld [tilespmem:s12+$0x10];
	_ =	sdelay $0x2  }
.Ltmp14:
0x38a: {  	(pc) =	sbr.rel @p0 .LBB2_30-.Ltmp14, $3  }
0x38b: {  	v0 =	vmul.u32 $0x186A0, v0;
	_ =	sdelay $0x1  }
0x38c: {  	v0 =	vadd.s32 v1, v0  }
0x38d: {  	s13 =	sadd.s32 $0x40, s13;
	[tilespmem:s14+$0x10] =	vst v0  }
0x38e: {  	_ =	swait.ge [sflag:s20], $0x800  }
0x38f: {  	[sflag:s20] =	ssyncset.done $0x0  }
0x390: {  	s12 =	simm.s32 $0x6800;
	[sflag:s20] =	ssyncadd.s32 $0xFFFFF800  }
0x391: {  	[tilespmem:s10], [sflag:$0x8] =	stream.indirect.gather [hbm4b:s7+s23], $0x1, s12, s23, $0xb8;
	[tilespmem:$0xC000] =	vst v63  }
0x392: {  	_ =	swait.ge [sflag:s22], $0x800  }
0x393: {  	s31 =	sld [smem:$0x7F3]  }
0x394: {  	[sflag:s22] =	ssyncset.done $0x0  }
0x395: {  	s13 =	simm.s32 $0xA000;
	s14 =	sld [smem:$0x7E9];
	[sflag:s22] =	ssyncadd.s32 $0xFFFFF800  }
0x396: {  	[hbm4b:s31+s5] =	stream.linear.scatter [tilespmem:s13], [sflag:$0xF], $0x800, $0x38;
	[tilespmem:$0xC000] =	vst v63  }
0x397: {  	s19 =	sld [smem:$0x7EA]  }
0x398: {  	[tilespmem:s23], [sflag:$0x2] =	stream.linear.gather [hbm4b:s14+s5], $0x800, $0x38;
	[tilespmem:$0xC000] =	vst v63  }
0x399: {  	s21 =	simm.s32 $0x3800  }
0x39a: {  	[tilespmem:s21], [sflag:$0x2] =	stream.linear.gather [hbm4b:s19+s5], $0x800, $0x38;
	[tilespmem:$0xC000] =	vst v63  }
0x39b: {  	_ =	swait.ge [sflag:s11], $0x800  }
0x39c: {  	[sflag:s11] =	ssyncset.done $0x0  }
0x39d: {  	[sflag:s11] =	ssyncadd.s32 $0xFFFFF800  }
0x39e: {  	_ =	swait.ge [sflag:s11], $0x800  }
0x39f: {  	[sflag:s11] =	ssyncset.done $0x0  }
0x3a0: {  	s31 =	simm.s32 $0x1020;
	[sflag:s11] =	ssyncadd.s32 $0xFFFFF800  }
0x3a1: {  	v0 =	vld [tilespmem:s31+$0xFFFFFFE0]  }
0x3a2: {  	s12 =	simm.s32 $0x4020  }
0x3a3: {  	v1 =	vld [tilespmem:s12+$0xFFFFFFE0];
	_ =	sdelay $0x2  }
0x3a4: {  	v0 =	vmul.u32 $0x186A0, v0;
	_ =	sdelay $0x1  }
0x3a5: {  	s14 =	simm.s32 $0x7020;
	v0 =	vadd.s32 v1, v0  }
0x3a6: {  	[tilespmem:s14+$0xFFFFFFE0] =	vst v0  }
0x3a7: {  	v0 =	vld [tilespmem:s31+$0xFFFFFFF0];
	_ =	sdelay $0x1  }
0x3a8: {  	v61 =	vld [tilespmem:s12+$0xFFFFFFF0];
	_ =	sdelay $0x2  }
0x3a9: {  	v0 =	vmul.u32 $0x186A0, v0;
	_ =	sdelay $0x1  }
0x3aa: {  	v0 =	vadd.s32 v61, v0  }
0x3ab: {  	[tilespmem:s14+$0xFFFFFFF0] =	vst v0  }
0x3ac: {  	v0 =	vld [tilespmem:s31+$0x0];
	_ =	sdelay $0x1  }
0x3ad: {  	v62 =	vld [tilespmem:s12+$0x0];
	_ =	sdelay $0x2  }
0x3ae: {  	v0 =	vmul.u32 $0x186A0, v0;
	_ =	sdelay $0x1  }
0x3af: {  	v0 =	vadd.s32 v62, v0  }
0x3b0: {  	[tilespmem:s14+$0x0] =	vst v0  }
0x3b1: {  	v0 =	vld [tilespmem:s31+$0x10];
	_ =	sdelay $0x1  }
0x3b2: {  	v63 =	vld [tilespmem:s12+$0x10];
	_ =	sdelay $0x2  }
0x3b3: {  	v0 =	vmul.u32 $0x186A0, v0;
	_ =	sdelay $0x1  }
0x3b4: {  	v0 =	vadd.s32 v63, v0  }
0x3b5: {  	s13 =	simm.s32 $0x1060;
	s19 =	simm.s32 $0x0;
	[tilespmem:s14+$0x10] =	vst v0  }
.LBB2_32:
0x3b6: {  	v0 =	vld [tilespmem:s13+$0xFFFFFFE0];
	s19 =	sadd.s32 $0x4, s19;
	s12 =	sadd.s32 $0x40, s12  }
0x3b7: {  	v1 =	vld [tilespmem:s12+$0xFFFFFFE0];
	p0 =	slt.u32 s19, $0x7C;
	_ =	sdelay $0x3  }
0x3b8: {  	v0 =	vmul.u32 $0x186A0, v0;
	_ =	sdelay $0x1  }
0x3b9: {  	s14 =	sadd.s32 $0x40, s14;
	v0 =	vadd.s32 v1, v0  }
0x3ba: {  	[tilespmem:s14+$0xFFFFFFE0] =	vst v0  }
0x3bb: {  	v0 =	vld [tilespmem:s13+$0xFFFFFFF0];
	_ =	sdelay $0x1  }
0x3bc: {  	v1 =	vld [tilespmem:s12+$0xFFFFFFF0];
	_ =	sdelay $0x2  }
0x3bd: {  	v0 =	vmul.u32 $0x186A0, v0;
	_ =	sdelay $0x1  }
0x3be: {  	v0 =	vadd.s32 v1, v0  }
0x3bf: {  	[tilespmem:s14+$0xFFFFFFF0] =	vst v0  }
0x3c0: {  	v0 =	vld [tilespmem:s13+$0x0];
	_ =	sdelay $0x1  }
0x3c1: {  	v1 =	vld [tilespmem:s12+$0x0];
	_ =	sdelay $0x2  }
0x3c2: {  	v0 =	vmul.u32 $0x186A0, v0;
	_ =	sdelay $0x1  }
0x3c3: {  	v0 =	vadd.s32 v1, v0  }
0x3c4: {  	[tilespmem:s14+$0x0] =	vst v0  }
0x3c5: {  	v0 =	vld [tilespmem:s13+$0x10]  }
0x3c6: {  	v1 =	vld [tilespmem:s12+$0x10];
	_ =	sdelay $0x2  }
.Ltmp15:
0x3c7: {  	(pc) =	sbr.rel @p0 .LBB2_32-.Ltmp15, $3  }
0x3c8: {  	v0 =	vmul.u32 $0x186A0, v0;
	_ =	sdelay $0x1  }
0x3c9: {  	v0 =	vadd.s32 v1, v0  }
0x3ca: {  	s13 =	sadd.s32 $0x40, s13;
	[tilespmem:s14+$0x10] =	vst v0  }
0x3cb: {  	_ =	swait.ge [sflag:s24], $0x800  }
0x3cc: {  	[sflag:s24] =	ssyncset.done $0x0  }
0x3cd: {  	s12 =	simm.s32 $0x7000;
	s13 =	simm.s32 $0xA000;
	[sflag:s24] =	ssyncadd.s32 $0xFFFFF800  }
0x3ce: {  	[tilespmem:s13], [sflag:$0x9] =	stream.indirect.gather [hbm4b:s7+s23], $0x1, s12, s23, $0xb8;
	[tilespmem:$0xC000] =	vst v63  }
0x3cf: {  	_ =	swait.ge [sflag:s30], $0x800  }
0x3d0: {  	s19 =	sld [smem:$0x7F4]  }
0x3d1: {  	[sflag:s30] =	ssyncset.done $0x0  }
0x3d2: {  	s21 =	simm.s32 $0xA800;
	[sflag:s30] =	ssyncadd.s32 $0xFFFFF800  }
0x3d3: {  	[hbm4b:s19+s5] =	stream.linear.scatter [tilespmem:s21], [sflag:$0x10], $0x800, $0x38;
	[tilespmem:$0xC000] =	vst v63  }
0x3d4: {  	_ =	swait.ge [sflag:s16], $0x800  }
0x3d5: {  	[sflag:s16] =	ssyncset.done $0x0  }
0x3d6: {  	[sflag:s16] =	ssyncadd.s32 $0xFFFFF800  }
0x3d7: {  	_ =	swait.ge [sflag:s16], $0x800  }
0x3d8: {  	[sflag:s16] =	ssyncset.done $0x0  }
0x3d9: {  	s31 =	simm.s32 $0x1820;
	[sflag:s16] =	ssyncadd.s32 $0xFFFFF800  }
0x3da: {  	v0 =	vld [tilespmem:s31+$0xFFFFFFE0]  }
0x3db: {  	s12 =	simm.s32 $0x4820  }
0x3dc: {  	v1 =	vld [tilespmem:s12+$0xFFFFFFE0];
	_ =	sdelay $0x2  }
0x3dd: {  	v0 =	vmul.u32 $0x186A0, v0;
	_ =	sdelay $0x1  }
0x3de: {  	s14 =	simm.s32 $0x7820;
	v0 =	vadd.s32 v1, v0  }
0x3df: {  	[tilespmem:s14+$0xFFFFFFE0] =	vst v0  }
0x3e0: {  	v0 =	vld [tilespmem:s31+$0xFFFFFFF0];
	_ =	sdelay $0x1  }
0x3e1: {  	v61 =	vld [tilespmem:s12+$0xFFFFFFF0];
	_ =	sdelay $0x2  }
0x3e2: {  	v0 =	vmul.u32 $0x186A0, v0;
	_ =	sdelay $0x1  }
0x3e3: {  	v0 =	vadd.s32 v61, v0  }
0x3e4: {  	[tilespmem:s14+$0xFFFFFFF0] =	vst v0  }
0x3e5: {  	v0 =	vld [tilespmem:s31+$0x0];
	_ =	sdelay $0x1  }
0x3e6: {  	v62 =	vld [tilespmem:s12+$0x0];
	_ =	sdelay $0x2  }
0x3e7: {  	v0 =	vmul.u32 $0x186A0, v0;
	_ =	sdelay $0x1  }
0x3e8: {  	v0 =	vadd.s32 v62, v0  }
0x3e9: {  	[tilespmem:s14+$0x0] =	vst v0  }
0x3ea: {  	v0 =	vld [tilespmem:s31+$0x10];
	_ =	sdelay $0x1  }
0x3eb: {  	v63 =	vld [tilespmem:s12+$0x10];
	_ =	sdelay $0x2  }
0x3ec: {  	v0 =	vmul.u32 $0x186A0, v0;
	_ =	sdelay $0x1  }
0x3ed: {  	v0 =	vadd.s32 v63, v0  }
0x3ee: {  	s13 =	simm.s32 $0x1860;
	s19 =	simm.s32 $0x0;
	[tilespmem:s14+$0x10] =	vst v0  }
.LBB2_34:
0x3ef: {  	v0 =	vld [tilespmem:s13+$0xFFFFFFE0];
	s19 =	sadd.s32 $0x4, s19;
	s12 =	sadd.s32 $0x40, s12  }
0x3f0: {  	v1 =	vld [tilespmem:s12+$0xFFFFFFE0];
	p0 =	slt.u32 s19, $0x7C;
	_ =	sdelay $0x3  }
0x3f1: {  	v0 =	vmul.u32 $0x186A0, v0;
	_ =	sdelay $0x1  }
0x3f2: {  	s14 =	sadd.s32 $0x40, s14;
	v0 =	vadd.s32 v1, v0  }
0x3f3: {  	[tilespmem:s14+$0xFFFFFFE0] =	vst v0  }
0x3f4: {  	v0 =	vld [tilespmem:s13+$0xFFFFFFF0];
	_ =	sdelay $0x1  }
0x3f5: {  	v1 =	vld [tilespmem:s12+$0xFFFFFFF0];
	_ =	sdelay $0x2  }
0x3f6: {  	v0 =	vmul.u32 $0x186A0, v0;
	_ =	sdelay $0x1  }
0x3f7: {  	v0 =	vadd.s32 v1, v0  }
0x3f8: {  	[tilespmem:s14+$0xFFFFFFF0] =	vst v0  }
0x3f9: {  	v0 =	vld [tilespmem:s13+$0x0];
	_ =	sdelay $0x1  }
0x3fa: {  	v1 =	vld [tilespmem:s12+$0x0];
	_ =	sdelay $0x2  }
0x3fb: {  	v0 =	vmul.u32 $0x186A0, v0;
	_ =	sdelay $0x1  }
0x3fc: {  	v0 =	vadd.s32 v1, v0  }
0x3fd: {  	[tilespmem:s14+$0x0] =	vst v0  }
0x3fe: {  	v0 =	vld [tilespmem:s13+$0x10]  }
0x3ff: {  	v1 =	vld [tilespmem:s12+$0x10];
	_ =	sdelay $0x2  }
.Ltmp16:
0x400: {  	(pc) =	sbr.rel @p0 .LBB2_34-.Ltmp16, $3  }
0x401: {  	v0 =	vmul.u32 $0x186A0, v0;
	_ =	sdelay $0x1  }
0x402: {  	v0 =	vadd.s32 v1, v0  }
0x403: {  	s13 =	sadd.s32 $0x40, s13;
	[tilespmem:s14+$0x10] =	vst v0  }
0x404: {  	_ =	swait.ge [sflag:s2], $0x800  }
0x405: {  	[sflag:s2] =	ssyncset.done $0x0  }
0x406: {  	s12 =	simm.s32 $0x7800;
	s13 =	simm.s32 $0xA800;
	[sflag:s2] =	ssyncadd.s32 $0xFFFFF800  }
0x407: {  	[tilespmem:s13], [sflag:$0xA] =	stream.indirect.gather [hbm4b:s7+s23], $0x1, s12, s23, $0xb8;
	[tilespmem:$0xC000] =	vst v63  }
0x408: {  	_ =	swait.ge [sflag:s25], $0x800  }
0x409: {  	s19 =	sld [smem:$0x7F5]  }
0x40a: {  	[sflag:s25] =	ssyncset.done $0x0  }
0x40b: {  	s21 =	simm.s32 $0xB000;
	[sflag:s25] =	ssyncadd.s32 $0xFFFFF800  }
0x40c: {  	[hbm4b:s19+s5] =	stream.linear.scatter [tilespmem:s21], [sflag:$0x11], $0x800, $0x38;
	[tilespmem:$0xC000] =	vst v63  }
0x40d: {  	_ =	swait.ge [sflag:s17], $0x800  }
0x40e: {  	[sflag:s17] =	ssyncset.done $0x0  }
0x40f: {  	[sflag:s17] =	ssyncadd.s32 $0xFFFFF800  }
0x410: {  	_ =	swait.ge [sflag:s17], $0x800  }
0x411: {  	[sflag:s17] =	ssyncset.done $0x0  }
0x412: {  	s31 =	simm.s32 $0x2020;
	[sflag:s17] =	ssyncadd.s32 $0xFFFFF800  }
0x413: {  	v0 =	vld [tilespmem:s31+$0xFFFFFFE0]  }
0x414: {  	s12 =	simm.s32 $0x5020  }
0x415: {  	v1 =	vld [tilespmem:s12+$0xFFFFFFE0];
	_ =	sdelay $0x2  }
0x416: {  	v0 =	vmul.u32 $0x186A0, v0;
	_ =	sdelay $0x1  }
0x417: {  	s14 =	simm.s32 $0x8020;
	v0 =	vadd.s32 v1, v0  }
0x418: {  	[tilespmem:s14+$0xFFFFFFE0] =	vst v0  }
0x419: {  	v0 =	vld [tilespmem:s31+$0xFFFFFFF0];
	_ =	sdelay $0x1  }
0x41a: {  	v61 =	vld [tilespmem:s12+$0xFFFFFFF0];
	_ =	sdelay $0x2  }
0x41b: {  	v0 =	vmul.u32 $0x186A0, v0;
	_ =	sdelay $0x1  }
0x41c: {  	v0 =	vadd.s32 v61, v0  }
0x41d: {  	[tilespmem:s14+$0xFFFFFFF0] =	vst v0  }
0x41e: {  	v0 =	vld [tilespmem:s31+$0x0];
	_ =	sdelay $0x1  }
0x41f: {  	v62 =	vld [tilespmem:s12+$0x0];
	_ =	sdelay $0x2  }
0x420: {  	v0 =	vmul.u32 $0x186A0, v0;
	_ =	sdelay $0x1  }
0x421: {  	v0 =	vadd.s32 v62, v0  }
0x422: {  	[tilespmem:s14+$0x0] =	vst v0  }
0x423: {  	v0 =	vld [tilespmem:s31+$0x10];
	_ =	sdelay $0x1  }
0x424: {  	v63 =	vld [tilespmem:s12+$0x10];
	_ =	sdelay $0x2  }
0x425: {  	v0 =	vmul.u32 $0x186A0, v0;
	_ =	sdelay $0x1  }
0x426: {  	v0 =	vadd.s32 v63, v0  }
0x427: {  	s13 =	simm.s32 $0x2060;
	s19 =	simm.s32 $0x0;
	[tilespmem:s14+$0x10] =	vst v0  }
.LBB2_36:
0x428: {  	v0 =	vld [tilespmem:s13+$0xFFFFFFE0];
	s19 =	sadd.s32 $0x4, s19;
	s12 =	sadd.s32 $0x40, s12  }
0x429: {  	v1 =	vld [tilespmem:s12+$0xFFFFFFE0];
	p0 =	slt.u32 s19, $0x7C;
	_ =	sdelay $0x3  }
0x42a: {  	v0 =	vmul.u32 $0x186A0, v0;
	_ =	sdelay $0x1  }
0x42b: {  	s14 =	sadd.s32 $0x40, s14;
	v0 =	vadd.s32 v1, v0  }
0x42c: {  	[tilespmem:s14+$0xFFFFFFE0] =	vst v0  }
0x42d: {  	v0 =	vld [tilespmem:s13+$0xFFFFFFF0];
	_ =	sdelay $0x1  }
0x42e: {  	v1 =	vld [tilespmem:s12+$0xFFFFFFF0];
	_ =	sdelay $0x2  }
0x42f: {  	v0 =	vmul.u32 $0x186A0, v0;
	_ =	sdelay $0x1  }
0x430: {  	v0 =	vadd.s32 v1, v0  }
0x431: {  	[tilespmem:s14+$0xFFFFFFF0] =	vst v0  }
0x432: {  	v0 =	vld [tilespmem:s13+$0x0];
	_ =	sdelay $0x1  }
0x433: {  	v1 =	vld [tilespmem:s12+$0x0];
	_ =	sdelay $0x2  }
0x434: {  	v0 =	vmul.u32 $0x186A0, v0;
	_ =	sdelay $0x1  }
0x435: {  	v0 =	vadd.s32 v1, v0  }
0x436: {  	[tilespmem:s14+$0x0] =	vst v0  }
0x437: {  	v0 =	vld [tilespmem:s13+$0x10]  }
0x438: {  	v1 =	vld [tilespmem:s12+$0x10];
	_ =	sdelay $0x2  }
.Ltmp17:
0x439: {  	(pc) =	sbr.rel @p0 .LBB2_36-.Ltmp17, $3  }
0x43a: {  	v0 =	vmul.u32 $0x186A0, v0;
	_ =	sdelay $0x1  }
0x43b: {  	v0 =	vadd.s32 v1, v0  }
0x43c: {  	s13 =	sadd.s32 $0x40, s13;
	[tilespmem:s14+$0x10] =	vst v0  }
0x43d: {  	_ =	swait.ge [sflag:s26], $0x800  }
0x43e: {  	[sflag:s26] =	ssyncset.done $0x0  }
0x43f: {  	s12 =	simm.s32 $0x8000;
	s13 =	simm.s32 $0xB000;
	[sflag:s26] =	ssyncadd.s32 $0xFFFFF800  }
0x440: {  	[tilespmem:s13], [sflag:$0xB] =	stream.indirect.gather [hbm4b:s7+s23], $0x1, s12, s23, $0xb8;
	[tilespmem:$0xC000] =	vst v63  }
0x441: {  	_ =	swait.ge [sflag:s28], $0x800  }
0x442: {  	s19 =	sld [smem:$0x7F6]  }
0x443: {  	[sflag:s28] =	ssyncset.done $0x0  }
0x444: {  	s21 =	simm.s32 $0xB800;
	[sflag:s28] =	ssyncadd.s32 $0xFFFFF800  }
0x445: {  	[hbm4b:s19+s5] =	stream.linear.scatter [tilespmem:s21], [sflag:$0x12], $0x800, $0x38;
	[tilespmem:$0xC000] =	vst v63  }
0x446: {  	_ =	swait.ge [sflag:s0], $0x800  }
0x447: {  	[sflag:s0] =	ssyncset.done $0x0  }
0x448: {  	[sflag:s0] =	ssyncadd.s32 $0xFFFFF800  }
0x449: {  	_ =	swait.ge [sflag:s0], $0x800  }
0x44a: {  	[sflag:s0] =	ssyncset.done $0x0  }
0x44b: {  	s31 =	simm.s32 $0x2820;
	[sflag:s0] =	ssyncadd.s32 $0xFFFFF800  }
0x44c: {  	v0 =	vld [tilespmem:s31+$0xFFFFFFE0]  }
0x44d: {  	s12 =	simm.s32 $0x5820  }
0x44e: {  	v1 =	vld [tilespmem:s12+$0xFFFFFFE0];
	_ =	sdelay $0x2  }
0x44f: {  	v0 =	vmul.u32 $0x186A0, v0;
	_ =	sdelay $0x1  }
0x450: {  	s14 =	simm.s32 $0x8820;
	v0 =	vadd.s32 v1, v0  }
0x451: {  	[tilespmem:s14+$0xFFFFFFE0] =	vst v0  }
0x452: {  	v0 =	vld [tilespmem:s31+$0xFFFFFFF0];
	_ =	sdelay $0x1  }
0x453: {  	v61 =	vld [tilespmem:s12+$0xFFFFFFF0];
	_ =	sdelay $0x2  }
0x454: {  	v0 =	vmul.u32 $0x186A0, v0;
	_ =	sdelay $0x1  }
0x455: {  	v0 =	vadd.s32 v61, v0  }
0x456: {  	[tilespmem:s14+$0xFFFFFFF0] =	vst v0  }
0x457: {  	v0 =	vld [tilespmem:s31+$0x0];
	_ =	sdelay $0x1  }
0x458: {  	v62 =	vld [tilespmem:s12+$0x0];
	_ =	sdelay $0x2  }
0x459: {  	v0 =	vmul.u32 $0x186A0, v0;
	_ =	sdelay $0x1  }
0x45a: {  	v0 =	vadd.s32 v62, v0  }
0x45b: {  	[tilespmem:s14+$0x0] =	vst v0  }
0x45c: {  	v0 =	vld [tilespmem:s31+$0x10];
	_ =	sdelay $0x1  }
0x45d: {  	v63 =	vld [tilespmem:s12+$0x10];
	_ =	sdelay $0x2  }
0x45e: {  	v0 =	vmul.u32 $0x186A0, v0;
	_ =	sdelay $0x1  }
0x45f: {  	v0 =	vadd.s32 v63, v0  }
0x460: {  	s13 =	simm.s32 $0x2860;
	s19 =	simm.s32 $0x0;
	[tilespmem:s14+$0x10] =	vst v0  }
.LBB2_38:
0x461: {  	v0 =	vld [tilespmem:s13+$0xFFFFFFE0];
	s19 =	sadd.s32 $0x4, s19;
	s12 =	sadd.s32 $0x40, s12  }
0x462: {  	v1 =	vld [tilespmem:s12+$0xFFFFFFE0];
	p0 =	slt.u32 s19, $0x7C;
	_ =	sdelay $0x3  }
0x463: {  	v0 =	vmul.u32 $0x186A0, v0;
	_ =	sdelay $0x1  }
0x464: {  	s14 =	sadd.s32 $0x40, s14;
	v0 =	vadd.s32 v1, v0  }
0x465: {  	[tilespmem:s14+$0xFFFFFFE0] =	vst v0  }
0x466: {  	v0 =	vld [tilespmem:s13+$0xFFFFFFF0];
	_ =	sdelay $0x1  }
0x467: {  	v1 =	vld [tilespmem:s12+$0xFFFFFFF0];
	_ =	sdelay $0x2  }
0x468: {  	v0 =	vmul.u32 $0x186A0, v0;
	_ =	sdelay $0x1  }
0x469: {  	v0 =	vadd.s32 v1, v0  }
0x46a: {  	[tilespmem:s14+$0xFFFFFFF0] =	vst v0  }
0x46b: {  	v0 =	vld [tilespmem:s13+$0x0];
	_ =	sdelay $0x1  }
0x46c: {  	v1 =	vld [tilespmem:s12+$0x0];
	_ =	sdelay $0x2  }
0x46d: {  	v0 =	vmul.u32 $0x186A0, v0;
	_ =	sdelay $0x1  }
0x46e: {  	v0 =	vadd.s32 v1, v0  }
0x46f: {  	[tilespmem:s14+$0x0] =	vst v0  }
0x470: {  	v0 =	vld [tilespmem:s13+$0x10]  }
0x471: {  	v1 =	vld [tilespmem:s12+$0x10];
	_ =	sdelay $0x2  }
.Ltmp18:
0x472: {  	(pc) =	sbr.rel @p0 .LBB2_38-.Ltmp18, $3  }
0x473: {  	v0 =	vmul.u32 $0x186A0, v0;
	_ =	sdelay $0x1  }
0x474: {  	v0 =	vadd.s32 v1, v0  }
0x475: {  	s13 =	sadd.s32 $0x40, s13;
	[tilespmem:s14+$0x10] =	vst v0  }
0x476: {  	_ =	swait.ge [sflag:s29], $0x800  }
0x477: {  	[sflag:s29] =	ssyncset.done $0x0  }
0x478: {  	s12 =	simm.s32 $0x8800;
	s13 =	simm.s32 $0xB800;
	[sflag:s29] =	ssyncadd.s32 $0xFFFFF800  }
0x479: {  	[tilespmem:s13], [sflag:$0xC] =	stream.indirect.gather [hbm4b:s7+s23], $0x1, s12, s23, $0xb8;
	[tilespmem:$0xC000] =	vst v63  }
0x47a: {  	_ =	swait.ge [sflag:s9], $0x800  }
0x47b: {  	s19 =	sld [smem:$0x7F7]  }
0x47c: {  	[sflag:s9] =	ssyncset.done $0x0  }
0x47d: {  	s21 =	simm.s32 $0x9000;
	[sflag:s9] =	ssyncadd.s32 $0xFFFFF800  }
0x47e: {  	[hbm4b:s19+s5] =	stream.linear.scatter [tilespmem:s21], [sflag:$0xD], $0x800, $0x38;
	[tilespmem:$0xC000] =	vst v63  }
0x47f: {  	_ =	swait.ge [sflag:s18], $0x800  }
0x480: {  	[sflag:s18] =	ssyncset.done $0x0  }
0x481: {  	[sflag:s18] =	ssyncadd.s32 $0xFFFFF800  }
0x482: {  	_ =	swait.ge [sflag:s18], $0x800  }
0x483: {  	[sflag:s18] =	ssyncset.done $0x0  }
0x484: {  	s31 =	simm.s32 $0x20;
	[sflag:s18] =	ssyncadd.s32 $0xFFFFF800  }
0x485: {  	v0 =	vld [tilespmem:s31+$0xFFFFFFE0]  }
0x486: {  	s12 =	simm.s32 $0x3020  }
0x487: {  	v1 =	vld [tilespmem:s12+$0xFFFFFFE0];
	_ =	sdelay $0x2  }
0x488: {  	v0 =	vmul.u32 $0x186A0, v0;
	_ =	sdelay $0x1  }
0x489: {  	s14 =	simm.s32 $0x6020;
	v0 =	vadd.s32 v1, v0  }
0x48a: {  	[tilespmem:s14+$0xFFFFFFE0] =	vst v0  }
0x48b: {  	v0 =	vld [tilespmem:s31+$0xFFFFFFF0];
	_ =	sdelay $0x1  }
0x48c: {  	v61 =	vld [tilespmem:s12+$0xFFFFFFF0];
	_ =	sdelay $0x2  }
0x48d: {  	v0 =	vmul.u32 $0x186A0, v0;
	_ =	sdelay $0x1  }
0x48e: {  	v0 =	vadd.s32 v61, v0  }
0x48f: {  	[tilespmem:s14+$0xFFFFFFF0] =	vst v0  }
0x490: {  	v0 =	vld [tilespmem:s31+$0x0];
	_ =	sdelay $0x1  }
0x491: {  	v62 =	vld [tilespmem:s12+$0x0];
	_ =	sdelay $0x2  }
0x492: {  	v0 =	vmul.u32 $0x186A0, v0;
	_ =	sdelay $0x1  }
0x493: {  	v0 =	vadd.s32 v62, v0  }
0x494: {  	[tilespmem:s14+$0x0] =	vst v0  }
0x495: {  	v0 =	vld [tilespmem:s31+$0x10];
	_ =	sdelay $0x1  }
0x496: {  	v63 =	vld [tilespmem:s12+$0x10];
	_ =	sdelay $0x2  }
0x497: {  	v0 =	vmul.u32 $0x186A0, v0;
	_ =	sdelay $0x1  }
0x498: {  	v0 =	vadd.s32 v63, v0  }
0x499: {  	s13 =	simm.s32 $0x60;
	s19 =	simm.s32 $0x0;
	[tilespmem:s14+$0x10] =	vst v0  }
.LBB2_40:
0x49a: {  	v0 =	vld [tilespmem:s13+$0xFFFFFFE0];
	s19 =	sadd.s32 $0x4, s19;
	s12 =	sadd.s32 $0x40, s12  }
0x49b: {  	v1 =	vld [tilespmem:s12+$0xFFFFFFE0];
	p0 =	slt.u32 s19, $0x7C;
	_ =	sdelay $0x3  }
0x49c: {  	v0 =	vmul.u32 $0x186A0, v0;
	_ =	sdelay $0x1  }
0x49d: {  	s14 =	sadd.s32 $0x40, s14;
	v0 =	vadd.s32 v1, v0  }
0x49e: {  	[tilespmem:s14+$0xFFFFFFE0] =	vst v0  }
0x49f: {  	v0 =	vld [tilespmem:s13+$0xFFFFFFF0];
	_ =	sdelay $0x1  }
0x4a0: {  	v1 =	vld [tilespmem:s12+$0xFFFFFFF0];
	_ =	sdelay $0x2  }
0x4a1: {  	v0 =	vmul.u32 $0x186A0, v0;
	_ =	sdelay $0x1  }
0x4a2: {  	v0 =	vadd.s32 v1, v0  }
0x4a3: {  	[tilespmem:s14+$0xFFFFFFF0] =	vst v0  }
0x4a4: {  	v0 =	vld [tilespmem:s13+$0x0];
	_ =	sdelay $0x1  }
0x4a5: {  	v1 =	vld [tilespmem:s12+$0x0];
	_ =	sdelay $0x2  }
0x4a6: {  	v0 =	vmul.u32 $0x186A0, v0;
	_ =	sdelay $0x1  }
0x4a7: {  	v0 =	vadd.s32 v1, v0  }
0x4a8: {  	[tilespmem:s14+$0x0] =	vst v0  }
0x4a9: {  	v0 =	vld [tilespmem:s13+$0x10]  }
0x4aa: {  	v1 =	vld [tilespmem:s12+$0x10];
	_ =	sdelay $0x2  }
.Ltmp19:
0x4ab: {  	(pc) =	sbr.rel @p0 .LBB2_40-.Ltmp19, $3  }
0x4ac: {  	v0 =	vmul.u32 $0x186A0, v0;
	_ =	sdelay $0x1  }
0x4ad: {  	v0 =	vadd.s32 v1, v0  }
0x4ae: {  	s13 =	sadd.s32 $0x40, s13;
	[tilespmem:s14+$0x10] =	vst v0  }
0x4af: {  	_ =	swait.ge [sflag:s15], $0x800  }
0x4b0: {  	[sflag:s15] =	ssyncset.done $0x0  }
0x4b1: {  	s12 =	simm.s32 $0x6000;
	s13 =	simm.s32 $0x9000;
	[sflag:s15] =	ssyncadd.s32 $0xFFFFF800  }
0x4b2: {  	[tilespmem:s13], [sflag:$0x7] =	stream.indirect.gather [hbm4b:s7+s23], $0x1, s12, s23, $0xb8;
	[tilespmem:$0xC000] =	vst v63  }
0x4b3: {  	_ =	swait.ge [sflag:s6], $0x800  }
0x4b4: {  	s21 =	sld [smem:$0x7F8]  }
0x4b5: {  	[sflag:s6] =	ssyncset.done $0x0  }
0x4b6: {  	[sflag:s6] =	ssyncadd.s32 $0xFFFFF800  }
0x4b7: {  	[hbm4b:s21+s5] =	stream.linear.scatter [tilespmem:s10], [sflag:$0xE], $0x800, $0x38;
	[tilespmem:$0xC000] =	vst v63  }
0x4b8: {  	_ =	swait.ge [sflag:s8], $0x800  }
0x4b9: {  	[sflag:s8] =	ssyncset.done $0x0  }
0x4ba: {  	[sflag:s8] =	ssyncadd.s32 $0xFFFFF800  }
0x4bb: {  	_ =	swait.ge [sflag:s8], $0x800  }
0x4bc: {  	[sflag:s8] =	ssyncset.done $0x0  }
0x4bd: {  	s31 =	simm.s32 $0x820;
	[sflag:s8] =	ssyncadd.s32 $0xFFFFF800  }
0x4be: {  	v0 =	vld [tilespmem:s31+$0xFFFFFFE0]  }
0x4bf: {  	s12 =	simm.s32 $0x3820  }
0x4c0: {  	v1 =	vld [tilespmem:s12+$0xFFFFFFE0];
	_ =	sdelay $0x2  }
0x4c1: {  	v0 =	vmul.u32 $0x186A0, v0;
	_ =	sdelay $0x1  }
0x4c2: {  	s14 =	simm.s32 $0x6820;
	v0 =	vadd.s32 v1, v0  }
0x4c3: {  	[tilespmem:s14+$0xFFFFFFE0] =	vst v0  }
0x4c4: {  	v0 =	vld [tilespmem:s31+$0xFFFFFFF0];
	_ =	sdelay $0x1  }
0x4c5: {  	v61 =	vld [tilespmem:s12+$0xFFFFFFF0];
	_ =	sdelay $0x2  }
0x4c6: {  	v0 =	vmul.u32 $0x186A0, v0;
	_ =	sdelay $0x1  }
0x4c7: {  	v0 =	vadd.s32 v61, v0  }
0x4c8: {  	[tilespmem:s14+$0xFFFFFFF0] =	vst v0  }
0x4c9: {  	v0 =	vld [tilespmem:s31+$0x0];
	_ =	sdelay $0x1  }
0x4ca: {  	v62 =	vld [tilespmem:s12+$0x0];
	_ =	sdelay $0x2  }
0x4cb: {  	v0 =	vmul.u32 $0x186A0, v0;
	_ =	sdelay $0x1  }
0x4cc: {  	v0 =	vadd.s32 v62, v0  }
0x4cd: {  	[tilespmem:s14+$0x0] =	vst v0  }
0x4ce: {  	v0 =	vld [tilespmem:s31+$0x10];
	_ =	sdelay $0x1  }
0x4cf: {  	v63 =	vld [tilespmem:s12+$0x10];
	_ =	sdelay $0x2  }
0x4d0: {  	v0 =	vmul.u32 $0x186A0, v0;
	_ =	sdelay $0x1  }
0x4d1: {  	v0 =	vadd.s32 v63, v0  }
0x4d2: {  	s19 =	simm.s32 $0x0;
	s13 =	simm.s32 $0x860;
	[tilespmem:s14+$0x10] =	vst v0  }
.LBB2_42:
0x4d3: {  	v0 =	vld [tilespmem:s13+$0xFFFFFFE0];
	s19 =	sadd.s32 $0x4, s19;
	s12 =	sadd.s32 $0x40, s12  }
0x4d4: {  	v1 =	vld [tilespmem:s12+$0xFFFFFFE0];
	p0 =	slt.u32 s19, $0x7C;
	_ =	sdelay $0x3  }
0x4d5: {  	v0 =	vmul.u32 $0x186A0, v0;
	_ =	sdelay $0x1  }
0x4d6: {  	s14 =	sadd.s32 $0x40, s14;
	v0 =	vadd.s32 v1, v0  }
0x4d7: {  	[tilespmem:s14+$0xFFFFFFE0] =	vst v0  }
0x4d8: {  	v0 =	vld [tilespmem:s13+$0xFFFFFFF0];
	_ =	sdelay $0x1  }
0x4d9: {  	v1 =	vld [tilespmem:s12+$0xFFFFFFF0];
	_ =	sdelay $0x2  }
0x4da: {  	v0 =	vmul.u32 $0x186A0, v0;
	_ =	sdelay $0x1  }
0x4db: {  	v0 =	vadd.s32 v1, v0  }
0x4dc: {  	[tilespmem:s14+$0xFFFFFFF0] =	vst v0  }
0x4dd: {  	v0 =	vld [tilespmem:s13+$0x0];
	_ =	sdelay $0x1  }
0x4de: {  	v1 =	vld [tilespmem:s12+$0x0];
	_ =	sdelay $0x2  }
0x4df: {  	v0 =	vmul.u32 $0x186A0, v0;
	_ =	sdelay $0x1  }
0x4e0: {  	v0 =	vadd.s32 v1, v0  }
0x4e1: {  	[tilespmem:s14+$0x0] =	vst v0  }
0x4e2: {  	v0 =	vld [tilespmem:s13+$0x10]  }
0x4e3: {  	v1 =	vld [tilespmem:s12+$0x10];
	_ =	sdelay $0x2  }
.Ltmp20:
0x4e4: {  	(pc) =	sbr.rel @p0 .LBB2_42-.Ltmp20, $3  }
0x4e5: {  	v0 =	vmul.u32 $0x186A0, v0;
	_ =	sdelay $0x1  }
0x4e6: {  	v0 =	vadd.s32 v1, v0  }
0x4e7: {  	s13 =	sadd.s32 $0x40, s13;
	[tilespmem:s14+$0x10] =	vst v0  }
0x4e8: {  	_ =	swait.ge [sflag:s20], $0x800  }
0x4e9: {  	[sflag:s20] =	ssyncset.done $0x0  }
0x4ea: {  	s12 =	simm.s32 $0x6800;
	[sflag:s20] =	ssyncadd.s32 $0xFFFFF800  }
0x4eb: {  	[tilespmem:s10], [sflag:$0x8] =	stream.indirect.gather [hbm4b:s7+s23], $0x1, s12, s23, $0xb8;
	[tilespmem:$0xC000] =	vst v63  }
0x4ec: {  	_ =	swait.ge [sflag:s22], $0x800  }
0x4ed: {  	s19 =	sld [smem:$0x7F9]  }
0x4ee: {  	[sflag:s22] =	ssyncset.done $0x0  }
0x4ef: {  	s13 =	simm.s32 $0xA000;
	[sflag:s22] =	ssyncadd.s32 $0xFFFFF800  }
0x4f0: {  	[hbm4b:s19+s5] =	stream.linear.scatter [tilespmem:s13], [sflag:$0xF], $0x800, $0x38;
	[tilespmem:$0xC000] =	vst v63  }
0x4f1: {  	_ =	swait.ge [sflag:s30], $0x800  }
0x4f2: {  	s21 =	sld [smem:$0x7FA]  }
0x4f3: {  	[sflag:s30] =	ssyncset.done $0x0  }
0x4f4: {  	s31 =	simm.s32 $0xA800;
	[sflag:s30] =	ssyncadd.s32 $0xFFFFF800  }
0x4f5: {  	[hbm4b:s21+s5] =	stream.linear.scatter [tilespmem:s31], [sflag:$0x10], $0x800, $0x38;
	[tilespmem:$0xC000] =	vst v63  }
0x4f6: {  	_ =	swait.ge [sflag:s25], $0x800  }
0x4f7: {  	s14 =	sld [smem:$0x7FB]  }
0x4f8: {  	[sflag:s25] =	ssyncset.done $0x0  }
0x4f9: {  	s19 =	simm.s32 $0xB000;
	[sflag:s25] =	ssyncadd.s32 $0xFFFFF800  }
0x4fa: {  	[hbm4b:s14+s5] =	stream.linear.scatter [tilespmem:s19], [sflag:$0x11], $0x800, $0x38;
	[tilespmem:$0xC000] =	vst v63  }
0x4fb: {  	_ =	swait.ge [sflag:s28], $0x800  }
0x4fc: {  	s21 =	sld [smem:$0x7FD]  }
0x4fd: {  	[sflag:s28] =	ssyncset.done $0x0  }
0x4fe: {  	s31 =	simm.s32 $0xB800;
	[sflag:s28] =	ssyncadd.s32 $0xFFFFF800  }
0x4ff: {  	[hbm4b:s21+s5] =	stream.linear.scatter [tilespmem:s31], [sflag:$0x12], $0x800, $0x38;
	[tilespmem:$0xC000] =	vst v63  }
0x500: {  	_ =	swait.ge [sflag:s9], $0x800  }
0x501: {  	s13 =	sld [smem:$0x7E8]  }
0x502: {  	[sflag:s9] =	ssyncset.done $0x0  }
0x503: {  	s14 =	simm.s32 $0x9000;
	[sflag:s9] =	ssyncadd.s32 $0xFFFFF800  }
0x504: {  	[hbm4b:s13+s5] =	stream.linear.scatter [tilespmem:s14], [sflag:$0xD], $0x800, $0x38;
	[tilespmem:$0xC000] =	vst v63  }
0x505: {  	_ =	swait.ge [sflag:s6], $0x800  }
0x506: {  	s19 =	sld [smem:$0x7EB]  }
0x507: {  	[sflag:s6] =	ssyncset.done $0x0  }
0x508: {  	[sflag:s6] =	ssyncadd.s32 $0xFFFFF800  }
0x509: {  	[hbm4b:s19+s5] =	stream.linear.scatter [tilespmem:s10], [sflag:$0xE], $0x800, $0x38;
	[tilespmem:$0xC000] =	vst v63  }
0x50a: {  	_ =	swait.ge [sflag:s24], $0x800  }
0x50b: {  	[sflag:s24] =	ssyncset.done $0x0  }
0x50c: {  	[sflag:s24] =	ssyncadd.s32 $0xFFFFF800  }
0x50d: {  	_ =	swait.ge [sflag:s2], $0x800  }
0x50e: {  	[sflag:s2] =	ssyncset.done $0x0  }
0x50f: {  	[sflag:s2] =	ssyncadd.s32 $0xFFFFF800  }
0x510: {  	_ =	swait.ge [sflag:s26], $0x800  }
0x511: {  	[sflag:s26] =	ssyncset.done $0x0  }
0x512: {  	[sflag:s26] =	ssyncadd.s32 $0xFFFFF800  }
0x513: {  	_ =	swait.ge [sflag:s29], $0x800  }
0x514: {  	[sflag:s29] =	ssyncset.done $0x0  }
0x515: {  	[sflag:s29] =	ssyncadd.s32 $0xFFFFF800  }
0x516: {  	_ =	swait.ge [sflag:s15], $0x800  }
0x517: {  	[sflag:s15] =	ssyncset.done $0x0  }
0x518: {  	[sflag:s15] =	ssyncadd.s32 $0xFFFFF800  }
0x519: {  	_ =	swait.ge [sflag:s20], $0x800  }
0x51a: {  	s21 =	sld [smem:$0x7E1]  }
0x51b: {  	s31 =	sld [smem:$0x7EC];
	_ =	sdelay $0x1  }
0x51c: {  	s13 =	sadd.s32 $0x1, s21  }
0x51d: {  	p0 =	sne.s32 s13, s31  }
.Ltmp21:
0x51e: {  	_ = 	snop;
	(pc) =	sbr.rel @p0 .LBB2_1-.Ltmp21, $3  }
0x51f: {  	_ =	sdelay $0x1  }
0x520: {  	[sflag:s20] =	ssyncset.done $0x0  }
0x521: {  	[sflag:s20] =	ssyncadd.s32 $0xFFFFF800  }
0x522: {  	_ =	sfence.sel $0x180000  }
0x523: {  	[bflag:$0x0] =	sbarrier.arrive $0xFFFF  }
0x524: {  	_ =	strace $0x90000047  }
0x525: {  	s0 =	stileid.u32;
	[bflag:$0x2] =	sbarrier.arrive $0xFFFF  }
0x526: {  	p0 =	sne.s32 s0, $0x0;
	s0 =	rddreg [dreg:$0x4]  }
0x527: {  	s0 =	sadd.s32 @!p0 $0x100000, s0  }
0x528: {  	[sflag:s0] =	ssyncadd.tile.s32 @!p0 $0x1;
	_ =	shalt  }
.Lfunc_end2:
_tile_overlayer_lowered:
.L_overlay_start_2:
0x529: {  	(tag) =	ssettag $0x2  }
0x52a: {  	s0 =	rddreg [dreg:$0x0];
	s2 =	stileid.u32  }
0x52b: {  	s1 =	rddreg [dreg:$0x1];
	p0 =	sne.s32 s2, $0x0  }
0x52c: {  	s3 =	rddreg [dreg:$0x2];
	[bflag:$0x3] =	sbarrier.arrive $0xFFFF;
	s2 =	simm.s32 @!p0 $0x1C13  }
0x52d: {  	[timem:s3], [sflag:s2] =	dma.local @!p0 [hbm:s0], s1  }
0x52e: {  	s0 =	simm.s32 @!p0 $0x13  }
0x52f: {  	_ =	swait.ge @!p0 [sflag:s0], s1  }
0x530: {  	s1 =	ssub.s32 @!p0 $0x0, s1;
	[sflag:s0] =	ssyncset.done @!p0 $0x0  }
0x531: {  	[sflag:s0] =	ssyncadd.s32 @!p0 s1  }
0x532: {  	[bflag:$0x3] =	sbarrier.arrive $0xFFFF  }
0x533: {  	_ =	shalt  }

</sc_bundles>
